<compile_context>
chip_gen: v7x
topology: tpu7x:2x2x1
jax: 0.10.2.dev20260603
libtpu: 0.0.44.dev20260713+nightly
codegen_flags: <defaults>
</compile_context>

<pallas_src>
import functools

import jax
import jax.numpy as jnp
from jax import lax
from jax.experimental import pallas as pl
from jax.experimental.pallas import tpu as pltpu
from jax.experimental.pallas import tpu_sc as plsc

LANES = 16


def _build_kernel(n_tokens, hidden, chunk, n_workers):
    b_per_w = n_tokens // n_workers
    n_chunks = b_per_w // chunk
    slices_per_row = hidden // LANES
    nsplit = 4
    sub = chunk // nsplit
    assert n_chunks % 2 == 0 and n_chunks >= 4 and sub % 8 == 0

    mesh = plsc.VectorSubcoreMesh(core_axis_name="c", subcore_axis_name="s")

    @functools.partial(
        pl.kernel,
        mesh=mesh,
        out_type=jax.ShapeDtypeStruct((n_tokens, hidden), jnp.float32),
        scratch_types=[
            pltpu.VMEM((b_per_w,), jnp.int32),
            pltpu.VMEM((b_per_w,), jnp.int32),
            pltpu.VMEM((chunk, hidden), jnp.float32),
            pltpu.VMEM((chunk, hidden), jnp.float32),
            pltpu.VMEM((chunk, hidden), jnp.float32),
            pltpu.VMEM((chunk, hidden), jnp.float32),
            pltpu.SemaphoreType.DMA,
            pltpu.SemaphoreType.DMA,
            pltpu.SemaphoreType.DMA,
            pltpu.SemaphoreType.DMA,
            pltpu.SemaphoreType.DMA,
            pltpu.SemaphoreType.DMA,
        ],
    )
    def k(tok_ids, pos_ids, tok_table, pos_table, out,
          ti_all, pi_all, trows0, trows1, prows0, prows1,
          semt0, semt1, semp0, semp1, sems0, sems1):
        wid = lax.axis_index("s") * 2 + lax.axis_index("c")
        base = wid * b_per_w
        trows = [trows0, trows1]
        prows = [prows0, prows1]
        semt = [semt0, semt1]
        semp = [semp0, semp1]
        sems = [sems0, sems1]

        pltpu.sync_copy(tok_ids.at[pl.ds(base, b_per_w)], ti_all)
        pltpu.sync_copy(pos_ids.at[pl.ds(base, b_per_w)], pi_all)

        def start_gathers(ci, b):
            for si in range(nsplit):
                pltpu.async_copy(
                    tok_table.at[ti_all.at[pl.ds(ci * chunk + si * sub, sub)]],
                    trows[b].at[pl.ds(si * sub, sub)], semt[b])
                pltpu.async_copy(
                    pos_table.at[pi_all.at[pl.ds(ci * chunk + si * sub, sub)]],
                    prows[b].at[pl.ds(si * sub, sub)], semp[b])

        def wait_gathers(b):
            for si in range(nsplit):
                pltpu.make_async_copy(
                    tok_table.at[ti_all.at[pl.ds(0, sub)]],
                    trows[b].at[pl.ds(si * sub, sub)], semt[b]).wait()
                pltpu.make_async_copy(
                    pos_table.at[pi_all.at[pl.ds(0, sub)]],
                    prows[b].at[pl.ds(si * sub, sub)], semp[b]).wait()

        def add_rows(b):
            def tok_body(t, c):
                for j in range(slices_per_row):
                    sl = pl.ds(j * LANES, LANES)
                    plsc.addupdate(trows[b].at[t, sl], prows[b][t, sl])
                return c
            lax.fori_loop(0, chunk, tok_body, None)

        def start_store(ci, b):
            pltpu.async_copy(
                trows[b], out.at[pl.ds(base + ci * chunk, chunk)], sems[b])

        def wait_store(b):
            pltpu.make_async_copy(
                trows[b], out.at[pl.ds(base, chunk)], sems[b]).wait()

        start_gathers(0, 0)
        start_gathers(1, 1)
        wait_gathers(0)
        add_rows(0)
        start_store(0, 0)

        def pair_body(p, carry):
            for b in (1, 0):
                ci = 2 * p + 2 - b
                wait_store(1 - b)
                start_gathers(ci + 1, 1 - b)
                wait_gathers(b)
                add_rows(b)
                start_store(ci, b)
            return carry

        lax.fori_loop(0, (n_chunks - 2) // 2, pair_body, None)

        ci = n_chunks - 1
        wait_store(0)
        wait_gathers(1)
        add_rows(1)
        start_store(ci, 1)
        wait_store(1)

    return k


def kernel(input_ids, position_ids, token_embedding, position_embedding):
    batch, seq = input_ids.shape
    vocab, hidden = token_embedding.shape
    n_tokens = batch * seq

    n_workers = 32
    chunk = 32
    assert n_tokens % (n_workers * 2 * chunk) == 0

    tok_flat = input_ids.T.reshape(n_tokens).astype(jnp.int32)
    pos_flat = position_ids.T.reshape(n_tokens).astype(jnp.int32)
    n_rep = 32
    max_pos = position_embedding.shape[0]
    pos_rep = jnp.tile(position_embedding, (n_rep, 1))
    pos_flat = pos_flat + (jnp.arange(n_tokens, dtype=jnp.int32) % n_rep) * max_pos
    k = _build_kernel(n_tokens, hidden, chunk, n_workers)
    out = k(tok_flat, pos_flat, token_embedding, pos_rep)
    return out.reshape(seq, batch, hidden).transpose(1, 0, 2)

# --- scband reference (transcript-rebuilt; emitter-appended) ---
"""Pipeline reference for scband-cliptext-embeddings-13434657702496 (READ-ONLY COPY).

The authoritative reference and input builder live on the scoring server;
editing this copy changes nothing except your own understanding.
"""

import jax, jax.numpy as jnp
import numpy as np

VOCAB_SIZE = 49408
HIDDEN = 768
MAX_POS = 77
BATCH = 4096
SEQ = 77


def setup_inputs(seed: int = 0) -> dict:
    key = jax.random.key(seed)
    k1, k2, k3, k4 = jax.random.split(key, 4)
    input_ids = jax.random.randint(k1, (BATCH, SEQ), 0, VOCAB_SIZE, dtype=jnp.int64 if jax.config.jax_enable_x64 else jnp.int32)
    position_ids = jax.random.randint(k2, (BATCH, SEQ), 0, MAX_POS, dtype=jnp.int64 if jax.config.jax_enable_x64 else jnp.int32)
    token_embedding = jax.random.normal(k3, (VOCAB_SIZE, HIDDEN), dtype=jnp.float32) * 0.02
    position_embedding = jax.random.normal(k4, (MAX_POS, HIDDEN), dtype=jnp.float32) * 0.02
    return {
        'input_ids': input_ids,
        'position_ids': position_ids,
        'token_embedding': token_embedding,
        'position_embedding': position_embedding,
    }


def reference(input_ids, position_ids, token_embedding, position_embedding):
    # inputs_embeds = self.token_embedding(input_ids)
    inputs_embeds = jnp.take(token_embedding, input_ids, axis=0)
    # position_embeddings = self.position_embedding(position_ids)
    position_embeddings = jnp.take(position_embedding, position_ids, axis=0)
    embeddings = inputs_embeds + position_embeddings
    return embeddings

if __name__ == "__main__":
    import jax
    _d = setup_inputs()
    print(jax.jit(kernel)(*tuple(_d.values())))

</pallas_src>

<mosaic_0001>
#map = affine_map<(d0, d1) -> (0)>
#map1 = affine_map<(d0, d1) -> (0, 0)>
module attributes {stable_mosaic.version = 14 : i64} {
  func.func @k(%arg0: i32, %arg1: i32, %arg2: memref<315392xi32, #tpu.memory_space<hbm>>, %arg3: memref<315392xi32, #tpu.memory_space<hbm>>, %arg4: memref<49408x768xf32, #tpu.memory_space<hbm>>, %arg5: memref<2464x768xf32, #tpu.memory_space<hbm>>, %arg6: memref<315392x768xf32, #tpu.memory_space<hbm>>, %arg7: memref<9856xi32, #tpu.memory_space<vmem>>, %arg8: memref<9856xi32, #tpu.memory_space<vmem>>, %arg9: memref<32x768xf32, #tpu.memory_space<vmem>>, %arg10: memref<32x768xf32, #tpu.memory_space<vmem>>, %arg11: memref<32x768xf32, #tpu.memory_space<vmem>>, %arg12: memref<32x768xf32, #tpu.memory_space<vmem>>, %arg13: memref<!tpu.dma_semaphore, #tpu.memory_space<semaphore_mem>>, %arg14: memref<!tpu.dma_semaphore, #tpu.memory_space<semaphore_mem>>, %arg15: memref<!tpu.dma_semaphore, #tpu.memory_space<semaphore_mem>>, %arg16: memref<!tpu.dma_semaphore, #tpu.memory_space<semaphore_mem>>, %arg17: memref<!tpu.dma_semaphore, #tpu.memory_space<semaphore_mem>>, %arg18: memref<!tpu.dma_semaphore, #tpu.memory_space<semaphore_mem>>) attributes {dimension_semantics = [#tpu.dimension_semantics<core_parallel>, #tpu.dimension_semantics<subcore_parallel>], iteration_bounds = array<i64: 2, 16>, scalar_prefetch = 0 : i64, scratch_operands = 12 : i64, tpu.core_type = #tpu.core_type<sc_vector_subcore>, window_params = [{transform_indices = #map}, {transform_indices = #map}, {transform_indices = #map1}, {transform_indices = #map1}, {transform_indices = #map1}]} {
    %mul3A = arith.constant 2 : i32
    %mul3A_0 = arith.muli %arg1, %mul3A : i32
    %add3A = arith.addi %mul3A_0, %arg0 : i32
    %mul3A_1 = arith.constant 9856 : i32
    %mul3A_2 = arith.muli %add3A, %mul3A_1 : i32
    "tpu.region"() ({
      %run_scoped3A = tpu.sem_alloc : memref<!tpu.dma_semaphore, #tpu.memory_space<semaphore_mem>>
      %dma_start3A_291 = tpu.memref_slice %arg2[%mul3A_2] : memref<315392xi32, #tpu.memory_space<hbm>> -> memref<9856xi32, #tpu.memory_space<hbm>>
      %dma_start3A_292 = tpu.memref_slice %arg2[%mul3A_2] : memref<315392xi32, #tpu.memory_space<hbm>> -> memref<9856xi32, #tpu.memory_space<hbm>>
      tpu.enqueue_dma source(%dma_start3A_292 : memref<9856xi32, #tpu.memory_space<hbm>>) target(%arg7 : memref<9856xi32, #tpu.memory_space<vmem>>) target_semaphore(%run_scoped3A : memref<!tpu.dma_semaphore, #tpu.memory_space<semaphore_mem>>)
      %dma_wait3A_293 = tpu.memref_slice %arg2[%mul3A_2] : memref<315392xi32, #tpu.memory_space<hbm>> -> memref<9856xi32, #tpu.memory_space<hbm>>
      %dma_wait3A_294 = tpu.memref_slice %arg2[%mul3A_2] : memref<315392xi32, #tpu.memory_space<hbm>> -> memref<9856xi32, #tpu.memory_space<hbm>>
      tpu.wait_dma2 semaphore(%run_scoped3A : memref<!tpu.dma_semaphore, #tpu.memory_space<semaphore_mem>>) src(%dma_wait3A_294 : memref<9856xi32, #tpu.memory_space<hbm>>) dst(%arg7 : memref<9856xi32, #tpu.memory_space<vmem>>)
      tpu.yield
    }) : () -> ()
    "tpu.region"() ({
      %run_scoped3A = tpu.sem_alloc : memref<!tpu.dma_semaphore, #tpu.memory_space<semaphore_mem>>
      %dma_start3A_291 = tpu.memref_slice %arg3[%mul3A_2] : memref<315392xi32, #tpu.memory_space<hbm>> -> memref<9856xi32, #tpu.memory_space<hbm>>
      %dma_start3A_292 = tpu.memref_slice %arg3[%mul3A_2] : memref<315392xi32, #tpu.memory_space<hbm>> -> memref<9856xi32, #tpu.memory_space<hbm>>
      tpu.enqueue_dma source(%dma_start3A_292 : memref<9856xi32, #tpu.memory_space<hbm>>) target(%arg8 : memref<9856xi32, #tpu.memory_space<vmem>>) target_semaphore(%run_scoped3A : memref<!tpu.dma_semaphore, #tpu.memory_space<semaphore_mem>>)
      %dma_wait3A_293 = tpu.memref_slice %arg3[%mul3A_2] : memref<315392xi32, #tpu.memory_space<hbm>> -> memref<9856xi32, #tpu.memory_space<hbm>>
      %dma_wait3A_294 = tpu.memref_slice %arg3[%mul3A_2] : memref<315392xi32, #tpu.memory_space<hbm>> -> memref<9856xi32, #tpu.memory_space<hbm>>
      tpu.wait_dma2 semaphore(%run_scoped3A : memref<!tpu.dma_semaphore, #tpu.memory_space<semaphore_mem>>) src(%dma_wait3A_294 : memref<9856xi32, #tpu.memory_space<hbm>>) dst(%arg8 : memref<9856xi32, #tpu.memory_space<vmem>>)
      tpu.yield
    }) : () -> ()
    %dma_start3A = arith.constant 0 : i32
    %dma_start3A_3 = arith.constant 0 : i32
    %dma_start3A_4 = tpu.memref_slice %arg9[%dma_start3A, %dma_start3A_3] : memref<32x768xf32, #tpu.memory_space<vmem>> -> memref<8x768xf32, #tpu.memory_space<vmem>>
    %dma_start3A_5 = arith.constant 0 : i32
    %dma_start3A_6 = tpu.memref_slice %arg7[%dma_start3A_5] : memref<9856xi32, #tpu.memory_space<vmem>> -> memref<8xi32, #tpu.memory_space<vmem>>
    %dma_start3A_7 = arith.constant 0 : i32
    %dma_start3A_8 = arith.constant 0 : i32
    %dma_start3A_9 = tpu.memref_slice %arg4[%dma_start3A_7, %dma_start3A_8] : memref<49408x768xf32, #tpu.memory_space<hbm>> -> memref<49408x768xf32, #tpu.memory_space<hbm>>
    tpu.enqueue_indirect_dma source(%dma_start3A_9 : memref<49408x768xf32, #tpu.memory_space<hbm>>) target(%dma_start3A_4 : memref<8x768xf32, #tpu.memory_space<vmem>>) offsets(%dma_start3A_6 : memref<8xi32, #tpu.memory_space<vmem>>) semaphore(%arg13 : memref<!tpu.dma_semaphore, #tpu.memory_space<semaphore_mem>>)
    %dma_start3A_10 = arith.constant 0 : i32
    %dma_start3A_11 = arith.constant 0 : i32
    %dma_start3A_12 = tpu.memref_slice %arg11[%dma_start3A_10, %dma_start3A_11] : memref<32x768xf32, #tpu.memory_space<vmem>> -> memref<8x768xf32, #tpu.memory_space<vmem>>
    %dma_start3A_13 = arith.constant 0 : i32
    %dma_start3A_14 = tpu.memref_slice %arg8[%dma_start3A_13] : memref<9856xi32, #tpu.memory_space<vmem>> -> memref<8xi32, #tpu.memory_space<vmem>>
    %dma_start3A_15 = arith.constant 0 : i32
    %dma_start3A_16 = arith.constant 0 : i32
    %dma_start3A_17 = tpu.memref_slice %arg5[%dma_start3A_15, %dma_start3A_16] : memref<2464x768xf32, #tpu.memory_space<hbm>> -> memref<2464x768xf32, #tpu.memory_space<hbm>>
    tpu.enqueue_indirect_dma source(%dma_start3A_17 : memref<2464x768xf32, #tpu.memory_space<hbm>>) target(%dma_start3A_12 : memref<8x768xf32, #tpu.memory_space<vmem>>) offsets(%dma_start3A_14 : memref<8xi32, #tpu.memory_space<vmem>>) semaphore(%arg15 : memref<!tpu.dma_semaphore, #tpu.memory_space<semaphore_mem>>)
    %dma_start3A_18 = arith.constant 8 : i32
    %dma_start3A_19 = arith.constant 0 : i32
    %dma_start3A_20 = tpu.memref_slice %arg9[%dma_start3A_18, %dma_start3A_19] : memref<32x768xf32, #tpu.memory_space<vmem>> -> memref<8x768xf32, #tpu.memory_space<vmem>>
    %dma_start3A_21 = arith.constant 8 : i32
    %dma_start3A_22 = tpu.memref_slice %arg7[%dma_start3A_21] : memref<9856xi32, #tpu.memory_space<vmem>> -> memref<8xi32, #tpu.memory_space<vmem>>
    %dma_start3A_23 = arith.constant 0 : i32
    %dma_start3A_24 = arith.constant 0 : i32
    %dma_start3A_25 = tpu.memref_slice %arg4[%dma_start3A_23, %dma_start3A_24] : memref<49408x768xf32, #tpu.memory_space<hbm>> -> memref<49408x768xf32, #tpu.memory_space<hbm>>
    tpu.enqueue_indirect_dma source(%dma_start3A_25 : memref<49408x768xf32, #tpu.memory_space<hbm>>) target(%dma_start3A_20 : memref<8x768xf32, #tpu.memory_space<vmem>>) offsets(%dma_start3A_22 : memref<8xi32, #tpu.memory_space<vmem>>) semaphore(%arg13 : memref<!tpu.dma_semaphore, #tpu.memory_space<semaphore_mem>>)
    %dma_start3A_26 = arith.constant 8 : i32
    %dma_start3A_27 = arith.constant 0 : i32
    %dma_start3A_28 = tpu.memref_slice %arg11[%dma_start3A_26, %dma_start3A_27] : memref<32x768xf32, #tpu.memory_space<vmem>> -> memref<8x768xf32, #tpu.memory_space<vmem>>
    %dma_start3A_29 = arith.constant 8 : i32
    %dma_start3A_30 = tpu.memref_slice %arg8[%dma_start3A_29] : memref<9856xi32, #tpu.memory_space<vmem>> -> memref<8xi32, #tpu.memory_space<vmem>>
    %dma_start3A_31 = arith.constant 0 : i32
    %dma_start3A_32 = arith.constant 0 : i32
    %dma_start3A_33 = tpu.memref_slice %arg5[%dma_start3A_31, %dma_start3A_32] : memref<2464x768xf32, #tpu.memory_space<hbm>> -> memref<2464x768xf32, #tpu.memory_space<hbm>>
    tpu.enqueue_indirect_dma source(%dma_start3A_33 : memref<2464x768xf32, #tpu.memory_space<hbm>>) target(%dma_start3A_28 : memref<8x768xf32, #tpu.memory_space<vmem>>) offsets(%dma_start3A_30 : memref<8xi32, #tpu.memory_space<vmem>>) semaphore(%arg15 : memref<!tpu.dma_semaphore, #tpu.memory_space<semaphore_mem>>)
    %dma_start3A_34 = arith.constant 16 : i32
    %dma_start3A_35 = arith.constant 0 : i32
    %dma_start3A_36 = tpu.memref_slice %arg9[%dma_start3A_34, %dma_start3A_35] : memref<32x768xf32, #tpu.memory_space<vmem>> -> memref<8x768xf32, #tpu.memory_space<vmem>>
    %dma_start3A_37 = arith.constant 16 : i32
    %dma_start3A_38 = tpu.memref_slice %arg7[%dma_start3A_37] : memref<9856xi32, #tpu.memory_space<vmem>> -> memref<8xi32, #tpu.memory_space<vmem>>
    %dma_start3A_39 = arith.constant 0 : i32
    %dma_start3A_40 = arith.constant 0 : i32
    %dma_start3A_41 = tpu.memref_slice %arg4[%dma_start3A_39, %dma_start3A_40] : memref<49408x768xf32, #tpu.memory_space<hbm>> -> memref<49408x768xf32, #tpu.memory_space<hbm>>
    tpu.enqueue_indirect_dma source(%dma_start3A_41 : memref<49408x768xf32, #tpu.memory_space<hbm>>) target(%dma_start3A_36 : memref<8x768xf32, #tpu.memory_space<vmem>>) offsets(%dma_start3A_38 : memref<8xi32, #tpu.memory_space<vmem>>) semaphore(%arg13 : memref<!tpu.dma_semaphore, #tpu.memory_space<semaphore_mem>>)
    %dma_start3A_42 = arith.constant 16 : i32
    %dma_start3A_43 = arith.constant 0 : i32
    %dma_start3A_44 = tpu.memref_slice %arg11[%dma_start3A_42, %dma_start3A_43] : memref<32x768xf32, #tpu.memory_space<vmem>> -> memref<8x768xf32, #tpu.memory_space<vmem>>
    %dma_start3A_45 = arith.constant 16 : i32
    %dma_start3A_46 = tpu.memref_slice %arg8[%dma_start3A_45] : memref<9856xi32, #tpu.memory_space<vmem>> -> memref<8xi32, #tpu.memory_space<vmem>>
    %dma_start3A_47 = arith.constant 0 : i32
    %dma_start3A_48 = arith.constant 0 : i32
    %dma_start3A_49 = tpu.memref_slice %arg5[%dma_start3A_47, %dma_start3A_48] : memref<2464x768xf32, #tpu.memory_space<hbm>> -> memref<2464x768xf32, #tpu.memory_space<hbm>>
    tpu.enqueue_indirect_dma source(%dma_start3A_49 : memref<2464x768xf32, #tpu.memory_space<hbm>>) target(%dma_start3A_44 : memref<8x768xf32, #tpu.memory_space<vmem>>) offsets(%dma_start3A_46 : memref<8xi32, #tpu.memory_space<vmem>>) semaphore(%arg15 : memref<!tpu.dma_semaphore, #tpu.memory_space<semaphore_mem>>)
    %dma_start3A_50 = arith.constant 24 : i32
    %dma_start3A_51 = arith.constant 0 : i32
    %dma_start3A_52 = tpu.memref_slice %arg9[%dma_start3A_50, %dma_start3A_51] : memref<32x768xf32, #tpu.memory_space<vmem>> -> memref<8x768xf32, #tpu.memory_space<vmem>>
    %dma_start3A_53 = arith.constant 24 : i32
    %dma_start3A_54 = tpu.memref_slice %arg7[%dma_start3A_53] : memref<9856xi32, #tpu.memory_space<vmem>> -> memref<8xi32, #tpu.memory_space<vmem>>
    %dma_start3A_55 = arith.constant 0 : i32
    %dma_start3A_56 = arith.constant 0 : i32
    %dma_start3A_57 = tpu.memref_slice %arg4[%dma_start3A_55, %dma_start3A_56] : memref<49408x768xf32, #tpu.memory_space<hbm>> -> memref<49408x768xf32, #tpu.memory_space<hbm>>
    tpu.enqueue_indirect_dma source(%dma_start3A_57 : memref<49408x768xf32, #tpu.memory_space<hbm>>) target(%dma_start3A_52 : memref<8x768xf32, #tpu.memory_space<vmem>>) offsets(%dma_start3A_54 : memref<8xi32, #tpu.memory_space<vmem>>) semaphore(%arg13 : memref<!tpu.dma_semaphore, #tpu.memory_space<semaphore_mem>>)
    %dma_start3A_58 = arith.constant 24 : i32
    %dma_start3A_59 = arith.constant 0 : i32
    %dma_start3A_60 = tpu.memref_slice %arg11[%dma_start3A_58, %dma_start3A_59] : memref<32x768xf32, #tpu.memory_space<vmem>> -> memref<8x768xf32, #tpu.memory_space<vmem>>
    %dma_start3A_61 = arith.constant 24 : i32
    %dma_start3A_62 = tpu.memref_slice %arg8[%dma_start3A_61] : memref<9856xi32, #tpu.memory_space<vmem>> -> memref<8xi32, #tpu.memory_space<vmem>>
    %dma_start3A_63 = arith.constant 0 : i32
    %dma_start3A_64 = arith.constant 0 : i32
    %dma_start3A_65 = tpu.memref_slice %arg5[%dma_start3A_63, %dma_start3A_64] : memref<2464x768xf32, #tpu.memory_space<hbm>> -> memref<2464x768xf32, #tpu.memory_space<hbm>>
    tpu.enqueue_indirect_dma source(%dma_start3A_65 : memref<2464x768xf32, #tpu.memory_space<hbm>>) target(%dma_start3A_60 : memref<8x768xf32, #tpu.memory_space<vmem>>) offsets(%dma_start3A_62 : memref<8xi32, #tpu.memory_space<vmem>>) semaphore(%arg15 : memref<!tpu.dma_semaphore, #tpu.memory_space<semaphore_mem>>)
    %dma_start3A_66 = arith.constant 0 : i32
    %dma_start3A_67 = arith.constant 0 : i32
    %dma_start3A_68 = tpu.memref_slice %arg10[%dma_start3A_66, %dma_start3A_67] : memref<32x768xf32, #tpu.memory_space<vmem>> -> memref<8x768xf32, #tpu.memory_space<vmem>>
    %dma_start3A_69 = arith.constant 32 : i32
    %dma_start3A_70 = tpu.memref_slice %arg7[%dma_start3A_69] : memref<9856xi32, #tpu.memory_space<vmem>> -> memref<8xi32, #tpu.memory_space<vmem>>
    %dma_start3A_71 = arith.constant 0 : i32
    %dma_start3A_72 = arith.constant 0 : i32
    %dma_start3A_73 = tpu.memref_slice %arg4[%dma_start3A_71, %dma_start3A_72] : memref<49408x768xf32, #tpu.memory_space<hbm>> -> memref<49408x768xf32, #tpu.memory_space<hbm>>
    tpu.enqueue_indirect_dma source(%dma_start3A_73 : memref<49408x768xf32, #tpu.memory_space<hbm>>) target(%dma_start3A_68 : memref<8x768xf32, #tpu.memory_space<vmem>>) offsets(%dma_start3A_70 : memref<8xi32, #tpu.memory_space<vmem>>) semaphore(%arg14 : memref<!tpu.dma_semaphore, #tpu.memory_space<semaphore_mem>>)
    %dma_start3A_74 = arith.constant 0 : i32
    %dma_start3A_75 = arith.constant 0 : i32
    %dma_start3A_76 = tpu.memref_slice %arg12[%dma_start3A_74, %dma_start3A_75] : memref<32x768xf32, #tpu.memory_space<vmem>> -> memref<8x768xf32, #tpu.memory_space<vmem>>
    %dma_start3A_77 = arith.constant 32 : i32
    %dma_start3A_78 = tpu.memref_slice %arg8[%dma_start3A_77] : memref<9856xi32, #tpu.memory_space<vmem>> -> memref<8xi32, #tpu.memory_space<vmem>>
    %dma_start3A_79 = arith.constant 0 : i32
    %dma_start3A_80 = arith.constant 0 : i32
    %dma_start3A_81 = tpu.memref_slice %arg5[%dma_start3A_79, %dma_start3A_80] : memref<2464x768xf32, #tpu.memory_space<hbm>> -> memref<2464x768xf32, #tpu.memory_space<hbm>>
    tpu.enqueue_indirect_dma source(%dma_start3A_81 : memref<2464x768xf32, #tpu.memory_space<hbm>>) target(%dma_start3A_76 : memref<8x768xf32, #tpu.memory_space<vmem>>) offsets(%dma_start3A_78 : memref<8xi32, #tpu.memory_space<vmem>>) semaphore(%arg16 : memref<!tpu.dma_semaphore, #tpu.memory_space<semaphore_mem>>)
    %dma_start3A_82 = arith.constant 8 : i32
    %dma_start3A_83 = arith.constant 0 : i32
    %dma_start3A_84 = tpu.memref_slice %arg10[%dma_start3A_82, %dma_start3A_83] : memref<32x768xf32, #tpu.memory_space<vmem>> -> memref<8x768xf32, #tpu.memory_space<vmem>>
    %dma_start3A_85 = arith.constant 40 : i32
    %dma_start3A_86 = tpu.memref_slice %arg7[%dma_start3A_85] : memref<9856xi32, #tpu.memory_space<vmem>> -> memref<8xi32, #tpu.memory_space<vmem>>
    %dma_start3A_87 = arith.constant 0 : i32
    %dma_start3A_88 = arith.constant 0 : i32
    %dma_start3A_89 = tpu.memref_slice %arg4[%dma_start3A_87, %dma_start3A_88] : memref<49408x768xf32, #tpu.memory_space<hbm>> -> memref<49408x768xf32, #tpu.memory_space<hbm>>
    tpu.enqueue_indirect_dma source(%dma_start3A_89 : memref<49408x768xf32, #tpu.memory_space<hbm>>) target(%dma_start3A_84 : memref<8x768xf32, #tpu.memory_space<vmem>>) offsets(%dma_start3A_86 : memref<8xi32, #tpu.memory_space<vmem>>) semaphore(%arg14 : memref<!tpu.dma_semaphore, #tpu.memory_space<semaphore_mem>>)
    %dma_start3A_90 = arith.constant 8 : i32
    %dma_start3A_91 = arith.constant 0 : i32
    %dma_start3A_92 = tpu.memref_slice %arg12[%dma_start3A_90, %dma_start3A_91] : memref<32x768xf32, #tpu.memory_space<vmem>> -> memref<8x768xf32, #tpu.memory_space<vmem>>
    %dma_start3A_93 = arith.constant 40 : i32
    %dma_start3A_94 = tpu.memref_slice %arg8[%dma_start3A_93] : memref<9856xi32, #tpu.memory_space<vmem>> -> memref<8xi32, #tpu.memory_space<vmem>>
    %dma_start3A_95 = arith.constant 0 : i32
    %dma_start3A_96 = arith.constant 0 : i32
    %dma_start3A_97 = tpu.memref_slice %arg5[%dma_start3A_95, %dma_start3A_96] : memref<2464x768xf32, #tpu.memory_space<hbm>> -> memref<2464x768xf32, #tpu.memory_space<hbm>>
    tpu.enqueue_indirect_dma source(%dma_start3A_97 : memref<2464x768xf32, #tpu.memory_space<hbm>>) target(%dma_start3A_92 : memref<8x768xf32, #tpu.memory_space<vmem>>) offsets(%dma_start3A_94 : memref<8xi32, #tpu.memory_space<vmem>>) semaphore(%arg16 : memref<!tpu.dma_semaphore, #tpu.memory_space<semaphore_mem>>)
    %dma_start3A_98 = arith.constant 16 : i32
    %dma_start3A_99 = arith.constant 0 : i32
    %dma_start3A_100 = tpu.memref_slice %arg10[%dma_start3A_98, %dma_start3A_99] : memref<32x768xf32, #tpu.memory_space<vmem>> -> memref<8x768xf32, #tpu.memory_space<vmem>>
    %dma_start3A_101 = arith.constant 48 : i32
    %dma_start3A_102 = tpu.memref_slice %arg7[%dma_start3A_101] : memref<9856xi32, #tpu.memory_space<vmem>> -> memref<8xi32, #tpu.memory_space<vmem>>
    %dma_start3A_103 = arith.constant 0 : i32
    %dma_start3A_104 = arith.constant 0 : i32
    %dma_start3A_105 = tpu.memref_slice %arg4[%dma_start3A_103, %dma_start3A_104] : memref<49408x768xf32, #tpu.memory_space<hbm>> -> memref<49408x768xf32, #tpu.memory_space<hbm>>
    tpu.enqueue_indirect_dma source(%dma_start3A_105 : memref<49408x768xf32, #tpu.memory_space<hbm>>) target(%dma_start3A_100 : memref<8x768xf32, #tpu.memory_space<vmem>>) offsets(%dma_start3A_102 : memref<8xi32, #tpu.memory_space<vmem>>) semaphore(%arg14 : memref<!tpu.dma_semaphore, #tpu.memory_space<semaphore_mem>>)
    %dma_start3A_106 = arith.constant 16 : i32
    %dma_start3A_107 = arith.constant 0 : i32
    %dma_start3A_108 = tpu.memref_slice %arg12[%dma_start3A_106, %dma_start3A_107] : memref<32x768xf32, #tpu.memory_space<vmem>> -> memref<8x768xf32, #tpu.memory_space<vmem>>
    %dma_start3A_109 = arith.constant 48 : i32
    %dma_start3A_110 = tpu.memref_slice %arg8[%dma_start3A_109] : memref<9856xi32, #tpu.memory_space<vmem>> -> memref<8xi32, #tpu.memory_space<vmem>>
    %dma_start3A_111 = arith.constant 0 : i32
    %dma_start3A_112 = arith.constant 0 : i32
    %dma_start3A_113 = tpu.memref_slice %arg5[%dma_start3A_111, %dma_start3A_112] : memref<2464x768xf32, #tpu.memory_space<hbm>> -> memref<2464x768xf32, #tpu.memory_space<hbm>>
    tpu.enqueue_indirect_dma source(%dma_start3A_113 : memref<2464x768xf32, #tpu.memory_space<hbm>>) target(%dma_start3A_108 : memref<8x768xf32, #tpu.memory_space<vmem>>) offsets(%dma_start3A_110 : memref<8xi32, #tpu.memory_space<vmem>>) semaphore(%arg16 : memref<!tpu.dma_semaphore, #tpu.memory_space<semaphore_mem>>)
    %dma_start3A_114 = arith.constant 24 : i32
    %dma_start3A_115 = arith.constant 0 : i32
    %dma_start3A_116 = tpu.memref_slice %arg10[%dma_start3A_114, %dma_start3A_115] : memref<32x768xf32, #tpu.memory_space<vmem>> -> memref<8x768xf32, #tpu.memory_space<vmem>>
    %dma_start3A_117 = arith.constant 56 : i32
    %dma_start3A_118 = tpu.memref_slice %arg7[%dma_start3A_117] : memref<9856xi32, #tpu.memory_space<vmem>> -> memref<8xi32, #tpu.memory_space<vmem>>
    %dma_start3A_119 = arith.constant 0 : i32
    %dma_start3A_120 = arith.constant 0 : i32
    %dma_start3A_121 = tpu.memref_slice %arg4[%dma_start3A_119, %dma_start3A_120] : memref<49408x768xf32, #tpu.memory_space<hbm>> -> memref<49408x768xf32, #tpu.memory_space<hbm>>
    tpu.enqueue_indirect_dma source(%dma_start3A_121 : memref<49408x768xf32, #tpu.memory_space<hbm>>) target(%dma_start3A_116 : memref<8x768xf32, #tpu.memory_space<vmem>>) offsets(%dma_start3A_118 : memref<8xi32, #tpu.memory_space<vmem>>) semaphore(%arg14 : memref<!tpu.dma_semaphore, #tpu.memory_space<semaphore_mem>>)
    %dma_start3A_122 = arith.constant 24 : i32
    %dma_start3A_123 = arith.constant 0 : i32
    %dma_start3A_124 = tpu.memref_slice %arg12[%dma_start3A_122, %dma_start3A_123] : memref<32x768xf32, #tpu.memory_space<vmem>> -> memref<8x768xf32, #tpu.memory_space<vmem>>
    %dma_start3A_125 = arith.constant 56 : i32
    %dma_start3A_126 = tpu.memref_slice %arg8[%dma_start3A_125] : memref<9856xi32, #tpu.memory_space<vmem>> -> memref<8xi32, #tpu.memory_space<vmem>>
    %dma_start3A_127 = arith.constant 0 : i32
    %dma_start3A_128 = arith.constant 0 : i32
    %dma_start3A_129 = tpu.memref_slice %arg5[%dma_start3A_127, %dma_start3A_128] : memref<2464x768xf32, #tpu.memory_space<hbm>> -> memref<2464x768xf32, #tpu.memory_space<hbm>>
    tpu.enqueue_indirect_dma source(%dma_start3A_129 : memref<2464x768xf32, #tpu.memory_space<hbm>>) target(%dma_start3A_124 : memref<8x768xf32, #tpu.memory_space<vmem>>) offsets(%dma_start3A_126 : memref<8xi32, #tpu.memory_space<vmem>>) semaphore(%arg16 : memref<!tpu.dma_semaphore, #tpu.memory_space<semaphore_mem>>)
    %dma_wait3A = arith.constant 0 : i32
    %dma_wait3A_130 = arith.constant 0 : i32
    %dma_wait3A_131 = tpu.memref_slice %arg9[%dma_wait3A, %dma_wait3A_130] : memref<32x768xf32, #tpu.memory_space<vmem>> -> memref<8x768xf32, #tpu.memory_space<vmem>>
    %dma_wait3A_132 = arith.constant 0 : i32
    %dma_wait3A_133 = tpu.memref_slice %arg7[%dma_wait3A_132] : memref<9856xi32, #tpu.memory_space<vmem>> -> memref<8xi32, #tpu.memory_space<vmem>>
    %dma_wait3A_134 = arith.constant 0 : i32
    %dma_wait3A_135 = arith.constant 0 : i32
    %dma_wait3A_136 = tpu.memref_slice %arg4[%dma_wait3A_134, %dma_wait3A_135] : memref<49408x768xf32, #tpu.memory_space<hbm>> -> memref<49408x768xf32, #tpu.memory_space<hbm>>
    tpu.wait_indirect_dma semaphore(%arg13 : memref<!tpu.dma_semaphore, #tpu.memory_space<semaphore_mem>>) src(%dma_wait3A_136 : memref<49408x768xf32, #tpu.memory_space<hbm>>) dst(%dma_wait3A_131 : memref<8x768xf32, #tpu.memory_space<vmem>>)
    %dma_wait3A_137 = arith.constant 0 : i32
    %dma_wait3A_138 = arith.constant 0 : i32
    %dma_wait3A_139 = tpu.memref_slice %arg11[%dma_wait3A_137, %dma_wait3A_138] : memref<32x768xf32, #tpu.memory_space<vmem>> -> memref<8x768xf32, #tpu.memory_space<vmem>>
    %dma_wait3A_140 = arith.constant 0 : i32
    %dma_wait3A_141 = tpu.memref_slice %arg8[%dma_wait3A_140] : memref<9856xi32, #tpu.memory_space<vmem>> -> memref<8xi32, #tpu.memory_space<vmem>>
    %dma_wait3A_142 = arith.constant 0 : i32
    %dma_wait3A_143 = arith.constant 0 : i32
    %dma_wait3A_144 = tpu.memref_slice %arg5[%dma_wait3A_142, %dma_wait3A_143] : memref<2464x768xf32, #tpu.memory_space<hbm>> -> memref<2464x768xf32, #tpu.memory_space<hbm>>
    tpu.wait_indirect_dma semaphore(%arg15 : memref<!tpu.dma_semaphore, #tpu.memory_space<semaphore_mem>>) src(%dma_wait3A_144 : memref<2464x768xf32, #tpu.memory_space<hbm>>) dst(%dma_wait3A_139 : memref<8x768xf32, #tpu.memory_space<vmem>>)
    %dma_wait3A_145 = arith.constant 8 : i32
    %dma_wait3A_146 = arith.constant 0 : i32
    %dma_wait3A_147 = tpu.memref_slice %arg9[%dma_wait3A_145, %dma_wait3A_146] : memref<32x768xf32, #tpu.memory_space<vmem>> -> memref<8x768xf32, #tpu.memory_space<vmem>>
    %dma_wait3A_148 = arith.constant 0 : i32
    %dma_wait3A_149 = tpu.memref_slice %arg7[%dma_wait3A_148] : memref<9856xi32, #tpu.memory_space<vmem>> -> memref<8xi32, #tpu.memory_space<vmem>>
    %dma_wait3A_150 = arith.constant 0 : i32
    %dma_wait3A_151 = arith.constant 0 : i32
    %dma_wait3A_152 = tpu.memref_slice %arg4[%dma_wait3A_150, %dma_wait3A_151] : memref<49408x768xf32, #tpu.memory_space<hbm>> -> memref<49408x768xf32, #tpu.memory_space<hbm>>
    tpu.wait_indirect_dma semaphore(%arg13 : memref<!tpu.dma_semaphore, #tpu.memory_space<semaphore_mem>>) src(%dma_wait3A_152 : memref<49408x768xf32, #tpu.memory_space<hbm>>) dst(%dma_wait3A_147 : memref<8x768xf32, #tpu.memory_space<vmem>>)
    %dma_wait3A_153 = arith.constant 8 : i32
    %dma_wait3A_154 = arith.constant 0 : i32
    %dma_wait3A_155 = tpu.memref_slice %arg11[%dma_wait3A_153, %dma_wait3A_154] : memref<32x768xf32, #tpu.memory_space<vmem>> -> memref<8x768xf32, #tpu.memory_space<vmem>>
    %dma_wait3A_156 = arith.constant 0 : i32
    %dma_wait3A_157 = tpu.memref_slice %arg8[%dma_wait3A_156] : memref<9856xi32, #tpu.memory_space<vmem>> -> memref<8xi32, #tpu.memory_space<vmem>>
    %dma_wait3A_158 = arith.constant 0 : i32
    %dma_wait3A_159 = arith.constant 0 : i32
    %dma_wait3A_160 = tpu.memref_slice %arg5[%dma_wait3A_158, %dma_wait3A_159] : memref<2464x768xf32, #tpu.memory_space<hbm>> -> memref<2464x768xf32, #tpu.memory_space<hbm>>
    tpu.wait_indirect_dma semaphore(%arg15 : memref<!tpu.dma_semaphore, #tpu.memory_space<semaphore_mem>>) src(%dma_wait3A_160 : memref<2464x768xf32, #tpu.memory_space<hbm>>) dst(%dma_wait3A_155 : memref<8x768xf32, #tpu.memory_space<vmem>>)
    %dma_wait3A_161 = arith.constant 16 : i32
    %dma_wait3A_162 = arith.constant 0 : i32
    %dma_wait3A_163 = tpu.memref_slice %arg9[%dma_wait3A_161, %dma_wait3A_162] : memref<32x768xf32, #tpu.memory_space<vmem>> -> memref<8x768xf32, #tpu.memory_space<vmem>>
    %dma_wait3A_164 = arith.constant 0 : i32
    %dma_wait3A_165 = tpu.memref_slice %arg7[%dma_wait3A_164] : memref<9856xi32, #tpu.memory_space<vmem>> -> memref<8xi32, #tpu.memory_space<vmem>>
    %dma_wait3A_166 = arith.constant 0 : i32
    %dma_wait3A_167 = arith.constant 0 : i32
    %dma_wait3A_168 = tpu.memref_slice %arg4[%dma_wait3A_166, %dma_wait3A_167] : memref<49408x768xf32, #tpu.memory_space<hbm>> -> memref<49408x768xf32, #tpu.memory_space<hbm>>
    tpu.wait_indirect_dma semaphore(%arg13 : memref<!tpu.dma_semaphore, #tpu.memory_space<semaphore_mem>>) src(%dma_wait3A_168 : memref<49408x768xf32, #tpu.memory_space<hbm>>) dst(%dma_wait3A_163 : memref<8x768xf32, #tpu.memory_space<vmem>>)
    %dma_wait3A_169 = arith.constant 16 : i32
    %dma_wait3A_170 = arith.constant 0 : i32
    %dma_wait3A_171 = tpu.memref_slice %arg11[%dma_wait3A_169, %dma_wait3A_170] : memref<32x768xf32, #tpu.memory_space<vmem>> -> memref<8x768xf32, #tpu.memory_space<vmem>>
    %dma_wait3A_172 = arith.constant 0 : i32
    %dma_wait3A_173 = tpu.memref_slice %arg8[%dma_wait3A_172] : memref<9856xi32, #tpu.memory_space<vmem>> -> memref<8xi32, #tpu.memory_space<vmem>>
    %dma_wait3A_174 = arith.constant 0 : i32
    %dma_wait3A_175 = arith.constant 0 : i32
    %dma_wait3A_176 = tpu.memref_slice %arg5[%dma_wait3A_174, %dma_wait3A_175] : memref<2464x768xf32, #tpu.memory_space<hbm>> -> memref<2464x768xf32, #tpu.memory_space<hbm>>
    tpu.wait_indirect_dma semaphore(%arg15 : memref<!tpu.dma_semaphore, #tpu.memory_space<semaphore_mem>>) src(%dma_wait3A_176 : memref<2464x768xf32, #tpu.memory_space<hbm>>) dst(%dma_wait3A_171 : memref<8x768xf32, #tpu.memory_space<vmem>>)
    %dma_wait3A_177 = arith.constant 24 : i32
    %dma_wait3A_178 = arith.constant 0 : i32
    %dma_wait3A_179 = tpu.memref_slice %arg9[%dma_wait3A_177, %dma_wait3A_178] : memref<32x768xf32, #tpu.memory_space<vmem>> -> memref<8x768xf32, #tpu.memory_space<vmem>>
    %dma_wait3A_180 = arith.constant 0 : i32
    %dma_wait3A_181 = tpu.memref_slice %arg7[%dma_wait3A_180] : memref<9856xi32, #tpu.memory_space<vmem>> -> memref<8xi32, #tpu.memory_space<vmem>>
    %dma_wait3A_182 = arith.constant 0 : i32
    %dma_wait3A_183 = arith.constant 0 : i32
    %dma_wait3A_184 = tpu.memref_slice %arg4[%dma_wait3A_182, %dma_wait3A_183] : memref<49408x768xf32, #tpu.memory_space<hbm>> -> memref<49408x768xf32, #tpu.memory_space<hbm>>
    tpu.wait_indirect_dma semaphore(%arg13 : memref<!tpu.dma_semaphore, #tpu.memory_space<semaphore_mem>>) src(%dma_wait3A_184 : memref<49408x768xf32, #tpu.memory_space<hbm>>) dst(%dma_wait3A_179 : memref<8x768xf32, #tpu.memory_space<vmem>>)
    %dma_wait3A_185 = arith.constant 24 : i32
    %dma_wait3A_186 = arith.constant 0 : i32
    %dma_wait3A_187 = tpu.memref_slice %arg11[%dma_wait3A_185, %dma_wait3A_186] : memref<32x768xf32, #tpu.memory_space<vmem>> -> memref<8x768xf32, #tpu.memory_space<vmem>>
    %dma_wait3A_188 = arith.constant 0 : i32
    %dma_wait3A_189 = tpu.memref_slice %arg8[%dma_wait3A_188] : memref<9856xi32, #tpu.memory_space<vmem>> -> memref<8xi32, #tpu.memory_space<vmem>>
    %dma_wait3A_190 = arith.constant 0 : i32
    %dma_wait3A_191 = arith.constant 0 : i32
    %dma_wait3A_192 = tpu.memref_slice %arg5[%dma_wait3A_190, %dma_wait3A_191] : memref<2464x768xf32, #tpu.memory_space<hbm>> -> memref<2464x768xf32, #tpu.memory_space<hbm>>
    tpu.wait_indirect_dma semaphore(%arg15 : memref<!tpu.dma_semaphore, #tpu.memory_space<semaphore_mem>>) src(%dma_wait3A_192 : memref<2464x768xf32, #tpu.memory_space<hbm>>) dst(%dma_wait3A_187 : memref<8x768xf32, #tpu.memory_space<vmem>>)
    %scan3A = arith.constant 0 : i32
    %scan3A_193 = arith.constant 32 : i32
    %scan3A_194 = arith.addi %scan3A, %scan3A_193 : i32
    %scan3A_195 = arith.constant 1 : i32
    scf.for %scan3A_291 = %scan3A to %scan3A_194 step %scan3A_195  : i32 {
      %get3A = arith.index_cast %scan3A_291 : i32 to index
      %get3A_292 = arith.constant 0 : index
      %get3A_293 = tpu.vector_load %arg11[%get3A, %get3A_292] {strides = array<i32>} : memref<32x768xf32, #tpu.memory_space<vmem>>, vector<1x16xf32>,
      %get3A_294 = vector.shape_cast %get3A_293 : vector<1x16xf32> to vector<16xf32>
      %swap3A = arith.index_cast %scan3A_291 : i32 to index
      %swap3A_295 = arith.constant 0 : index
      %swap3A_296 = tpu.vector_load %arg9[%swap3A, %swap3A_295] {strides = array<i32>} : memref<32x768xf32, #tpu.memory_space<vmem>>, vector<1x16xf32>,
      %swap3A_297 = vector.shape_cast %swap3A_296 : vector<1x16xf32> to vector<16xf32>
      %swap3A_298 = vector.shape_cast %get3A_294 : vector<16xf32> to vector<1x16xf32>
      tpu.vector_store %arg9[%swap3A, %swap3A_295], %swap3A_298 {add = true, strides = array<i32>} : memref<32x768xf32, #tpu.memory_space<vmem>>, vector<1x16xf32>,
      %get3A_299 = arith.index_cast %scan3A_291 : i32 to index
      %get3A_300 = arith.constant 16 : index
      %get3A_301 = tpu.vector_load %arg11[%get3A_299, %get3A_300] {strides = array<i32>} : memref<32x768xf32, #tpu.memory_space<vmem>>, vector<1x16xf32>,
      %get3A_302 = vector.shape_cast %get3A_301 : vector<1x16xf32> to vector<16xf32>
      %swap3A_303 = arith.index_cast %scan3A_291 : i32 to index
      %swap3A_304 = arith.constant 16 : index
      %swap3A_305 = tpu.vector_load %arg9[%swap3A_303, %swap3A_304] {strides = array<i32>} : memref<32x768xf32, #tpu.memory_space<vmem>>, vector<1x16xf32>,
      %swap3A_306 = vector.shape_cast %swap3A_305 : vector<1x16xf32> to vector<16xf32>
      %swap3A_307 = vector.shape_cast %get3A_302 : vector<16xf32> to vector<1x16xf32>
      tpu.vector_store %arg9[%swap3A_303, %swap3A_304], %swap3A_307 {add = true, strides = array<i32>} : memref<32x768xf32, #tpu.memory_space<vmem>>, vector<1x16xf32>,
      %get3A_308 = arith.index_cast %scan3A_291 : i32 to index
      %get3A_309 = arith.constant 32 : index
      %get3A_310 = tpu.vector_load %arg11[%get3A_308, %get3A_309] {strides = array<i32>} : memref<32x768xf32, #tpu.memory_space<vmem>>, vector<1x16xf32>,
      %get3A_311 = vector.shape_cast %get3A_310 : vector<1x16xf32> to vector<16xf32>
      %swap3A_312 = arith.index_cast %scan3A_291 : i32 to index
      %swap3A_313 = arith.constant 32 : index
      %swap3A_314 = tpu.vector_load %arg9[%swap3A_312, %swap3A_313] {strides = array<i32>} : memref<32x768xf32, #tpu.memory_space<vmem>>, vector<1x16xf32>,
      %swap3A_315 = vector.shape_cast %swap3A_314 : vector<1x16xf32> to vector<16xf32>
      %swap3A_316 = vector.shape_cast %get3A_311 : vector<16xf32> to vector<1x16xf32>
      tpu.vector_store %arg9[%swap3A_312, %swap3A_313], %swap3A_316 {add = true, strides = array<i32>} : memref<32x768xf32, #tpu.memory_space<vmem>>, vector<1x16xf32>,
      %get3A_317 = arith.index_cast %scan3A_291 : i32 to index
      %get3A_318 = arith.constant 48 : index
      %get3A_319 = tpu.vector_load %arg11[%get3A_317, %get3A_318] {strides = array<i32>} : memref<32x768xf32, #tpu.memory_space<vmem>>, vector<1x16xf32>,
      %get3A_320 = vector.shape_cast %get3A_319 : vector<1x16xf32> to vector<16xf32>
      %swap3A_321 = arith.index_cast %scan3A_291 : i32 to index
      %swap3A_322 = arith.constant 48 : index
      %swap3A_323 = tpu.vector_load %arg9[%swap3A_321, %swap3A_322] {strides = array<i32>} : memref<32x768xf32, #tpu.memory_space<vmem>>, vector<1x16xf32>,
      %swap3A_324 = vector.shape_cast %swap3A_323 : vector<1x16xf32> to vector<16xf32>
      %swap3A_325 = vector.shape_cast %get3A_320 : vector<16xf32> to vector<1x16xf32>
      tpu.vector_store %arg9[%swap3A_321, %swap3A_322], %swap3A_325 {add = true, strides = array<i32>} : memref<32x768xf32, #tpu.memory_space<vmem>>, vector<1x16xf32>,
      %get3A_326 = arith.index_cast %scan3A_291 : i32 to index
      %get3A_327 = arith.constant 64 : index
      %get3A_328 = tpu.vector_load %arg11[%get3A_326, %get3A_327] {strides = array<i32>} : memref<32x768xf32, #tpu.memory_space<vmem>>, vector<1x16xf32>,
      %get3A_329 = vector.shape_cast %get3A_328 : vector<1x16xf32> to vector<16xf32>
      %swap3A_330 = arith.index_cast %scan3A_291 : i32 to index
      %swap3A_331 = arith.constant 64 : index
      %swap3A_332 = tpu.vector_load %arg9[%swap3A_330, %swap3A_331] {strides = array<i32>} : memref<32x768xf32, #tpu.memory_space<vmem>>, vector<1x16xf32>,
      %swap3A_333 = vector.shape_cast %swap3A_332 : vector<1x16xf32> to vector<16xf32>
      %swap3A_334 = vector.shape_cast %get3A_329 : vector<16xf32> to vector<1x16xf32>
      tpu.vector_store %arg9[%swap3A_330, %swap3A_331], %swap3A_334 {add = true, strides = array<i32>} : memref<32x768xf32, #tpu.memory_space<vmem>>, vector<1x16xf32>,
      %get3A_335 = arith.index_cast %scan3A_291 : i32 to index
      %get3A_336 = arith.constant 80 : index
      %get3A_337 = tpu.vector_load %arg11[%get3A_335, %get3A_336] {strides = array<i32>} : memref<32x768xf32, #tpu.memory_space<vmem>>, vector<1x16xf32>,
      %get3A_338 = vector.shape_cast %get3A_337 : vector<1x16xf32> to vector<16xf32>
      %swap3A_339 = arith.index_cast %scan3A_291 : i32 to index
      %swap3A_340 = arith.constant 80 : index
      %swap3A_341 = tpu.vector_load %arg9[%swap3A_339, %swap3A_340] {strides = array<i32>} : memref<32x768xf32, #tpu.memory_space<vmem>>, vector<1x16xf32>,
      %swap3A_342 = vector.shape_cast %swap3A_341 : vector<1x16xf32> to vector<16xf32>
      %swap3A_343 = vector.shape_cast %get3A_338 : vector<16xf32> to vector<1x16xf32>
      tpu.vector_store %arg9[%swap3A_339, %swap3A_340], %swap3A_343 {add = true, strides = array<i32>} : memref<32x768xf32, #tpu.memory_space<vmem>>, vector<1x16xf32>,
      %get3A_344 = arith.index_cast %scan3A_291 : i32 to index
      %get3A_345 = arith.constant 96 : index
      %get3A_346 = tpu.vector_load %arg11[%get3A_344, %get3A_345] {strides = array<i32>} : memref<32x768xf32, #tpu.memory_space<vmem>>, vector<1x16xf32>,
      %get3A_347 = vector.shape_cast %get3A_346 : vector<1x16xf32> to vector<16xf32>
      %swap3A_348 = arith.index_cast %scan3A_291 : i32 to index
      %swap3A_349 = arith.constant 96 : index
      %swap3A_350 = tpu.vector_load %arg9[%swap3A_348, %swap3A_349] {strides = array<i32>} : memref<32x768xf32, #tpu.memory_space<vmem>>, vector<1x16xf32>,
      %swap3A_351 = vector.shape_cast %swap3A_350 : vector<1x16xf32> to vector<16xf32>
      %swap3A_352 = vector.shape_cast %get3A_347 : vector<16xf32> to vector<1x16xf32>
      tpu.vector_store %arg9[%swap3A_348, %swap3A_349], %swap3A_352 {add = true, strides = array<i32>} : memref<32x768xf32, #tpu.memory_space<vmem>>, vector<1x16xf32>,
      %get3A_353 = arith.index_cast %scan3A_291 : i32 to index
      %get3A_354 = arith.constant 112 : index
      %get3A_355 = tpu.vector_load %arg11[%get3A_353, %get3A_354] {strides = array<i32>} : memref<32x768xf32, #tpu.memory_space<vmem>>, vector<1x16xf32>,
      %get3A_356 = vector.shape_cast %get3A_355 : vector<1x16xf32> to vector<16xf32>
      %swap3A_357 = arith.index_cast %scan3A_291 : i32 to index
      %swap3A_358 = arith.constant 112 : index
      %swap3A_359 = tpu.vector_load %arg9[%swap3A_357, %swap3A_358] {strides = array<i32>} : memref<32x768xf32, #tpu.memory_space<vmem>>, vector<1x16xf32>,
      %swap3A_360 = vector.shape_cast %swap3A_359 : vector<1x16xf32> to vector<16xf32>
      %swap3A_361 = vector.shape_cast %get3A_356 : vector<16xf32> to vector<1x16xf32>
      tpu.vector_store %arg9[%swap3A_357, %swap3A_358], %swap3A_361 {add = true, strides = array<i32>} : memref<32x768xf32, #tpu.memory_space<vmem>>, vector<1x16xf32>,
      %get3A_362 = arith.index_cast %scan3A_291 : i32 to index
      %get3A_363 = arith.constant 128 : index
      %get3A_364 = tpu.vector_load %arg11[%get3A_362, %get3A_363] {strides = array<i32>} : memref<32x768xf32, #tpu.memory_space<vmem>>, vector<1x16xf32>,
      %get3A_365 = vector.shape_cast %get3A_364 : vector<1x16xf32> to vector<16xf32>
      %swap3A_366 = arith.index_cast %scan3A_291 : i32 to index
      %swap3A_367 = arith.constant 128 : index
      %swap3A_368 = tpu.vector_load %arg9[%swap3A_366, %swap3A_367] {strides = array<i32>} : memref<32x768xf32, #tpu.memory_space<vmem>>, vector<1x16xf32>,
      %swap3A_369 = vector.shape_cast %swap3A_368 : vector<1x16xf32> to vector<16xf32>
      %swap3A_370 = vector.shape_cast %get3A_365 : vector<16xf32> to vector<1x16xf32>
      tpu.vector_store %arg9[%swap3A_366, %swap3A_367], %swap3A_370 {add = true, strides = array<i32>} : memref<32x768xf32, #tpu.memory_space<vmem>>, vector<1x16xf32>,
      %get3A_371 = arith.index_cast %scan3A_291 : i32 to index
      %get3A_372 = arith.constant 144 : index
      %get3A_373 = tpu.vector_load %arg11[%get3A_371, %get3A_372] {strides = array<i32>} : memref<32x768xf32, #tpu.memory_space<vmem>>, vector<1x16xf32>,
      %get3A_374 = vector.shape_cast %get3A_373 : vector<1x16xf32> to vector<16xf32>
      %swap3A_375 = arith.index_cast %scan3A_291 : i32 to index
      %swap3A_376 = arith.constant 144 : index
      %swap3A_377 = tpu.vector_load %arg9[%swap3A_375, %swap3A_376] {strides = array<i32>} : memref<32x768xf32, #tpu.memory_space<vmem>>, vector<1x16xf32>,
      %swap3A_378 = vector.shape_cast %swap3A_377 : vector<1x16xf32> to vector<16xf32>
      %swap3A_379 = vector.shape_cast %get3A_374 : vector<16xf32> to vector<1x16xf32>
      tpu.vector_store %arg9[%swap3A_375, %swap3A_376], %swap3A_379 {add = true, strides = array<i32>} : memref<32x768xf32, #tpu.memory_space<vmem>>, vector<1x16xf32>,
      %get3A_380 = arith.index_cast %scan3A_291 : i32 to index
      %get3A_381 = arith.constant 160 : index
      %get3A_382 = tpu.vector_load %arg11[%get3A_380, %get3A_381] {strides = array<i32>} : memref<32x768xf32, #tpu.memory_space<vmem>>, vector<1x16xf32>,
      %get3A_383 = vector.shape_cast %get3A_382 : vector<1x16xf32> to vector<16xf32>
      %swap3A_384 = arith.index_cast %scan3A_291 : i32 to index
      %swap3A_385 = arith.constant 160 : index
      %swap3A_386 = tpu.vector_load %arg9[%swap3A_384, %swap3A_385] {strides = array<i32>} : memref<32x768xf32, #tpu.memory_space<vmem>>, vector<1x16xf32>,
      %swap3A_387 = vector.shape_cast %swap3A_386 : vector<1x16xf32> to vector<16xf32>
      %swap3A_388 = vector.shape_cast %get3A_383 : vector<16xf32> to vector<1x16xf32>
      tpu.vector_store %arg9[%swap3A_384, %swap3A_385], %swap3A_388 {add = true, strides = array<i32>} : memref<32x768xf32, #tpu.memory_space<vmem>>, vector<1x16xf32>,
      %get3A_389 = arith.index_cast %scan3A_291 : i32 to index
      %get3A_390 = arith.constant 176 : index
      %get3A_391 = tpu.vector_load %arg11[%get3A_389, %get3A_390] {strides = array<i32>} : memref<32x768xf32, #tpu.memory_space<vmem>>, vector<1x16xf32>,
      %get3A_392 = vector.shape_cast %get3A_391 : vector<1x16xf32> to vector<16xf32>
      %swap3A_393 = arith.index_cast %scan3A_291 : i32 to index
      %swap3A_394 = arith.constant 176 : index
      %swap3A_395 = tpu.vector_load %arg9[%swap3A_393, %swap3A_394] {strides = array<i32>} : memref<32x768xf32, #tpu.memory_space<vmem>>, vector<1x16xf32>,
      %swap3A_396 = vector.shape_cast %swap3A_395 : vector<1x16xf32> to vector<16xf32>
      %swap3A_397 = vector.shape_cast %get3A_392 : vector<16xf32> to vector<1x16xf32>
      tpu.vector_store %arg9[%swap3A_393, %swap3A_394], %swap3A_397 {add = true, strides = array<i32>} : memref<32x768xf32, #tpu.memory_space<vmem>>, vector<1x16xf32>,
      %get3A_398 = arith.index_cast %scan3A_291 : i32 to index
      %get3A_399 = arith.constant 192 : index
      %get3A_400 = tpu.vector_load %arg11[%get3A_398, %get3A_399] {strides = array<i32>} : memref<32x768xf32, #tpu.memory_space<vmem>>, vector<1x16xf32>,
      %get3A_401 = vector.shape_cast %get3A_400 : vector<1x16xf32> to vector<16xf32>
      %swap3A_402 = arith.index_cast %scan3A_291 : i32 to index
      %swap3A_403 = arith.constant 192 : index
      %swap3A_404 = tpu.vector_load %arg9[%swap3A_402, %swap3A_403] {strides = array<i32>} : memref<32x768xf32, #tpu.memory_space<vmem>>, vector<1x16xf32>,
      %swap3A_405 = vector.shape_cast %swap3A_404 : vector<1x16xf32> to vector<16xf32>
      %swap3A_406 = vector.shape_cast %get3A_401 : vector<16xf32> to vector<1x16xf32>
      tpu.vector_store %arg9[%swap3A_402, %swap3A_403], %swap3A_406 {add = true, strides = array<i32>} : memref<32x768xf32, #tpu.memory_space<vmem>>, vector<1x16xf32>,
      %get3A_407 = arith.index_cast %scan3A_291 : i32 to index
      %get3A_408 = arith.constant 208 : index
      %get3A_409 = tpu.vector_load %arg11[%get3A_407, %get3A_408] {strides = array<i32>} : memref<32x768xf32, #tpu.memory_space<vmem>>, vector<1x16xf32>,
      %get3A_410 = vector.shape_cast %get3A_409 : vector<1x16xf32> to vector<16xf32>
      %swap3A_411 = arith.index_cast %scan3A_291 : i32 to index
      %swap3A_412 = arith.constant 208 : index
      %swap3A_413 = tpu.vector_load %arg9[%swap3A_411, %swap3A_412] {strides = array<i32>} : memref<32x768xf32, #tpu.memory_space<vmem>>, vector<1x16xf32>,
      %swap3A_414 = vector.shape_cast %swap3A_413 : vector<1x16xf32> to vector<16xf32>
      %swap3A_415 = vector.shape_cast %get3A_410 : vector<16xf32> to vector<1x16xf32>
      tpu.vector_store %arg9[%swap3A_411, %swap3A_412], %swap3A_415 {add = true, strides = array<i32>} : memref<32x768xf32, #tpu.memory_space<vmem>>, vector<1x16xf32>,
      %get3A_416 = arith.index_cast %scan3A_291 : i32 to index
      %get3A_417 = arith.constant 224 : index
      %get3A_418 = tpu.vector_load %arg11[%get3A_416, %get3A_417] {strides = array<i32>} : memref<32x768xf32, #tpu.memory_space<vmem>>, vector<1x16xf32>,
      %get3A_419 = vector.shape_cast %get3A_418 : vector<1x16xf32> to vector<16xf32>
      %swap3A_420 = arith.index_cast %scan3A_291 : i32 to index
      %swap3A_421 = arith.constant 224 : index
      %swap3A_422 = tpu.vector_load %arg9[%swap3A_420, %swap3A_421] {strides = array<i32>} : memref<32x768xf32, #tpu.memory_space<vmem>>, vector<1x16xf32>,
      %swap3A_423 = vector.shape_cast %swap3A_422 : vector<1x16xf32> to vector<16xf32>
      %swap3A_424 = vector.shape_cast %get3A_419 : vector<16xf32> to vector<1x16xf32>
      tpu.vector_store %arg9[%swap3A_420, %swap3A_421], %swap3A_424 {add = true, strides = array<i32>} : memref<32x768xf32, #tpu.memory_space<vmem>>, vector<1x16xf32>,
      %get3A_425 = arith.index_cast %scan3A_291 : i32 to index
      %get3A_426 = arith.constant 240 : index
      %get3A_427 = tpu.vector_load %arg11[%get3A_425, %get3A_426] {strides = array<i32>} : memref<32x768xf32, #tpu.memory_space<vmem>>, vector<1x16xf32>,
      %get3A_428 = vector.shape_cast %get3A_427 : vector<1x16xf32> to vector<16xf32>
      %swap3A_429 = arith.index_cast %scan3A_291 : i32 to index
      %swap3A_430 = arith.constant 240 : index
      %swap3A_431 = tpu.vector_load %arg9[%swap3A_429, %swap3A_430] {strides = array<i32>} : memref<32x768xf32, #tpu.memory_space<vmem>>, vector<1x16xf32>,
      %swap3A_432 = vector.shape_cast %swap3A_431 : vector<1x16xf32> to vector<16xf32>
      %swap3A_433 = vector.shape_cast %get3A_428 : vector<16xf32> to vector<1x16xf32>
      tpu.vector_store %arg9[%swap3A_429, %swap3A_430], %swap3A_433 {add = true, strides = array<i32>} : memref<32x768xf32, #tpu.memory_space<vmem>>, vector<1x16xf32>,
      %get3A_434 = arith.index_cast %scan3A_291 : i32 to index
      %get3A_435 = arith.constant 256 : index
      %get3A_436 = tpu.vector_load %arg11[%get3A_434, %get3A_435] {strides = array<i32>} : memref<32x768xf32, #tpu.memory_space<vmem>>, vector<1x16xf32>,
      %get3A_437 = vector.shape_cast %get3A_436 : vector<1x16xf32> to vector<16xf32>
      %swap3A_438 = arith.index_cast %scan3A_291 : i32 to index
      %swap3A_439 = arith.constant 256 : index
      %swap3A_440 = tpu.vector_load %arg9[%swap3A_438, %swap3A_439] {strides = array<i32>} : memref<32x768xf32, #tpu.memory_space<vmem>>, vector<1x16xf32>,
      %swap3A_441 = vector.shape_cast %swap3A_440 : vector<1x16xf32> to vector<16xf32>
      %swap3A_442 = vector.shape_cast %get3A_437 : vector<16xf32> to vector<1x16xf32>
      tpu.vector_store %arg9[%swap3A_438, %swap3A_439], %swap3A_442 {add = true, strides = array<i32>} : memref<32x768xf32, #tpu.memory_space<vmem>>, vector<1x16xf32>,
      %get3A_443 = arith.index_cast %scan3A_291 : i32 to index
      %get3A_444 = arith.constant 272 : index
      %get3A_445 = tpu.vector_load %arg11[%get3A_443, %get3A_444] {strides = array<i32>} : memref<32x768xf32, #tpu.memory_space<vmem>>, vector<1x16xf32>,
      %get3A_446 = vector.shape_cast %get3A_445 : vector<1x16xf32> to vector<16xf32>
      %swap3A_447 = arith.index_cast %scan3A_291 : i32 to index
      %swap3A_448 = arith.constant 272 : index
      %swap3A_449 = tpu.vector_load %arg9[%swap3A_447, %swap3A_448] {strides = array<i32>} : memref<32x768xf32, #tpu.memory_space<vmem>>, vector<1x16xf32>,
      %swap3A_450 = vector.shape_cast %swap3A_449 : vector<1x16xf32> to vector<16xf32>
      %swap3A_451 = vector.shape_cast %get3A_446 : vector<16xf32> to vector<1x16xf32>
      tpu.vector_store %arg9[%swap3A_447, %swap3A_448], %swap3A_451 {add = true, strides = array<i32>} : memref<32x768xf32, #tpu.memory_space<vmem>>, vector<1x16xf32>,
      %get3A_452 = arith.index_cast %scan3A_291 : i32 to index
      %get3A_453 = arith.constant 288 : index
      %get3A_454 = tpu.vector_load %arg11[%get3A_452, %get3A_453] {strides = array<i32>} : memref<32x768xf32, #tpu.memory_space<vmem>>, vector<1x16xf32>,
      %get3A_455 = vector.shape_cast %get3A_454 : vector<1x16xf32> to vector<16xf32>
      %swap3A_456 = arith.index_cast %scan3A_291 : i32 to index
      %swap3A_457 = arith.constant 288 : index
      %swap3A_458 = tpu.vector_load %arg9[%swap3A_456, %swap3A_457] {strides = array<i32>} : memref<32x768xf32, #tpu.memory_space<vmem>>, vector<1x16xf32>,
      %swap3A_459 = vector.shape_cast %swap3A_458 : vector<1x16xf32> to vector<16xf32>
      %swap3A_460 = vector.shape_cast %get3A_455 : vector<16xf32> to vector<1x16xf32>
      tpu.vector_store %arg9[%swap3A_456, %swap3A_457], %swap3A_460 {add = true, strides = array<i32>} : memref<32x768xf32, #tpu.memory_space<vmem>>, vector<1x16xf32>,
      %get3A_461 = arith.index_cast %scan3A_291 : i32 to index
      %get3A_462 = arith.constant 304 : index
      %get3A_463 = tpu.vector_load %arg11[%get3A_461, %get3A_462] {strides = array<i32>} : memref<32x768xf32, #tpu.memory_space<vmem>>, vector<1x16xf32>,
      %get3A_464 = vector.shape_cast %get3A_463 : vector<1x16xf32> to vector<16xf32>
      %swap3A_465 = arith.index_cast %scan3A_291 : i32 to index
      %swap3A_466 = arith.constant 304 : index
      %swap3A_467 = tpu.vector_load %arg9[%swap3A_465, %swap3A_466] {strides = array<i32>} : memref<32x768xf32, #tpu.memory_space<vmem>>, vector<1x16xf32>,
      %swap3A_468 = vector.shape_cast %swap3A_467 : vector<1x16xf32> to vector<16xf32>
      %swap3A_469 = vector.shape_cast %get3A_464 : vector<16xf32> to vector<1x16xf32>
      tpu.vector_store %arg9[%swap3A_465, %swap3A_466], %swap3A_469 {add = true, strides = array<i32>} : memref<32x768xf32, #tpu.memory_space<vmem>>, vector<1x16xf32>,
      %get3A_470 = arith.index_cast %scan3A_291 : i32 to index
      %get3A_471 = arith.constant 320 : index
      %get3A_472 = tpu.vector_load %arg11[%get3A_470, %get3A_471] {strides = array<i32>} : memref<32x768xf32, #tpu.memory_space<vmem>>, vector<1x16xf32>,
      %get3A_473 = vector.shape_cast %get3A_472 : vector<1x16xf32> to vector<16xf32>
      %swap3A_474 = arith.index_cast %scan3A_291 : i32 to index
      %swap3A_475 = arith.constant 320 : index
      %swap3A_476 = tpu.vector_load %arg9[%swap3A_474, %swap3A_475] {strides = array<i32>} : memref<32x768xf32, #tpu.memory_space<vmem>>, vector<1x16xf32>,
      %swap3A_477 = vector.shape_cast %swap3A_476 : vector<1x16xf32> to vector<16xf32>
      %swap3A_478 = vector.shape_cast %get3A_473 : vector<16xf32> to vector<1x16xf32>
      tpu.vector_store %arg9[%swap3A_474, %swap3A_475], %swap3A_478 {add = true, strides = array<i32>} : memref<32x768xf32, #tpu.memory_space<vmem>>, vector<1x16xf32>,
      %get3A_479 = arith.index_cast %scan3A_291 : i32 to index
      %get3A_480 = arith.constant 336 : index
      %get3A_481 = tpu.vector_load %arg11[%get3A_479, %get3A_480] {strides = array<i32>} : memref<32x768xf32, #tpu.memory_space<vmem>>, vector<1x16xf32>,
      %get3A_482 = vector.shape_cast %get3A_481 : vector<1x16xf32> to vector<16xf32>
      %swap3A_483 = arith.index_cast %scan3A_291 : i32 to index
      %swap3A_484 = arith.constant 336 : index
      %swap3A_485 = tpu.vector_load %arg9[%swap3A_483, %swap3A_484] {strides = array<i32>} : memref<32x768xf32, #tpu.memory_space<vmem>>, vector<1x16xf32>,
      %swap3A_486 = vector.shape_cast %swap3A_485 : vector<1x16xf32> to vector<16xf32>
      %swap3A_487 = vector.shape_cast %get3A_482 : vector<16xf32> to vector<1x16xf32>
      tpu.vector_store %arg9[%swap3A_483, %swap3A_484], %swap3A_487 {add = true, strides = array<i32>} : memref<32x768xf32, #tpu.memory_space<vmem>>, vector<1x16xf32>,
      %get3A_488 = arith.index_cast %scan3A_291 : i32 to index
      %get3A_489 = arith.constant 352 : index
      %get3A_490 = tpu.vector_load %arg11[%get3A_488, %get3A_489] {strides = array<i32>} : memref<32x768xf32, #tpu.memory_space<vmem>>, vector<1x16xf32>,
      %get3A_491 = vector.shape_cast %get3A_490 : vector<1x16xf32> to vector<16xf32>
      %swap3A_492 = arith.index_cast %scan3A_291 : i32 to index
      %swap3A_493 = arith.constant 352 : index
      %swap3A_494 = tpu.vector_load %arg9[%swap3A_492, %swap3A_493] {strides = array<i32>} : memref<32x768xf32, #tpu.memory_space<vmem>>, vector<1x16xf32>,
      %swap3A_495 = vector.shape_cast %swap3A_494 : vector<1x16xf32> to vector<16xf32>
      %swap3A_496 = vector.shape_cast %get3A_491 : vector<16xf32> to vector<1x16xf32>
      tpu.vector_store %arg9[%swap3A_492, %swap3A_493], %swap3A_496 {add = true, strides = array<i32>} : memref<32x768xf32, #tpu.memory_space<vmem>>, vector<1x16xf32>,
      %get3A_497 = arith.index_cast %scan3A_291 : i32 to index
      %get3A_498 = arith.constant 368 : index
      %get3A_499 = tpu.vector_load %arg11[%get3A_497, %get3A_498] {strides = array<i32>} : memref<32x768xf32, #tpu.memory_space<vmem>>, vector<1x16xf32>,
      %get3A_500 = vector.shape_cast %get3A_499 : vector<1x16xf32> to vector<16xf32>
      %swap3A_501 = arith.index_cast %scan3A_291 : i32 to index
      %swap3A_502 = arith.constant 368 : index
      %swap3A_503 = tpu.vector_load %arg9[%swap3A_501, %swap3A_502] {strides = array<i32>} : memref<32x768xf32, #tpu.memory_space<vmem>>, vector<1x16xf32>,
      %swap3A_504 = vector.shape_cast %swap3A_503 : vector<1x16xf32> to vector<16xf32>
      %swap3A_505 = vector.shape_cast %get3A_500 : vector<16xf32> to vector<1x16xf32>
      tpu.vector_store %arg9[%swap3A_501, %swap3A_502], %swap3A_505 {add = true, strides = array<i32>} : memref<32x768xf32, #tpu.memory_space<vmem>>, vector<1x16xf32>,
      %get3A_506 = arith.index_cast %scan3A_291 : i32 to index
      %get3A_507 = arith.constant 384 : index
      %get3A_508 = tpu.vector_load %arg11[%get3A_506, %get3A_507] {strides = array<i32>} : memref<32x768xf32, #tpu.memory_space<vmem>>, vector<1x16xf32>,
      %get3A_509 = vector.shape_cast %get3A_508 : vector<1x16xf32> to vector<16xf32>
      %swap3A_510 = arith.index_cast %scan3A_291 : i32 to index
      %swap3A_511 = arith.constant 384 : index
      %swap3A_512 = tpu.vector_load %arg9[%swap3A_510, %swap3A_511] {strides = array<i32>} : memref<32x768xf32, #tpu.memory_space<vmem>>, vector<1x16xf32>,
      %swap3A_513 = vector.shape_cast %swap3A_512 : vector<1x16xf32> to vector<16xf32>
      %swap3A_514 = vector.shape_cast %get3A_509 : vector<16xf32> to vector<1x16xf32>
      tpu.vector_store %arg9[%swap3A_510, %swap3A_511], %swap3A_514 {add = true, strides = array<i32>} : memref<32x768xf32, #tpu.memory_space<vmem>>, vector<1x16xf32>,
      %get3A_515 = arith.index_cast %scan3A_291 : i32 to index
      %get3A_516 = arith.constant 400 : index
      %get3A_517 = tpu.vector_load %arg11[%get3A_515, %get3A_516] {strides = array<i32>} : memref<32x768xf32, #tpu.memory_space<vmem>>, vector<1x16xf32>,
      %get3A_518 = vector.shape_cast %get3A_517 : vector<1x16xf32> to vector<16xf32>
      %swap3A_519 = arith.index_cast %scan3A_291 : i32 to index
      %swap3A_520 = arith.constant 400 : index
      %swap3A_521 = tpu.vector_load %arg9[%swap3A_519, %swap3A_520] {strides = array<i32>} : memref<32x768xf32, #tpu.memory_space<vmem>>, vector<1x16xf32>,
      %swap3A_522 = vector.shape_cast %swap3A_521 : vector<1x16xf32> to vector<16xf32>
      %swap3A_523 = vector.shape_cast %get3A_518 : vector<16xf32> to vector<1x16xf32>
      tpu.vector_store %arg9[%swap3A_519, %swap3A_520], %swap3A_523 {add = true, strides = array<i32>} : memref<32x768xf32, #tpu.memory_space<vmem>>, vector<1x16xf32>,
      %get3A_524 = arith.index_cast %scan3A_291 : i32 to index
      %get3A_525 = arith.constant 416 : index
      %get3A_526 = tpu.vector_load %arg11[%get3A_524, %get3A_525] {strides = array<i32>} : memref<32x768xf32, #tpu.memory_space<vmem>>, vector<1x16xf32>,
      %get3A_527 = vector.shape_cast %get3A_526 : vector<1x16xf32> to vector<16xf32>
      %swap3A_528 = arith.index_cast %scan3A_291 : i32 to index
      %swap3A_529 = arith.constant 416 : index
      %swap3A_530 = tpu.vector_load %arg9[%swap3A_528, %swap3A_529] {strides = array<i32>} : memref<32x768xf32, #tpu.memory_space<vmem>>, vector<1x16xf32>,
      %swap3A_531 = vector.shape_cast %swap3A_530 : vector<1x16xf32> to vector<16xf32>
      %swap3A_532 = vector.shape_cast %get3A_527 : vector<16xf32> to vector<1x16xf32>
      tpu.vector_store %arg9[%swap3A_528, %swap3A_529], %swap3A_532 {add = true, strides = array<i32>} : memref<32x768xf32, #tpu.memory_space<vmem>>, vector<1x16xf32>,
      %get3A_533 = arith.index_cast %scan3A_291 : i32 to index
      %get3A_534 = arith.constant 432 : index
      %get3A_535 = tpu.vector_load %arg11[%get3A_533, %get3A_534] {strides = array<i32>} : memref<32x768xf32, #tpu.memory_space<vmem>>, vector<1x16xf32>,
      %get3A_536 = vector.shape_cast %get3A_535 : vector<1x16xf32> to vector<16xf32>
      %swap3A_537 = arith.index_cast %scan3A_291 : i32 to index
      %swap3A_538 = arith.constant 432 : index
      %swap3A_539 = tpu.vector_load %arg9[%swap3A_537, %swap3A_538] {strides = array<i32>} : memref<32x768xf32, #tpu.memory_space<vmem>>, vector<1x16xf32>,
      %swap3A_540 = vector.shape_cast %swap3A_539 : vector<1x16xf32> to vector<16xf32>
      %swap3A_541 = vector.shape_cast %get3A_536 : vector<16xf32> to vector<1x16xf32>
      tpu.vector_store %arg9[%swap3A_537, %swap3A_538], %swap3A_541 {add = true, strides = array<i32>} : memref<32x768xf32, #tpu.memory_space<vmem>>, vector<1x16xf32>,
      %get3A_542 = arith.index_cast %scan3A_291 : i32 to index
      %get3A_543 = arith.constant 448 : index
      %get3A_544 = tpu.vector_load %arg11[%get3A_542, %get3A_543] {strides = array<i32>} : memref<32x768xf32, #tpu.memory_space<vmem>>, vector<1x16xf32>,
      %get3A_545 = vector.shape_cast %get3A_544 : vector<1x16xf32> to vector<16xf32>
      %swap3A_546 = arith.index_cast %scan3A_291 : i32 to index
      %swap3A_547 = arith.constant 448 : index
      %swap3A_548 = tpu.vector_load %arg9[%swap3A_546, %swap3A_547] {strides = array<i32>} : memref<32x768xf32, #tpu.memory_space<vmem>>, vector<1x16xf32>,
      %swap3A_549 = vector.shape_cast %swap3A_548 : vector<1x16xf32> to vector<16xf32>
      %swap3A_550 = vector.shape_cast %get3A_545 : vector<16xf32> to vector<1x16xf32>
      tpu.vector_store %arg9[%swap3A_546, %swap3A_547], %swap3A_550 {add = true, strides = array<i32>} : memref<32x768xf32, #tpu.memory_space<vmem>>, vector<1x16xf32>,
      %get3A_551 = arith.index_cast %scan3A_291 : i32 to index
      %get3A_552 = arith.constant 464 : index
      %get3A_553 = tpu.vector_load %arg11[%get3A_551, %get3A_552] {strides = array<i32>} : memref<32x768xf32, #tpu.memory_space<vmem>>, vector<1x16xf32>,
      %get3A_554 = vector.shape_cast %get3A_553 : vector<1x16xf32> to vector<16xf32>
      %swap3A_555 = arith.index_cast %scan3A_291 : i32 to index
      %swap3A_556 = arith.constant 464 : index
      %swap3A_557 = tpu.vector_load %arg9[%swap3A_555, %swap3A_556] {strides = array<i32>} : memref<32x768xf32, #tpu.memory_space<vmem>>, vector<1x16xf32>,
      %swap3A_558 = vector.shape_cast %swap3A_557 : vector<1x16xf32> to vector<16xf32>
      %swap3A_559 = vector.shape_cast %get3A_554 : vector<16xf32> to vector<1x16xf32>
      tpu.vector_store %arg9[%swap3A_555, %swap3A_556], %swap3A_559 {add = true, strides = array<i32>} : memref<32x768xf32, #tpu.memory_space<vmem>>, vector<1x16xf32>,
      %get3A_560 = arith.index_cast %scan3A_291 : i32 to index
      %get3A_561 = arith.constant 480 : index
      %get3A_562 = tpu.vector_load %arg11[%get3A_560, %get3A_561] {strides = array<i32>} : memref<32x768xf32, #tpu.memory_space<vmem>>, vector<1x16xf32>,
      %get3A_563 = vector.shape_cast %get3A_562 : vector<1x16xf32> to vector<16xf32>
      %swap3A_564 = arith.index_cast %scan3A_291 : i32 to index
      %swap3A_565 = arith.constant 480 : index
      %swap3A_566 = tpu.vector_load %arg9[%swap3A_564, %swap3A_565] {strides = array<i32>} : memref<32x768xf32, #tpu.memory_space<vmem>>, vector<1x16xf32>,
      %swap3A_567 = vector.shape_cast %swap3A_566 : vector<1x16xf32> to vector<16xf32>
      %swap3A_568 = vector.shape_cast %get3A_563 : vector<16xf32> to vector<1x16xf32>
      tpu.vector_store %arg9[%swap3A_564, %swap3A_565], %swap3A_568 {add = true, strides = array<i32>} : memref<32x768xf32, #tpu.memory_space<vmem>>, vector<1x16xf32>,
      %get3A_569 = arith.index_cast %scan3A_291 : i32 to index
      %get3A_570 = arith.constant 496 : index
      %get3A_571 = tpu.vector_load %arg11[%get3A_569, %get3A_570] {strides = array<i32>} : memref<32x768xf32, #tpu.memory_space<vmem>>, vector<1x16xf32>,
      %get3A_572 = vector.shape_cast %get3A_571 : vector<1x16xf32> to vector<16xf32>
      %swap3A_573 = arith.index_cast %scan3A_291 : i32 to index
      %swap3A_574 = arith.constant 496 : index
      %swap3A_575 = tpu.vector_load %arg9[%swap3A_573, %swap3A_574] {strides = array<i32>} : memref<32x768xf32, #tpu.memory_space<vmem>>, vector<1x16xf32>,
      %swap3A_576 = vector.shape_cast %swap3A_575 : vector<1x16xf32> to vector<16xf32>
      %swap3A_577 = vector.shape_cast %get3A_572 : vector<16xf32> to vector<1x16xf32>
      tpu.vector_store %arg9[%swap3A_573, %swap3A_574], %swap3A_577 {add = true, strides = array<i32>} : memref<32x768xf32, #tpu.memory_space<vmem>>, vector<1x16xf32>,
      %get3A_578 = arith.index_cast %scan3A_291 : i32 to index
      %get3A_579 = arith.constant 512 : index
      %get3A_580 = tpu.vector_load %arg11[%get3A_578, %get3A_579] {strides = array<i32>} : memref<32x768xf32, #tpu.memory_space<vmem>>, vector<1x16xf32>,
      %get3A_581 = vector.shape_cast %get3A_580 : vector<1x16xf32> to vector<16xf32>
      %swap3A_582 = arith.index_cast %scan3A_291 : i32 to index
      %swap3A_583 = arith.constant 512 : index
      %swap3A_584 = tpu.vector_load %arg9[%swap3A_582, %swap3A_583] {strides = array<i32>} : memref<32x768xf32, #tpu.memory_space<vmem>>, vector<1x16xf32>,
      %swap3A_585 = vector.shape_cast %swap3A_584 : vector<1x16xf32> to vector<16xf32>
      %swap3A_586 = vector.shape_cast %get3A_581 : vector<16xf32> to vector<1x16xf32>
      tpu.vector_store %arg9[%swap3A_582, %swap3A_583], %swap3A_586 {add = true, strides = array<i32>} : memref<32x768xf32, #tpu.memory_space<vmem>>, vector<1x16xf32>,
      %get3A_587 = arith.index_cast %scan3A_291 : i32 to index
      %get3A_588 = arith.constant 528 : index
      %get3A_589 = tpu.vector_load %arg11[%get3A_587, %get3A_588] {strides = array<i32>} : memref<32x768xf32, #tpu.memory_space<vmem>>, vector<1x16xf32>,
      %get3A_590 = vector.shape_cast %get3A_589 : vector<1x16xf32> to vector<16xf32>
      %swap3A_591 = arith.index_cast %scan3A_291 : i32 to index
      %swap3A_592 = arith.constant 528 : index
      %swap3A_593 = tpu.vector_load %arg9[%swap3A_591, %swap3A_592] {strides = array<i32>} : memref<32x768xf32, #tpu.memory_space<vmem>>, vector<1x16xf32>,
      %swap3A_594 = vector.shape_cast %swap3A_593 : vector<1x16xf32> to vector<16xf32>
      %swap3A_595 = vector.shape_cast %get3A_590 : vector<16xf32> to vector<1x16xf32>
      tpu.vector_store %arg9[%swap3A_591, %swap3A_592], %swap3A_595 {add = true, strides = array<i32>} : memref<32x768xf32, #tpu.memory_space<vmem>>, vector<1x16xf32>,
      %get3A_596 = arith.index_cast %scan3A_291 : i32 to index
      %get3A_597 = arith.constant 544 : index
      %get3A_598 = tpu.vector_load %arg11[%get3A_596, %get3A_597] {strides = array<i32>} : memref<32x768xf32, #tpu.memory_space<vmem>>, vector<1x16xf32>,
      %get3A_599 = vector.shape_cast %get3A_598 : vector<1x16xf32> to vector<16xf32>
      %swap3A_600 = arith.index_cast %scan3A_291 : i32 to index
      %swap3A_601 = arith.constant 544 : index
      %swap3A_602 = tpu.vector_load %arg9[%swap3A_600, %swap3A_601] {strides = array<i32>} : memref<32x768xf32, #tpu.memory_space<vmem>>, vector<1x16xf32>,
      %swap3A_603 = vector.shape_cast %swap3A_602 : vector<1x16xf32> to vector<16xf32>
      %swap3A_604 = vector.shape_cast %get3A_599 : vector<16xf32> to vector<1x16xf32>
      tpu.vector_store %arg9[%swap3A_600, %swap3A_601], %swap3A_604 {add = true, strides = array<i32>} : memref<32x768xf32, #tpu.memory_space<vmem>>, vector<1x16xf32>,
      %get3A_605 = arith.index_cast %scan3A_291 : i32 to index
      %get3A_606 = arith.constant 560 : index
      %get3A_607 = tpu.vector_load %arg11[%get3A_605, %get3A_606] {strides = array<i32>} : memref<32x768xf32, #tpu.memory_space<vmem>>, vector<1x16xf32>,
      %get3A_608 = vector.shape_cast %get3A_607 : vector<1x16xf32> to vector<16xf32>
      %swap3A_609 = arith.index_cast %scan3A_291 : i32 to index
      %swap3A_610 = arith.constant 560 : index
      %swap3A_611 = tpu.vector_load %arg9[%swap3A_609, %swap3A_610] {strides = array<i32>} : memref<32x768xf32, #tpu.memory_space<vmem>>, vector<1x16xf32>,
      %swap3A_612 = vector.shape_cast %swap3A_611 : vector<1x16xf32> to vector<16xf32>
      %swap3A_613 = vector.shape_cast %get3A_608 : vector<16xf32> to vector<1x16xf32>
      tpu.vector_store %arg9[%swap3A_609, %swap3A_610], %swap3A_613 {add = true, strides = array<i32>} : memref<32x768xf32, #tpu.memory_space<vmem>>, vector<1x16xf32>,
      %get3A_614 = arith.index_cast %scan3A_291 : i32 to index
      %get3A_615 = arith.constant 576 : index
      %get3A_616 = tpu.vector_load %arg11[%get3A_614, %get3A_615] {strides = array<i32>} : memref<32x768xf32, #tpu.memory_space<vmem>>, vector<1x16xf32>,
      %get3A_617 = vector.shape_cast %get3A_616 : vector<1x16xf32> to vector<16xf32>
      %swap3A_618 = arith.index_cast %scan3A_291 : i32 to index
      %swap3A_619 = arith.constant 576 : index
      %swap3A_620 = tpu.vector_load %arg9[%swap3A_618, %swap3A_619] {strides = array<i32>} : memref<32x768xf32, #tpu.memory_space<vmem>>, vector<1x16xf32>,
      %swap3A_621 = vector.shape_cast %swap3A_620 : vector<1x16xf32> to vector<16xf32>
      %swap3A_622 = vector.shape_cast %get3A_617 : vector<16xf32> to vector<1x16xf32>
      tpu.vector_store %arg9[%swap3A_618, %swap3A_619], %swap3A_622 {add = true, strides = array<i32>} : memref<32x768xf32, #tpu.memory_space<vmem>>, vector<1x16xf32>,
      %get3A_623 = arith.index_cast %scan3A_291 : i32 to index
      %get3A_624 = arith.constant 592 : index
      %get3A_625 = tpu.vector_load %arg11[%get3A_623, %get3A_624] {strides = array<i32>} : memref<32x768xf32, #tpu.memory_space<vmem>>, vector<1x16xf32>,
      %get3A_626 = vector.shape_cast %get3A_625 : vector<1x16xf32> to vector<16xf32>
      %swap3A_627 = arith.index_cast %scan3A_291 : i32 to index
      %swap3A_628 = arith.constant 592 : index
      %swap3A_629 = tpu.vector_load %arg9[%swap3A_627, %swap3A_628] {strides = array<i32>} : memref<32x768xf32, #tpu.memory_space<vmem>>, vector<1x16xf32>,
      %swap3A_630 = vector.shape_cast %swap3A_629 : vector<1x16xf32> to vector<16xf32>
      %swap3A_631 = vector.shape_cast %get3A_626 : vector<16xf32> to vector<1x16xf32>
      tpu.vector_store %arg9[%swap3A_627, %swap3A_628], %swap3A_631 {add = true, strides = array<i32>} : memref<32x768xf32, #tpu.memory_space<vmem>>, vector<1x16xf32>,
      %get3A_632 = arith.index_cast %scan3A_291 : i32 to index
      %get3A_633 = arith.constant 608 : index
      %get3A_634 = tpu.vector_load %arg11[%get3A_632, %get3A_633] {strides = array<i32>} : memref<32x768xf32, #tpu.memory_space<vmem>>, vector<1x16xf32>,
      %get3A_635 = vector.shape_cast %get3A_634 : vector<1x16xf32> to vector<16xf32>
      %swap3A_636 = arith.index_cast %scan3A_291 : i32 to index
      %swap3A_637 = arith.constant 608 : index
      %swap3A_638 = tpu.vector_load %arg9[%swap3A_636, %swap3A_637] {strides = array<i32>} : memref<32x768xf32, #tpu.memory_space<vmem>>, vector<1x16xf32>,
      %swap3A_639 = vector.shape_cast %swap3A_638 : vector<1x16xf32> to vector<16xf32>
      %swap3A_640 = vector.shape_cast %get3A_635 : vector<16xf32> to vector<1x16xf32>
      tpu.vector_store %arg9[%swap3A_636, %swap3A_637], %swap3A_640 {add = true, strides = array<i32>} : memref<32x768xf32, #tpu.memory_space<vmem>>, vector<1x16xf32>,
      %get3A_641 = arith.index_cast %scan3A_291 : i32 to index
      %get3A_642 = arith.constant 624 : index
      %get3A_643 = tpu.vector_load %arg11[%get3A_641, %get3A_642] {strides = array<i32>} : memref<32x768xf32, #tpu.memory_space<vmem>>, vector<1x16xf32>,
      %get3A_644 = vector.shape_cast %get3A_643 : vector<1x16xf32> to vector<16xf32>
      %swap3A_645 = arith.index_cast %scan3A_291 : i32 to index
      %swap3A_646 = arith.constant 624 : index
      %swap3A_647 = tpu.vector_load %arg9[%swap3A_645, %swap3A_646] {strides = array<i32>} : memref<32x768xf32, #tpu.memory_space<vmem>>, vector<1x16xf32>,
      %swap3A_648 = vector.shape_cast %swap3A_647 : vector<1x16xf32> to vector<16xf32>
      %swap3A_649 = vector.shape_cast %get3A_644 : vector<16xf32> to vector<1x16xf32>
      tpu.vector_store %arg9[%swap3A_645, %swap3A_646], %swap3A_649 {add = true, strides = array<i32>} : memref<32x768xf32, #tpu.memory_space<vmem>>, vector<1x16xf32>,
      %get3A_650 = arith.index_cast %scan3A_291 : i32 to index
      %get3A_651 = arith.constant 640 : index
      %get3A_652 = tpu.vector_load %arg11[%get3A_650, %get3A_651] {strides = array<i32>} : memref<32x768xf32, #tpu.memory_space<vmem>>, vector<1x16xf32>,
      %get3A_653 = vector.shape_cast %get3A_652 : vector<1x16xf32> to vector<16xf32>
      %swap3A_654 = arith.index_cast %scan3A_291 : i32 to index
      %swap3A_655 = arith.constant 640 : index
      %swap3A_656 = tpu.vector_load %arg9[%swap3A_654, %swap3A_655] {strides = array<i32>} : memref<32x768xf32, #tpu.memory_space<vmem>>, vector<1x16xf32>,
      %swap3A_657 = vector.shape_cast %swap3A_656 : vector<1x16xf32> to vector<16xf32>
      %swap3A_658 = vector.shape_cast %get3A_653 : vector<16xf32> to vector<1x16xf32>
      tpu.vector_store %arg9[%swap3A_654, %swap3A_655], %swap3A_658 {add = true, strides = array<i32>} : memref<32x768xf32, #tpu.memory_space<vmem>>, vector<1x16xf32>,
      %get3A_659 = arith.index_cast %scan3A_291 : i32 to index
      %get3A_660 = arith.constant 656 : index
      %get3A_661 = tpu.vector_load %arg11[%get3A_659, %get3A_660] {strides = array<i32>} : memref<32x768xf32, #tpu.memory_space<vmem>>, vector<1x16xf32>,
      %get3A_662 = vector.shape_cast %get3A_661 : vector<1x16xf32> to vector<16xf32>
      %swap3A_663 = arith.index_cast %scan3A_291 : i32 to index
      %swap3A_664 = arith.constant 656 : index
      %swap3A_665 = tpu.vector_load %arg9[%swap3A_663, %swap3A_664] {strides = array<i32>} : memref<32x768xf32, #tpu.memory_space<vmem>>, vector<1x16xf32>,
      %swap3A_666 = vector.shape_cast %swap3A_665 : vector<1x16xf32> to vector<16xf32>
      %swap3A_667 = vector.shape_cast %get3A_662 : vector<16xf32> to vector<1x16xf32>
      tpu.vector_store %arg9[%swap3A_663, %swap3A_664], %swap3A_667 {add = true, strides = array<i32>} : memref<32x768xf32, #tpu.memory_space<vmem>>, vector<1x16xf32>,
      %get3A_668 = arith.index_cast %scan3A_291 : i32 to index
      %get3A_669 = arith.constant 672 : index
      %get3A_670 = tpu.vector_load %arg11[%get3A_668, %get3A_669] {strides = array<i32>} : memref<32x768xf32, #tpu.memory_space<vmem>>, vector<1x16xf32>,
      %get3A_671 = vector.shape_cast %get3A_670 : vector<1x16xf32> to vector<16xf32>
      %swap3A_672 = arith.index_cast %scan3A_291 : i32 to index
      %swap3A_673 = arith.constant 672 : index
      %swap3A_674 = tpu.vector_load %arg9[%swap3A_672, %swap3A_673] {strides = array<i32>} : memref<32x768xf32, #tpu.memory_space<vmem>>, vector<1x16xf32>,
      %swap3A_675 = vector.shape_cast %swap3A_674 : vector<1x16xf32> to vector<16xf32>
      %swap3A_676 = vector.shape_cast %get3A_671 : vector<16xf32> to vector<1x16xf32>
      tpu.vector_store %arg9[%swap3A_672, %swap3A_673], %swap3A_676 {add = true, strides = array<i32>} : memref<32x768xf32, #tpu.memory_space<vmem>>, vector<1x16xf32>,
      %get3A_677 = arith.index_cast %scan3A_291 : i32 to index
      %get3A_678 = arith.constant 688 : index
      %get3A_679 = tpu.vector_load %arg11[%get3A_677, %get3A_678] {strides = array<i32>} : memref<32x768xf32, #tpu.memory_space<vmem>>, vector<1x16xf32>,
      %get3A_680 = vector.shape_cast %get3A_679 : vector<1x16xf32> to vector<16xf32>
      %swap3A_681 = arith.index_cast %scan3A_291 : i32 to index
      %swap3A_682 = arith.constant 688 : index
      %swap3A_683 = tpu.vector_load %arg9[%swap3A_681, %swap3A_682] {strides = array<i32>} : memref<32x768xf32, #tpu.memory_space<vmem>>, vector<1x16xf32>,
      %swap3A_684 = vector.shape_cast %swap3A_683 : vector<1x16xf32> to vector<16xf32>
      %swap3A_685 = vector.shape_cast %get3A_680 : vector<16xf32> to vector<1x16xf32>
      tpu.vector_store %arg9[%swap3A_681, %swap3A_682], %swap3A_685 {add = true, strides = array<i32>} : memref<32x768xf32, #tpu.memory_space<vmem>>, vector<1x16xf32>,
      %get3A_686 = arith.index_cast %scan3A_291 : i32 to index
      %get3A_687 = arith.constant 704 : index
      %get3A_688 = tpu.vector_load %arg11[%get3A_686, %get3A_687] {strides = array<i32>} : memref<32x768xf32, #tpu.memory_space<vmem>>, vector<1x16xf32>,
      %get3A_689 = vector.shape_cast %get3A_688 : vector<1x16xf32> to vector<16xf32>
      %swap3A_690 = arith.index_cast %scan3A_291 : i32 to index
      %swap3A_691 = arith.constant 704 : index
      %swap3A_692 = tpu.vector_load %arg9[%swap3A_690, %swap3A_691] {strides = array<i32>} : memref<32x768xf32, #tpu.memory_space<vmem>>, vector<1x16xf32>,
      %swap3A_693 = vector.shape_cast %swap3A_692 : vector<1x16xf32> to vector<16xf32>
      %swap3A_694 = vector.shape_cast %get3A_689 : vector<16xf32> to vector<1x16xf32>
      tpu.vector_store %arg9[%swap3A_690, %swap3A_691], %swap3A_694 {add = true, strides = array<i32>} : memref<32x768xf32, #tpu.memory_space<vmem>>, vector<1x16xf32>,
      %get3A_695 = arith.index_cast %scan3A_291 : i32 to index
      %get3A_696 = arith.constant 720 : index
      %get3A_697 = tpu.vector_load %arg11[%get3A_695, %get3A_696] {strides = array<i32>} : memref<32x768xf32, #tpu.memory_space<vmem>>, vector<1x16xf32>,
      %get3A_698 = vector.shape_cast %get3A_697 : vector<1x16xf32> to vector<16xf32>
      %swap3A_699 = arith.index_cast %scan3A_291 : i32 to index
      %swap3A_700 = arith.constant 720 : index
      %swap3A_701 = tpu.vector_load %arg9[%swap3A_699, %swap3A_700] {strides = array<i32>} : memref<32x768xf32, #tpu.memory_space<vmem>>, vector<1x16xf32>,
      %swap3A_702 = vector.shape_cast %swap3A_701 : vector<1x16xf32> to vector<16xf32>
      %swap3A_703 = vector.shape_cast %get3A_698 : vector<16xf32> to vector<1x16xf32>
      tpu.vector_store %arg9[%swap3A_699, %swap3A_700], %swap3A_703 {add = true, strides = array<i32>} : memref<32x768xf32, #tpu.memory_space<vmem>>, vector<1x16xf32>,
      %get3A_704 = arith.index_cast %scan3A_291 : i32 to index
      %get3A_705 = arith.constant 736 : index
      %get3A_706 = tpu.vector_load %arg11[%get3A_704, %get3A_705] {strides = array<i32>} : memref<32x768xf32, #tpu.memory_space<vmem>>, vector<1x16xf32>,
      %get3A_707 = vector.shape_cast %get3A_706 : vector<1x16xf32> to vector<16xf32>
      %swap3A_708 = arith.index_cast %scan3A_291 : i32 to index
      %swap3A_709 = arith.constant 736 : index
      %swap3A_710 = tpu.vector_load %arg9[%swap3A_708, %swap3A_709] {strides = array<i32>} : memref<32x768xf32, #tpu.memory_space<vmem>>, vector<1x16xf32>,
      %swap3A_711 = vector.shape_cast %swap3A_710 : vector<1x16xf32> to vector<16xf32>
      %swap3A_712 = vector.shape_cast %get3A_707 : vector<16xf32> to vector<1x16xf32>
      tpu.vector_store %arg9[%swap3A_708, %swap3A_709], %swap3A_712 {add = true, strides = array<i32>} : memref<32x768xf32, #tpu.memory_space<vmem>>, vector<1x16xf32>,
      %get3A_713 = arith.index_cast %scan3A_291 : i32 to index
      %get3A_714 = arith.constant 752 : index
      %get3A_715 = tpu.vector_load %arg11[%get3A_713, %get3A_714] {strides = array<i32>} : memref<32x768xf32, #tpu.memory_space<vmem>>, vector<1x16xf32>,
      %get3A_716 = vector.shape_cast %get3A_715 : vector<1x16xf32> to vector<16xf32>
      %swap3A_717 = arith.index_cast %scan3A_291 : i32 to index
      %swap3A_718 = arith.constant 752 : index
      %swap3A_719 = tpu.vector_load %arg9[%swap3A_717, %swap3A_718] {strides = array<i32>} : memref<32x768xf32, #tpu.memory_space<vmem>>, vector<1x16xf32>,
      %swap3A_720 = vector.shape_cast %swap3A_719 : vector<1x16xf32> to vector<16xf32>
      %swap3A_721 = vector.shape_cast %get3A_716 : vector<16xf32> to vector<1x16xf32>
      tpu.vector_store %arg9[%swap3A_717, %swap3A_718], %swap3A_721 {add = true, strides = array<i32>} : memref<32x768xf32, #tpu.memory_space<vmem>>, vector<1x16xf32>,
    }
    %scan3A_196 = arith.constant 32 : i32
    %add3A_197 = arith.constant 0 : i32
    %add3A_198 = arith.addi %mul3A_2, %add3A_197 : i32
    %dma_start3A_199 = arith.constant 0 : i32
    %dma_start3A_200 = tpu.memref_slice %arg6[%add3A_198, %dma_start3A_199] : memref<315392x768xf32, #tpu.memory_space<hbm>> -> memref<32x768xf32, #tpu.memory_space<hbm>>
    %dma_start3A_201 = arith.constant 0 : i32
    %dma_start3A_202 = tpu.memref_slice %arg6[%add3A_198, %dma_start3A_201] : memref<315392x768xf32, #tpu.memory_space<hbm>> -> memref<32x768xf32, #tpu.memory_space<hbm>>
    tpu.enqueue_dma source(%arg9 : memref<32x768xf32, #tpu.memory_space<vmem>>) target(%dma_start3A_202 : memref<32x768xf32, #tpu.memory_space<hbm>>) target_semaphore(%arg17 : memref<!tpu.dma_semaphore, #tpu.memory_space<semaphore_mem>>)
    %scan3A_203 = arith.constant 0 : i32
    %scan3A_204 = arith.constant 153 : i32
    %scan3A_205 = arith.addi %scan3A_203, %scan3A_204 : i32
    %scan3A_206 = arith.constant 1 : i32
    scf.for %scan3A_291 = %scan3A_203 to %scan3A_205 step %scan3A_206  : i32 {
      %mul3A_292 = arith.constant 2 : i32
      %mul3A_293 = arith.muli %mul3A_292, %scan3A_291 : i32
      %add3A_294 = arith.constant 2 : i32
      %add3A_295 = arith.addi %mul3A_293, %add3A_294 : i32
      %sub3A = arith.constant 1 : i32
      %sub3A_296 = arith.subi %add3A_295, %sub3A : i32
      %dma_wait3A_297 = arith.constant 0 : i32
      %dma_wait3A_298 = tpu.memref_slice %arg6[%mul3A_2, %dma_wait3A_297] : memref<315392x768xf32, #tpu.memory_space<hbm>> -> memref<32x768xf32, #tpu.memory_space<hbm>>
      %dma_wait3A_299 = arith.constant 0 : i32
      %dma_wait3A_300 = tpu.memref_slice %arg6[%mul3A_2, %dma_wait3A_299] : memref<315392x768xf32, #tpu.memory_space<hbm>> -> memref<32x768xf32, #tpu.memory_space<hbm>>
      tpu.wait_dma2 semaphore(%arg17 : memref<!tpu.dma_semaphore, #tpu.memory_space<semaphore_mem>>) src(%arg9 : memref<32x768xf32, #tpu.memory_space<vmem>>) dst(%dma_wait3A_300 : memref<32x768xf32, #tpu.memory_space<hbm>>)
      %add3A_301 = arith.constant 1 : i32
      %add3A_302 = arith.addi %sub3A_296, %add3A_301 : i32
      %mul3A_303 = arith.constant 32 : i32
      %mul3A_304 = arith.muli %add3A_302, %mul3A_303 : i32
      %add3A_305 = arith.constant 0 : i32
      %add3A_306 = arith.addi %mul3A_304, %add3A_305 : i32
      %dma_start3A_307 = arith.constant 0 : i32
      %dma_start3A_308 = arith.constant 0 : i32
      %dma_start3A_309 = tpu.memref_slice %arg9[%dma_start3A_307, %dma_start3A_308] : memref<32x768xf32, #tpu.memory_space<vmem>> -> memref<8x768xf32, #tpu.memory_space<vmem>>
      %dma_start3A_310 = tpu.memref_slice %arg7[%add3A_306] : memref<9856xi32, #tpu.memory_space<vmem>> -> memref<8xi32, #tpu.memory_space<vmem>>
      %dma_start3A_311 = arith.constant 0 : i32
      %dma_start3A_312 = arith.constant 0 : i32
      %dma_start3A_313 = tpu.memref_slice %arg4[%dma_start3A_311, %dma_start3A_312] : memref<49408x768xf32, #tpu.memory_space<hbm>> -> memref<49408x768xf32, #tpu.memory_space<hbm>>
      tpu.enqueue_indirect_dma source(%dma_start3A_313 : memref<49408x768xf32, #tpu.memory_space<hbm>>) target(%dma_start3A_309 : memref<8x768xf32, #tpu.memory_space<vmem>>) offsets(%dma_start3A_310 : memref<8xi32, #tpu.memory_space<vmem>>) semaphore(%arg13 : memref<!tpu.dma_semaphore, #tpu.memory_space<semaphore_mem>>)
      %mul3A_314 = arith.constant 32 : i32
      %mul3A_315 = arith.muli %add3A_302, %mul3A_314 : i32
      %add3A_316 = arith.constant 0 : i32
      %add3A_317 = arith.addi %mul3A_315, %add3A_316 : i32
      %dma_start3A_318 = arith.constant 0 : i32
      %dma_start3A_319 = arith.constant 0 : i32
      %dma_start3A_320 = tpu.memref_slice %arg11[%dma_start3A_318, %dma_start3A_319] : memref<32x768xf32, #tpu.memory_space<vmem>> -> memref<8x768xf32, #tpu.memory_space<vmem>>
      %dma_start3A_321 = tpu.memref_slice %arg8[%add3A_317] : memref<9856xi32, #tpu.memory_space<vmem>> -> memref<8xi32, #tpu.memory_space<vmem>>
      %dma_start3A_322 = arith.constant 0 : i32
      %dma_start3A_323 = arith.constant 0 : i32
      %dma_start3A_324 = tpu.memref_slice %arg5[%dma_start3A_322, %dma_start3A_323] : memref<2464x768xf32, #tpu.memory_space<hbm>> -> memref<2464x768xf32, #tpu.memory_space<hbm>>
      tpu.enqueue_indirect_dma source(%dma_start3A_324 : memref<2464x768xf32, #tpu.memory_space<hbm>>) target(%dma_start3A_320 : memref<8x768xf32, #tpu.memory_space<vmem>>) offsets(%dma_start3A_321 : memref<8xi32, #tpu.memory_space<vmem>>) semaphore(%arg15 : memref<!tpu.dma_semaphore, #tpu.memory_space<semaphore_mem>>)
      %mul3A_325 = arith.constant 32 : i32
      %mul3A_326 = arith.muli %add3A_302, %mul3A_325 : i32
      %add3A_327 = arith.constant 8 : i32
      %add3A_328 = arith.addi %mul3A_326, %add3A_327 : i32
      %dma_start3A_329 = arith.constant 8 : i32
      %dma_start3A_330 = arith.constant 0 : i32
      %dma_start3A_331 = tpu.memref_slice %arg9[%dma_start3A_329, %dma_start3A_330] : memref<32x768xf32, #tpu.memory_space<vmem>> -> memref<8x768xf32, #tpu.memory_space<vmem>>
      %dma_start3A_332 = tpu.memref_slice %arg7[%add3A_328] : memref<9856xi32, #tpu.memory_space<vmem>> -> memref<8xi32, #tpu.memory_space<vmem>>
      %dma_start3A_333 = arith.constant 0 : i32
      %dma_start3A_334 = arith.constant 0 : i32
      %dma_start3A_335 = tpu.memref_slice %arg4[%dma_start3A_333, %dma_start3A_334] : memref<49408x768xf32, #tpu.memory_space<hbm>> -> memref<49408x768xf32, #tpu.memory_space<hbm>>
      tpu.enqueue_indirect_dma source(%dma_start3A_335 : memref<49408x768xf32, #tpu.memory_space<hbm>>) target(%dma_start3A_331 : memref<8x768xf32, #tpu.memory_space<vmem>>) offsets(%dma_start3A_332 : memref<8xi32, #tpu.memory_space<vmem>>) semaphore(%arg13 : memref<!tpu.dma_semaphore, #tpu.memory_space<semaphore_mem>>)
      %mul3A_336 = arith.constant 32 : i32
      %mul3A_337 = arith.muli %add3A_302, %mul3A_336 : i32
      %add3A_338 = arith.constant 8 : i32
      %add3A_339 = arith.addi %mul3A_337, %add3A_338 : i32
      %dma_start3A_340 = arith.constant 8 : i32
      %dma_start3A_341 = arith.constant 0 : i32
      %dma_start3A_342 = tpu.memref_slice %arg11[%dma_start3A_340, %dma_start3A_341] : memref<32x768xf32, #tpu.memory_space<vmem>> -> memref<8x768xf32, #tpu.memory_space<vmem>>
      %dma_start3A_343 = tpu.memref_slice %arg8[%add3A_339] : memref<9856xi32, #tpu.memory_space<vmem>> -> memref<8xi32, #tpu.memory_space<vmem>>
      %dma_start3A_344 = arith.constant 0 : i32
      %dma_start3A_345 = arith.constant 0 : i32
      %dma_start3A_346 = tpu.memref_slice %arg5[%dma_start3A_344, %dma_start3A_345] : memref<2464x768xf32, #tpu.memory_space<hbm>> -> memref<2464x768xf32, #tpu.memory_space<hbm>>
      tpu.enqueue_indirect_dma source(%dma_start3A_346 : memref<2464x768xf32, #tpu.memory_space<hbm>>) target(%dma_start3A_342 : memref<8x768xf32, #tpu.memory_space<vmem>>) offsets(%dma_start3A_343 : memref<8xi32, #tpu.memory_space<vmem>>) semaphore(%arg15 : memref<!tpu.dma_semaphore, #tpu.memory_space<semaphore_mem>>)
      %mul3A_347 = arith.constant 32 : i32
      %mul3A_348 = arith.muli %add3A_302, %mul3A_347 : i32
      %add3A_349 = arith.constant 16 : i32
      %add3A_350 = arith.addi %mul3A_348, %add3A_349 : i32
      %dma_start3A_351 = arith.constant 16 : i32
      %dma_start3A_352 = arith.constant 0 : i32
      %dma_start3A_353 = tpu.memref_slice %arg9[%dma_start3A_351, %dma_start3A_352] : memref<32x768xf32, #tpu.memory_space<vmem>> -> memref<8x768xf32, #tpu.memory_space<vmem>>
      %dma_start3A_354 = tpu.memref_slice %arg7[%add3A_350] : memref<9856xi32, #tpu.memory_space<vmem>> -> memref<8xi32, #tpu.memory_space<vmem>>
      %dma_start3A_355 = arith.constant 0 : i32
      %dma_start3A_356 = arith.constant 0 : i32
      %dma_start3A_357 = tpu.memref_slice %arg4[%dma_start3A_355, %dma_start3A_356] : memref<49408x768xf32, #tpu.memory_space<hbm>> -> memref<49408x768xf32, #tpu.memory_space<hbm>>
      tpu.enqueue_indirect_dma source(%dma_start3A_357 : memref<49408x768xf32, #tpu.memory_space<hbm>>) target(%dma_start3A_353 : memref<8x768xf32, #tpu.memory_space<vmem>>) offsets(%dma_start3A_354 : memref<8xi32, #tpu.memory_space<vmem>>) semaphore(%arg13 : memref<!tpu.dma_semaphore, #tpu.memory_space<semaphore_mem>>)
      %mul3A_358 = arith.constant 32 : i32
      %mul3A_359 = arith.muli %add3A_302, %mul3A_358 : i32
      %add3A_360 = arith.constant 16 : i32
      %add3A_361 = arith.addi %mul3A_359, %add3A_360 : i32
      %dma_start3A_362 = arith.constant 16 : i32
      %dma_start3A_363 = arith.constant 0 : i32
      %dma_start3A_364 = tpu.memref_slice %arg11[%dma_start3A_362, %dma_start3A_363] : memref<32x768xf32, #tpu.memory_space<vmem>> -> memref<8x768xf32, #tpu.memory_space<vmem>>
      %dma_start3A_365 = tpu.memref_slice %arg8[%add3A_361] : memref<9856xi32, #tpu.memory_space<vmem>> -> memref<8xi32, #tpu.memory_space<vmem>>
      %dma_start3A_366 = arith.constant 0 : i32
      %dma_start3A_367 = arith.constant 0 : i32
      %dma_start3A_368 = tpu.memref_slice %arg5[%dma_start3A_366, %dma_start3A_367] : memref<2464x768xf32, #tpu.memory_space<hbm>> -> memref<2464x768xf32, #tpu.memory_space<hbm>>
      tpu.enqueue_indirect_dma source(%dma_start3A_368 : memref<2464x768xf32, #tpu.memory_space<hbm>>) target(%dma_start3A_364 : memref<8x768xf32, #tpu.memory_space<vmem>>) offsets(%dma_start3A_365 : memref<8xi32, #tpu.memory_space<vmem>>) semaphore(%arg15 : memref<!tpu.dma_semaphore, #tpu.memory_space<semaphore_mem>>)
      %mul3A_369 = arith.constant 32 : i32
      %mul3A_370 = arith.muli %add3A_302, %mul3A_369 : i32
      %add3A_371 = arith.constant 24 : i32
      %add3A_372 = arith.addi %mul3A_370, %add3A_371 : i32
      %dma_start3A_373 = arith.constant 24 : i32
      %dma_start3A_374 = arith.constant 0 : i32
      %dma_start3A_375 = tpu.memref_slice %arg9[%dma_start3A_373, %dma_start3A_374] : memref<32x768xf32, #tpu.memory_space<vmem>> -> memref<8x768xf32, #tpu.memory_space<vmem>>
      %dma_start3A_376 = tpu.memref_slice %arg7[%add3A_372] : memref<9856xi32, #tpu.memory_space<vmem>> -> memref<8xi32, #tpu.memory_space<vmem>>
      %dma_start3A_377 = arith.constant 0 : i32
      %dma_start3A_378 = arith.constant 0 : i32
      %dma_start3A_379 = tpu.memref_slice %arg4[%dma_start3A_377, %dma_start3A_378] : memref<49408x768xf32, #tpu.memory_space<hbm>> -> memref<49408x768xf32, #tpu.memory_space<hbm>>
      tpu.enqueue_indirect_dma source(%dma_start3A_379 : memref<49408x768xf32, #tpu.memory_space<hbm>>) target(%dma_start3A_375 : memref<8x768xf32, #tpu.memory_space<vmem>>) offsets(%dma_start3A_376 : memref<8xi32, #tpu.memory_space<vmem>>) semaphore(%arg13 : memref<!tpu.dma_semaphore, #tpu.memory_space<semaphore_mem>>)
      %mul3A_380 = arith.constant 32 : i32
      %mul3A_381 = arith.muli %add3A_302, %mul3A_380 : i32
      %add3A_382 = arith.constant 24 : i32
      %add3A_383 = arith.addi %mul3A_381, %add3A_382 : i32
      %dma_start3A_384 = arith.constant 24 : i32
      %dma_start3A_385 = arith.constant 0 : i32
      %dma_start3A_386 = tpu.memref_slice %arg11[%dma_start3A_384, %dma_start3A_385] : memref<32x768xf32, #tpu.memory_space<vmem>> -> memref<8x768xf32, #tpu.memory_space<vmem>>
      %dma_start3A_387 = tpu.memref_slice %arg8[%add3A_383] : memref<9856xi32, #tpu.memory_space<vmem>> -> memref<8xi32, #tpu.memory_space<vmem>>
      %dma_start3A_388 = arith.constant 0 : i32
      %dma_start3A_389 = arith.constant 0 : i32
      %dma_start3A_390 = tpu.memref_slice %arg5[%dma_start3A_388, %dma_start3A_389] : memref<2464x768xf32, #tpu.memory_space<hbm>> -> memref<2464x768xf32, #tpu.memory_space<hbm>>
      tpu.enqueue_indirect_dma source(%dma_start3A_390 : memref<2464x768xf32, #tpu.memory_space<hbm>>) target(%dma_start3A_386 : memref<8x768xf32, #tpu.memory_space<vmem>>) offsets(%dma_start3A_387 : memref<8xi32, #tpu.memory_space<vmem>>) semaphore(%arg15 : memref<!tpu.dma_semaphore, #tpu.memory_space<semaphore_mem>>)
      %dma_wait3A_391 = arith.constant 0 : i32
      %dma_wait3A_392 = arith.constant 0 : i32
      %dma_wait3A_393 = tpu.memref_slice %arg10[%dma_wait3A_391, %dma_wait3A_392] : memref<32x768xf32, #tpu.memory_space<vmem>> -> memref<8x768xf32, #tpu.memory_space<vmem>>
      %dma_wait3A_394 = arith.constant 0 : i32
      %dma_wait3A_395 = tpu.memref_slice %arg7[%dma_wait3A_394] : memref<9856xi32, #tpu.memory_space<vmem>> -> memref<8xi32, #tpu.memory_space<vmem>>
      %dma_wait3A_396 = arith.constant 0 : i32
      %dma_wait3A_397 = arith.constant 0 : i32
      %dma_wait3A_398 = tpu.memref_slice %arg4[%dma_wait3A_396, %dma_wait3A_397] : memref<49408x768xf32, #tpu.memory_space<hbm>> -> memref<49408x768xf32, #tpu.memory_space<hbm>>
      tpu.wait_indirect_dma semaphore(%arg14 : memref<!tpu.dma_semaphore, #tpu.memory_space<semaphore_mem>>) src(%dma_wait3A_398 : memref<49408x768xf32, #tpu.memory_space<hbm>>) dst(%dma_wait3A_393 : memref<8x768xf32, #tpu.memory_space<vmem>>)
      %dma_wait3A_399 = arith.constant 0 : i32
      %dma_wait3A_400 = arith.constant 0 : i32
      %dma_wait3A_401 = tpu.memref_slice %arg12[%dma_wait3A_399, %dma_wait3A_400] : memref<32x768xf32, #tpu.memory_space<vmem>> -> memref<8x768xf32, #tpu.memory_space<vmem>>
      %dma_wait3A_402 = arith.constant 0 : i32
      %dma_wait3A_403 = tpu.memref_slice %arg8[%dma_wait3A_402] : memref<9856xi32, #tpu.memory_space<vmem>> -> memref<8xi32, #tpu.memory_space<vmem>>
      %dma_wait3A_404 = arith.constant 0 : i32
      %dma_wait3A_405 = arith.constant 0 : i32
      %dma_wait3A_406 = tpu.memref_slice %arg5[%dma_wait3A_404, %dma_wait3A_405] : memref<2464x768xf32, #tpu.memory_space<hbm>> -> memref<2464x768xf32, #tpu.memory_space<hbm>>
      tpu.wait_indirect_dma semaphore(%arg16 : memref<!tpu.dma_semaphore, #tpu.memory_space<semaphore_mem>>) src(%dma_wait3A_406 : memref<2464x768xf32, #tpu.memory_space<hbm>>) dst(%dma_wait3A_401 : memref<8x768xf32, #tpu.memory_space<vmem>>)
      %dma_wait3A_407 = arith.constant 8 : i32
      %dma_wait3A_408 = arith.constant 0 : i32
      %dma_wait3A_409 = tpu.memref_slice %arg10[%dma_wait3A_407, %dma_wait3A_408] : memref<32x768xf32, #tpu.memory_space<vmem>> -> memref<8x768xf32, #tpu.memory_space<vmem>>
      %dma_wait3A_410 = arith.constant 0 : i32
      %dma_wait3A_411 = tpu.memref_slice %arg7[%dma_wait3A_410] : memref<9856xi32, #tpu.memory_space<vmem>> -> memref<8xi32, #tpu.memory_space<vmem>>
      %dma_wait3A_412 = arith.constant 0 : i32
      %dma_wait3A_413 = arith.constant 0 : i32
      %dma_wait3A_414 = tpu.memref_slice %arg4[%dma_wait3A_412, %dma_wait3A_413] : memref<49408x768xf32, #tpu.memory_space<hbm>> -> memref<49408x768xf32, #tpu.memory_space<hbm>>
      tpu.wait_indirect_dma semaphore(%arg14 : memref<!tpu.dma_semaphore, #tpu.memory_space<semaphore_mem>>) src(%dma_wait3A_414 : memref<49408x768xf32, #tpu.memory_space<hbm>>) dst(%dma_wait3A_409 : memref<8x768xf32, #tpu.memory_space<vmem>>)
      %dma_wait3A_415 = arith.constant 8 : i32
      %dma_wait3A_416 = arith.constant 0 : i32
      %dma_wait3A_417 = tpu.memref_slice %arg12[%dma_wait3A_415, %dma_wait3A_416] : memref<32x768xf32, #tpu.memory_space<vmem>> -> memref<8x768xf32, #tpu.memory_space<vmem>>
      %dma_wait3A_418 = arith.constant 0 : i32
      %dma_wait3A_419 = tpu.memref_slice %arg8[%dma_wait3A_418] : memref<9856xi32, #tpu.memory_space<vmem>> -> memref<8xi32, #tpu.memory_space<vmem>>
      %dma_wait3A_420 = arith.constant 0 : i32
      %dma_wait3A_421 = arith.constant 0 : i32
      %dma_wait3A_422 = tpu.memref_slice %arg5[%dma_wait3A_420, %dma_wait3A_421] : memref<2464x768xf32, #tpu.memory_space<hbm>> -> memref<2464x768xf32, #tpu.memory_space<hbm>>
      tpu.wait_indirect_dma semaphore(%arg16 : memref<!tpu.dma_semaphore, #tpu.memory_space<semaphore_mem>>) src(%dma_wait3A_422 : memref<2464x768xf32, #tpu.memory_space<hbm>>) dst(%dma_wait3A_417 : memref<8x768xf32, #tpu.memory_space<vmem>>)
      %dma_wait3A_423 = arith.constant 16 : i32
      %dma_wait3A_424 = arith.constant 0 : i32
      %dma_wait3A_425 = tpu.memref_slice %arg10[%dma_wait3A_423, %dma_wait3A_424] : memref<32x768xf32, #tpu.memory_space<vmem>> -> memref<8x768xf32, #tpu.memory_space<vmem>>
      %dma_wait3A_426 = arith.constant 0 : i32
      %dma_wait3A_427 = tpu.memref_slice %arg7[%dma_wait3A_426] : memref<9856xi32, #tpu.memory_space<vmem>> -> memref<8xi32, #tpu.memory_space<vmem>>
      %dma_wait3A_428 = arith.constant 0 : i32
      %dma_wait3A_429 = arith.constant 0 : i32
      %dma_wait3A_430 = tpu.memref_slice %arg4[%dma_wait3A_428, %dma_wait3A_429] : memref<49408x768xf32, #tpu.memory_space<hbm>> -> memref<49408x768xf32, #tpu.memory_space<hbm>>
      tpu.wait_indirect_dma semaphore(%arg14 : memref<!tpu.dma_semaphore, #tpu.memory_space<semaphore_mem>>) src(%dma_wait3A_430 : memref<49408x768xf32, #tpu.memory_space<hbm>>) dst(%dma_wait3A_425 : memref<8x768xf32, #tpu.memory_space<vmem>>)
      %dma_wait3A_431 = arith.constant 16 : i32
      %dma_wait3A_432 = arith.constant 0 : i32
      %dma_wait3A_433 = tpu.memref_slice %arg12[%dma_wait3A_431, %dma_wait3A_432] : memref<32x768xf32, #tpu.memory_space<vmem>> -> memref<8x768xf32, #tpu.memory_space<vmem>>
      %dma_wait3A_434 = arith.constant 0 : i32
      %dma_wait3A_435 = tpu.memref_slice %arg8[%dma_wait3A_434] : memref<9856xi32, #tpu.memory_space<vmem>> -> memref<8xi32, #tpu.memory_space<vmem>>
      %dma_wait3A_436 = arith.constant 0 : i32
      %dma_wait3A_437 = arith.constant 0 : i32
      %dma_wait3A_438 = tpu.memref_slice %arg5[%dma_wait3A_436, %dma_wait3A_437] : memref<2464x768xf32, #tpu.memory_space<hbm>> -> memref<2464x768xf32, #tpu.memory_space<hbm>>
      tpu.wait_indirect_dma semaphore(%arg16 : memref<!tpu.dma_semaphore, #tpu.memory_space<semaphore_mem>>) src(%dma_wait3A_438 : memref<2464x768xf32, #tpu.memory_space<hbm>>) dst(%dma_wait3A_433 : memref<8x768xf32, #tpu.memory_space<vmem>>)
      %dma_wait3A_439 = arith.constant 24 : i32
      %dma_wait3A_440 = arith.constant 0 : i32
      %dma_wait3A_441 = tpu.memref_slice %arg10[%dma_wait3A_439, %dma_wait3A_440] : memref<32x768xf32, #tpu.memory_space<vmem>> -> memref<8x768xf32, #tpu.memory_space<vmem>>
      %dma_wait3A_442 = arith.constant 0 : i32
      %dma_wait3A_443 = tpu.memref_slice %arg7[%dma_wait3A_442] : memref<9856xi32, #tpu.memory_space<vmem>> -> memref<8xi32, #tpu.memory_space<vmem>>
      %dma_wait3A_444 = arith.constant 0 : i32
      %dma_wait3A_445 = arith.constant 0 : i32
      %dma_wait3A_446 = tpu.memref_slice %arg4[%dma_wait3A_444, %dma_wait3A_445] : memref<49408x768xf32, #tpu.memory_space<hbm>> -> memref<49408x768xf32, #tpu.memory_space<hbm>>
      tpu.wait_indirect_dma semaphore(%arg14 : memref<!tpu.dma_semaphore, #tpu.memory_space<semaphore_mem>>) src(%dma_wait3A_446 : memref<49408x768xf32, #tpu.memory_space<hbm>>) dst(%dma_wait3A_441 : memref<8x768xf32, #tpu.memory_space<vmem>>)
      %dma_wait3A_447 = arith.constant 24 : i32
      %dma_wait3A_448 = arith.constant 0 : i32
      %dma_wait3A_449 = tpu.memref_slice %arg12[%dma_wait3A_447, %dma_wait3A_448] : memref<32x768xf32, #tpu.memory_space<vmem>> -> memref<8x768xf32, #tpu.memory_space<vmem>>
      %dma_wait3A_450 = arith.constant 0 : i32
      %dma_wait3A_451 = tpu.memref_slice %arg8[%dma_wait3A_450] : memref<9856xi32, #tpu.memory_space<vmem>> -> memref<8xi32, #tpu.memory_space<vmem>>
      %dma_wait3A_452 = arith.constant 0 : i32
      %dma_wait3A_453 = arith.constant 0 : i32
      %dma_wait3A_454 = tpu.memref_slice %arg5[%dma_wait3A_452, %dma_wait3A_453] : memref<2464x768xf32, #tpu.memory_space<hbm>> -> memref<2464x768xf32, #tpu.memory_space<hbm>>
      tpu.wait_indirect_dma semaphore(%arg16 : memref<!tpu.dma_semaphore, #tpu.memory_space<semaphore_mem>>) src(%dma_wait3A_454 : memref<2464x768xf32, #tpu.memory_space<hbm>>) dst(%dma_wait3A_449 : memref<8x768xf32, #tpu.memory_space<vmem>>)
      %scan3A_455 = arith.constant 0 : i32
      %scan3A_456 = arith.constant 32 : i32
      %scan3A_457 = arith.addi %scan3A_455, %scan3A_456 : i32
      %scan3A_458 = arith.constant 1 : i32
      scf.for %scan3A_643 = %scan3A_455 to %scan3A_457 step %scan3A_458  : i32 {
        %get3A = arith.index_cast %scan3A_643 : i32 to index
        %get3A_644 = arith.constant 0 : index
        %get3A_645 = tpu.vector_load %arg12[%get3A, %get3A_644] {strides = array<i32>} : memref<32x768xf32, #tpu.memory_space<vmem>>, vector<1x16xf32>,
        %get3A_646 = vector.shape_cast %get3A_645 : vector<1x16xf32> to vector<16xf32>
        %swap3A = arith.index_cast %scan3A_643 : i32 to index
        %swap3A_647 = arith.constant 0 : index
        %swap3A_648 = tpu.vector_load %arg10[%swap3A, %swap3A_647] {strides = array<i32>} : memref<32x768xf32, #tpu.memory_space<vmem>>, vector<1x16xf32>,
        %swap3A_649 = vector.shape_cast %swap3A_648 : vector<1x16xf32> to vector<16xf32>
        %swap3A_650 = vector.shape_cast %get3A_646 : vector<16xf32> to vector<1x16xf32>
        tpu.vector_store %arg10[%swap3A, %swap3A_647], %swap3A_650 {add = true, strides = array<i32>} : memref<32x768xf32, #tpu.memory_space<vmem>>, vector<1x16xf32>,
        %get3A_651 = arith.index_cast %scan3A_643 : i32 to index
        %get3A_652 = arith.constant 16 : index
        %get3A_653 = tpu.vector_load %arg12[%get3A_651, %get3A_652] {strides = array<i32>} : memref<32x768xf32, #tpu.memory_space<vmem>>, vector<1x16xf32>,
        %get3A_654 = vector.shape_cast %get3A_653 : vector<1x16xf32> to vector<16xf32>
        %swap3A_655 = arith.index_cast %scan3A_643 : i32 to index
        %swap3A_656 = arith.constant 16 : index
        %swap3A_657 = tpu.vector_load %arg10[%swap3A_655, %swap3A_656] {strides = array<i32>} : memref<32x768xf32, #tpu.memory_space<vmem>>, vector<1x16xf32>,
        %swap3A_658 = vector.shape_cast %swap3A_657 : vector<1x16xf32> to vector<16xf32>
        %swap3A_659 = vector.shape_cast %get3A_654 : vector<16xf32> to vector<1x16xf32>
        tpu.vector_store %arg10[%swap3A_655, %swap3A_656], %swap3A_659 {add = true, strides = array<i32>} : memref<32x768xf32, #tpu.memory_space<vmem>>, vector<1x16xf32>,
        %get3A_660 = arith.index_cast %scan3A_643 : i32 to index
        %get3A_661 = arith.constant 32 : index
        %get3A_662 = tpu.vector_load %arg12[%get3A_660, %get3A_661] {strides = array<i32>} : memref<32x768xf32, #tpu.memory_space<vmem>>, vector<1x16xf32>,
        %get3A_663 = vector.shape_cast %get3A_662 : vector<1x16xf32> to vector<16xf32>
        %swap3A_664 = arith.index_cast %scan3A_643 : i32 to index
        %swap3A_665 = arith.constant 32 : index
        %swap3A_666 = tpu.vector_load %arg10[%swap3A_664, %swap3A_665] {strides = array<i32>} : memref<32x768xf32, #tpu.memory_space<vmem>>, vector<1x16xf32>,
        %swap3A_667 = vector.shape_cast %swap3A_666 : vector<1x16xf32> to vector<16xf32>
        %swap3A_668 = vector.shape_cast %get3A_663 : vector<16xf32> to vector<1x16xf32>
        tpu.vector_store %arg10[%swap3A_664, %swap3A_665], %swap3A_668 {add = true, strides = array<i32>} : memref<32x768xf32, #tpu.memory_space<vmem>>, vector<1x16xf32>,
        %get3A_669 = arith.index_cast %scan3A_643 : i32 to index
        %get3A_670 = arith.constant 48 : index
        %get3A_671 = tpu.vector_load %arg12[%get3A_669, %get3A_670] {strides = array<i32>} : memref<32x768xf32, #tpu.memory_space<vmem>>, vector<1x16xf32>,
        %get3A_672 = vector.shape_cast %get3A_671 : vector<1x16xf32> to vector<16xf32>
        %swap3A_673 = arith.index_cast %scan3A_643 : i32 to index
        %swap3A_674 = arith.constant 48 : index
        %swap3A_675 = tpu.vector_load %arg10[%swap3A_673, %swap3A_674] {strides = array<i32>} : memref<32x768xf32, #tpu.memory_space<vmem>>, vector<1x16xf32>,
        %swap3A_676 = vector.shape_cast %swap3A_675 : vector<1x16xf32> to vector<16xf32>
        %swap3A_677 = vector.shape_cast %get3A_672 : vector<16xf32> to vector<1x16xf32>
        tpu.vector_store %arg10[%swap3A_673, %swap3A_674], %swap3A_677 {add = true, strides = array<i32>} : memref<32x768xf32, #tpu.memory_space<vmem>>, vector<1x16xf32>,
        %get3A_678 = arith.index_cast %scan3A_643 : i32 to index
        %get3A_679 = arith.constant 64 : index
        %get3A_680 = tpu.vector_load %arg12[%get3A_678, %get3A_679] {strides = array<i32>} : memref<32x768xf32, #tpu.memory_space<vmem>>, vector<1x16xf32>,
        %get3A_681 = vector.shape_cast %get3A_680 : vector<1x16xf32> to vector<16xf32>
        %swap3A_682 = arith.index_cast %scan3A_643 : i32 to index
        %swap3A_683 = arith.constant 64 : index
        %swap3A_684 = tpu.vector_load %arg10[%swap3A_682, %swap3A_683] {strides = array<i32>} : memref<32x768xf32, #tpu.memory_space<vmem>>, vector<1x16xf32>,
        %swap3A_685 = vector.shape_cast %swap3A_684 : vector<1x16xf32> to vector<16xf32>
        %swap3A_686 = vector.shape_cast %get3A_681 : vector<16xf32> to vector<1x16xf32>
        tpu.vector_store %arg10[%swap3A_682, %swap3A_683], %swap3A_686 {add = true, strides = array<i32>} : memref<32x768xf32, #tpu.memory_space<vmem>>, vector<1x16xf32>,
        %get3A_687 = arith.index_cast %scan3A_643 : i32 to index
        %get3A_688 = arith.constant 80 : index
        %get3A_689 = tpu.vector_load %arg12[%get3A_687, %get3A_688] {strides = array<i32>} : memref<32x768xf32, #tpu.memory_space<vmem>>, vector<1x16xf32>,
        %get3A_690 = vector.shape_cast %get3A_689 : vector<1x16xf32> to vector<16xf32>
        %swap3A_691 = arith.index_cast %scan3A_643 : i32 to index
        %swap3A_692 = arith.constant 80 : index
        %swap3A_693 = tpu.vector_load %arg10[%swap3A_691, %swap3A_692] {strides = array<i32>} : memref<32x768xf32, #tpu.memory_space<vmem>>, vector<1x16xf32>,
        %swap3A_694 = vector.shape_cast %swap3A_693 : vector<1x16xf32> to vector<16xf32>
        %swap3A_695 = vector.shape_cast %get3A_690 : vector<16xf32> to vector<1x16xf32>
        tpu.vector_store %arg10[%swap3A_691, %swap3A_692], %swap3A_695 {add = true, strides = array<i32>} : memref<32x768xf32, #tpu.memory_space<vmem>>, vector<1x16xf32>,
        %get3A_696 = arith.index_cast %scan3A_643 : i32 to index
        %get3A_697 = arith.constant 96 : index
        %get3A_698 = tpu.vector_load %arg12[%get3A_696, %get3A_697] {strides = array<i32>} : memref<32x768xf32, #tpu.memory_space<vmem>>, vector<1x16xf32>,
        %get3A_699 = vector.shape_cast %get3A_698 : vector<1x16xf32> to vector<16xf32>
        %swap3A_700 = arith.index_cast %scan3A_643 : i32 to index
        %swap3A_701 = arith.constant 96 : index
        %swap3A_702 = tpu.vector_load %arg10[%swap3A_700, %swap3A_701] {strides = array<i32>} : memref<32x768xf32, #tpu.memory_space<vmem>>, vector<1x16xf32>,
        %swap3A_703 = vector.shape_cast %swap3A_702 : vector<1x16xf32> to vector<16xf32>
        %swap3A_704 = vector.shape_cast %get3A_699 : vector<16xf32> to vector<1x16xf32>
        tpu.vector_store %arg10[%swap3A_700, %swap3A_701], %swap3A_704 {add = true, strides = array<i32>} : memref<32x768xf32, #tpu.memory_space<vmem>>, vector<1x16xf32>,
        %get3A_705 = arith.index_cast %scan3A_643 : i32 to index
        %get3A_706 = arith.constant 112 : index
        %get3A_707 = tpu.vector_load %arg12[%get3A_705, %get3A_706] {strides = array<i32>} : memref<32x768xf32, #tpu.memory_space<vmem>>, vector<1x16xf32>,
        %get3A_708 = vector.shape_cast %get3A_707 : vector<1x16xf32> to vector<16xf32>
        %swap3A_709 = arith.index_cast %scan3A_643 : i32 to index
        %swap3A_710 = arith.constant 112 : index
        %swap3A_711 = tpu.vector_load %arg10[%swap3A_709, %swap3A_710] {strides = array<i32>} : memref<32x768xf32, #tpu.memory_space<vmem>>, vector<1x16xf32>,
        %swap3A_712 = vector.shape_cast %swap3A_711 : vector<1x16xf32> to vector<16xf32>
        %swap3A_713 = vector.shape_cast %get3A_708 : vector<16xf32> to vector<1x16xf32>
        tpu.vector_store %arg10[%swap3A_709, %swap3A_710], %swap3A_713 {add = true, strides = array<i32>} : memref<32x768xf32, #tpu.memory_space<vmem>>, vector<1x16xf32>,
        %get3A_714 = arith.index_cast %scan3A_643 : i32 to index
        %get3A_715 = arith.constant 128 : index
        %get3A_716 = tpu.vector_load %arg12[%get3A_714, %get3A_715] {strides = array<i32>} : memref<32x768xf32, #tpu.memory_space<vmem>>, vector<1x16xf32>,
        %get3A_717 = vector.shape_cast %get3A_716 : vector<1x16xf32> to vector<16xf32>
        %swap3A_718 = arith.index_cast %scan3A_643 : i32 to index
        %swap3A_719 = arith.constant 128 : index
        %swap3A_720 = tpu.vector_load %arg10[%swap3A_718, %swap3A_719] {strides = array<i32>} : memref<32x768xf32, #tpu.memory_space<vmem>>, vector<1x16xf32>,
        %swap3A_721 = vector.shape_cast %swap3A_720 : vector<1x16xf32> to vector<16xf32>
        %swap3A_722 = vector.shape_cast %get3A_717 : vector<16xf32> to vector<1x16xf32>
        tpu.vector_store %arg10[%swap3A_718, %swap3A_719], %swap3A_722 {add = true, strides = array<i32>} : memref<32x768xf32, #tpu.memory_space<vmem>>, vector<1x16xf32>,
        %get3A_723 = arith.index_cast %scan3A_643 : i32 to index
        %get3A_724 = arith.constant 144 : index
        %get3A_725 = tpu.vector_load %arg12[%get3A_723, %get3A_724] {strides = array<i32>} : memref<32x768xf32, #tpu.memory_space<vmem>>, vector<1x16xf32>,
        %get3A_726 = vector.shape_cast %get3A_725 : vector<1x16xf32> to vector<16xf32>
        %swap3A_727 = arith.index_cast %scan3A_643 : i32 to index
        %swap3A_728 = arith.constant 144 : index
        %swap3A_729 = tpu.vector_load %arg10[%swap3A_727, %swap3A_728] {strides = array<i32>} : memref<32x768xf32, #tpu.memory_space<vmem>>, vector<1x16xf32>,
        %swap3A_730 = vector.shape_cast %swap3A_729 : vector<1x16xf32> to vector<16xf32>
        %swap3A_731 = vector.shape_cast %get3A_726 : vector<16xf32> to vector<1x16xf32>
        tpu.vector_store %arg10[%swap3A_727, %swap3A_728], %swap3A_731 {add = true, strides = array<i32>} : memref<32x768xf32, #tpu.memory_space<vmem>>, vector<1x16xf32>,
        %get3A_732 = arith.index_cast %scan3A_643 : i32 to index
        %get3A_733 = arith.constant 160 : index
        %get3A_734 = tpu.vector_load %arg12[%get3A_732, %get3A_733] {strides = array<i32>} : memref<32x768xf32, #tpu.memory_space<vmem>>, vector<1x16xf32>,
        %get3A_735 = vector.shape_cast %get3A_734 : vector<1x16xf32> to vector<16xf32>
        %swap3A_736 = arith.index_cast %scan3A_643 : i32 to index
        %swap3A_737 = arith.constant 160 : index
        %swap3A_738 = tpu.vector_load %arg10[%swap3A_736, %swap3A_737] {strides = array<i32>} : memref<32x768xf32, #tpu.memory_space<vmem>>, vector<1x16xf32>,
        %swap3A_739 = vector.shape_cast %swap3A_738 : vector<1x16xf32> to vector<16xf32>
        %swap3A_740 = vector.shape_cast %get3A_735 : vector<16xf32> to vector<1x16xf32>
        tpu.vector_store %arg10[%swap3A_736, %swap3A_737], %swap3A_740 {add = true, strides = array<i32>} : memref<32x768xf32, #tpu.memory_space<vmem>>, vector<1x16xf32>,
        %get3A_741 = arith.index_cast %scan3A_643 : i32 to index
        %get3A_742 = arith.constant 176 : index
        %get3A_743 = tpu.vector_load %arg12[%get3A_741, %get3A_742] {strides = array<i32>} : memref<32x768xf32, #tpu.memory_space<vmem>>, vector<1x16xf32>,
        %get3A_744 = vector.shape_cast %get3A_743 : vector<1x16xf32> to vector<16xf32>
        %swap3A_745 = arith.index_cast %scan3A_643 : i32 to index
        %swap3A_746 = arith.constant 176 : index
        %swap3A_747 = tpu.vector_load %arg10[%swap3A_745, %swap3A_746] {strides = array<i32>} : memref<32x768xf32, #tpu.memory_space<vmem>>, vector<1x16xf32>,
        %swap3A_748 = vector.shape_cast %swap3A_747 : vector<1x16xf32> to vector<16xf32>
        %swap3A_749 = vector.shape_cast %get3A_744 : vector<16xf32> to vector<1x16xf32>
        tpu.vector_store %arg10[%swap3A_745, %swap3A_746], %swap3A_749 {add = true, strides = array<i32>} : memref<32x768xf32, #tpu.memory_space<vmem>>, vector<1x16xf32>,
        %get3A_750 = arith.index_cast %scan3A_643 : i32 to index
        %get3A_751 = arith.constant 192 : index
        %get3A_752 = tpu.vector_load %arg12[%get3A_750, %get3A_751] {strides = array<i32>} : memref<32x768xf32, #tpu.memory_space<vmem>>, vector<1x16xf32>,
        %get3A_753 = vector.shape_cast %get3A_752 : vector<1x16xf32> to vector<16xf32>
        %swap3A_754 = arith.index_cast %scan3A_643 : i32 to index
        %swap3A_755 = arith.constant 192 : index
        %swap3A_756 = tpu.vector_load %arg10[%swap3A_754, %swap3A_755] {strides = array<i32>} : memref<32x768xf32, #tpu.memory_space<vmem>>, vector<1x16xf32>,
        %swap3A_757 = vector.shape_cast %swap3A_756 : vector<1x16xf32> to vector<16xf32>
        %swap3A_758 = vector.shape_cast %get3A_753 : vector<16xf32> to vector<1x16xf32>
        tpu.vector_store %arg10[%swap3A_754, %swap3A_755], %swap3A_758 {add = true, strides = array<i32>} : memref<32x768xf32, #tpu.memory_space<vmem>>, vector<1x16xf32>,
        %get3A_759 = arith.index_cast %scan3A_643 : i32 to index
        %get3A_760 = arith.constant 208 : index
        %get3A_761 = tpu.vector_load %arg12[%get3A_759, %get3A_760] {strides = array<i32>} : memref<32x768xf32, #tpu.memory_space<vmem>>, vector<1x16xf32>,
        %get3A_762 = vector.shape_cast %get3A_761 : vector<1x16xf32> to vector<16xf32>
        %swap3A_763 = arith.index_cast %scan3A_643 : i32 to index
        %swap3A_764 = arith.constant 208 : index
        %swap3A_765 = tpu.vector_load %arg10[%swap3A_763, %swap3A_764] {strides = array<i32>} : memref<32x768xf32, #tpu.memory_space<vmem>>, vector<1x16xf32>,
        %swap3A_766 = vector.shape_cast %swap3A_765 : vector<1x16xf32> to vector<16xf32>
        %swap3A_767 = vector.shape_cast %get3A_762 : vector<16xf32> to vector<1x16xf32>
        tpu.vector_store %arg10[%swap3A_763, %swap3A_764], %swap3A_767 {add = true, strides = array<i32>} : memref<32x768xf32, #tpu.memory_space<vmem>>, vector<1x16xf32>,
        %get3A_768 = arith.index_cast %scan3A_643 : i32 to index
        %get3A_769 = arith.constant 224 : index
        %get3A_770 = tpu.vector_load %arg12[%get3A_768, %get3A_769] {strides = array<i32>} : memref<32x768xf32, #tpu.memory_space<vmem>>, vector<1x16xf32>,
        %get3A_771 = vector.shape_cast %get3A_770 : vector<1x16xf32> to vector<16xf32>
        %swap3A_772 = arith.index_cast %scan3A_643 : i32 to index
        %swap3A_773 = arith.constant 224 : index
        %swap3A_774 = tpu.vector_load %arg10[%swap3A_772, %swap3A_773] {strides = array<i32>} : memref<32x768xf32, #tpu.memory_space<vmem>>, vector<1x16xf32>,
        %swap3A_775 = vector.shape_cast %swap3A_774 : vector<1x16xf32> to vector<16xf32>
        %swap3A_776 = vector.shape_cast %get3A_771 : vector<16xf32> to vector<1x16xf32>
        tpu.vector_store %arg10[%swap3A_772, %swap3A_773], %swap3A_776 {add = true, strides = array<i32>} : memref<32x768xf32, #tpu.memory_space<vmem>>, vector<1x16xf32>,
        %get3A_777 = arith.index_cast %scan3A_643 : i32 to index
        %get3A_778 = arith.constant 240 : index
        %get3A_779 = tpu.vector_load %arg12[%get3A_777, %get3A_778] {strides = array<i32>} : memref<32x768xf32, #tpu.memory_space<vmem>>, vector<1x16xf32>,
        %get3A_780 = vector.shape_cast %get3A_779 : vector<1x16xf32> to vector<16xf32>
        %swap3A_781 = arith.index_cast %scan3A_643 : i32 to index
        %swap3A_782 = arith.constant 240 : index
        %swap3A_783 = tpu.vector_load %arg10[%swap3A_781, %swap3A_782] {strides = array<i32>} : memref<32x768xf32, #tpu.memory_space<vmem>>, vector<1x16xf32>,
        %swap3A_784 = vector.shape_cast %swap3A_783 : vector<1x16xf32> to vector<16xf32>
        %swap3A_785 = vector.shape_cast %get3A_780 : vector<16xf32> to vector<1x16xf32>
        tpu.vector_store %arg10[%swap3A_781, %swap3A_782], %swap3A_785 {add = true, strides = array<i32>} : memref<32x768xf32, #tpu.memory_space<vmem>>, vector<1x16xf32>,
        %get3A_786 = arith.index_cast %scan3A_643 : i32 to index
        %get3A_787 = arith.constant 256 : index
        %get3A_788 = tpu.vector_load %arg12[%get3A_786, %get3A_787] {strides = array<i32>} : memref<32x768xf32, #tpu.memory_space<vmem>>, vector<1x16xf32>,
        %get3A_789 = vector.shape_cast %get3A_788 : vector<1x16xf32> to vector<16xf32>
        %swap3A_790 = arith.index_cast %scan3A_643 : i32 to index
        %swap3A_791 = arith.constant 256 : index
        %swap3A_792 = tpu.vector_load %arg10[%swap3A_790, %swap3A_791] {strides = array<i32>} : memref<32x768xf32, #tpu.memory_space<vmem>>, vector<1x16xf32>,
        %swap3A_793 = vector.shape_cast %swap3A_792 : vector<1x16xf32> to vector<16xf32>
        %swap3A_794 = vector.shape_cast %get3A_789 : vector<16xf32> to vector<1x16xf32>
        tpu.vector_store %arg10[%swap3A_790, %swap3A_791], %swap3A_794 {add = true, strides = array<i32>} : memref<32x768xf32, #tpu.memory_space<vmem>>, vector<1x16xf32>,
        %get3A_795 = arith.index_cast %scan3A_643 : i32 to index
        %get3A_796 = arith.constant 272 : index
        %get3A_797 = tpu.vector_load %arg12[%get3A_795, %get3A_796] {strides = array<i32>} : memref<32x768xf32, #tpu.memory_space<vmem>>, vector<1x16xf32>,
        %get3A_798 = vector.shape_cast %get3A_797 : vector<1x16xf32> to vector<16xf32>
        %swap3A_799 = arith.index_cast %scan3A_643 : i32 to index
        %swap3A_800 = arith.constant 272 : index
        %swap3A_801 = tpu.vector_load %arg10[%swap3A_799, %swap3A_800] {strides = array<i32>} : memref<32x768xf32, #tpu.memory_space<vmem>>, vector<1x16xf32>,
        %swap3A_802 = vector.shape_cast %swap3A_801 : vector<1x16xf32> to vector<16xf32>
        %swap3A_803 = vector.shape_cast %get3A_798 : vector<16xf32> to vector<1x16xf32>
        tpu.vector_store %arg10[%swap3A_799, %swap3A_800], %swap3A_803 {add = true, strides = array<i32>} : memref<32x768xf32, #tpu.memory_space<vmem>>, vector<1x16xf32>,
        %get3A_804 = arith.index_cast %scan3A_643 : i32 to index
        %get3A_805 = arith.constant 288 : index
        %get3A_806 = tpu.vector_load %arg12[%get3A_804, %get3A_805] {strides = array<i32>} : memref<32x768xf32, #tpu.memory_space<vmem>>, vector<1x16xf32>,
        %get3A_807 = vector.shape_cast %get3A_806 : vector<1x16xf32> to vector<16xf32>
        %swap3A_808 = arith.index_cast %scan3A_643 : i32 to index
        %swap3A_809 = arith.constant 288 : index
        %swap3A_810 = tpu.vector_load %arg10[%swap3A_808, %swap3A_809] {strides = array<i32>} : memref<32x768xf32, #tpu.memory_space<vmem>>, vector<1x16xf32>,
        %swap3A_811 = vector.shape_cast %swap3A_810 : vector<1x16xf32> to vector<16xf32>
        %swap3A_812 = vector.shape_cast %get3A_807 : vector<16xf32> to vector<1x16xf32>
        tpu.vector_store %arg10[%swap3A_808, %swap3A_809], %swap3A_812 {add = true, strides = array<i32>} : memref<32x768xf32, #tpu.memory_space<vmem>>, vector<1x16xf32>,
        %get3A_813 = arith.index_cast %scan3A_643 : i32 to index
        %get3A_814 = arith.constant 304 : index
        %get3A_815 = tpu.vector_load %arg12[%get3A_813, %get3A_814] {strides = array<i32>} : memref<32x768xf32, #tpu.memory_space<vmem>>, vector<1x16xf32>,
        %get3A_816 = vector.shape_cast %get3A_815 : vector<1x16xf32> to vector<16xf32>
        %swap3A_817 = arith.index_cast %scan3A_643 : i32 to index
        %swap3A_818 = arith.constant 304 : index
        %swap3A_819 = tpu.vector_load %arg10[%swap3A_817, %swap3A_818] {strides = array<i32>} : memref<32x768xf32, #tpu.memory_space<vmem>>, vector<1x16xf32>,
        %swap3A_820 = vector.shape_cast %swap3A_819 : vector<1x16xf32> to vector<16xf32>
        %swap3A_821 = vector.shape_cast %get3A_816 : vector<16xf32> to vector<1x16xf32>
        tpu.vector_store %arg10[%swap3A_817, %swap3A_818], %swap3A_821 {add = true, strides = array<i32>} : memref<32x768xf32, #tpu.memory_space<vmem>>, vector<1x16xf32>,
        %get3A_822 = arith.index_cast %scan3A_643 : i32 to index
        %get3A_823 = arith.constant 320 : index
        %get3A_824 = tpu.vector_load %arg12[%get3A_822, %get3A_823] {strides = array<i32>} : memref<32x768xf32, #tpu.memory_space<vmem>>, vector<1x16xf32>,
        %get3A_825 = vector.shape_cast %get3A_824 : vector<1x16xf32> to vector<16xf32>
        %swap3A_826 = arith.index_cast %scan3A_643 : i32 to index
        %swap3A_827 = arith.constant 320 : index
        %swap3A_828 = tpu.vector_load %arg10[%swap3A_826, %swap3A_827] {strides = array<i32>} : memref<32x768xf32, #tpu.memory_space<vmem>>, vector<1x16xf32>,
        %swap3A_829 = vector.shape_cast %swap3A_828 : vector<1x16xf32> to vector<16xf32>
        %swap3A_830 = vector.shape_cast %get3A_825 : vector<16xf32> to vector<1x16xf32>
        tpu.vector_store %arg10[%swap3A_826, %swap3A_827], %swap3A_830 {add = true, strides = array<i32>} : memref<32x768xf32, #tpu.memory_space<vmem>>, vector<1x16xf32>,
        %get3A_831 = arith.index_cast %scan3A_643 : i32 to index
        %get3A_832 = arith.constant 336 : index
        %get3A_833 = tpu.vector_load %arg12[%get3A_831, %get3A_832] {strides = array<i32>} : memref<32x768xf32, #tpu.memory_space<vmem>>, vector<1x16xf32>,
        %get3A_834 = vector.shape_cast %get3A_833 : vector<1x16xf32> to vector<16xf32>
        %swap3A_835 = arith.index_cast %scan3A_643 : i32 to index
        %swap3A_836 = arith.constant 336 : index
        %swap3A_837 = tpu.vector_load %arg10[%swap3A_835, %swap3A_836] {strides = array<i32>} : memref<32x768xf32, #tpu.memory_space<vmem>>, vector<1x16xf32>,
        %swap3A_838 = vector.shape_cast %swap3A_837 : vector<1x16xf32> to vector<16xf32>
        %swap3A_839 = vector.shape_cast %get3A_834 : vector<16xf32> to vector<1x16xf32>
        tpu.vector_store %arg10[%swap3A_835, %swap3A_836], %swap3A_839 {add = true, strides = array<i32>} : memref<32x768xf32, #tpu.memory_space<vmem>>, vector<1x16xf32>,
        %get3A_840 = arith.index_cast %scan3A_643 : i32 to index
        %get3A_841 = arith.constant 352 : index
        %get3A_842 = tpu.vector_load %arg12[%get3A_840, %get3A_841] {strides = array<i32>} : memref<32x768xf32, #tpu.memory_space<vmem>>, vector<1x16xf32>,
        %get3A_843 = vector.shape_cast %get3A_842 : vector<1x16xf32> to vector<16xf32>
        %swap3A_844 = arith.index_cast %scan3A_643 : i32 to index
        %swap3A_845 = arith.constant 352 : index
        %swap3A_846 = tpu.vector_load %arg10[%swap3A_844, %swap3A_845] {strides = array<i32>} : memref<32x768xf32, #tpu.memory_space<vmem>>, vector<1x16xf32>,
        %swap3A_847 = vector.shape_cast %swap3A_846 : vector<1x16xf32> to vector<16xf32>
        %swap3A_848 = vector.shape_cast %get3A_843 : vector<16xf32> to vector<1x16xf32>
        tpu.vector_store %arg10[%swap3A_844, %swap3A_845], %swap3A_848 {add = true, strides = array<i32>} : memref<32x768xf32, #tpu.memory_space<vmem>>, vector<1x16xf32>,
        %get3A_849 = arith.index_cast %scan3A_643 : i32 to index
        %get3A_850 = arith.constant 368 : index
        %get3A_851 = tpu.vector_load %arg12[%get3A_849, %get3A_850] {strides = array<i32>} : memref<32x768xf32, #tpu.memory_space<vmem>>, vector<1x16xf32>,
        %get3A_852 = vector.shape_cast %get3A_851 : vector<1x16xf32> to vector<16xf32>
        %swap3A_853 = arith.index_cast %scan3A_643 : i32 to index
        %swap3A_854 = arith.constant 368 : index
        %swap3A_855 = tpu.vector_load %arg10[%swap3A_853, %swap3A_854] {strides = array<i32>} : memref<32x768xf32, #tpu.memory_space<vmem>>, vector<1x16xf32>,
        %swap3A_856 = vector.shape_cast %swap3A_855 : vector<1x16xf32> to vector<16xf32>
        %swap3A_857 = vector.shape_cast %get3A_852 : vector<16xf32> to vector<1x16xf32>
        tpu.vector_store %arg10[%swap3A_853, %swap3A_854], %swap3A_857 {add = true, strides = array<i32>} : memref<32x768xf32, #tpu.memory_space<vmem>>, vector<1x16xf32>,
        %get3A_858 = arith.index_cast %scan3A_643 : i32 to index
        %get3A_859 = arith.constant 384 : index
        %get3A_860 = tpu.vector_load %arg12[%get3A_858, %get3A_859] {strides = array<i32>} : memref<32x768xf32, #tpu.memory_space<vmem>>, vector<1x16xf32>,
        %get3A_861 = vector.shape_cast %get3A_860 : vector<1x16xf32> to vector<16xf32>
        %swap3A_862 = arith.index_cast %scan3A_643 : i32 to index
        %swap3A_863 = arith.constant 384 : index
        %swap3A_864 = tpu.vector_load %arg10[%swap3A_862, %swap3A_863] {strides = array<i32>} : memref<32x768xf32, #tpu.memory_space<vmem>>, vector<1x16xf32>,
        %swap3A_865 = vector.shape_cast %swap3A_864 : vector<1x16xf32> to vector<16xf32>
        %swap3A_866 = vector.shape_cast %get3A_861 : vector<16xf32> to vector<1x16xf32>
        tpu.vector_store %arg10[%swap3A_862, %swap3A_863], %swap3A_866 {add = true, strides = array<i32>} : memref<32x768xf32, #tpu.memory_space<vmem>>, vector<1x16xf32>,
        %get3A_867 = arith.index_cast %scan3A_643 : i32 to index
        %get3A_868 = arith.constant 400 : index
        %get3A_869 = tpu.vector_load %arg12[%get3A_867, %get3A_868] {strides = array<i32>} : memref<32x768xf32, #tpu.memory_space<vmem>>, vector<1x16xf32>,
        %get3A_870 = vector.shape_cast %get3A_869 : vector<1x16xf32> to vector<16xf32>
        %swap3A_871 = arith.index_cast %scan3A_643 : i32 to index
        %swap3A_872 = arith.constant 400 : index
        %swap3A_873 = tpu.vector_load %arg10[%swap3A_871, %swap3A_872] {strides = array<i32>} : memref<32x768xf32, #tpu.memory_space<vmem>>, vector<1x16xf32>,
        %swap3A_874 = vector.shape_cast %swap3A_873 : vector<1x16xf32> to vector<16xf32>
        %swap3A_875 = vector.shape_cast %get3A_870 : vector<16xf32> to vector<1x16xf32>
        tpu.vector_store %arg10[%swap3A_871, %swap3A_872], %swap3A_875 {add = true, strides = array<i32>} : memref<32x768xf32, #tpu.memory_space<vmem>>, vector<1x16xf32>,
        %get3A_876 = arith.index_cast %scan3A_643 : i32 to index
        %get3A_877 = arith.constant 416 : index
        %get3A_878 = tpu.vector_load %arg12[%get3A_876, %get3A_877] {strides = array<i32>} : memref<32x768xf32, #tpu.memory_space<vmem>>, vector<1x16xf32>,
        %get3A_879 = vector.shape_cast %get3A_878 : vector<1x16xf32> to vector<16xf32>
        %swap3A_880 = arith.index_cast %scan3A_643 : i32 to index
        %swap3A_881 = arith.constant 416 : index
        %swap3A_882 = tpu.vector_load %arg10[%swap3A_880, %swap3A_881] {strides = array<i32>} : memref<32x768xf32, #tpu.memory_space<vmem>>, vector<1x16xf32>,
        %swap3A_883 = vector.shape_cast %swap3A_882 : vector<1x16xf32> to vector<16xf32>
        %swap3A_884 = vector.shape_cast %get3A_879 : vector<16xf32> to vector<1x16xf32>
        tpu.vector_store %arg10[%swap3A_880, %swap3A_881], %swap3A_884 {add = true, strides = array<i32>} : memref<32x768xf32, #tpu.memory_space<vmem>>, vector<1x16xf32>,
        %get3A_885 = arith.index_cast %scan3A_643 : i32 to index
        %get3A_886 = arith.constant 432 : index
        %get3A_887 = tpu.vector_load %arg12[%get3A_885, %get3A_886] {strides = array<i32>} : memref<32x768xf32, #tpu.memory_space<vmem>>, vector<1x16xf32>,
        %get3A_888 = vector.shape_cast %get3A_887 : vector<1x16xf32> to vector<16xf32>
        %swap3A_889 = arith.index_cast %scan3A_643 : i32 to index
        %swap3A_890 = arith.constant 432 : index
        %swap3A_891 = tpu.vector_load %arg10[%swap3A_889, %swap3A_890] {strides = array<i32>} : memref<32x768xf32, #tpu.memory_space<vmem>>, vector<1x16xf32>,
        %swap3A_892 = vector.shape_cast %swap3A_891 : vector<1x16xf32> to vector<16xf32>
        %swap3A_893 = vector.shape_cast %get3A_888 : vector<16xf32> to vector<1x16xf32>
        tpu.vector_store %arg10[%swap3A_889, %swap3A_890], %swap3A_893 {add = true, strides = array<i32>} : memref<32x768xf32, #tpu.memory_space<vmem>>, vector<1x16xf32>,
        %get3A_894 = arith.index_cast %scan3A_643 : i32 to index
        %get3A_895 = arith.constant 448 : index
        %get3A_896 = tpu.vector_load %arg12[%get3A_894, %get3A_895] {strides = array<i32>} : memref<32x768xf32, #tpu.memory_space<vmem>>, vector<1x16xf32>,
        %get3A_897 = vector.shape_cast %get3A_896 : vector<1x16xf32> to vector<16xf32>
        %swap3A_898 = arith.index_cast %scan3A_643 : i32 to index
        %swap3A_899 = arith.constant 448 : index
        %swap3A_900 = tpu.vector_load %arg10[%swap3A_898, %swap3A_899] {strides = array<i32>} : memref<32x768xf32, #tpu.memory_space<vmem>>, vector<1x16xf32>,
        %swap3A_901 = vector.shape_cast %swap3A_900 : vector<1x16xf32> to vector<16xf32>
        %swap3A_902 = vector.shape_cast %get3A_897 : vector<16xf32> to vector<1x16xf32>
        tpu.vector_store %arg10[%swap3A_898, %swap3A_899], %swap3A_902 {add = true, strides = array<i32>} : memref<32x768xf32, #tpu.memory_space<vmem>>, vector<1x16xf32>,
        %get3A_903 = arith.index_cast %scan3A_643 : i32 to index
        %get3A_904 = arith.constant 464 : index
        %get3A_905 = tpu.vector_load %arg12[%get3A_903, %get3A_904] {strides = array<i32>} : memref<32x768xf32, #tpu.memory_space<vmem>>, vector<1x16xf32>,
        %get3A_906 = vector.shape_cast %get3A_905 : vector<1x16xf32> to vector<16xf32>
        %swap3A_907 = arith.index_cast %scan3A_643 : i32 to index
        %swap3A_908 = arith.constant 464 : index
        %swap3A_909 = tpu.vector_load %arg10[%swap3A_907, %swap3A_908] {strides = array<i32>} : memref<32x768xf32, #tpu.memory_space<vmem>>, vector<1x16xf32>,
        %swap3A_910 = vector.shape_cast %swap3A_909 : vector<1x16xf32> to vector<16xf32>
        %swap3A_911 = vector.shape_cast %get3A_906 : vector<16xf32> to vector<1x16xf32>
        tpu.vector_store %arg10[%swap3A_907, %swap3A_908], %swap3A_911 {add = true, strides = array<i32>} : memref<32x768xf32, #tpu.memory_space<vmem>>, vector<1x16xf32>,
        %get3A_912 = arith.index_cast %scan3A_643 : i32 to index
        %get3A_913 = arith.constant 480 : index
        %get3A_914 = tpu.vector_load %arg12[%get3A_912, %get3A_913] {strides = array<i32>} : memref<32x768xf32, #tpu.memory_space<vmem>>, vector<1x16xf32>,
        %get3A_915 = vector.shape_cast %get3A_914 : vector<1x16xf32> to vector<16xf32>
        %swap3A_916 = arith.index_cast %scan3A_643 : i32 to index
        %swap3A_917 = arith.constant 480 : index
        %swap3A_918 = tpu.vector_load %arg10[%swap3A_916, %swap3A_917] {strides = array<i32>} : memref<32x768xf32, #tpu.memory_space<vmem>>, vector<1x16xf32>,
        %swap3A_919 = vector.shape_cast %swap3A_918 : vector<1x16xf32> to vector<16xf32>
        %swap3A_920 = vector.shape_cast %get3A_915 : vector<16xf32> to vector<1x16xf32>
        tpu.vector_store %arg10[%swap3A_916, %swap3A_917], %swap3A_920 {add = true, strides = array<i32>} : memref<32x768xf32, #tpu.memory_space<vmem>>, vector<1x16xf32>,
        %get3A_921 = arith.index_cast %scan3A_643 : i32 to index
        %get3A_922 = arith.constant 496 : index
        %get3A_923 = tpu.vector_load %arg12[%get3A_921, %get3A_922] {strides = array<i32>} : memref<32x768xf32, #tpu.memory_space<vmem>>, vector<1x16xf32>,
        %get3A_924 = vector.shape_cast %get3A_923 : vector<1x16xf32> to vector<16xf32>
        %swap3A_925 = arith.index_cast %scan3A_643 : i32 to index
        %swap3A_926 = arith.constant 496 : index
        %swap3A_927 = tpu.vector_load %arg10[%swap3A_925, %swap3A_926] {strides = array<i32>} : memref<32x768xf32, #tpu.memory_space<vmem>>, vector<1x16xf32>,
        %swap3A_928 = vector.shape_cast %swap3A_927 : vector<1x16xf32> to vector<16xf32>
        %swap3A_929 = vector.shape_cast %get3A_924 : vector<16xf32> to vector<1x16xf32>
        tpu.vector_store %arg10[%swap3A_925, %swap3A_926], %swap3A_929 {add = true, strides = array<i32>} : memref<32x768xf32, #tpu.memory_space<vmem>>, vector<1x16xf32>,
        %get3A_930 = arith.index_cast %scan3A_643 : i32 to index
        %get3A_931 = arith.constant 512 : index
        %get3A_932 = tpu.vector_load %arg12[%get3A_930, %get3A_931] {strides = array<i32>} : memref<32x768xf32, #tpu.memory_space<vmem>>, vector<1x16xf32>,
        %get3A_933 = vector.shape_cast %get3A_932 : vector<1x16xf32> to vector<16xf32>
        %swap3A_934 = arith.index_cast %scan3A_643 : i32 to index
        %swap3A_935 = arith.constant 512 : index
        %swap3A_936 = tpu.vector_load %arg10[%swap3A_934, %swap3A_935] {strides = array<i32>} : memref<32x768xf32, #tpu.memory_space<vmem>>, vector<1x16xf32>,
        %swap3A_937 = vector.shape_cast %swap3A_936 : vector<1x16xf32> to vector<16xf32>
        %swap3A_938 = vector.shape_cast %get3A_933 : vector<16xf32> to vector<1x16xf32>
        tpu.vector_store %arg10[%swap3A_934, %swap3A_935], %swap3A_938 {add = true, strides = array<i32>} : memref<32x768xf32, #tpu.memory_space<vmem>>, vector<1x16xf32>,
        %get3A_939 = arith.index_cast %scan3A_643 : i32 to index
        %get3A_940 = arith.constant 528 : index
        %get3A_941 = tpu.vector_load %arg12[%get3A_939, %get3A_940] {strides = array<i32>} : memref<32x768xf32, #tpu.memory_space<vmem>>, vector<1x16xf32>,
        %get3A_942 = vector.shape_cast %get3A_941 : vector<1x16xf32> to vector<16xf32>
        %swap3A_943 = arith.index_cast %scan3A_643 : i32 to index
        %swap3A_944 = arith.constant 528 : index
        %swap3A_945 = tpu.vector_load %arg10[%swap3A_943, %swap3A_944] {strides = array<i32>} : memref<32x768xf32, #tpu.memory_space<vmem>>, vector<1x16xf32>,
        %swap3A_946 = vector.shape_cast %swap3A_945 : vector<1x16xf32> to vector<16xf32>
        %swap3A_947 = vector.shape_cast %get3A_942 : vector<16xf32> to vector<1x16xf32>
        tpu.vector_store %arg10[%swap3A_943, %swap3A_944], %swap3A_947 {add = true, strides = array<i32>} : memref<32x768xf32, #tpu.memory_space<vmem>>, vector<1x16xf32>,
        %get3A_948 = arith.index_cast %scan3A_643 : i32 to index
        %get3A_949 = arith.constant 544 : index
        %get3A_950 = tpu.vector_load %arg12[%get3A_948, %get3A_949] {strides = array<i32>} : memref<32x768xf32, #tpu.memory_space<vmem>>, vector<1x16xf32>,
        %get3A_951 = vector.shape_cast %get3A_950 : vector<1x16xf32> to vector<16xf32>
        %swap3A_952 = arith.index_cast %scan3A_643 : i32 to index
        %swap3A_953 = arith.constant 544 : index
        %swap3A_954 = tpu.vector_load %arg10[%swap3A_952, %swap3A_953] {strides = array<i32>} : memref<32x768xf32, #tpu.memory_space<vmem>>, vector<1x16xf32>,
        %swap3A_955 = vector.shape_cast %swap3A_954 : vector<1x16xf32> to vector<16xf32>
        %swap3A_956 = vector.shape_cast %get3A_951 : vector<16xf32> to vector<1x16xf32>
        tpu.vector_store %arg10[%swap3A_952, %swap3A_953], %swap3A_956 {add = true, strides = array<i32>} : memref<32x768xf32, #tpu.memory_space<vmem>>, vector<1x16xf32>,
        %get3A_957 = arith.index_cast %scan3A_643 : i32 to index
        %get3A_958 = arith.constant 560 : index
        %get3A_959 = tpu.vector_load %arg12[%get3A_957, %get3A_958] {strides = array<i32>} : memref<32x768xf32, #tpu.memory_space<vmem>>, vector<1x16xf32>,
        %get3A_960 = vector.shape_cast %get3A_959 : vector<1x16xf32> to vector<16xf32>
        %swap3A_961 = arith.index_cast %scan3A_643 : i32 to index
        %swap3A_962 = arith.constant 560 : index
        %swap3A_963 = tpu.vector_load %arg10[%swap3A_961, %swap3A_962] {strides = array<i32>} : memref<32x768xf32, #tpu.memory_space<vmem>>, vector<1x16xf32>,
        %swap3A_964 = vector.shape_cast %swap3A_963 : vector<1x16xf32> to vector<16xf32>
        %swap3A_965 = vector.shape_cast %get3A_960 : vector<16xf32> to vector<1x16xf32>
        tpu.vector_store %arg10[%swap3A_961, %swap3A_962], %swap3A_965 {add = true, strides = array<i32>} : memref<32x768xf32, #tpu.memory_space<vmem>>, vector<1x16xf32>,
        %get3A_966 = arith.index_cast %scan3A_643 : i32 to index
        %get3A_967 = arith.constant 576 : index
        %get3A_968 = tpu.vector_load %arg12[%get3A_966, %get3A_967] {strides = array<i32>} : memref<32x768xf32, #tpu.memory_space<vmem>>, vector<1x16xf32>,
        %get3A_969 = vector.shape_cast %get3A_968 : vector<1x16xf32> to vector<16xf32>
        %swap3A_970 = arith.index_cast %scan3A_643 : i32 to index
        %swap3A_971 = arith.constant 576 : index
        %swap3A_972 = tpu.vector_load %arg10[%swap3A_970, %swap3A_971] {strides = array<i32>} : memref<32x768xf32, #tpu.memory_space<vmem>>, vector<1x16xf32>,
        %swap3A_973 = vector.shape_cast %swap3A_972 : vector<1x16xf32> to vector<16xf32>
        %swap3A_974 = vector.shape_cast %get3A_969 : vector<16xf32> to vector<1x16xf32>
        tpu.vector_store %arg10[%swap3A_970, %swap3A_971], %swap3A_974 {add = true, strides = array<i32>} : memref<32x768xf32, #tpu.memory_space<vmem>>, vector<1x16xf32>,
        %get3A_975 = arith.index_cast %scan3A_643 : i32 to index
        %get3A_976 = arith.constant 592 : index
        %get3A_977 = tpu.vector_load %arg12[%get3A_975, %get3A_976] {strides = array<i32>} : memref<32x768xf32, #tpu.memory_space<vmem>>, vector<1x16xf32>,
        %get3A_978 = vector.shape_cast %get3A_977 : vector<1x16xf32> to vector<16xf32>
        %swap3A_979 = arith.index_cast %scan3A_643 : i32 to index
        %swap3A_980 = arith.constant 592 : index
        %swap3A_981 = tpu.vector_load %arg10[%swap3A_979, %swap3A_980] {strides = array<i32>} : memref<32x768xf32, #tpu.memory_space<vmem>>, vector<1x16xf32>,
        %swap3A_982 = vector.shape_cast %swap3A_981 : vector<1x16xf32> to vector<16xf32>
        %swap3A_983 = vector.shape_cast %get3A_978 : vector<16xf32> to vector<1x16xf32>
        tpu.vector_store %arg10[%swap3A_979, %swap3A_980], %swap3A_983 {add = true, strides = array<i32>} : memref<32x768xf32, #tpu.memory_space<vmem>>, vector<1x16xf32>,
        %get3A_984 = arith.index_cast %scan3A_643 : i32 to index
        %get3A_985 = arith.constant 608 : index
        %get3A_986 = tpu.vector_load %arg12[%get3A_984, %get3A_985] {strides = array<i32>} : memref<32x768xf32, #tpu.memory_space<vmem>>, vector<1x16xf32>,
        %get3A_987 = vector.shape_cast %get3A_986 : vector<1x16xf32> to vector<16xf32>
        %swap3A_988 = arith.index_cast %scan3A_643 : i32 to index
        %swap3A_989 = arith.constant 608 : index
        %swap3A_990 = tpu.vector_load %arg10[%swap3A_988, %swap3A_989] {strides = array<i32>} : memref<32x768xf32, #tpu.memory_space<vmem>>, vector<1x16xf32>,
        %swap3A_991 = vector.shape_cast %swap3A_990 : vector<1x16xf32> to vector<16xf32>
        %swap3A_992 = vector.shape_cast %get3A_987 : vector<16xf32> to vector<1x16xf32>
        tpu.vector_store %arg10[%swap3A_988, %swap3A_989], %swap3A_992 {add = true, strides = array<i32>} : memref<32x768xf32, #tpu.memory_space<vmem>>, vector<1x16xf32>,
        %get3A_993 = arith.index_cast %scan3A_643 : i32 to index
        %get3A_994 = arith.constant 624 : index
        %get3A_995 = tpu.vector_load %arg12[%get3A_993, %get3A_994] {strides = array<i32>} : memref<32x768xf32, #tpu.memory_space<vmem>>, vector<1x16xf32>,
        %get3A_996 = vector.shape_cast %get3A_995 : vector<1x16xf32> to vector<16xf32>
        %swap3A_997 = arith.index_cast %scan3A_643 : i32 to index
        %swap3A_998 = arith.constant 624 : index
        %swap3A_999 = tpu.vector_load %arg10[%swap3A_997, %swap3A_998] {strides = array<i32>} : memref<32x768xf32, #tpu.memory_space<vmem>>, vector<1x16xf32>,
        %swap3A_1000 = vector.shape_cast %swap3A_999 : vector<1x16xf32> to vector<16xf32>
        %swap3A_1001 = vector.shape_cast %get3A_996 : vector<16xf32> to vector<1x16xf32>
        tpu.vector_store %arg10[%swap3A_997, %swap3A_998], %swap3A_1001 {add = true, strides = array<i32>} : memref<32x768xf32, #tpu.memory_space<vmem>>, vector<1x16xf32>,
        %get3A_1002 = arith.index_cast %scan3A_643 : i32 to index
        %get3A_1003 = arith.constant 640 : index
        %get3A_1004 = tpu.vector_load %arg12[%get3A_1002, %get3A_1003] {strides = array<i32>} : memref<32x768xf32, #tpu.memory_space<vmem>>, vector<1x16xf32>,
        %get3A_1005 = vector.shape_cast %get3A_1004 : vector<1x16xf32> to vector<16xf32>
        %swap3A_1006 = arith.index_cast %scan3A_643 : i32 to index
        %swap3A_1007 = arith.constant 640 : index
        %swap3A_1008 = tpu.vector_load %arg10[%swap3A_1006, %swap3A_1007] {strides = array<i32>} : memref<32x768xf32, #tpu.memory_space<vmem>>, vector<1x16xf32>,
        %swap3A_1009 = vector.shape_cast %swap3A_1008 : vector<1x16xf32> to vector<16xf32>
        %swap3A_1010 = vector.shape_cast %get3A_1005 : vector<16xf32> to vector<1x16xf32>
        tpu.vector_store %arg10[%swap3A_1006, %swap3A_1007], %swap3A_1010 {add = true, strides = array<i32>} : memref<32x768xf32, #tpu.memory_space<vmem>>, vector<1x16xf32>,
        %get3A_1011 = arith.index_cast %scan3A_643 : i32 to index
        %get3A_1012 = arith.constant 656 : index
        %get3A_1013 = tpu.vector_load %arg12[%get3A_1011, %get3A_1012] {strides = array<i32>} : memref<32x768xf32, #tpu.memory_space<vmem>>, vector<1x16xf32>,
        %get3A_1014 = vector.shape_cast %get3A_1013 : vector<1x16xf32> to vector<16xf32>
        %swap3A_1015 = arith.index_cast %scan3A_643 : i32 to index
        %swap3A_1016 = arith.constant 656 : index
        %swap3A_1017 = tpu.vector_load %arg10[%swap3A_1015, %swap3A_1016] {strides = array<i32>} : memref<32x768xf32, #tpu.memory_space<vmem>>, vector<1x16xf32>,
        %swap3A_1018 = vector.shape_cast %swap3A_1017 : vector<1x16xf32> to vector<16xf32>
        %swap3A_1019 = vector.shape_cast %get3A_1014 : vector<16xf32> to vector<1x16xf32>
        tpu.vector_store %arg10[%swap3A_1015, %swap3A_1016], %swap3A_1019 {add = true, strides = array<i32>} : memref<32x768xf32, #tpu.memory_space<vmem>>, vector<1x16xf32>,
        %get3A_1020 = arith.index_cast %scan3A_643 : i32 to index
        %get3A_1021 = arith.constant 672 : index
        %get3A_1022 = tpu.vector_load %arg12[%get3A_1020, %get3A_1021] {strides = array<i32>} : memref<32x768xf32, #tpu.memory_space<vmem>>, vector<1x16xf32>,
        %get3A_1023 = vector.shape_cast %get3A_1022 : vector<1x16xf32> to vector<16xf32>
        %swap3A_1024 = arith.index_cast %scan3A_643 : i32 to index
        %swap3A_1025 = arith.constant 672 : index
        %swap3A_1026 = tpu.vector_load %arg10[%swap3A_1024, %swap3A_1025] {strides = array<i32>} : memref<32x768xf32, #tpu.memory_space<vmem>>, vector<1x16xf32>,
        %swap3A_1027 = vector.shape_cast %swap3A_1026 : vector<1x16xf32> to vector<16xf32>
        %swap3A_1028 = vector.shape_cast %get3A_1023 : vector<16xf32> to vector<1x16xf32>
        tpu.vector_store %arg10[%swap3A_1024, %swap3A_1025], %swap3A_1028 {add = true, strides = array<i32>} : memref<32x768xf32, #tpu.memory_space<vmem>>, vector<1x16xf32>,
        %get3A_1029 = arith.index_cast %scan3A_643 : i32 to index
        %get3A_1030 = arith.constant 688 : index
        %get3A_1031 = tpu.vector_load %arg12[%get3A_1029, %get3A_1030] {strides = array<i32>} : memref<32x768xf32, #tpu.memory_space<vmem>>, vector<1x16xf32>,
        %get3A_1032 = vector.shape_cast %get3A_1031 : vector<1x16xf32> to vector<16xf32>
        %swap3A_1033 = arith.index_cast %scan3A_643 : i32 to index
        %swap3A_1034 = arith.constant 688 : index
        %swap3A_1035 = tpu.vector_load %arg10[%swap3A_1033, %swap3A_1034] {strides = array<i32>} : memref<32x768xf32, #tpu.memory_space<vmem>>, vector<1x16xf32>,
        %swap3A_1036 = vector.shape_cast %swap3A_1035 : vector<1x16xf32> to vector<16xf32>
        %swap3A_1037 = vector.shape_cast %get3A_1032 : vector<16xf32> to vector<1x16xf32>
        tpu.vector_store %arg10[%swap3A_1033, %swap3A_1034], %swap3A_1037 {add = true, strides = array<i32>} : memref<32x768xf32, #tpu.memory_space<vmem>>, vector<1x16xf32>,
        %get3A_1038 = arith.index_cast %scan3A_643 : i32 to index
        %get3A_1039 = arith.constant 704 : index
        %get3A_1040 = tpu.vector_load %arg12[%get3A_1038, %get3A_1039] {strides = array<i32>} : memref<32x768xf32, #tpu.memory_space<vmem>>, vector<1x16xf32>,
        %get3A_1041 = vector.shape_cast %get3A_1040 : vector<1x16xf32> to vector<16xf32>
        %swap3A_1042 = arith.index_cast %scan3A_643 : i32 to index
        %swap3A_1043 = arith.constant 704 : index
        %swap3A_1044 = tpu.vector_load %arg10[%swap3A_1042, %swap3A_1043] {strides = array<i32>} : memref<32x768xf32, #tpu.memory_space<vmem>>, vector<1x16xf32>,
        %swap3A_1045 = vector.shape_cast %swap3A_1044 : vector<1x16xf32> to vector<16xf32>
        %swap3A_1046 = vector.shape_cast %get3A_1041 : vector<16xf32> to vector<1x16xf32>
        tpu.vector_store %arg10[%swap3A_1042, %swap3A_1043], %swap3A_1046 {add = true, strides = array<i32>} : memref<32x768xf32, #tpu.memory_space<vmem>>, vector<1x16xf32>,
        %get3A_1047 = arith.index_cast %scan3A_643 : i32 to index
        %get3A_1048 = arith.constant 720 : index
        %get3A_1049 = tpu.vector_load %arg12[%get3A_1047, %get3A_1048] {strides = array<i32>} : memref<32x768xf32, #tpu.memory_space<vmem>>, vector<1x16xf32>,
        %get3A_1050 = vector.shape_cast %get3A_1049 : vector<1x16xf32> to vector<16xf32>
        %swap3A_1051 = arith.index_cast %scan3A_643 : i32 to index
        %swap3A_1052 = arith.constant 720 : index
        %swap3A_1053 = tpu.vector_load %arg10[%swap3A_1051, %swap3A_1052] {strides = array<i32>} : memref<32x768xf32, #tpu.memory_space<vmem>>, vector<1x16xf32>,
        %swap3A_1054 = vector.shape_cast %swap3A_1053 : vector<1x16xf32> to vector<16xf32>
        %swap3A_1055 = vector.shape_cast %get3A_1050 : vector<16xf32> to vector<1x16xf32>
        tpu.vector_store %arg10[%swap3A_1051, %swap3A_1052], %swap3A_1055 {add = true, strides = array<i32>} : memref<32x768xf32, #tpu.memory_space<vmem>>, vector<1x16xf32>,
        %get3A_1056 = arith.index_cast %scan3A_643 : i32 to index
        %get3A_1057 = arith.constant 736 : index
        %get3A_1058 = tpu.vector_load %arg12[%get3A_1056, %get3A_1057] {strides = array<i32>} : memref<32x768xf32, #tpu.memory_space<vmem>>, vector<1x16xf32>,
        %get3A_1059 = vector.shape_cast %get3A_1058 : vector<1x16xf32> to vector<16xf32>
        %swap3A_1060 = arith.index_cast %scan3A_643 : i32 to index
        %swap3A_1061 = arith.constant 736 : index
        %swap3A_1062 = tpu.vector_load %arg10[%swap3A_1060, %swap3A_1061] {strides = array<i32>} : memref<32x768xf32, #tpu.memory_space<vmem>>, vector<1x16xf32>,
        %swap3A_1063 = vector.shape_cast %swap3A_1062 : vector<1x16xf32> to vector<16xf32>
        %swap3A_1064 = vector.shape_cast %get3A_1059 : vector<16xf32> to vector<1x16xf32>
        tpu.vector_store %arg10[%swap3A_1060, %swap3A_1061], %swap3A_1064 {add = true, strides = array<i32>} : memref<32x768xf32, #tpu.memory_space<vmem>>, vector<1x16xf32>,
        %get3A_1065 = arith.index_cast %scan3A_643 : i32 to index
        %get3A_1066 = arith.constant 752 : index
        %get3A_1067 = tpu.vector_load %arg12[%get3A_1065, %get3A_1066] {strides = array<i32>} : memref<32x768xf32, #tpu.memory_space<vmem>>, vector<1x16xf32>,
        %get3A_1068 = vector.shape_cast %get3A_1067 : vector<1x16xf32> to vector<16xf32>
        %swap3A_1069 = arith.index_cast %scan3A_643 : i32 to index
        %swap3A_1070 = arith.constant 752 : index
        %swap3A_1071 = tpu.vector_load %arg10[%swap3A_1069, %swap3A_1070] {strides = array<i32>} : memref<32x768xf32, #tpu.memory_space<vmem>>, vector<1x16xf32>,
        %swap3A_1072 = vector.shape_cast %swap3A_1071 : vector<1x16xf32> to vector<16xf32>
        %swap3A_1073 = vector.shape_cast %get3A_1068 : vector<16xf32> to vector<1x16xf32>
        tpu.vector_store %arg10[%swap3A_1069, %swap3A_1070], %swap3A_1073 {add = true, strides = array<i32>} : memref<32x768xf32, #tpu.memory_space<vmem>>, vector<1x16xf32>,
      }
      %scan3A_459 = arith.constant 32 : i32
      %mul3A_460 = arith.constant 32 : i32
      %mul3A_461 = arith.muli %sub3A_296, %mul3A_460 : i32
      %add3A_462 = arith.addi %mul3A_2, %mul3A_461 : i32
      %dma_start3A_463 = arith.constant 0 : i32
      %dma_start3A_464 = tpu.memref_slice %arg6[%add3A_462, %dma_start3A_463] : memref<315392x768xf32, #tpu.memory_space<hbm>> -> memref<32x768xf32, #tpu.memory_space<hbm>>
      %dma_start3A_465 = arith.constant 0 : i32
      %dma_start3A_466 = tpu.memref_slice %arg6[%add3A_462, %dma_start3A_465] : memref<315392x768xf32, #tpu.memory_space<hbm>> -> memref<32x768xf32, #tpu.memory_space<hbm>>
      tpu.enqueue_dma source(%arg10 : memref<32x768xf32, #tpu.memory_space<vmem>>) target(%dma_start3A_466 : memref<32x768xf32, #tpu.memory_space<hbm>>) target_semaphore(%arg18 : memref<!tpu.dma_semaphore, #tpu.memory_space<semaphore_mem>>)
      %mul3A_467 = arith.constant 2 : i32
      %mul3A_468 = arith.muli %mul3A_467, %scan3A_291 : i32
      %add3A_469 = arith.constant 2 : i32
      %add3A_470 = arith.addi %mul3A_468, %add3A_469 : i32
      %sub3A_471 = arith.constant 0 : i32
      %sub3A_472 = arith.subi %add3A_470, %sub3A_471 : i32
      %dma_wait3A_473 = arith.constant 0 : i32
      %dma_wait3A_474 = tpu.memref_slice %arg6[%mul3A_2, %dma_wait3A_473] : memref<315392x768xf32, #tpu.memory_space<hbm>> -> memref<32x768xf32, #tpu.memory_space<hbm>>
      %dma_wait3A_475 = arith.constant 0 : i32
      %dma_wait3A_476 = tpu.memref_slice %arg6[%mul3A_2, %dma_wait3A_475] : memref<315392x768xf32, #tpu.memory_space<hbm>> -> memref<32x768xf32, #tpu.memory_space<hbm>>
      tpu.wait_dma2 semaphore(%arg18 : memref<!tpu.dma_semaphore, #tpu.memory_space<semaphore_mem>>) src(%arg10 : memref<32x768xf32, #tpu.memory_space<vmem>>) dst(%dma_wait3A_476 : memref<32x768xf32, #tpu.memory_space<hbm>>)
      %add3A_477 = arith.constant 1 : i32
      %add3A_478 = arith.addi %sub3A_472, %add3A_477 : i32
      %mul3A_479 = arith.constant 32 : i32
      %mul3A_480 = arith.muli %add3A_478, %mul3A_479 : i32
      %add3A_481 = arith.constant 0 : i32
      %add3A_482 = arith.addi %mul3A_480, %add3A_481 : i32
      %dma_start3A_483 = arith.constant 0 : i32
      %dma_start3A_484 = arith.constant 0 : i32
      %dma_start3A_485 = tpu.memref_slice %arg10[%dma_start3A_483, %dma_start3A_484] : memref<32x768xf32, #tpu.memory_space<vmem>> -> memref<8x768xf32, #tpu.memory_space<vmem>>
      %dma_start3A_486 = tpu.memref_slice %arg7[%add3A_482] : memref<9856xi32, #tpu.memory_space<vmem>> -> memref<8xi32, #tpu.memory_space<vmem>>
      %dma_start3A_487 = arith.constant 0 : i32
      %dma_start3A_488 = arith.constant 0 : i32
      %dma_start3A_489 = tpu.memref_slice %arg4[%dma_start3A_487, %dma_start3A_488] : memref<49408x768xf32, #tpu.memory_space<hbm>> -> memref<49408x768xf32, #tpu.memory_space<hbm>>
      tpu.enqueue_indirect_dma source(%dma_start3A_489 : memref<49408x768xf32, #tpu.memory_space<hbm>>) target(%dma_start3A_485 : memref<8x768xf32, #tpu.memory_space<vmem>>) offsets(%dma_start3A_486 : memref<8xi32, #tpu.memory_space<vmem>>) semaphore(%arg14 : memref<!tpu.dma_semaphore, #tpu.memory_space<semaphore_mem>>)
      %mul3A_490 = arith.constant 32 : i32
      %mul3A_491 = arith.muli %add3A_478, %mul3A_490 : i32
      %add3A_492 = arith.constant 0 : i32
      %add3A_493 = arith.addi %mul3A_491, %add3A_492 : i32
      %dma_start3A_494 = arith.constant 0 : i32
      %dma_start3A_495 = arith.constant 0 : i32
      %dma_start3A_496 = tpu.memref_slice %arg12[%dma_start3A_494, %dma_start3A_495] : memref<32x768xf32, #tpu.memory_space<vmem>> -> memref<8x768xf32, #tpu.memory_space<vmem>>
      %dma_start3A_497 = tpu.memref_slice %arg8[%add3A_493] : memref<9856xi32, #tpu.memory_space<vmem>> -> memref<8xi32, #tpu.memory_space<vmem>>
      %dma_start3A_498 = arith.constant 0 : i32
      %dma_start3A_499 = arith.constant 0 : i32
      %dma_start3A_500 = tpu.memref_slice %arg5[%dma_start3A_498, %dma_start3A_499] : memref<2464x768xf32, #tpu.memory_space<hbm>> -> memref<2464x768xf32, #tpu.memory_space<hbm>>
      tpu.enqueue_indirect_dma source(%dma_start3A_500 : memref<2464x768xf32, #tpu.memory_space<hbm>>) target(%dma_start3A_496 : memref<8x768xf32, #tpu.memory_space<vmem>>) offsets(%dma_start3A_497 : memref<8xi32, #tpu.memory_space<vmem>>) semaphore(%arg16 : memref<!tpu.dma_semaphore, #tpu.memory_space<semaphore_mem>>)
      %mul3A_501 = arith.constant 32 : i32
      %mul3A_502 = arith.muli %add3A_478, %mul3A_501 : i32
      %add3A_503 = arith.constant 8 : i32
      %add3A_504 = arith.addi %mul3A_502, %add3A_503 : i32
      %dma_start3A_505 = arith.constant 8 : i32
      %dma_start3A_506 = arith.constant 0 : i32
      %dma_start3A_507 = tpu.memref_slice %arg10[%dma_start3A_505, %dma_start3A_506] : memref<32x768xf32, #tpu.memory_space<vmem>> -> memref<8x768xf32, #tpu.memory_space<vmem>>
      %dma_start3A_508 = tpu.memref_slice %arg7[%add3A_504] : memref<9856xi32, #tpu.memory_space<vmem>> -> memref<8xi32, #tpu.memory_space<vmem>>
      %dma_start3A_509 = arith.constant 0 : i32
      %dma_start3A_510 = arith.constant 0 : i32
      %dma_start3A_511 = tpu.memref_slice %arg4[%dma_start3A_509, %dma_start3A_510] : memref<49408x768xf32, #tpu.memory_space<hbm>> -> memref<49408x768xf32, #tpu.memory_space<hbm>>
      tpu.enqueue_indirect_dma source(%dma_start3A_511 : memref<49408x768xf32, #tpu.memory_space<hbm>>) target(%dma_start3A_507 : memref<8x768xf32, #tpu.memory_space<vmem>>) offsets(%dma_start3A_508 : memref<8xi32, #tpu.memory_space<vmem>>) semaphore(%arg14 : memref<!tpu.dma_semaphore, #tpu.memory_space<semaphore_mem>>)
      %mul3A_512 = arith.constant 32 : i32
      %mul3A_513 = arith.muli %add3A_478, %mul3A_512 : i32
      %add3A_514 = arith.constant 8 : i32
      %add3A_515 = arith.addi %mul3A_513, %add3A_514 : i32
      %dma_start3A_516 = arith.constant 8 : i32
      %dma_start3A_517 = arith.constant 0 : i32
      %dma_start3A_518 = tpu.memref_slice %arg12[%dma_start3A_516, %dma_start3A_517] : memref<32x768xf32, #tpu.memory_space<vmem>> -> memref<8x768xf32, #tpu.memory_space<vmem>>
      %dma_start3A_519 = tpu.memref_slice %arg8[%add3A_515] : memref<9856xi32, #tpu.memory_space<vmem>> -> memref<8xi32, #tpu.memory_space<vmem>>
      %dma_start3A_520 = arith.constant 0 : i32
      %dma_start3A_521 = arith.constant 0 : i32
      %dma_start3A_522 = tpu.memref_slice %arg5[%dma_start3A_520, %dma_start3A_521] : memref<2464x768xf32, #tpu.memory_space<hbm>> -> memref<2464x768xf32, #tpu.memory_space<hbm>>
      tpu.enqueue_indirect_dma source(%dma_start3A_522 : memref<2464x768xf32, #tpu.memory_space<hbm>>) target(%dma_start3A_518 : memref<8x768xf32, #tpu.memory_space<vmem>>) offsets(%dma_start3A_519 : memref<8xi32, #tpu.memory_space<vmem>>) semaphore(%arg16 : memref<!tpu.dma_semaphore, #tpu.memory_space<semaphore_mem>>)
      %mul3A_523 = arith.constant 32 : i32
      %mul3A_524 = arith.muli %add3A_478, %mul3A_523 : i32
      %add3A_525 = arith.constant 16 : i32
      %add3A_526 = arith.addi %mul3A_524, %add3A_525 : i32
      %dma_start3A_527 = arith.constant 16 : i32
      %dma_start3A_528 = arith.constant 0 : i32
      %dma_start3A_529 = tpu.memref_slice %arg10[%dma_start3A_527, %dma_start3A_528] : memref<32x768xf32, #tpu.memory_space<vmem>> -> memref<8x768xf32, #tpu.memory_space<vmem>>
      %dma_start3A_530 = tpu.memref_slice %arg7[%add3A_526] : memref<9856xi32, #tpu.memory_space<vmem>> -> memref<8xi32, #tpu.memory_space<vmem>>
      %dma_start3A_531 = arith.constant 0 : i32
      %dma_start3A_532 = arith.constant 0 : i32
      %dma_start3A_533 = tpu.memref_slice %arg4[%dma_start3A_531, %dma_start3A_532] : memref<49408x768xf32, #tpu.memory_space<hbm>> -> memref<49408x768xf32, #tpu.memory_space<hbm>>
      tpu.enqueue_indirect_dma source(%dma_start3A_533 : memref<49408x768xf32, #tpu.memory_space<hbm>>) target(%dma_start3A_529 : memref<8x768xf32, #tpu.memory_space<vmem>>) offsets(%dma_start3A_530 : memref<8xi32, #tpu.memory_space<vmem>>) semaphore(%arg14 : memref<!tpu.dma_semaphore, #tpu.memory_space<semaphore_mem>>)
      %mul3A_534 = arith.constant 32 : i32
      %mul3A_535 = arith.muli %add3A_478, %mul3A_534 : i32
      %add3A_536 = arith.constant 16 : i32
      %add3A_537 = arith.addi %mul3A_535, %add3A_536 : i32
      %dma_start3A_538 = arith.constant 16 : i32
      %dma_start3A_539 = arith.constant 0 : i32
      %dma_start3A_540 = tpu.memref_slice %arg12[%dma_start3A_538, %dma_start3A_539] : memref<32x768xf32, #tpu.memory_space<vmem>> -> memref<8x768xf32, #tpu.memory_space<vmem>>
      %dma_start3A_541 = tpu.memref_slice %arg8[%add3A_537] : memref<9856xi32, #tpu.memory_space<vmem>> -> memref<8xi32, #tpu.memory_space<vmem>>
      %dma_start3A_542 = arith.constant 0 : i32
      %dma_start3A_543 = arith.constant 0 : i32
      %dma_start3A_544 = tpu.memref_slice %arg5[%dma_start3A_542, %dma_start3A_543] : memref<2464x768xf32, #tpu.memory_space<hbm>> -> memref<2464x768xf32, #tpu.memory_space<hbm>>
      tpu.enqueue_indirect_dma source(%dma_start3A_544 : memref<2464x768xf32, #tpu.memory_space<hbm>>) target(%dma_start3A_540 : memref<8x768xf32, #tpu.memory_space<vmem>>) offsets(%dma_start3A_541 : memref<8xi32, #tpu.memory_space<vmem>>) semaphore(%arg16 : memref<!tpu.dma_semaphore, #tpu.memory_space<semaphore_mem>>)
      %mul3A_545 = arith.constant 32 : i32
      %mul3A_546 = arith.muli %add3A_478, %mul3A_545 : i32
      %add3A_547 = arith.constant 24 : i32
      %add3A_548 = arith.addi %mul3A_546, %add3A_547 : i32
      %dma_start3A_549 = arith.constant 24 : i32
      %dma_start3A_550 = arith.constant 0 : i32
      %dma_start3A_551 = tpu.memref_slice %arg10[%dma_start3A_549, %dma_start3A_550] : memref<32x768xf32, #tpu.memory_space<vmem>> -> memref<8x768xf32, #tpu.memory_space<vmem>>
      %dma_start3A_552 = tpu.memref_slice %arg7[%add3A_548] : memref<9856xi32, #tpu.memory_space<vmem>> -> memref<8xi32, #tpu.memory_space<vmem>>
      %dma_start3A_553 = arith.constant 0 : i32
      %dma_start3A_554 = arith.constant 0 : i32
      %dma_start3A_555 = tpu.memref_slice %arg4[%dma_start3A_553, %dma_start3A_554] : memref<49408x768xf32, #tpu.memory_space<hbm>> -> memref<49408x768xf32, #tpu.memory_space<hbm>>
      tpu.enqueue_indirect_dma source(%dma_start3A_555 : memref<49408x768xf32, #tpu.memory_space<hbm>>) target(%dma_start3A_551 : memref<8x768xf32, #tpu.memory_space<vmem>>) offsets(%dma_start3A_552 : memref<8xi32, #tpu.memory_space<vmem>>) semaphore(%arg14 : memref<!tpu.dma_semaphore, #tpu.memory_space<semaphore_mem>>)
      %mul3A_556 = arith.constant 32 : i32
      %mul3A_557 = arith.muli %add3A_478, %mul3A_556 : i32
      %add3A_558 = arith.constant 24 : i32
      %add3A_559 = arith.addi %mul3A_557, %add3A_558 : i32
      %dma_start3A_560 = arith.constant 24 : i32
      %dma_start3A_561 = arith.constant 0 : i32
      %dma_start3A_562 = tpu.memref_slice %arg12[%dma_start3A_560, %dma_start3A_561] : memref<32x768xf32, #tpu.memory_space<vmem>> -> memref<8x768xf32, #tpu.memory_space<vmem>>
      %dma_start3A_563 = tpu.memref_slice %arg8[%add3A_559] : memref<9856xi32, #tpu.memory_space<vmem>> -> memref<8xi32, #tpu.memory_space<vmem>>
      %dma_start3A_564 = arith.constant 0 : i32
      %dma_start3A_565 = arith.constant 0 : i32
      %dma_start3A_566 = tpu.memref_slice %arg5[%dma_start3A_564, %dma_start3A_565] : memref<2464x768xf32, #tpu.memory_space<hbm>> -> memref<2464x768xf32, #tpu.memory_space<hbm>>
      tpu.enqueue_indirect_dma source(%dma_start3A_566 : memref<2464x768xf32, #tpu.memory_space<hbm>>) target(%dma_start3A_562 : memref<8x768xf32, #tpu.memory_space<vmem>>) offsets(%dma_start3A_563 : memref<8xi32, #tpu.memory_space<vmem>>) semaphore(%arg16 : memref<!tpu.dma_semaphore, #tpu.memory_space<semaphore_mem>>)
      %dma_wait3A_567 = arith.constant 0 : i32
      %dma_wait3A_568 = arith.constant 0 : i32
      %dma_wait3A_569 = tpu.memref_slice %arg9[%dma_wait3A_567, %dma_wait3A_568] : memref<32x768xf32, #tpu.memory_space<vmem>> -> memref<8x768xf32, #tpu.memory_space<vmem>>
      %dma_wait3A_570 = arith.constant 0 : i32
      %dma_wait3A_571 = tpu.memref_slice %arg7[%dma_wait3A_570] : memref<9856xi32, #tpu.memory_space<vmem>> -> memref<8xi32, #tpu.memory_space<vmem>>
      %dma_wait3A_572 = arith.constant 0 : i32
      %dma_wait3A_573 = arith.constant 0 : i32
      %dma_wait3A_574 = tpu.memref_slice %arg4[%dma_wait3A_572, %dma_wait3A_573] : memref<49408x768xf32, #tpu.memory_space<hbm>> -> memref<49408x768xf32, #tpu.memory_space<hbm>>
      tpu.wait_indirect_dma semaphore(%arg13 : memref<!tpu.dma_semaphore, #tpu.memory_space<semaphore_mem>>) src(%dma_wait3A_574 : memref<49408x768xf32, #tpu.memory_space<hbm>>) dst(%dma_wait3A_569 : memref<8x768xf32, #tpu.memory_space<vmem>>)
      %dma_wait3A_575 = arith.constant 0 : i32
      %dma_wait3A_576 = arith.constant 0 : i32
      %dma_wait3A_577 = tpu.memref_slice %arg11[%dma_wait3A_575, %dma_wait3A_576] : memref<32x768xf32, #tpu.memory_space<vmem>> -> memref<8x768xf32, #tpu.memory_space<vmem>>
      %dma_wait3A_578 = arith.constant 0 : i32
      %dma_wait3A_579 = tpu.memref_slice %arg8[%dma_wait3A_578] : memref<9856xi32, #tpu.memory_space<vmem>> -> memref<8xi32, #tpu.memory_space<vmem>>
      %dma_wait3A_580 = arith.constant 0 : i32
      %dma_wait3A_581 = arith.constant 0 : i32
      %dma_wait3A_582 = tpu.memref_slice %arg5[%dma_wait3A_580, %dma_wait3A_581] : memref<2464x768xf32, #tpu.memory_space<hbm>> -> memref<2464x768xf32, #tpu.memory_space<hbm>>
      tpu.wait_indirect_dma semaphore(%arg15 : memref<!tpu.dma_semaphore, #tpu.memory_space<semaphore_mem>>) src(%dma_wait3A_582 : memref<2464x768xf32, #tpu.memory_space<hbm>>) dst(%dma_wait3A_577 : memref<8x768xf32, #tpu.memory_space<vmem>>)
      %dma_wait3A_583 = arith.constant 8 : i32
      %dma_wait3A_584 = arith.constant 0 : i32
      %dma_wait3A_585 = tpu.memref_slice %arg9[%dma_wait3A_583, %dma_wait3A_584] : memref<32x768xf32, #tpu.memory_space<vmem>> -> memref<8x768xf32, #tpu.memory_space<vmem>>
      %dma_wait3A_586 = arith.constant 0 : i32
      %dma_wait3A_587 = tpu.memref_slice %arg7[%dma_wait3A_586] : memref<9856xi32, #tpu.memory_space<vmem>> -> memref<8xi32, #tpu.memory_space<vmem>>
      %dma_wait3A_588 = arith.constant 0 : i32
      %dma_wait3A_589 = arith.constant 0 : i32
      %dma_wait3A_590 = tpu.memref_slice %arg4[%dma_wait3A_588, %dma_wait3A_589] : memref<49408x768xf32, #tpu.memory_space<hbm>> -> memref<49408x768xf32, #tpu.memory_space<hbm>>
      tpu.wait_indirect_dma semaphore(%arg13 : memref<!tpu.dma_semaphore, #tpu.memory_space<semaphore_mem>>) src(%dma_wait3A_590 : memref<49408x768xf32, #tpu.memory_space<hbm>>) dst(%dma_wait3A_585 : memref<8x768xf32, #tpu.memory_space<vmem>>)
      %dma_wait3A_591 = arith.constant 8 : i32
      %dma_wait3A_592 = arith.constant 0 : i32
      %dma_wait3A_593 = tpu.memref_slice %arg11[%dma_wait3A_591, %dma_wait3A_592] : memref<32x768xf32, #tpu.memory_space<vmem>> -> memref<8x768xf32, #tpu.memory_space<vmem>>
      %dma_wait3A_594 = arith.constant 0 : i32
      %dma_wait3A_595 = tpu.memref_slice %arg8[%dma_wait3A_594] : memref<9856xi32, #tpu.memory_space<vmem>> -> memref<8xi32, #tpu.memory_space<vmem>>
      %dma_wait3A_596 = arith.constant 0 : i32
      %dma_wait3A_597 = arith.constant 0 : i32
      %dma_wait3A_598 = tpu.memref_slice %arg5[%dma_wait3A_596, %dma_wait3A_597] : memref<2464x768xf32, #tpu.memory_space<hbm>> -> memref<2464x768xf32, #tpu.memory_space<hbm>>
      tpu.wait_indirect_dma semaphore(%arg15 : memref<!tpu.dma_semaphore, #tpu.memory_space<semaphore_mem>>) src(%dma_wait3A_598 : memref<2464x768xf32, #tpu.memory_space<hbm>>) dst(%dma_wait3A_593 : memref<8x768xf32, #tpu.memory_space<vmem>>)
      %dma_wait3A_599 = arith.constant 16 : i32
      %dma_wait3A_600 = arith.constant 0 : i32
      %dma_wait3A_601 = tpu.memref_slice %arg9[%dma_wait3A_599, %dma_wait3A_600] : memref<32x768xf32, #tpu.memory_space<vmem>> -> memref<8x768xf32, #tpu.memory_space<vmem>>
      %dma_wait3A_602 = arith.constant 0 : i32
      %dma_wait3A_603 = tpu.memref_slice %arg7[%dma_wait3A_602] : memref<9856xi32, #tpu.memory_space<vmem>> -> memref<8xi32, #tpu.memory_space<vmem>>
      %dma_wait3A_604 = arith.constant 0 : i32
      %dma_wait3A_605 = arith.constant 0 : i32
      %dma_wait3A_606 = tpu.memref_slice %arg4[%dma_wait3A_604, %dma_wait3A_605] : memref<49408x768xf32, #tpu.memory_space<hbm>> -> memref<49408x768xf32, #tpu.memory_space<hbm>>
      tpu.wait_indirect_dma semaphore(%arg13 : memref<!tpu.dma_semaphore, #tpu.memory_space<semaphore_mem>>) src(%dma_wait3A_606 : memref<49408x768xf32, #tpu.memory_space<hbm>>) dst(%dma_wait3A_601 : memref<8x768xf32, #tpu.memory_space<vmem>>)
      %dma_wait3A_607 = arith.constant 16 : i32
      %dma_wait3A_608 = arith.constant 0 : i32
      %dma_wait3A_609 = tpu.memref_slice %arg11[%dma_wait3A_607, %dma_wait3A_608] : memref<32x768xf32, #tpu.memory_space<vmem>> -> memref<8x768xf32, #tpu.memory_space<vmem>>
      %dma_wait3A_610 = arith.constant 0 : i32
      %dma_wait3A_611 = tpu.memref_slice %arg8[%dma_wait3A_610] : memref<9856xi32, #tpu.memory_space<vmem>> -> memref<8xi32, #tpu.memory_space<vmem>>
      %dma_wait3A_612 = arith.constant 0 : i32
      %dma_wait3A_613 = arith.constant 0 : i32
      %dma_wait3A_614 = tpu.memref_slice %arg5[%dma_wait3A_612, %dma_wait3A_613] : memref<2464x768xf32, #tpu.memory_space<hbm>> -> memref<2464x768xf32, #tpu.memory_space<hbm>>
      tpu.wait_indirect_dma semaphore(%arg15 : memref<!tpu.dma_semaphore, #tpu.memory_space<semaphore_mem>>) src(%dma_wait3A_614 : memref<2464x768xf32, #tpu.memory_space<hbm>>) dst(%dma_wait3A_609 : memref<8x768xf32, #tpu.memory_space<vmem>>)
      %dma_wait3A_615 = arith.constant 24 : i32
      %dma_wait3A_616 = arith.constant 0 : i32
      %dma_wait3A_617 = tpu.memref_slice %arg9[%dma_wait3A_615, %dma_wait3A_616] : memref<32x768xf32, #tpu.memory_space<vmem>> -> memref<8x768xf32, #tpu.memory_space<vmem>>
      %dma_wait3A_618 = arith.constant 0 : i32
      %dma_wait3A_619 = tpu.memref_slice %arg7[%dma_wait3A_618] : memref<9856xi32, #tpu.memory_space<vmem>> -> memref<8xi32, #tpu.memory_space<vmem>>
      %dma_wait3A_620 = arith.constant 0 : i32
      %dma_wait3A_621 = arith.constant 0 : i32
      %dma_wait3A_622 = tpu.memref_slice %arg4[%dma_wait3A_620, %dma_wait3A_621] : memref<49408x768xf32, #tpu.memory_space<hbm>> -> memref<49408x768xf32, #tpu.memory_space<hbm>>
      tpu.wait_indirect_dma semaphore(%arg13 : memref<!tpu.dma_semaphore, #tpu.memory_space<semaphore_mem>>) src(%dma_wait3A_622 : memref<49408x768xf32, #tpu.memory_space<hbm>>) dst(%dma_wait3A_617 : memref<8x768xf32, #tpu.memory_space<vmem>>)
      %dma_wait3A_623 = arith.constant 24 : i32
      %dma_wait3A_624 = arith.constant 0 : i32
      %dma_wait3A_625 = tpu.memref_slice %arg11[%dma_wait3A_623, %dma_wait3A_624] : memref<32x768xf32, #tpu.memory_space<vmem>> -> memref<8x768xf32, #tpu.memory_space<vmem>>
      %dma_wait3A_626 = arith.constant 0 : i32
      %dma_wait3A_627 = tpu.memref_slice %arg8[%dma_wait3A_626] : memref<9856xi32, #tpu.memory_space<vmem>> -> memref<8xi32, #tpu.memory_space<vmem>>
      %dma_wait3A_628 = arith.constant 0 : i32
      %dma_wait3A_629 = arith.constant 0 : i32
      %dma_wait3A_630 = tpu.memref_slice %arg5[%dma_wait3A_628, %dma_wait3A_629] : memref<2464x768xf32, #tpu.memory_space<hbm>> -> memref<2464x768xf32, #tpu.memory_space<hbm>>
      tpu.wait_indirect_dma semaphore(%arg15 : memref<!tpu.dma_semaphore, #tpu.memory_space<semaphore_mem>>) src(%dma_wait3A_630 : memref<2464x768xf32, #tpu.memory_space<hbm>>) dst(%dma_wait3A_625 : memref<8x768xf32, #tpu.memory_space<vmem>>)
      %scan3A_631 = arith.constant 0 : i32
      %scan3A_632 = arith.constant 32 : i32
      %scan3A_633 = arith.addi %scan3A_631, %scan3A_632 : i32
      %scan3A_634 = arith.constant 1 : i32
      scf.for %scan3A_643 = %scan3A_631 to %scan3A_633 step %scan3A_634  : i32 {
        %get3A = arith.index_cast %scan3A_643 : i32 to index
        %get3A_644 = arith.constant 0 : index
        %get3A_645 = tpu.vector_load %arg11[%get3A, %get3A_644] {strides = array<i32>} : memref<32x768xf32, #tpu.memory_space<vmem>>, vector<1x16xf32>,
        %get3A_646 = vector.shape_cast %get3A_645 : vector<1x16xf32> to vector<16xf32>
        %swap3A = arith.index_cast %scan3A_643 : i32 to index
        %swap3A_647 = arith.constant 0 : index
        %swap3A_648 = tpu.vector_load %arg9[%swap3A, %swap3A_647] {strides = array<i32>} : memref<32x768xf32, #tpu.memory_space<vmem>>, vector<1x16xf32>,
        %swap3A_649 = vector.shape_cast %swap3A_648 : vector<1x16xf32> to vector<16xf32>
        %swap3A_650 = vector.shape_cast %get3A_646 : vector<16xf32> to vector<1x16xf32>
        tpu.vector_store %arg9[%swap3A, %swap3A_647], %swap3A_650 {add = true, strides = array<i32>} : memref<32x768xf32, #tpu.memory_space<vmem>>, vector<1x16xf32>,
        %get3A_651 = arith.index_cast %scan3A_643 : i32 to index
        %get3A_652 = arith.constant 16 : index
        %get3A_653 = tpu.vector_load %arg11[%get3A_651, %get3A_652] {strides = array<i32>} : memref<32x768xf32, #tpu.memory_space<vmem>>, vector<1x16xf32>,
        %get3A_654 = vector.shape_cast %get3A_653 : vector<1x16xf32> to vector<16xf32>
        %swap3A_655 = arith.index_cast %scan3A_643 : i32 to index
        %swap3A_656 = arith.constant 16 : index
        %swap3A_657 = tpu.vector_load %arg9[%swap3A_655, %swap3A_656] {strides = array<i32>} : memref<32x768xf32, #tpu.memory_space<vmem>>, vector<1x16xf32>,
        %swap3A_658 = vector.shape_cast %swap3A_657 : vector<1x16xf32> to vector<16xf32>
        %swap3A_659 = vector.shape_cast %get3A_654 : vector<16xf32> to vector<1x16xf32>
        tpu.vector_store %arg9[%swap3A_655, %swap3A_656], %swap3A_659 {add = true, strides = array<i32>} : memref<32x768xf32, #tpu.memory_space<vmem>>, vector<1x16xf32>,
        %get3A_660 = arith.index_cast %scan3A_643 : i32 to index
        %get3A_661 = arith.constant 32 : index
        %get3A_662 = tpu.vector_load %arg11[%get3A_660, %get3A_661] {strides = array<i32>} : memref<32x768xf32, #tpu.memory_space<vmem>>, vector<1x16xf32>,
        %get3A_663 = vector.shape_cast %get3A_662 : vector<1x16xf32> to vector<16xf32>
        %swap3A_664 = arith.index_cast %scan3A_643 : i32 to index
        %swap3A_665 = arith.constant 32 : index
        %swap3A_666 = tpu.vector_load %arg9[%swap3A_664, %swap3A_665] {strides = array<i32>} : memref<32x768xf32, #tpu.memory_space<vmem>>, vector<1x16xf32>,
        %swap3A_667 = vector.shape_cast %swap3A_666 : vector<1x16xf32> to vector<16xf32>
        %swap3A_668 = vector.shape_cast %get3A_663 : vector<16xf32> to vector<1x16xf32>
        tpu.vector_store %arg9[%swap3A_664, %swap3A_665], %swap3A_668 {add = true, strides = array<i32>} : memref<32x768xf32, #tpu.memory_space<vmem>>, vector<1x16xf32>,
        %get3A_669 = arith.index_cast %scan3A_643 : i32 to index
        %get3A_670 = arith.constant 48 : index
        %get3A_671 = tpu.vector_load %arg11[%get3A_669, %get3A_670] {strides = array<i32>} : memref<32x768xf32, #tpu.memory_space<vmem>>, vector<1x16xf32>,
        %get3A_672 = vector.shape_cast %get3A_671 : vector<1x16xf32> to vector<16xf32>
        %swap3A_673 = arith.index_cast %scan3A_643 : i32 to index
        %swap3A_674 = arith.constant 48 : index
        %swap3A_675 = tpu.vector_load %arg9[%swap3A_673, %swap3A_674] {strides = array<i32>} : memref<32x768xf32, #tpu.memory_space<vmem>>, vector<1x16xf32>,
        %swap3A_676 = vector.shape_cast %swap3A_675 : vector<1x16xf32> to vector<16xf32>
        %swap3A_677 = vector.shape_cast %get3A_672 : vector<16xf32> to vector<1x16xf32>
        tpu.vector_store %arg9[%swap3A_673, %swap3A_674], %swap3A_677 {add = true, strides = array<i32>} : memref<32x768xf32, #tpu.memory_space<vmem>>, vector<1x16xf32>,
        %get3A_678 = arith.index_cast %scan3A_643 : i32 to index
        %get3A_679 = arith.constant 64 : index
        %get3A_680 = tpu.vector_load %arg11[%get3A_678, %get3A_679] {strides = array<i32>} : memref<32x768xf32, #tpu.memory_space<vmem>>, vector<1x16xf32>,
        %get3A_681 = vector.shape_cast %get3A_680 : vector<1x16xf32> to vector<16xf32>
        %swap3A_682 = arith.index_cast %scan3A_643 : i32 to index
        %swap3A_683 = arith.constant 64 : index
        %swap3A_684 = tpu.vector_load %arg9[%swap3A_682, %swap3A_683] {strides = array<i32>} : memref<32x768xf32, #tpu.memory_space<vmem>>, vector<1x16xf32>,
        %swap3A_685 = vector.shape_cast %swap3A_684 : vector<1x16xf32> to vector<16xf32>
        %swap3A_686 = vector.shape_cast %get3A_681 : vector<16xf32> to vector<1x16xf32>
        tpu.vector_store %arg9[%swap3A_682, %swap3A_683], %swap3A_686 {add = true, strides = array<i32>} : memref<32x768xf32, #tpu.memory_space<vmem>>, vector<1x16xf32>,
        %get3A_687 = arith.index_cast %scan3A_643 : i32 to index
        %get3A_688 = arith.constant 80 : index
        %get3A_689 = tpu.vector_load %arg11[%get3A_687, %get3A_688] {strides = array<i32>} : memref<32x768xf32, #tpu.memory_space<vmem>>, vector<1x16xf32>,
        %get3A_690 = vector.shape_cast %get3A_689 : vector<1x16xf32> to vector<16xf32>
        %swap3A_691 = arith.index_cast %scan3A_643 : i32 to index
        %swap3A_692 = arith.constant 80 : index
        %swap3A_693 = tpu.vector_load %arg9[%swap3A_691, %swap3A_692] {strides = array<i32>} : memref<32x768xf32, #tpu.memory_space<vmem>>, vector<1x16xf32>,
        %swap3A_694 = vector.shape_cast %swap3A_693 : vector<1x16xf32> to vector<16xf32>
        %swap3A_695 = vector.shape_cast %get3A_690 : vector<16xf32> to vector<1x16xf32>
        tpu.vector_store %arg9[%swap3A_691, %swap3A_692], %swap3A_695 {add = true, strides = array<i32>} : memref<32x768xf32, #tpu.memory_space<vmem>>, vector<1x16xf32>,
        %get3A_696 = arith.index_cast %scan3A_643 : i32 to index
        %get3A_697 = arith.constant 96 : index
        %get3A_698 = tpu.vector_load %arg11[%get3A_696, %get3A_697] {strides = array<i32>} : memref<32x768xf32, #tpu.memory_space<vmem>>, vector<1x16xf32>,
        %get3A_699 = vector.shape_cast %get3A_698 : vector<1x16xf32> to vector<16xf32>
        %swap3A_700 = arith.index_cast %scan3A_643 : i32 to index
        %swap3A_701 = arith.constant 96 : index
        %swap3A_702 = tpu.vector_load %arg9[%swap3A_700, %swap3A_701] {strides = array<i32>} : memref<32x768xf32, #tpu.memory_space<vmem>>, vector<1x16xf32>,
        %swap3A_703 = vector.shape_cast %swap3A_702 : vector<1x16xf32> to vector<16xf32>
        %swap3A_704 = vector.shape_cast %get3A_699 : vector<16xf32> to vector<1x16xf32>
        tpu.vector_store %arg9[%swap3A_700, %swap3A_701], %swap3A_704 {add = true, strides = array<i32>} : memref<32x768xf32, #tpu.memory_space<vmem>>, vector<1x16xf32>,
        %get3A_705 = arith.index_cast %scan3A_643 : i32 to index
        %get3A_706 = arith.constant 112 : index
        %get3A_707 = tpu.vector_load %arg11[%get3A_705, %get3A_706] {strides = array<i32>} : memref<32x768xf32, #tpu.memory_space<vmem>>, vector<1x16xf32>,
        %get3A_708 = vector.shape_cast %get3A_707 : vector<1x16xf32> to vector<16xf32>
        %swap3A_709 = arith.index_cast %scan3A_643 : i32 to index
        %swap3A_710 = arith.constant 112 : index
        %swap3A_711 = tpu.vector_load %arg9[%swap3A_709, %swap3A_710] {strides = array<i32>} : memref<32x768xf32, #tpu.memory_space<vmem>>, vector<1x16xf32>,
        %swap3A_712 = vector.shape_cast %swap3A_711 : vector<1x16xf32> to vector<16xf32>
        %swap3A_713 = vector.shape_cast %get3A_708 : vector<16xf32> to vector<1x16xf32>
        tpu.vector_store %arg9[%swap3A_709, %swap3A_710], %swap3A_713 {add = true, strides = array<i32>} : memref<32x768xf32, #tpu.memory_space<vmem>>, vector<1x16xf32>,
        %get3A_714 = arith.index_cast %scan3A_643 : i32 to index
        %get3A_715 = arith.constant 128 : index
        %get3A_716 = tpu.vector_load %arg11[%get3A_714, %get3A_715] {strides = array<i32>} : memref<32x768xf32, #tpu.memory_space<vmem>>, vector<1x16xf32>,
        %get3A_717 = vector.shape_cast %get3A_716 : vector<1x16xf32> to vector<16xf32>
        %swap3A_718 = arith.index_cast %scan3A_643 : i32 to index
        %swap3A_719 = arith.constant 128 : index
        %swap3A_720 = tpu.vector_load %arg9[%swap3A_718, %swap3A_719] {strides = array<i32>} : memref<32x768xf32, #tpu.memory_space<vmem>>, vector<1x16xf32>,
        %swap3A_721 = vector.shape_cast %swap3A_720 : vector<1x16xf32> to vector<16xf32>
        %swap3A_722 = vector.shape_cast %get3A_717 : vector<16xf32> to vector<1x16xf32>
        tpu.vector_store %arg9[%swap3A_718, %swap3A_719], %swap3A_722 {add = true, strides = array<i32>} : memref<32x768xf32, #tpu.memory_space<vmem>>, vector<1x16xf32>,
        %get3A_723 = arith.index_cast %scan3A_643 : i32 to index
        %get3A_724 = arith.constant 144 : index
        %get3A_725 = tpu.vector_load %arg11[%get3A_723, %get3A_724] {strides = array<i32>} : memref<32x768xf32, #tpu.memory_space<vmem>>, vector<1x16xf32>,
        %get3A_726 = vector.shape_cast %get3A_725 : vector<1x16xf32> to vector<16xf32>
        %swap3A_727 = arith.index_cast %scan3A_643 : i32 to index
        %swap3A_728 = arith.constant 144 : index
        %swap3A_729 = tpu.vector_load %arg9[%swap3A_727, %swap3A_728] {strides = array<i32>} : memref<32x768xf32, #tpu.memory_space<vmem>>, vector<1x16xf32>,
        %swap3A_730 = vector.shape_cast %swap3A_729 : vector<1x16xf32> to vector<16xf32>
        %swap3A_731 = vector.shape_cast %get3A_726 : vector<16xf32> to vector<1x16xf32>
        tpu.vector_store %arg9[%swap3A_727, %swap3A_728], %swap3A_731 {add = true, strides = array<i32>} : memref<32x768xf32, #tpu.memory_space<vmem>>, vector<1x16xf32>,
        %get3A_732 = arith.index_cast %scan3A_643 : i32 to index
        %get3A_733 = arith.constant 160 : index
        %get3A_734 = tpu.vector_load %arg11[%get3A_732, %get3A_733] {strides = array<i32>} : memref<32x768xf32, #tpu.memory_space<vmem>>, vector<1x16xf32>,
        %get3A_735 = vector.shape_cast %get3A_734 : vector<1x16xf32> to vector<16xf32>
        %swap3A_736 = arith.index_cast %scan3A_643 : i32 to index
        %swap3A_737 = arith.constant 160 : index
        %swap3A_738 = tpu.vector_load %arg9[%swap3A_736, %swap3A_737] {strides = array<i32>} : memref<32x768xf32, #tpu.memory_space<vmem>>, vector<1x16xf32>,
        %swap3A_739 = vector.shape_cast %swap3A_738 : vector<1x16xf32> to vector<16xf32>
        %swap3A_740 = vector.shape_cast %get3A_735 : vector<16xf32> to vector<1x16xf32>
        tpu.vector_store %arg9[%swap3A_736, %swap3A_737], %swap3A_740 {add = true, strides = array<i32>} : memref<32x768xf32, #tpu.memory_space<vmem>>, vector<1x16xf32>,
        %get3A_741 = arith.index_cast %scan3A_643 : i32 to index
        %get3A_742 = arith.constant 176 : index
        %get3A_743 = tpu.vector_load %arg11[%get3A_741, %get3A_742] {strides = array<i32>} : memref<32x768xf32, #tpu.memory_space<vmem>>, vector<1x16xf32>,
        %get3A_744 = vector.shape_cast %get3A_743 : vector<1x16xf32> to vector<16xf32>
        %swap3A_745 = arith.index_cast %scan3A_643 : i32 to index
        %swap3A_746 = arith.constant 176 : index
        %swap3A_747 = tpu.vector_load %arg9[%swap3A_745, %swap3A_746] {strides = array<i32>} : memref<32x768xf32, #tpu.memory_space<vmem>>, vector<1x16xf32>,
        %swap3A_748 = vector.shape_cast %swap3A_747 : vector<1x16xf32> to vector<16xf32>
        %swap3A_749 = vector.shape_cast %get3A_744 : vector<16xf32> to vector<1x16xf32>
        tpu.vector_store %arg9[%swap3A_745, %swap3A_746], %swap3A_749 {add = true, strides = array<i32>} : memref<32x768xf32, #tpu.memory_space<vmem>>, vector<1x16xf32>,
        %get3A_750 = arith.index_cast %scan3A_643 : i32 to index
        %get3A_751 = arith.constant 192 : index
        %get3A_752 = tpu.vector_load %arg11[%get3A_750, %get3A_751] {strides = array<i32>} : memref<32x768xf32, #tpu.memory_space<vmem>>, vector<1x16xf32>,
        %get3A_753 = vector.shape_cast %get3A_752 : vector<1x16xf32> to vector<16xf32>
        %swap3A_754 = arith.index_cast %scan3A_643 : i32 to index
        %swap3A_755 = arith.constant 192 : index
        %swap3A_756 = tpu.vector_load %arg9[%swap3A_754, %swap3A_755] {strides = array<i32>} : memref<32x768xf32, #tpu.memory_space<vmem>>, vector<1x16xf32>,
        %swap3A_757 = vector.shape_cast %swap3A_756 : vector<1x16xf32> to vector<16xf32>
        %swap3A_758 = vector.shape_cast %get3A_753 : vector<16xf32> to vector<1x16xf32>
        tpu.vector_store %arg9[%swap3A_754, %swap3A_755], %swap3A_758 {add = true, strides = array<i32>} : memref<32x768xf32, #tpu.memory_space<vmem>>, vector<1x16xf32>,
        %get3A_759 = arith.index_cast %scan3A_643 : i32 to index
        %get3A_760 = arith.constant 208 : index
        %get3A_761 = tpu.vector_load %arg11[%get3A_759, %get3A_760] {strides = array<i32>} : memref<32x768xf32, #tpu.memory_space<vmem>>, vector<1x16xf32>,
        %get3A_762 = vector.shape_cast %get3A_761 : vector<1x16xf32> to vector<16xf32>
        %swap3A_763 = arith.index_cast %scan3A_643 : i32 to index
        %swap3A_764 = arith.constant 208 : index
        %swap3A_765 = tpu.vector_load %arg9[%swap3A_763, %swap3A_764] {strides = array<i32>} : memref<32x768xf32, #tpu.memory_space<vmem>>, vector<1x16xf32>,
        %swap3A_766 = vector.shape_cast %swap3A_765 : vector<1x16xf32> to vector<16xf32>
        %swap3A_767 = vector.shape_cast %get3A_762 : vector<16xf32> to vector<1x16xf32>
        tpu.vector_store %arg9[%swap3A_763, %swap3A_764], %swap3A_767 {add = true, strides = array<i32>} : memref<32x768xf32, #tpu.memory_space<vmem>>, vector<1x16xf32>,
        %get3A_768 = arith.index_cast %scan3A_643 : i32 to index
        %get3A_769 = arith.constant 224 : index
        %get3A_770 = tpu.vector_load %arg11[%get3A_768, %get3A_769] {strides = array<i32>} : memref<32x768xf32, #tpu.memory_space<vmem>>, vector<1x16xf32>,
        %get3A_771 = vector.shape_cast %get3A_770 : vector<1x16xf32> to vector<16xf32>
        %swap3A_772 = arith.index_cast %scan3A_643 : i32 to index
        %swap3A_773 = arith.constant 224 : index
        %swap3A_774 = tpu.vector_load %arg9[%swap3A_772, %swap3A_773] {strides = array<i32>} : memref<32x768xf32, #tpu.memory_space<vmem>>, vector<1x16xf32>,
        %swap3A_775 = vector.shape_cast %swap3A_774 : vector<1x16xf32> to vector<16xf32>
        %swap3A_776 = vector.shape_cast %get3A_771 : vector<16xf32> to vector<1x16xf32>
        tpu.vector_store %arg9[%swap3A_772, %swap3A_773], %swap3A_776 {add = true, strides = array<i32>} : memref<32x768xf32, #tpu.memory_space<vmem>>, vector<1x16xf32>,
        %get3A_777 = arith.index_cast %scan3A_643 : i32 to index
        %get3A_778 = arith.constant 240 : index
        %get3A_779 = tpu.vector_load %arg11[%get3A_777, %get3A_778] {strides = array<i32>} : memref<32x768xf32, #tpu.memory_space<vmem>>, vector<1x16xf32>,
        %get3A_780 = vector.shape_cast %get3A_779 : vector<1x16xf32> to vector<16xf32>
        %swap3A_781 = arith.index_cast %scan3A_643 : i32 to index
        %swap3A_782 = arith.constant 240 : index
        %swap3A_783 = tpu.vector_load %arg9[%swap3A_781, %swap3A_782] {strides = array<i32>} : memref<32x768xf32, #tpu.memory_space<vmem>>, vector<1x16xf32>,
        %swap3A_784 = vector.shape_cast %swap3A_783 : vector<1x16xf32> to vector<16xf32>
        %swap3A_785 = vector.shape_cast %get3A_780 : vector<16xf32> to vector<1x16xf32>
        tpu.vector_store %arg9[%swap3A_781, %swap3A_782], %swap3A_785 {add = true, strides = array<i32>} : memref<32x768xf32, #tpu.memory_space<vmem>>, vector<1x16xf32>,
        %get3A_786 = arith.index_cast %scan3A_643 : i32 to index
        %get3A_787 = arith.constant 256 : index
        %get3A_788 = tpu.vector_load %arg11[%get3A_786, %get3A_787] {strides = array<i32>} : memref<32x768xf32, #tpu.memory_space<vmem>>, vector<1x16xf32>,
        %get3A_789 = vector.shape_cast %get3A_788 : vector<1x16xf32> to vector<16xf32>
        %swap3A_790 = arith.index_cast %scan3A_643 : i32 to index
        %swap3A_791 = arith.constant 256 : index
        %swap3A_792 = tpu.vector_load %arg9[%swap3A_790, %swap3A_791] {strides = array<i32>} : memref<32x768xf32, #tpu.memory_space<vmem>>, vector<1x16xf32>,
        %swap3A_793 = vector.shape_cast %swap3A_792 : vector<1x16xf32> to vector<16xf32>
        %swap3A_794 = vector.shape_cast %get3A_789 : vector<16xf32> to vector<1x16xf32>
        tpu.vector_store %arg9[%swap3A_790, %swap3A_791], %swap3A_794 {add = true, strides = array<i32>} : memref<32x768xf32, #tpu.memory_space<vmem>>, vector<1x16xf32>,
        %get3A_795 = arith.index_cast %scan3A_643 : i32 to index
        %get3A_796 = arith.constant 272 : index
        %get3A_797 = tpu.vector_load %arg11[%get3A_795, %get3A_796] {strides = array<i32>} : memref<32x768xf32, #tpu.memory_space<vmem>>, vector<1x16xf32>,
        %get3A_798 = vector.shape_cast %get3A_797 : vector<1x16xf32> to vector<16xf32>
        %swap3A_799 = arith.index_cast %scan3A_643 : i32 to index
        %swap3A_800 = arith.constant 272 : index
        %swap3A_801 = tpu.vector_load %arg9[%swap3A_799, %swap3A_800] {strides = array<i32>} : memref<32x768xf32, #tpu.memory_space<vmem>>, vector<1x16xf32>,
        %swap3A_802 = vector.shape_cast %swap3A_801 : vector<1x16xf32> to vector<16xf32>
        %swap3A_803 = vector.shape_cast %get3A_798 : vector<16xf32> to vector<1x16xf32>
        tpu.vector_store %arg9[%swap3A_799, %swap3A_800], %swap3A_803 {add = true, strides = array<i32>} : memref<32x768xf32, #tpu.memory_space<vmem>>, vector<1x16xf32>,
        %get3A_804 = arith.index_cast %scan3A_643 : i32 to index
        %get3A_805 = arith.constant 288 : index
        %get3A_806 = tpu.vector_load %arg11[%get3A_804, %get3A_805] {strides = array<i32>} : memref<32x768xf32, #tpu.memory_space<vmem>>, vector<1x16xf32>,
        %get3A_807 = vector.shape_cast %get3A_806 : vector<1x16xf32> to vector<16xf32>
        %swap3A_808 = arith.index_cast %scan3A_643 : i32 to index
        %swap3A_809 = arith.constant 288 : index
        %swap3A_810 = tpu.vector_load %arg9[%swap3A_808, %swap3A_809] {strides = array<i32>} : memref<32x768xf32, #tpu.memory_space<vmem>>, vector<1x16xf32>,
        %swap3A_811 = vector.shape_cast %swap3A_810 : vector<1x16xf32> to vector<16xf32>
        %swap3A_812 = vector.shape_cast %get3A_807 : vector<16xf32> to vector<1x16xf32>
        tpu.vector_store %arg9[%swap3A_808, %swap3A_809], %swap3A_812 {add = true, strides = array<i32>} : memref<32x768xf32, #tpu.memory_space<vmem>>, vector<1x16xf32>,
        %get3A_813 = arith.index_cast %scan3A_643 : i32 to index
        %get3A_814 = arith.constant 304 : index
        %get3A_815 = tpu.vector_load %arg11[%get3A_813, %get3A_814] {strides = array<i32>} : memref<32x768xf32, #tpu.memory_space<vmem>>, vector<1x16xf32>,
        %get3A_816 = vector.shape_cast %get3A_815 : vector<1x16xf32> to vector<16xf32>
        %swap3A_817 = arith.index_cast %scan3A_643 : i32 to index
        %swap3A_818 = arith.constant 304 : index
        %swap3A_819 = tpu.vector_load %arg9[%swap3A_817, %swap3A_818] {strides = array<i32>} : memref<32x768xf32, #tpu.memory_space<vmem>>, vector<1x16xf32>,
        %swap3A_820 = vector.shape_cast %swap3A_819 : vector<1x16xf32> to vector<16xf32>
        %swap3A_821 = vector.shape_cast %get3A_816 : vector<16xf32> to vector<1x16xf32>
        tpu.vector_store %arg9[%swap3A_817, %swap3A_818], %swap3A_821 {add = true, strides = array<i32>} : memref<32x768xf32, #tpu.memory_space<vmem>>, vector<1x16xf32>,
        %get3A_822 = arith.index_cast %scan3A_643 : i32 to index
        %get3A_823 = arith.constant 320 : index
        %get3A_824 = tpu.vector_load %arg11[%get3A_822, %get3A_823] {strides = array<i32>} : memref<32x768xf32, #tpu.memory_space<vmem>>, vector<1x16xf32>,
        %get3A_825 = vector.shape_cast %get3A_824 : vector<1x16xf32> to vector<16xf32>
        %swap3A_826 = arith.index_cast %scan3A_643 : i32 to index
        %swap3A_827 = arith.constant 320 : index
        %swap3A_828 = tpu.vector_load %arg9[%swap3A_826, %swap3A_827] {strides = array<i32>} : memref<32x768xf32, #tpu.memory_space<vmem>>, vector<1x16xf32>,
        %swap3A_829 = vector.shape_cast %swap3A_828 : vector<1x16xf32> to vector<16xf32>
        %swap3A_830 = vector.shape_cast %get3A_825 : vector<16xf32> to vector<1x16xf32>
        tpu.vector_store %arg9[%swap3A_826, %swap3A_827], %swap3A_830 {add = true, strides = array<i32>} : memref<32x768xf32, #tpu.memory_space<vmem>>, vector<1x16xf32>,
        %get3A_831 = arith.index_cast %scan3A_643 : i32 to index
        %get3A_832 = arith.constant 336 : index
        %get3A_833 = tpu.vector_load %arg11[%get3A_831, %get3A_832] {strides = array<i32>} : memref<32x768xf32, #tpu.memory_space<vmem>>, vector<1x16xf32>,
        %get3A_834 = vector.shape_cast %get3A_833 : vector<1x16xf32> to vector<16xf32>
        %swap3A_835 = arith.index_cast %scan3A_643 : i32 to index
        %swap3A_836 = arith.constant 336 : index
        %swap3A_837 = tpu.vector_load %arg9[%swap3A_835, %swap3A_836] {strides = array<i32>} : memref<32x768xf32, #tpu.memory_space<vmem>>, vector<1x16xf32>,
        %swap3A_838 = vector.shape_cast %swap3A_837 : vector<1x16xf32> to vector<16xf32>
        %swap3A_839 = vector.shape_cast %get3A_834 : vector<16xf32> to vector<1x16xf32>
        tpu.vector_store %arg9[%swap3A_835, %swap3A_836], %swap3A_839 {add = true, strides = array<i32>} : memref<32x768xf32, #tpu.memory_space<vmem>>, vector<1x16xf32>,
        %get3A_840 = arith.index_cast %scan3A_643 : i32 to index
        %get3A_841 = arith.constant 352 : index
        %get3A_842 = tpu.vector_load %arg11[%get3A_840, %get3A_841] {strides = array<i32>} : memref<32x768xf32, #tpu.memory_space<vmem>>, vector<1x16xf32>,
        %get3A_843 = vector.shape_cast %get3A_842 : vector<1x16xf32> to vector<16xf32>
        %swap3A_844 = arith.index_cast %scan3A_643 : i32 to index
        %swap3A_845 = arith.constant 352 : index
        %swap3A_846 = tpu.vector_load %arg9[%swap3A_844, %swap3A_845] {strides = array<i32>} : memref<32x768xf32, #tpu.memory_space<vmem>>, vector<1x16xf32>,
        %swap3A_847 = vector.shape_cast %swap3A_846 : vector<1x16xf32> to vector<16xf32>
        %swap3A_848 = vector.shape_cast %get3A_843 : vector<16xf32> to vector<1x16xf32>
        tpu.vector_store %arg9[%swap3A_844, %swap3A_845], %swap3A_848 {add = true, strides = array<i32>} : memref<32x768xf32, #tpu.memory_space<vmem>>, vector<1x16xf32>,
        %get3A_849 = arith.index_cast %scan3A_643 : i32 to index
        %get3A_850 = arith.constant 368 : index
        %get3A_851 = tpu.vector_load %arg11[%get3A_849, %get3A_850] {strides = array<i32>} : memref<32x768xf32, #tpu.memory_space<vmem>>, vector<1x16xf32>,
        %get3A_852 = vector.shape_cast %get3A_851 : vector<1x16xf32> to vector<16xf32>
        %swap3A_853 = arith.index_cast %scan3A_643 : i32 to index
        %swap3A_854 = arith.constant 368 : index
        %swap3A_855 = tpu.vector_load %arg9[%swap3A_853, %swap3A_854] {strides = array<i32>} : memref<32x768xf32, #tpu.memory_space<vmem>>, vector<1x16xf32>,
        %swap3A_856 = vector.shape_cast %swap3A_855 : vector<1x16xf32> to vector<16xf32>
        %swap3A_857 = vector.shape_cast %get3A_852 : vector<16xf32> to vector<1x16xf32>
        tpu.vector_store %arg9[%swap3A_853, %swap3A_854], %swap3A_857 {add = true, strides = array<i32>} : memref<32x768xf32, #tpu.memory_space<vmem>>, vector<1x16xf32>,
        %get3A_858 = arith.index_cast %scan3A_643 : i32 to index
        %get3A_859 = arith.constant 384 : index
        %get3A_860 = tpu.vector_load %arg11[%get3A_858, %get3A_859] {strides = array<i32>} : memref<32x768xf32, #tpu.memory_space<vmem>>, vector<1x16xf32>,
        %get3A_861 = vector.shape_cast %get3A_860 : vector<1x16xf32> to vector<16xf32>
        %swap3A_862 = arith.index_cast %scan3A_643 : i32 to index
        %swap3A_863 = arith.constant 384 : index
        %swap3A_864 = tpu.vector_load %arg9[%swap3A_862, %swap3A_863] {strides = array<i32>} : memref<32x768xf32, #tpu.memory_space<vmem>>, vector<1x16xf32>,
        %swap3A_865 = vector.shape_cast %swap3A_864 : vector<1x16xf32> to vector<16xf32>
        %swap3A_866 = vector.shape_cast %get3A_861 : vector<16xf32> to vector<1x16xf32>
        tpu.vector_store %arg9[%swap3A_862, %swap3A_863], %swap3A_866 {add = true, strides = array<i32>} : memref<32x768xf32, #tpu.memory_space<vmem>>, vector<1x16xf32>,
        %get3A_867 = arith.index_cast %scan3A_643 : i32 to index
        %get3A_868 = arith.constant 400 : index
        %get3A_869 = tpu.vector_load %arg11[%get3A_867, %get3A_868] {strides = array<i32>} : memref<32x768xf32, #tpu.memory_space<vmem>>, vector<1x16xf32>,
        %get3A_870 = vector.shape_cast %get3A_869 : vector<1x16xf32> to vector<16xf32>
        %swap3A_871 = arith.index_cast %scan3A_643 : i32 to index
        %swap3A_872 = arith.constant 400 : index
        %swap3A_873 = tpu.vector_load %arg9[%swap3A_871, %swap3A_872] {strides = array<i32>} : memref<32x768xf32, #tpu.memory_space<vmem>>, vector<1x16xf32>,
        %swap3A_874 = vector.shape_cast %swap3A_873 : vector<1x16xf32> to vector<16xf32>
        %swap3A_875 = vector.shape_cast %get3A_870 : vector<16xf32> to vector<1x16xf32>
        tpu.vector_store %arg9[%swap3A_871, %swap3A_872], %swap3A_875 {add = true, strides = array<i32>} : memref<32x768xf32, #tpu.memory_space<vmem>>, vector<1x16xf32>,
        %get3A_876 = arith.index_cast %scan3A_643 : i32 to index
        %get3A_877 = arith.constant 416 : index
        %get3A_878 = tpu.vector_load %arg11[%get3A_876, %get3A_877] {strides = array<i32>} : memref<32x768xf32, #tpu.memory_space<vmem>>, vector<1x16xf32>,
        %get3A_879 = vector.shape_cast %get3A_878 : vector<1x16xf32> to vector<16xf32>
        %swap3A_880 = arith.index_cast %scan3A_643 : i32 to index
        %swap3A_881 = arith.constant 416 : index
        %swap3A_882 = tpu.vector_load %arg9[%swap3A_880, %swap3A_881] {strides = array<i32>} : memref<32x768xf32, #tpu.memory_space<vmem>>, vector<1x16xf32>,
        %swap3A_883 = vector.shape_cast %swap3A_882 : vector<1x16xf32> to vector<16xf32>
        %swap3A_884 = vector.shape_cast %get3A_879 : vector<16xf32> to vector<1x16xf32>
        tpu.vector_store %arg9[%swap3A_880, %swap3A_881], %swap3A_884 {add = true, strides = array<i32>} : memref<32x768xf32, #tpu.memory_space<vmem>>, vector<1x16xf32>,
        %get3A_885 = arith.index_cast %scan3A_643 : i32 to index
        %get3A_886 = arith.constant 432 : index
        %get3A_887 = tpu.vector_load %arg11[%get3A_885, %get3A_886] {strides = array<i32>} : memref<32x768xf32, #tpu.memory_space<vmem>>, vector<1x16xf32>,
        %get3A_888 = vector.shape_cast %get3A_887 : vector<1x16xf32> to vector<16xf32>
        %swap3A_889 = arith.index_cast %scan3A_643 : i32 to index
        %swap3A_890 = arith.constant 432 : index
        %swap3A_891 = tpu.vector_load %arg9[%swap3A_889, %swap3A_890] {strides = array<i32>} : memref<32x768xf32, #tpu.memory_space<vmem>>, vector<1x16xf32>,
        %swap3A_892 = vector.shape_cast %swap3A_891 : vector<1x16xf32> to vector<16xf32>
        %swap3A_893 = vector.shape_cast %get3A_888 : vector<16xf32> to vector<1x16xf32>
        tpu.vector_store %arg9[%swap3A_889, %swap3A_890], %swap3A_893 {add = true, strides = array<i32>} : memref<32x768xf32, #tpu.memory_space<vmem>>, vector<1x16xf32>,
        %get3A_894 = arith.index_cast %scan3A_643 : i32 to index
        %get3A_895 = arith.constant 448 : index
        %get3A_896 = tpu.vector_load %arg11[%get3A_894, %get3A_895] {strides = array<i32>} : memref<32x768xf32, #tpu.memory_space<vmem>>, vector<1x16xf32>,
        %get3A_897 = vector.shape_cast %get3A_896 : vector<1x16xf32> to vector<16xf32>
        %swap3A_898 = arith.index_cast %scan3A_643 : i32 to index
        %swap3A_899 = arith.constant 448 : index
        %swap3A_900 = tpu.vector_load %arg9[%swap3A_898, %swap3A_899] {strides = array<i32>} : memref<32x768xf32, #tpu.memory_space<vmem>>, vector<1x16xf32>,
        %swap3A_901 = vector.shape_cast %swap3A_900 : vector<1x16xf32> to vector<16xf32>
        %swap3A_902 = vector.shape_cast %get3A_897 : vector<16xf32> to vector<1x16xf32>
        tpu.vector_store %arg9[%swap3A_898, %swap3A_899], %swap3A_902 {add = true, strides = array<i32>} : memref<32x768xf32, #tpu.memory_space<vmem>>, vector<1x16xf32>,
        %get3A_903 = arith.index_cast %scan3A_643 : i32 to index
        %get3A_904 = arith.constant 464 : index
        %get3A_905 = tpu.vector_load %arg11[%get3A_903, %get3A_904] {strides = array<i32>} : memref<32x768xf32, #tpu.memory_space<vmem>>, vector<1x16xf32>,
        %get3A_906 = vector.shape_cast %get3A_905 : vector<1x16xf32> to vector<16xf32>
        %swap3A_907 = arith.index_cast %scan3A_643 : i32 to index
        %swap3A_908 = arith.constant 464 : index
        %swap3A_909 = tpu.vector_load %arg9[%swap3A_907, %swap3A_908] {strides = array<i32>} : memref<32x768xf32, #tpu.memory_space<vmem>>, vector<1x16xf32>,
        %swap3A_910 = vector.shape_cast %swap3A_909 : vector<1x16xf32> to vector<16xf32>
        %swap3A_911 = vector.shape_cast %get3A_906 : vector<16xf32> to vector<1x16xf32>
        tpu.vector_store %arg9[%swap3A_907, %swap3A_908], %swap3A_911 {add = true, strides = array<i32>} : memref<32x768xf32, #tpu.memory_space<vmem>>, vector<1x16xf32>,
        %get3A_912 = arith.index_cast %scan3A_643 : i32 to index
        %get3A_913 = arith.constant 480 : index
        %get3A_914 = tpu.vector_load %arg11[%get3A_912, %get3A_913] {strides = array<i32>} : memref<32x768xf32, #tpu.memory_space<vmem>>, vector<1x16xf32>,
        %get3A_915 = vector.shape_cast %get3A_914 : vector<1x16xf32> to vector<16xf32>
        %swap3A_916 = arith.index_cast %scan3A_643 : i32 to index
        %swap3A_917 = arith.constant 480 : index
        %swap3A_918 = tpu.vector_load %arg9[%swap3A_916, %swap3A_917] {strides = array<i32>} : memref<32x768xf32, #tpu.memory_space<vmem>>, vector<1x16xf32>,
        %swap3A_919 = vector.shape_cast %swap3A_918 : vector<1x16xf32> to vector<16xf32>
        %swap3A_920 = vector.shape_cast %get3A_915 : vector<16xf32> to vector<1x16xf32>
        tpu.vector_store %arg9[%swap3A_916, %swap3A_917], %swap3A_920 {add = true, strides = array<i32>} : memref<32x768xf32, #tpu.memory_space<vmem>>, vector<1x16xf32>,
        %get3A_921 = arith.index_cast %scan3A_643 : i32 to index
        %get3A_922 = arith.constant 496 : index
        %get3A_923 = tpu.vector_load %arg11[%get3A_921, %get3A_922] {strides = array<i32>} : memref<32x768xf32, #tpu.memory_space<vmem>>, vector<1x16xf32>,
        %get3A_924 = vector.shape_cast %get3A_923 : vector<1x16xf32> to vector<16xf32>
        %swap3A_925 = arith.index_cast %scan3A_643 : i32 to index
        %swap3A_926 = arith.constant 496 : index
        %swap3A_927 = tpu.vector_load %arg9[%swap3A_925, %swap3A_926] {strides = array<i32>} : memref<32x768xf32, #tpu.memory_space<vmem>>, vector<1x16xf32>,
        %swap3A_928 = vector.shape_cast %swap3A_927 : vector<1x16xf32> to vector<16xf32>
        %swap3A_929 = vector.shape_cast %get3A_924 : vector<16xf32> to vector<1x16xf32>
        tpu.vector_store %arg9[%swap3A_925, %swap3A_926], %swap3A_929 {add = true, strides = array<i32>} : memref<32x768xf32, #tpu.memory_space<vmem>>, vector<1x16xf32>,
        %get3A_930 = arith.index_cast %scan3A_643 : i32 to index
        %get3A_931 = arith.constant 512 : index
        %get3A_932 = tpu.vector_load %arg11[%get3A_930, %get3A_931] {strides = array<i32>} : memref<32x768xf32, #tpu.memory_space<vmem>>, vector<1x16xf32>,
        %get3A_933 = vector.shape_cast %get3A_932 : vector<1x16xf32> to vector<16xf32>
        %swap3A_934 = arith.index_cast %scan3A_643 : i32 to index
        %swap3A_935 = arith.constant 512 : index
        %swap3A_936 = tpu.vector_load %arg9[%swap3A_934, %swap3A_935] {strides = array<i32>} : memref<32x768xf32, #tpu.memory_space<vmem>>, vector<1x16xf32>,
        %swap3A_937 = vector.shape_cast %swap3A_936 : vector<1x16xf32> to vector<16xf32>
        %swap3A_938 = vector.shape_cast %get3A_933 : vector<16xf32> to vector<1x16xf32>
        tpu.vector_store %arg9[%swap3A_934, %swap3A_935], %swap3A_938 {add = true, strides = array<i32>} : memref<32x768xf32, #tpu.memory_space<vmem>>, vector<1x16xf32>,
        %get3A_939 = arith.index_cast %scan3A_643 : i32 to index
        %get3A_940 = arith.constant 528 : index
        %get3A_941 = tpu.vector_load %arg11[%get3A_939, %get3A_940] {strides = array<i32>} : memref<32x768xf32, #tpu.memory_space<vmem>>, vector<1x16xf32>,
        %get3A_942 = vector.shape_cast %get3A_941 : vector<1x16xf32> to vector<16xf32>
        %swap3A_943 = arith.index_cast %scan3A_643 : i32 to index
        %swap3A_944 = arith.constant 528 : index
        %swap3A_945 = tpu.vector_load %arg9[%swap3A_943, %swap3A_944] {strides = array<i32>} : memref<32x768xf32, #tpu.memory_space<vmem>>, vector<1x16xf32>,
        %swap3A_946 = vector.shape_cast %swap3A_945 : vector<1x16xf32> to vector<16xf32>
        %swap3A_947 = vector.shape_cast %get3A_942 : vector<16xf32> to vector<1x16xf32>
        tpu.vector_store %arg9[%swap3A_943, %swap3A_944], %swap3A_947 {add = true, strides = array<i32>} : memref<32x768xf32, #tpu.memory_space<vmem>>, vector<1x16xf32>,
        %get3A_948 = arith.index_cast %scan3A_643 : i32 to index
        %get3A_949 = arith.constant 544 : index
        %get3A_950 = tpu.vector_load %arg11[%get3A_948, %get3A_949] {strides = array<i32>} : memref<32x768xf32, #tpu.memory_space<vmem>>, vector<1x16xf32>,
        %get3A_951 = vector.shape_cast %get3A_950 : vector<1x16xf32> to vector<16xf32>
        %swap3A_952 = arith.index_cast %scan3A_643 : i32 to index
        %swap3A_953 = arith.constant 544 : index
        %swap3A_954 = tpu.vector_load %arg9[%swap3A_952, %swap3A_953] {strides = array<i32>} : memref<32x768xf32, #tpu.memory_space<vmem>>, vector<1x16xf32>,
        %swap3A_955 = vector.shape_cast %swap3A_954 : vector<1x16xf32> to vector<16xf32>
        %swap3A_956 = vector.shape_cast %get3A_951 : vector<16xf32> to vector<1x16xf32>
        tpu.vector_store %arg9[%swap3A_952, %swap3A_953], %swap3A_956 {add = true, strides = array<i32>} : memref<32x768xf32, #tpu.memory_space<vmem>>, vector<1x16xf32>,
        %get3A_957 = arith.index_cast %scan3A_643 : i32 to index
        %get3A_958 = arith.constant 560 : index
        %get3A_959 = tpu.vector_load %arg11[%get3A_957, %get3A_958] {strides = array<i32>} : memref<32x768xf32, #tpu.memory_space<vmem>>, vector<1x16xf32>,
        %get3A_960 = vector.shape_cast %get3A_959 : vector<1x16xf32> to vector<16xf32>
        %swap3A_961 = arith.index_cast %scan3A_643 : i32 to index
        %swap3A_962 = arith.constant 560 : index
        %swap3A_963 = tpu.vector_load %arg9[%swap3A_961, %swap3A_962] {strides = array<i32>} : memref<32x768xf32, #tpu.memory_space<vmem>>, vector<1x16xf32>,
        %swap3A_964 = vector.shape_cast %swap3A_963 : vector<1x16xf32> to vector<16xf32>
        %swap3A_965 = vector.shape_cast %get3A_960 : vector<16xf32> to vector<1x16xf32>
        tpu.vector_store %arg9[%swap3A_961, %swap3A_962], %swap3A_965 {add = true, strides = array<i32>} : memref<32x768xf32, #tpu.memory_space<vmem>>, vector<1x16xf32>,
        %get3A_966 = arith.index_cast %scan3A_643 : i32 to index
        %get3A_967 = arith.constant 576 : index
        %get3A_968 = tpu.vector_load %arg11[%get3A_966, %get3A_967] {strides = array<i32>} : memref<32x768xf32, #tpu.memory_space<vmem>>, vector<1x16xf32>,
        %get3A_969 = vector.shape_cast %get3A_968 : vector<1x16xf32> to vector<16xf32>
        %swap3A_970 = arith.index_cast %scan3A_643 : i32 to index
        %swap3A_971 = arith.constant 576 : index
        %swap3A_972 = tpu.vector_load %arg9[%swap3A_970, %swap3A_971] {strides = array<i32>} : memref<32x768xf32, #tpu.memory_space<vmem>>, vector<1x16xf32>,
        %swap3A_973 = vector.shape_cast %swap3A_972 : vector<1x16xf32> to vector<16xf32>
        %swap3A_974 = vector.shape_cast %get3A_969 : vector<16xf32> to vector<1x16xf32>
        tpu.vector_store %arg9[%swap3A_970, %swap3A_971], %swap3A_974 {add = true, strides = array<i32>} : memref<32x768xf32, #tpu.memory_space<vmem>>, vector<1x16xf32>,
        %get3A_975 = arith.index_cast %scan3A_643 : i32 to index
        %get3A_976 = arith.constant 592 : index
        %get3A_977 = tpu.vector_load %arg11[%get3A_975, %get3A_976] {strides = array<i32>} : memref<32x768xf32, #tpu.memory_space<vmem>>, vector<1x16xf32>,
        %get3A_978 = vector.shape_cast %get3A_977 : vector<1x16xf32> to vector<16xf32>
        %swap3A_979 = arith.index_cast %scan3A_643 : i32 to index
        %swap3A_980 = arith.constant 592 : index
        %swap3A_981 = tpu.vector_load %arg9[%swap3A_979, %swap3A_980] {strides = array<i32>} : memref<32x768xf32, #tpu.memory_space<vmem>>, vector<1x16xf32>,
        %swap3A_982 = vector.shape_cast %swap3A_981 : vector<1x16xf32> to vector<16xf32>
        %swap3A_983 = vector.shape_cast %get3A_978 : vector<16xf32> to vector<1x16xf32>
        tpu.vector_store %arg9[%swap3A_979, %swap3A_980], %swap3A_983 {add = true, strides = array<i32>} : memref<32x768xf32, #tpu.memory_space<vmem>>, vector<1x16xf32>,
        %get3A_984 = arith.index_cast %scan3A_643 : i32 to index
        %get3A_985 = arith.constant 608 : index
        %get3A_986 = tpu.vector_load %arg11[%get3A_984, %get3A_985] {strides = array<i32>} : memref<32x768xf32, #tpu.memory_space<vmem>>, vector<1x16xf32>,
        %get3A_987 = vector.shape_cast %get3A_986 : vector<1x16xf32> to vector<16xf32>
        %swap3A_988 = arith.index_cast %scan3A_643 : i32 to index
        %swap3A_989 = arith.constant 608 : index
        %swap3A_990 = tpu.vector_load %arg9[%swap3A_988, %swap3A_989] {strides = array<i32>} : memref<32x768xf32, #tpu.memory_space<vmem>>, vector<1x16xf32>,
        %swap3A_991 = vector.shape_cast %swap3A_990 : vector<1x16xf32> to vector<16xf32>
        %swap3A_992 = vector.shape_cast %get3A_987 : vector<16xf32> to vector<1x16xf32>
        tpu.vector_store %arg9[%swap3A_988, %swap3A_989], %swap3A_992 {add = true, strides = array<i32>} : memref<32x768xf32, #tpu.memory_space<vmem>>, vector<1x16xf32>,
        %get3A_993 = arith.index_cast %scan3A_643 : i32 to index
        %get3A_994 = arith.constant 624 : index
        %get3A_995 = tpu.vector_load %arg11[%get3A_993, %get3A_994] {strides = array<i32>} : memref<32x768xf32, #tpu.memory_space<vmem>>, vector<1x16xf32>,
        %get3A_996 = vector.shape_cast %get3A_995 : vector<1x16xf32> to vector<16xf32>
        %swap3A_997 = arith.index_cast %scan3A_643 : i32 to index
        %swap3A_998 = arith.constant 624 : index
        %swap3A_999 = tpu.vector_load %arg9[%swap3A_997, %swap3A_998] {strides = array<i32>} : memref<32x768xf32, #tpu.memory_space<vmem>>, vector<1x16xf32>,
        %swap3A_1000 = vector.shape_cast %swap3A_999 : vector<1x16xf32> to vector<16xf32>
        %swap3A_1001 = vector.shape_cast %get3A_996 : vector<16xf32> to vector<1x16xf32>
        tpu.vector_store %arg9[%swap3A_997, %swap3A_998], %swap3A_1001 {add = true, strides = array<i32>} : memref<32x768xf32, #tpu.memory_space<vmem>>, vector<1x16xf32>,
        %get3A_1002 = arith.index_cast %scan3A_643 : i32 to index
        %get3A_1003 = arith.constant 640 : index
        %get3A_1004 = tpu.vector_load %arg11[%get3A_1002, %get3A_1003] {strides = array<i32>} : memref<32x768xf32, #tpu.memory_space<vmem>>, vector<1x16xf32>,
        %get3A_1005 = vector.shape_cast %get3A_1004 : vector<1x16xf32> to vector<16xf32>
        %swap3A_1006 = arith.index_cast %scan3A_643 : i32 to index
        %swap3A_1007 = arith.constant 640 : index
        %swap3A_1008 = tpu.vector_load %arg9[%swap3A_1006, %swap3A_1007] {strides = array<i32>} : memref<32x768xf32, #tpu.memory_space<vmem>>, vector<1x16xf32>,
        %swap3A_1009 = vector.shape_cast %swap3A_1008 : vector<1x16xf32> to vector<16xf32>
        %swap3A_1010 = vector.shape_cast %get3A_1005 : vector<16xf32> to vector<1x16xf32>
        tpu.vector_store %arg9[%swap3A_1006, %swap3A_1007], %swap3A_1010 {add = true, strides = array<i32>} : memref<32x768xf32, #tpu.memory_space<vmem>>, vector<1x16xf32>,
        %get3A_1011 = arith.index_cast %scan3A_643 : i32 to index
        %get3A_1012 = arith.constant 656 : index
        %get3A_1013 = tpu.vector_load %arg11[%get3A_1011, %get3A_1012] {strides = array<i32>} : memref<32x768xf32, #tpu.memory_space<vmem>>, vector<1x16xf32>,
        %get3A_1014 = vector.shape_cast %get3A_1013 : vector<1x16xf32> to vector<16xf32>
        %swap3A_1015 = arith.index_cast %scan3A_643 : i32 to index
        %swap3A_1016 = arith.constant 656 : index
        %swap3A_1017 = tpu.vector_load %arg9[%swap3A_1015, %swap3A_1016] {strides = array<i32>} : memref<32x768xf32, #tpu.memory_space<vmem>>, vector<1x16xf32>,
        %swap3A_1018 = vector.shape_cast %swap3A_1017 : vector<1x16xf32> to vector<16xf32>
        %swap3A_1019 = vector.shape_cast %get3A_1014 : vector<16xf32> to vector<1x16xf32>
        tpu.vector_store %arg9[%swap3A_1015, %swap3A_1016], %swap3A_1019 {add = true, strides = array<i32>} : memref<32x768xf32, #tpu.memory_space<vmem>>, vector<1x16xf32>,
        %get3A_1020 = arith.index_cast %scan3A_643 : i32 to index
        %get3A_1021 = arith.constant 672 : index
        %get3A_1022 = tpu.vector_load %arg11[%get3A_1020, %get3A_1021] {strides = array<i32>} : memref<32x768xf32, #tpu.memory_space<vmem>>, vector<1x16xf32>,
        %get3A_1023 = vector.shape_cast %get3A_1022 : vector<1x16xf32> to vector<16xf32>
        %swap3A_1024 = arith.index_cast %scan3A_643 : i32 to index
        %swap3A_1025 = arith.constant 672 : index
        %swap3A_1026 = tpu.vector_load %arg9[%swap3A_1024, %swap3A_1025] {strides = array<i32>} : memref<32x768xf32, #tpu.memory_space<vmem>>, vector<1x16xf32>,
        %swap3A_1027 = vector.shape_cast %swap3A_1026 : vector<1x16xf32> to vector<16xf32>
        %swap3A_1028 = vector.shape_cast %get3A_1023 : vector<16xf32> to vector<1x16xf32>
        tpu.vector_store %arg9[%swap3A_1024, %swap3A_1025], %swap3A_1028 {add = true, strides = array<i32>} : memref<32x768xf32, #tpu.memory_space<vmem>>, vector<1x16xf32>,
        %get3A_1029 = arith.index_cast %scan3A_643 : i32 to index
        %get3A_1030 = arith.constant 688 : index
        %get3A_1031 = tpu.vector_load %arg11[%get3A_1029, %get3A_1030] {strides = array<i32>} : memref<32x768xf32, #tpu.memory_space<vmem>>, vector<1x16xf32>,
        %get3A_1032 = vector.shape_cast %get3A_1031 : vector<1x16xf32> to vector<16xf32>
        %swap3A_1033 = arith.index_cast %scan3A_643 : i32 to index
        %swap3A_1034 = arith.constant 688 : index
        %swap3A_1035 = tpu.vector_load %arg9[%swap3A_1033, %swap3A_1034] {strides = array<i32>} : memref<32x768xf32, #tpu.memory_space<vmem>>, vector<1x16xf32>,
        %swap3A_1036 = vector.shape_cast %swap3A_1035 : vector<1x16xf32> to vector<16xf32>
        %swap3A_1037 = vector.shape_cast %get3A_1032 : vector<16xf32> to vector<1x16xf32>
        tpu.vector_store %arg9[%swap3A_1033, %swap3A_1034], %swap3A_1037 {add = true, strides = array<i32>} : memref<32x768xf32, #tpu.memory_space<vmem>>, vector<1x16xf32>,
        %get3A_1038 = arith.index_cast %scan3A_643 : i32 to index
        %get3A_1039 = arith.constant 704 : index
        %get3A_1040 = tpu.vector_load %arg11[%get3A_1038, %get3A_1039] {strides = array<i32>} : memref<32x768xf32, #tpu.memory_space<vmem>>, vector<1x16xf32>,
        %get3A_1041 = vector.shape_cast %get3A_1040 : vector<1x16xf32> to vector<16xf32>
        %swap3A_1042 = arith.index_cast %scan3A_643 : i32 to index
        %swap3A_1043 = arith.constant 704 : index
        %swap3A_1044 = tpu.vector_load %arg9[%swap3A_1042, %swap3A_1043] {strides = array<i32>} : memref<32x768xf32, #tpu.memory_space<vmem>>, vector<1x16xf32>,
        %swap3A_1045 = vector.shape_cast %swap3A_1044 : vector<1x16xf32> to vector<16xf32>
        %swap3A_1046 = vector.shape_cast %get3A_1041 : vector<16xf32> to vector<1x16xf32>
        tpu.vector_store %arg9[%swap3A_1042, %swap3A_1043], %swap3A_1046 {add = true, strides = array<i32>} : memref<32x768xf32, #tpu.memory_space<vmem>>, vector<1x16xf32>,
        %get3A_1047 = arith.index_cast %scan3A_643 : i32 to index
        %get3A_1048 = arith.constant 720 : index
        %get3A_1049 = tpu.vector_load %arg11[%get3A_1047, %get3A_1048] {strides = array<i32>} : memref<32x768xf32, #tpu.memory_space<vmem>>, vector<1x16xf32>,
        %get3A_1050 = vector.shape_cast %get3A_1049 : vector<1x16xf32> to vector<16xf32>
        %swap3A_1051 = arith.index_cast %scan3A_643 : i32 to index
        %swap3A_1052 = arith.constant 720 : index
        %swap3A_1053 = tpu.vector_load %arg9[%swap3A_1051, %swap3A_1052] {strides = array<i32>} : memref<32x768xf32, #tpu.memory_space<vmem>>, vector<1x16xf32>,
        %swap3A_1054 = vector.shape_cast %swap3A_1053 : vector<1x16xf32> to vector<16xf32>
        %swap3A_1055 = vector.shape_cast %get3A_1050 : vector<16xf32> to vector<1x16xf32>
        tpu.vector_store %arg9[%swap3A_1051, %swap3A_1052], %swap3A_1055 {add = true, strides = array<i32>} : memref<32x768xf32, #tpu.memory_space<vmem>>, vector<1x16xf32>,
        %get3A_1056 = arith.index_cast %scan3A_643 : i32 to index
        %get3A_1057 = arith.constant 736 : index
        %get3A_1058 = tpu.vector_load %arg11[%get3A_1056, %get3A_1057] {strides = array<i32>} : memref<32x768xf32, #tpu.memory_space<vmem>>, vector<1x16xf32>,
        %get3A_1059 = vector.shape_cast %get3A_1058 : vector<1x16xf32> to vector<16xf32>
        %swap3A_1060 = arith.index_cast %scan3A_643 : i32 to index
        %swap3A_1061 = arith.constant 736 : index
        %swap3A_1062 = tpu.vector_load %arg9[%swap3A_1060, %swap3A_1061] {strides = array<i32>} : memref<32x768xf32, #tpu.memory_space<vmem>>, vector<1x16xf32>,
        %swap3A_1063 = vector.shape_cast %swap3A_1062 : vector<1x16xf32> to vector<16xf32>
        %swap3A_1064 = vector.shape_cast %get3A_1059 : vector<16xf32> to vector<1x16xf32>
        tpu.vector_store %arg9[%swap3A_1060, %swap3A_1061], %swap3A_1064 {add = true, strides = array<i32>} : memref<32x768xf32, #tpu.memory_space<vmem>>, vector<1x16xf32>,
        %get3A_1065 = arith.index_cast %scan3A_643 : i32 to index
        %get3A_1066 = arith.constant 752 : index
        %get3A_1067 = tpu.vector_load %arg11[%get3A_1065, %get3A_1066] {strides = array<i32>} : memref<32x768xf32, #tpu.memory_space<vmem>>, vector<1x16xf32>,
        %get3A_1068 = vector.shape_cast %get3A_1067 : vector<1x16xf32> to vector<16xf32>
        %swap3A_1069 = arith.index_cast %scan3A_643 : i32 to index
        %swap3A_1070 = arith.constant 752 : index
        %swap3A_1071 = tpu.vector_load %arg9[%swap3A_1069, %swap3A_1070] {strides = array<i32>} : memref<32x768xf32, #tpu.memory_space<vmem>>, vector<1x16xf32>,
        %swap3A_1072 = vector.shape_cast %swap3A_1071 : vector<1x16xf32> to vector<16xf32>
        %swap3A_1073 = vector.shape_cast %get3A_1068 : vector<16xf32> to vector<1x16xf32>
        tpu.vector_store %arg9[%swap3A_1069, %swap3A_1070], %swap3A_1073 {add = true, strides = array<i32>} : memref<32x768xf32, #tpu.memory_space<vmem>>, vector<1x16xf32>,
      }
      %scan3A_635 = arith.constant 32 : i32
      %mul3A_636 = arith.constant 32 : i32
      %mul3A_637 = arith.muli %sub3A_472, %mul3A_636 : i32
      %add3A_638 = arith.addi %mul3A_2, %mul3A_637 : i32
      %dma_start3A_639 = arith.constant 0 : i32
      %dma_start3A_640 = tpu.memref_slice %arg6[%add3A_638, %dma_start3A_639] : memref<315392x768xf32, #tpu.memory_space<hbm>> -> memref<32x768xf32, #tpu.memory_space<hbm>>
      %dma_start3A_641 = arith.constant 0 : i32
      %dma_start3A_642 = tpu.memref_slice %arg6[%add3A_638, %dma_start3A_641] : memref<315392x768xf32, #tpu.memory_space<hbm>> -> memref<32x768xf32, #tpu.memory_space<hbm>>
      tpu.enqueue_dma source(%arg9 : memref<32x768xf32, #tpu.memory_space<vmem>>) target(%dma_start3A_642 : memref<32x768xf32, #tpu.memory_space<hbm>>) target_semaphore(%arg17 : memref<!tpu.dma_semaphore, #tpu.memory_space<semaphore_mem>>)
    }
    %scan3A_207 = arith.constant 153 : i32
    %dma_wait3A_208 = arith.constant 0 : i32
    %dma_wait3A_209 = tpu.memref_slice %arg6[%mul3A_2, %dma_wait3A_208] : memref<315392x768xf32, #tpu.memory_space<hbm>> -> memref<32x768xf32, #tpu.memory_space<hbm>>
    %dma_wait3A_210 = arith.constant 0 : i32
    %dma_wait3A_211 = tpu.memref_slice %arg6[%mul3A_2, %dma_wait3A_210] : memref<315392x768xf32, #tpu.memory_space<hbm>> -> memref<32x768xf32, #tpu.memory_space<hbm>>
    tpu.wait_dma2 semaphore(%arg17 : memref<!tpu.dma_semaphore, #tpu.memory_space<semaphore_mem>>) src(%arg9 : memref<32x768xf32, #tpu.memory_space<vmem>>) dst(%dma_wait3A_211 : memref<32x768xf32, #tpu.memory_space<hbm>>)
    %dma_wait3A_212 = arith.constant 0 : i32
    %dma_wait3A_213 = arith.constant 0 : i32
    %dma_wait3A_214 = tpu.memref_slice %arg10[%dma_wait3A_212, %dma_wait3A_213] : memref<32x768xf32, #tpu.memory_space<vmem>> -> memref<8x768xf32, #tpu.memory_space<vmem>>
    %dma_wait3A_215 = arith.constant 0 : i32
    %dma_wait3A_216 = tpu.memref_slice %arg7[%dma_wait3A_215] : memref<9856xi32, #tpu.memory_space<vmem>> -> memref<8xi32, #tpu.memory_space<vmem>>
    %dma_wait3A_217 = arith.constant 0 : i32
    %dma_wait3A_218 = arith.constant 0 : i32
    %dma_wait3A_219 = tpu.memref_slice %arg4[%dma_wait3A_217, %dma_wait3A_218] : memref<49408x768xf32, #tpu.memory_space<hbm>> -> memref<49408x768xf32, #tpu.memory_space<hbm>>
    tpu.wait_indirect_dma semaphore(%arg14 : memref<!tpu.dma_semaphore, #tpu.memory_space<semaphore_mem>>) src(%dma_wait3A_219 : memref<49408x768xf32, #tpu.memory_space<hbm>>) dst(%dma_wait3A_214 : memref<8x768xf32, #tpu.memory_space<vmem>>)
    %dma_wait3A_220 = arith.constant 0 : i32
    %dma_wait3A_221 = arith.constant 0 : i32
    %dma_wait3A_222 = tpu.memref_slice %arg12[%dma_wait3A_220, %dma_wait3A_221] : memref<32x768xf32, #tpu.memory_space<vmem>> -> memref<8x768xf32, #tpu.memory_space<vmem>>
    %dma_wait3A_223 = arith.constant 0 : i32
    %dma_wait3A_224 = tpu.memref_slice %arg8[%dma_wait3A_223] : memref<9856xi32, #tpu.memory_space<vmem>> -> memref<8xi32, #tpu.memory_space<vmem>>
    %dma_wait3A_225 = arith.constant 0 : i32
    %dma_wait3A_226 = arith.constant 0 : i32
    %dma_wait3A_227 = tpu.memref_slice %arg5[%dma_wait3A_225, %dma_wait3A_226] : memref<2464x768xf32, #tpu.memory_space<hbm>> -> memref<2464x768xf32, #tpu.memory_space<hbm>>
    tpu.wait_indirect_dma semaphore(%arg16 : memref<!tpu.dma_semaphore, #tpu.memory_space<semaphore_mem>>) src(%dma_wait3A_227 : memref<2464x768xf32, #tpu.memory_space<hbm>>) dst(%dma_wait3A_222 : memref<8x768xf32, #tpu.memory_space<vmem>>)
    %dma_wait3A_228 = arith.constant 8 : i32
    %dma_wait3A_229 = arith.constant 0 : i32
    %dma_wait3A_230 = tpu.memref_slice %arg10[%dma_wait3A_228, %dma_wait3A_229] : memref<32x768xf32, #tpu.memory_space<vmem>> -> memref<8x768xf32, #tpu.memory_space<vmem>>
    %dma_wait3A_231 = arith.constant 0 : i32
    %dma_wait3A_232 = tpu.memref_slice %arg7[%dma_wait3A_231] : memref<9856xi32, #tpu.memory_space<vmem>> -> memref<8xi32, #tpu.memory_space<vmem>>
    %dma_wait3A_233 = arith.constant 0 : i32
    %dma_wait3A_234 = arith.constant 0 : i32
    %dma_wait3A_235 = tpu.memref_slice %arg4[%dma_wait3A_233, %dma_wait3A_234] : memref<49408x768xf32, #tpu.memory_space<hbm>> -> memref<49408x768xf32, #tpu.memory_space<hbm>>
    tpu.wait_indirect_dma semaphore(%arg14 : memref<!tpu.dma_semaphore, #tpu.memory_space<semaphore_mem>>) src(%dma_wait3A_235 : memref<49408x768xf32, #tpu.memory_space<hbm>>) dst(%dma_wait3A_230 : memref<8x768xf32, #tpu.memory_space<vmem>>)
    %dma_wait3A_236 = arith.constant 8 : i32
    %dma_wait3A_237 = arith.constant 0 : i32
    %dma_wait3A_238 = tpu.memref_slice %arg12[%dma_wait3A_236, %dma_wait3A_237] : memref<32x768xf32, #tpu.memory_space<vmem>> -> memref<8x768xf32, #tpu.memory_space<vmem>>
    %dma_wait3A_239 = arith.constant 0 : i32
    %dma_wait3A_240 = tpu.memref_slice %arg8[%dma_wait3A_239] : memref<9856xi32, #tpu.memory_space<vmem>> -> memref<8xi32, #tpu.memory_space<vmem>>
    %dma_wait3A_241 = arith.constant 0 : i32
    %dma_wait3A_242 = arith.constant 0 : i32
    %dma_wait3A_243 = tpu.memref_slice %arg5[%dma_wait3A_241, %dma_wait3A_242] : memref<2464x768xf32, #tpu.memory_space<hbm>> -> memref<2464x768xf32, #tpu.memory_space<hbm>>
    tpu.wait_indirect_dma semaphore(%arg16 : memref<!tpu.dma_semaphore, #tpu.memory_space<semaphore_mem>>) src(%dma_wait3A_243 : memref<2464x768xf32, #tpu.memory_space<hbm>>) dst(%dma_wait3A_238 : memref<8x768xf32, #tpu.memory_space<vmem>>)
    %dma_wait3A_244 = arith.constant 16 : i32
    %dma_wait3A_245 = arith.constant 0 : i32
    %dma_wait3A_246 = tpu.memref_slice %arg10[%dma_wait3A_244, %dma_wait3A_245] : memref<32x768xf32, #tpu.memory_space<vmem>> -> memref<8x768xf32, #tpu.memory_space<vmem>>
    %dma_wait3A_247 = arith.constant 0 : i32
    %dma_wait3A_248 = tpu.memref_slice %arg7[%dma_wait3A_247] : memref<9856xi32, #tpu.memory_space<vmem>> -> memref<8xi32, #tpu.memory_space<vmem>>
    %dma_wait3A_249 = arith.constant 0 : i32
    %dma_wait3A_250 = arith.constant 0 : i32
    %dma_wait3A_251 = tpu.memref_slice %arg4[%dma_wait3A_249, %dma_wait3A_250] : memref<49408x768xf32, #tpu.memory_space<hbm>> -> memref<49408x768xf32, #tpu.memory_space<hbm>>
    tpu.wait_indirect_dma semaphore(%arg14 : memref<!tpu.dma_semaphore, #tpu.memory_space<semaphore_mem>>) src(%dma_wait3A_251 : memref<49408x768xf32, #tpu.memory_space<hbm>>) dst(%dma_wait3A_246 : memref<8x768xf32, #tpu.memory_space<vmem>>)
    %dma_wait3A_252 = arith.constant 16 : i32
    %dma_wait3A_253 = arith.constant 0 : i32
    %dma_wait3A_254 = tpu.memref_slice %arg12[%dma_wait3A_252, %dma_wait3A_253] : memref<32x768xf32, #tpu.memory_space<vmem>> -> memref<8x768xf32, #tpu.memory_space<vmem>>
    %dma_wait3A_255 = arith.constant 0 : i32
    %dma_wait3A_256 = tpu.memref_slice %arg8[%dma_wait3A_255] : memref<9856xi32, #tpu.memory_space<vmem>> -> memref<8xi32, #tpu.memory_space<vmem>>
    %dma_wait3A_257 = arith.constant 0 : i32
    %dma_wait3A_258 = arith.constant 0 : i32
    %dma_wait3A_259 = tpu.memref_slice %arg5[%dma_wait3A_257, %dma_wait3A_258] : memref<2464x768xf32, #tpu.memory_space<hbm>> -> memref<2464x768xf32, #tpu.memory_space<hbm>>
    tpu.wait_indirect_dma semaphore(%arg16 : memref<!tpu.dma_semaphore, #tpu.memory_space<semaphore_mem>>) src(%dma_wait3A_259 : memref<2464x768xf32, #tpu.memory_space<hbm>>) dst(%dma_wait3A_254 : memref<8x768xf32, #tpu.memory_space<vmem>>)
    %dma_wait3A_260 = arith.constant 24 : i32
    %dma_wait3A_261 = arith.constant 0 : i32
    %dma_wait3A_262 = tpu.memref_slice %arg10[%dma_wait3A_260, %dma_wait3A_261] : memref<32x768xf32, #tpu.memory_space<vmem>> -> memref<8x768xf32, #tpu.memory_space<vmem>>
    %dma_wait3A_263 = arith.constant 0 : i32
    %dma_wait3A_264 = tpu.memref_slice %arg7[%dma_wait3A_263] : memref<9856xi32, #tpu.memory_space<vmem>> -> memref<8xi32, #tpu.memory_space<vmem>>
    %dma_wait3A_265 = arith.constant 0 : i32
    %dma_wait3A_266 = arith.constant 0 : i32
    %dma_wait3A_267 = tpu.memref_slice %arg4[%dma_wait3A_265, %dma_wait3A_266] : memref<49408x768xf32, #tpu.memory_space<hbm>> -> memref<49408x768xf32, #tpu.memory_space<hbm>>
    tpu.wait_indirect_dma semaphore(%arg14 : memref<!tpu.dma_semaphore, #tpu.memory_space<semaphore_mem>>) src(%dma_wait3A_267 : memref<49408x768xf32, #tpu.memory_space<hbm>>) dst(%dma_wait3A_262 : memref<8x768xf32, #tpu.memory_space<vmem>>)
    %dma_wait3A_268 = arith.constant 24 : i32
    %dma_wait3A_269 = arith.constant 0 : i32
    %dma_wait3A_270 = tpu.memref_slice %arg12[%dma_wait3A_268, %dma_wait3A_269] : memref<32x768xf32, #tpu.memory_space<vmem>> -> memref<8x768xf32, #tpu.memory_space<vmem>>
    %dma_wait3A_271 = arith.constant 0 : i32
    %dma_wait3A_272 = tpu.memref_slice %arg8[%dma_wait3A_271] : memref<9856xi32, #tpu.memory_space<vmem>> -> memref<8xi32, #tpu.memory_space<vmem>>
    %dma_wait3A_273 = arith.constant 0 : i32
    %dma_wait3A_274 = arith.constant 0 : i32
    %dma_wait3A_275 = tpu.memref_slice %arg5[%dma_wait3A_273, %dma_wait3A_274] : memref<2464x768xf32, #tpu.memory_space<hbm>> -> memref<2464x768xf32, #tpu.memory_space<hbm>>
    tpu.wait_indirect_dma semaphore(%arg16 : memref<!tpu.dma_semaphore, #tpu.memory_space<semaphore_mem>>) src(%dma_wait3A_275 : memref<2464x768xf32, #tpu.memory_space<hbm>>) dst(%dma_wait3A_270 : memref<8x768xf32, #tpu.memory_space<vmem>>)
    %scan3A_276 = arith.constant 0 : i32
    %scan3A_277 = arith.constant 32 : i32
    %scan3A_278 = arith.addi %scan3A_276, %scan3A_277 : i32
    %scan3A_279 = arith.constant 1 : i32
    scf.for %scan3A_291 = %scan3A_276 to %scan3A_278 step %scan3A_279  : i32 {
      %get3A = arith.index_cast %scan3A_291 : i32 to index
      %get3A_292 = arith.constant 0 : index
      %get3A_293 = tpu.vector_load %arg12[%get3A, %get3A_292] {strides = array<i32>} : memref<32x768xf32, #tpu.memory_space<vmem>>, vector<1x16xf32>,
      %get3A_294 = vector.shape_cast %get3A_293 : vector<1x16xf32> to vector<16xf32>
      %swap3A = arith.index_cast %scan3A_291 : i32 to index
      %swap3A_295 = arith.constant 0 : index
      %swap3A_296 = tpu.vector_load %arg10[%swap3A, %swap3A_295] {strides = array<i32>} : memref<32x768xf32, #tpu.memory_space<vmem>>, vector<1x16xf32>,
      %swap3A_297 = vector.shape_cast %swap3A_296 : vector<1x16xf32> to vector<16xf32>
      %swap3A_298 = vector.shape_cast %get3A_294 : vector<16xf32> to vector<1x16xf32>
      tpu.vector_store %arg10[%swap3A, %swap3A_295], %swap3A_298 {add = true, strides = array<i32>} : memref<32x768xf32, #tpu.memory_space<vmem>>, vector<1x16xf32>,
      %get3A_299 = arith.index_cast %scan3A_291 : i32 to index
      %get3A_300 = arith.constant 16 : index
      %get3A_301 = tpu.vector_load %arg12[%get3A_299, %get3A_300] {strides = array<i32>} : memref<32x768xf32, #tpu.memory_space<vmem>>, vector<1x16xf32>,
      %get3A_302 = vector.shape_cast %get3A_301 : vector<1x16xf32> to vector<16xf32>
      %swap3A_303 = arith.index_cast %scan3A_291 : i32 to index
      %swap3A_304 = arith.constant 16 : index
      %swap3A_305 = tpu.vector_load %arg10[%swap3A_303, %swap3A_304] {strides = array<i32>} : memref<32x768xf32, #tpu.memory_space<vmem>>, vector<1x16xf32>,
      %swap3A_306 = vector.shape_cast %swap3A_305 : vector<1x16xf32> to vector<16xf32>
      %swap3A_307 = vector.shape_cast %get3A_302 : vector<16xf32> to vector<1x16xf32>
      tpu.vector_store %arg10[%swap3A_303, %swap3A_304], %swap3A_307 {add = true, strides = array<i32>} : memref<32x768xf32, #tpu.memory_space<vmem>>, vector<1x16xf32>,
      %get3A_308 = arith.index_cast %scan3A_291 : i32 to index
      %get3A_309 = arith.constant 32 : index
      %get3A_310 = tpu.vector_load %arg12[%get3A_308, %get3A_309] {strides = array<i32>} : memref<32x768xf32, #tpu.memory_space<vmem>>, vector<1x16xf32>,
      %get3A_311 = vector.shape_cast %get3A_310 : vector<1x16xf32> to vector<16xf32>
      %swap3A_312 = arith.index_cast %scan3A_291 : i32 to index
      %swap3A_313 = arith.constant 32 : index
      %swap3A_314 = tpu.vector_load %arg10[%swap3A_312, %swap3A_313] {strides = array<i32>} : memref<32x768xf32, #tpu.memory_space<vmem>>, vector<1x16xf32>,
      %swap3A_315 = vector.shape_cast %swap3A_314 : vector<1x16xf32> to vector<16xf32>
      %swap3A_316 = vector.shape_cast %get3A_311 : vector<16xf32> to vector<1x16xf32>
      tpu.vector_store %arg10[%swap3A_312, %swap3A_313], %swap3A_316 {add = true, strides = array<i32>} : memref<32x768xf32, #tpu.memory_space<vmem>>, vector<1x16xf32>,
      %get3A_317 = arith.index_cast %scan3A_291 : i32 to index
      %get3A_318 = arith.constant 48 : index
      %get3A_319 = tpu.vector_load %arg12[%get3A_317, %get3A_318] {strides = array<i32>} : memref<32x768xf32, #tpu.memory_space<vmem>>, vector<1x16xf32>,
      %get3A_320 = vector.shape_cast %get3A_319 : vector<1x16xf32> to vector<16xf32>
      %swap3A_321 = arith.index_cast %scan3A_291 : i32 to index
      %swap3A_322 = arith.constant 48 : index
      %swap3A_323 = tpu.vector_load %arg10[%swap3A_321, %swap3A_322] {strides = array<i32>} : memref<32x768xf32, #tpu.memory_space<vmem>>, vector<1x16xf32>,
      %swap3A_324 = vector.shape_cast %swap3A_323 : vector<1x16xf32> to vector<16xf32>
      %swap3A_325 = vector.shape_cast %get3A_320 : vector<16xf32> to vector<1x16xf32>
      tpu.vector_store %arg10[%swap3A_321, %swap3A_322], %swap3A_325 {add = true, strides = array<i32>} : memref<32x768xf32, #tpu.memory_space<vmem>>, vector<1x16xf32>,
      %get3A_326 = arith.index_cast %scan3A_291 : i32 to index
      %get3A_327 = arith.constant 64 : index
      %get3A_328 = tpu.vector_load %arg12[%get3A_326, %get3A_327] {strides = array<i32>} : memref<32x768xf32, #tpu.memory_space<vmem>>, vector<1x16xf32>,
      %get3A_329 = vector.shape_cast %get3A_328 : vector<1x16xf32> to vector<16xf32>
      %swap3A_330 = arith.index_cast %scan3A_291 : i32 to index
      %swap3A_331 = arith.constant 64 : index
      %swap3A_332 = tpu.vector_load %arg10[%swap3A_330, %swap3A_331] {strides = array<i32>} : memref<32x768xf32, #tpu.memory_space<vmem>>, vector<1x16xf32>,
      %swap3A_333 = vector.shape_cast %swap3A_332 : vector<1x16xf32> to vector<16xf32>
      %swap3A_334 = vector.shape_cast %get3A_329 : vector<16xf32> to vector<1x16xf32>
      tpu.vector_store %arg10[%swap3A_330, %swap3A_331], %swap3A_334 {add = true, strides = array<i32>} : memref<32x768xf32, #tpu.memory_space<vmem>>, vector<1x16xf32>,
      %get3A_335 = arith.index_cast %scan3A_291 : i32 to index
      %get3A_336 = arith.constant 80 : index
      %get3A_337 = tpu.vector_load %arg12[%get3A_335, %get3A_336] {strides = array<i32>} : memref<32x768xf32, #tpu.memory_space<vmem>>, vector<1x16xf32>,
      %get3A_338 = vector.shape_cast %get3A_337 : vector<1x16xf32> to vector<16xf32>
      %swap3A_339 = arith.index_cast %scan3A_291 : i32 to index
      %swap3A_340 = arith.constant 80 : index
      %swap3A_341 = tpu.vector_load %arg10[%swap3A_339, %swap3A_340] {strides = array<i32>} : memref<32x768xf32, #tpu.memory_space<vmem>>, vector<1x16xf32>,
      %swap3A_342 = vector.shape_cast %swap3A_341 : vector<1x16xf32> to vector<16xf32>
      %swap3A_343 = vector.shape_cast %get3A_338 : vector<16xf32> to vector<1x16xf32>
      tpu.vector_store %arg10[%swap3A_339, %swap3A_340], %swap3A_343 {add = true, strides = array<i32>} : memref<32x768xf32, #tpu.memory_space<vmem>>, vector<1x16xf32>,
      %get3A_344 = arith.index_cast %scan3A_291 : i32 to index
      %get3A_345 = arith.constant 96 : index
      %get3A_346 = tpu.vector_load %arg12[%get3A_344, %get3A_345] {strides = array<i32>} : memref<32x768xf32, #tpu.memory_space<vmem>>, vector<1x16xf32>,
      %get3A_347 = vector.shape_cast %get3A_346 : vector<1x16xf32> to vector<16xf32>
      %swap3A_348 = arith.index_cast %scan3A_291 : i32 to index
      %swap3A_349 = arith.constant 96 : index
      %swap3A_350 = tpu.vector_load %arg10[%swap3A_348, %swap3A_349] {strides = array<i32>} : memref<32x768xf32, #tpu.memory_space<vmem>>, vector<1x16xf32>,
      %swap3A_351 = vector.shape_cast %swap3A_350 : vector<1x16xf32> to vector<16xf32>
      %swap3A_352 = vector.shape_cast %get3A_347 : vector<16xf32> to vector<1x16xf32>
      tpu.vector_store %arg10[%swap3A_348, %swap3A_349], %swap3A_352 {add = true, strides = array<i32>} : memref<32x768xf32, #tpu.memory_space<vmem>>, vector<1x16xf32>,
      %get3A_353 = arith.index_cast %scan3A_291 : i32 to index
      %get3A_354 = arith.constant 112 : index
      %get3A_355 = tpu.vector_load %arg12[%get3A_353, %get3A_354] {strides = array<i32>} : memref<32x768xf32, #tpu.memory_space<vmem>>, vector<1x16xf32>,
      %get3A_356 = vector.shape_cast %get3A_355 : vector<1x16xf32> to vector<16xf32>
      %swap3A_357 = arith.index_cast %scan3A_291 : i32 to index
      %swap3A_358 = arith.constant 112 : index
      %swap3A_359 = tpu.vector_load %arg10[%swap3A_357, %swap3A_358] {strides = array<i32>} : memref<32x768xf32, #tpu.memory_space<vmem>>, vector<1x16xf32>,
      %swap3A_360 = vector.shape_cast %swap3A_359 : vector<1x16xf32> to vector<16xf32>
      %swap3A_361 = vector.shape_cast %get3A_356 : vector<16xf32> to vector<1x16xf32>
      tpu.vector_store %arg10[%swap3A_357, %swap3A_358], %swap3A_361 {add = true, strides = array<i32>} : memref<32x768xf32, #tpu.memory_space<vmem>>, vector<1x16xf32>,
      %get3A_362 = arith.index_cast %scan3A_291 : i32 to index
      %get3A_363 = arith.constant 128 : index
      %get3A_364 = tpu.vector_load %arg12[%get3A_362, %get3A_363] {strides = array<i32>} : memref<32x768xf32, #tpu.memory_space<vmem>>, vector<1x16xf32>,
      %get3A_365 = vector.shape_cast %get3A_364 : vector<1x16xf32> to vector<16xf32>
      %swap3A_366 = arith.index_cast %scan3A_291 : i32 to index
      %swap3A_367 = arith.constant 128 : index
      %swap3A_368 = tpu.vector_load %arg10[%swap3A_366, %swap3A_367] {strides = array<i32>} : memref<32x768xf32, #tpu.memory_space<vmem>>, vector<1x16xf32>,
      %swap3A_369 = vector.shape_cast %swap3A_368 : vector<1x16xf32> to vector<16xf32>
      %swap3A_370 = vector.shape_cast %get3A_365 : vector<16xf32> to vector<1x16xf32>
      tpu.vector_store %arg10[%swap3A_366, %swap3A_367], %swap3A_370 {add = true, strides = array<i32>} : memref<32x768xf32, #tpu.memory_space<vmem>>, vector<1x16xf32>,
      %get3A_371 = arith.index_cast %scan3A_291 : i32 to index
      %get3A_372 = arith.constant 144 : index
      %get3A_373 = tpu.vector_load %arg12[%get3A_371, %get3A_372] {strides = array<i32>} : memref<32x768xf32, #tpu.memory_space<vmem>>, vector<1x16xf32>,
      %get3A_374 = vector.shape_cast %get3A_373 : vector<1x16xf32> to vector<16xf32>
      %swap3A_375 = arith.index_cast %scan3A_291 : i32 to index
      %swap3A_376 = arith.constant 144 : index
      %swap3A_377 = tpu.vector_load %arg10[%swap3A_375, %swap3A_376] {strides = array<i32>} : memref<32x768xf32, #tpu.memory_space<vmem>>, vector<1x16xf32>,
      %swap3A_378 = vector.shape_cast %swap3A_377 : vector<1x16xf32> to vector<16xf32>
      %swap3A_379 = vector.shape_cast %get3A_374 : vector<16xf32> to vector<1x16xf32>
      tpu.vector_store %arg10[%swap3A_375, %swap3A_376], %swap3A_379 {add = true, strides = array<i32>} : memref<32x768xf32, #tpu.memory_space<vmem>>, vector<1x16xf32>,
      %get3A_380 = arith.index_cast %scan3A_291 : i32 to index
      %get3A_381 = arith.constant 160 : index
      %get3A_382 = tpu.vector_load %arg12[%get3A_380, %get3A_381] {strides = array<i32>} : memref<32x768xf32, #tpu.memory_space<vmem>>, vector<1x16xf32>,
      %get3A_383 = vector.shape_cast %get3A_382 : vector<1x16xf32> to vector<16xf32>
      %swap3A_384 = arith.index_cast %scan3A_291 : i32 to index
      %swap3A_385 = arith.constant 160 : index
      %swap3A_386 = tpu.vector_load %arg10[%swap3A_384, %swap3A_385] {strides = array<i32>} : memref<32x768xf32, #tpu.memory_space<vmem>>, vector<1x16xf32>,
      %swap3A_387 = vector.shape_cast %swap3A_386 : vector<1x16xf32> to vector<16xf32>
      %swap3A_388 = vector.shape_cast %get3A_383 : vector<16xf32> to vector<1x16xf32>
      tpu.vector_store %arg10[%swap3A_384, %swap3A_385], %swap3A_388 {add = true, strides = array<i32>} : memref<32x768xf32, #tpu.memory_space<vmem>>, vector<1x16xf32>,
      %get3A_389 = arith.index_cast %scan3A_291 : i32 to index
      %get3A_390 = arith.constant 176 : index
      %get3A_391 = tpu.vector_load %arg12[%get3A_389, %get3A_390] {strides = array<i32>} : memref<32x768xf32, #tpu.memory_space<vmem>>, vector<1x16xf32>,
      %get3A_392 = vector.shape_cast %get3A_391 : vector<1x16xf32> to vector<16xf32>
      %swap3A_393 = arith.index_cast %scan3A_291 : i32 to index
      %swap3A_394 = arith.constant 176 : index
      %swap3A_395 = tpu.vector_load %arg10[%swap3A_393, %swap3A_394] {strides = array<i32>} : memref<32x768xf32, #tpu.memory_space<vmem>>, vector<1x16xf32>,
      %swap3A_396 = vector.shape_cast %swap3A_395 : vector<1x16xf32> to vector<16xf32>
      %swap3A_397 = vector.shape_cast %get3A_392 : vector<16xf32> to vector<1x16xf32>
      tpu.vector_store %arg10[%swap3A_393, %swap3A_394], %swap3A_397 {add = true, strides = array<i32>} : memref<32x768xf32, #tpu.memory_space<vmem>>, vector<1x16xf32>,
      %get3A_398 = arith.index_cast %scan3A_291 : i32 to index
      %get3A_399 = arith.constant 192 : index
      %get3A_400 = tpu.vector_load %arg12[%get3A_398, %get3A_399] {strides = array<i32>} : memref<32x768xf32, #tpu.memory_space<vmem>>, vector<1x16xf32>,
      %get3A_401 = vector.shape_cast %get3A_400 : vector<1x16xf32> to vector<16xf32>
      %swap3A_402 = arith.index_cast %scan3A_291 : i32 to index
      %swap3A_403 = arith.constant 192 : index
      %swap3A_404 = tpu.vector_load %arg10[%swap3A_402, %swap3A_403] {strides = array<i32>} : memref<32x768xf32, #tpu.memory_space<vmem>>, vector<1x16xf32>,
      %swap3A_405 = vector.shape_cast %swap3A_404 : vector<1x16xf32> to vector<16xf32>
      %swap3A_406 = vector.shape_cast %get3A_401 : vector<16xf32> to vector<1x16xf32>
      tpu.vector_store %arg10[%swap3A_402, %swap3A_403], %swap3A_406 {add = true, strides = array<i32>} : memref<32x768xf32, #tpu.memory_space<vmem>>, vector<1x16xf32>,
      %get3A_407 = arith.index_cast %scan3A_291 : i32 to index
      %get3A_408 = arith.constant 208 : index
      %get3A_409 = tpu.vector_load %arg12[%get3A_407, %get3A_408] {strides = array<i32>} : memref<32x768xf32, #tpu.memory_space<vmem>>, vector<1x16xf32>,
      %get3A_410 = vector.shape_cast %get3A_409 : vector<1x16xf32> to vector<16xf32>
      %swap3A_411 = arith.index_cast %scan3A_291 : i32 to index
      %swap3A_412 = arith.constant 208 : index
      %swap3A_413 = tpu.vector_load %arg10[%swap3A_411, %swap3A_412] {strides = array<i32>} : memref<32x768xf32, #tpu.memory_space<vmem>>, vector<1x16xf32>,
      %swap3A_414 = vector.shape_cast %swap3A_413 : vector<1x16xf32> to vector<16xf32>
      %swap3A_415 = vector.shape_cast %get3A_410 : vector<16xf32> to vector<1x16xf32>
      tpu.vector_store %arg10[%swap3A_411, %swap3A_412], %swap3A_415 {add = true, strides = array<i32>} : memref<32x768xf32, #tpu.memory_space<vmem>>, vector<1x16xf32>,
      %get3A_416 = arith.index_cast %scan3A_291 : i32 to index
      %get3A_417 = arith.constant 224 : index
      %get3A_418 = tpu.vector_load %arg12[%get3A_416, %get3A_417] {strides = array<i32>} : memref<32x768xf32, #tpu.memory_space<vmem>>, vector<1x16xf32>,
      %get3A_419 = vector.shape_cast %get3A_418 : vector<1x16xf32> to vector<16xf32>
      %swap3A_420 = arith.index_cast %scan3A_291 : i32 to index
      %swap3A_421 = arith.constant 224 : index
      %swap3A_422 = tpu.vector_load %arg10[%swap3A_420, %swap3A_421] {strides = array<i32>} : memref<32x768xf32, #tpu.memory_space<vmem>>, vector<1x16xf32>,
      %swap3A_423 = vector.shape_cast %swap3A_422 : vector<1x16xf32> to vector<16xf32>
      %swap3A_424 = vector.shape_cast %get3A_419 : vector<16xf32> to vector<1x16xf32>
      tpu.vector_store %arg10[%swap3A_420, %swap3A_421], %swap3A_424 {add = true, strides = array<i32>} : memref<32x768xf32, #tpu.memory_space<vmem>>, vector<1x16xf32>,
      %get3A_425 = arith.index_cast %scan3A_291 : i32 to index
      %get3A_426 = arith.constant 240 : index
      %get3A_427 = tpu.vector_load %arg12[%get3A_425, %get3A_426] {strides = array<i32>} : memref<32x768xf32, #tpu.memory_space<vmem>>, vector<1x16xf32>,
      %get3A_428 = vector.shape_cast %get3A_427 : vector<1x16xf32> to vector<16xf32>
      %swap3A_429 = arith.index_cast %scan3A_291 : i32 to index
      %swap3A_430 = arith.constant 240 : index
      %swap3A_431 = tpu.vector_load %arg10[%swap3A_429, %swap3A_430] {strides = array<i32>} : memref<32x768xf32, #tpu.memory_space<vmem>>, vector<1x16xf32>,
      %swap3A_432 = vector.shape_cast %swap3A_431 : vector<1x16xf32> to vector<16xf32>
      %swap3A_433 = vector.shape_cast %get3A_428 : vector<16xf32> to vector<1x16xf32>
      tpu.vector_store %arg10[%swap3A_429, %swap3A_430], %swap3A_433 {add = true, strides = array<i32>} : memref<32x768xf32, #tpu.memory_space<vmem>>, vector<1x16xf32>,
      %get3A_434 = arith.index_cast %scan3A_291 : i32 to index
      %get3A_435 = arith.constant 256 : index
      %get3A_436 = tpu.vector_load %arg12[%get3A_434, %get3A_435] {strides = array<i32>} : memref<32x768xf32, #tpu.memory_space<vmem>>, vector<1x16xf32>,
      %get3A_437 = vector.shape_cast %get3A_436 : vector<1x16xf32> to vector<16xf32>
      %swap3A_438 = arith.index_cast %scan3A_291 : i32 to index
      %swap3A_439 = arith.constant 256 : index
      %swap3A_440 = tpu.vector_load %arg10[%swap3A_438, %swap3A_439] {strides = array<i32>} : memref<32x768xf32, #tpu.memory_space<vmem>>, vector<1x16xf32>,
      %swap3A_441 = vector.shape_cast %swap3A_440 : vector<1x16xf32> to vector<16xf32>
      %swap3A_442 = vector.shape_cast %get3A_437 : vector<16xf32> to vector<1x16xf32>
      tpu.vector_store %arg10[%swap3A_438, %swap3A_439], %swap3A_442 {add = true, strides = array<i32>} : memref<32x768xf32, #tpu.memory_space<vmem>>, vector<1x16xf32>,
      %get3A_443 = arith.index_cast %scan3A_291 : i32 to index
      %get3A_444 = arith.constant 272 : index
      %get3A_445 = tpu.vector_load %arg12[%get3A_443, %get3A_444] {strides = array<i32>} : memref<32x768xf32, #tpu.memory_space<vmem>>, vector<1x16xf32>,
      %get3A_446 = vector.shape_cast %get3A_445 : vector<1x16xf32> to vector<16xf32>
      %swap3A_447 = arith.index_cast %scan3A_291 : i32 to index
      %swap3A_448 = arith.constant 272 : index
      %swap3A_449 = tpu.vector_load %arg10[%swap3A_447, %swap3A_448] {strides = array<i32>} : memref<32x768xf32, #tpu.memory_space<vmem>>, vector<1x16xf32>,
      %swap3A_450 = vector.shape_cast %swap3A_449 : vector<1x16xf32> to vector<16xf32>
      %swap3A_451 = vector.shape_cast %get3A_446 : vector<16xf32> to vector<1x16xf32>
      tpu.vector_store %arg10[%swap3A_447, %swap3A_448], %swap3A_451 {add = true, strides = array<i32>} : memref<32x768xf32, #tpu.memory_space<vmem>>, vector<1x16xf32>,
      %get3A_452 = arith.index_cast %scan3A_291 : i32 to index
      %get3A_453 = arith.constant 288 : index
      %get3A_454 = tpu.vector_load %arg12[%get3A_452, %get3A_453] {strides = array<i32>} : memref<32x768xf32, #tpu.memory_space<vmem>>, vector<1x16xf32>,
      %get3A_455 = vector.shape_cast %get3A_454 : vector<1x16xf32> to vector<16xf32>
      %swap3A_456 = arith.index_cast %scan3A_291 : i32 to index
      %swap3A_457 = arith.constant 288 : index
      %swap3A_458 = tpu.vector_load %arg10[%swap3A_456, %swap3A_457] {strides = array<i32>} : memref<32x768xf32, #tpu.memory_space<vmem>>, vector<1x16xf32>,
      %swap3A_459 = vector.shape_cast %swap3A_458 : vector<1x16xf32> to vector<16xf32>
      %swap3A_460 = vector.shape_cast %get3A_455 : vector<16xf32> to vector<1x16xf32>
      tpu.vector_store %arg10[%swap3A_456, %swap3A_457], %swap3A_460 {add = true, strides = array<i32>} : memref<32x768xf32, #tpu.memory_space<vmem>>, vector<1x16xf32>,
      %get3A_461 = arith.index_cast %scan3A_291 : i32 to index
      %get3A_462 = arith.constant 304 : index
      %get3A_463 = tpu.vector_load %arg12[%get3A_461, %get3A_462] {strides = array<i32>} : memref<32x768xf32, #tpu.memory_space<vmem>>, vector<1x16xf32>,
      %get3A_464 = vector.shape_cast %get3A_463 : vector<1x16xf32> to vector<16xf32>
      %swap3A_465 = arith.index_cast %scan3A_291 : i32 to index
      %swap3A_466 = arith.constant 304 : index
      %swap3A_467 = tpu.vector_load %arg10[%swap3A_465, %swap3A_466] {strides = array<i32>} : memref<32x768xf32, #tpu.memory_space<vmem>>, vector<1x16xf32>,
      %swap3A_468 = vector.shape_cast %swap3A_467 : vector<1x16xf32> to vector<16xf32>
      %swap3A_469 = vector.shape_cast %get3A_464 : vector<16xf32> to vector<1x16xf32>
      tpu.vector_store %arg10[%swap3A_465, %swap3A_466], %swap3A_469 {add = true, strides = array<i32>} : memref<32x768xf32, #tpu.memory_space<vmem>>, vector<1x16xf32>,
      %get3A_470 = arith.index_cast %scan3A_291 : i32 to index
      %get3A_471 = arith.constant 320 : index
      %get3A_472 = tpu.vector_load %arg12[%get3A_470, %get3A_471] {strides = array<i32>} : memref<32x768xf32, #tpu.memory_space<vmem>>, vector<1x16xf32>,
      %get3A_473 = vector.shape_cast %get3A_472 : vector<1x16xf32> to vector<16xf32>
      %swap3A_474 = arith.index_cast %scan3A_291 : i32 to index
      %swap3A_475 = arith.constant 320 : index
      %swap3A_476 = tpu.vector_load %arg10[%swap3A_474, %swap3A_475] {strides = array<i32>} : memref<32x768xf32, #tpu.memory_space<vmem>>, vector<1x16xf32>,
      %swap3A_477 = vector.shape_cast %swap3A_476 : vector<1x16xf32> to vector<16xf32>
      %swap3A_478 = vector.shape_cast %get3A_473 : vector<16xf32> to vector<1x16xf32>
      tpu.vector_store %arg10[%swap3A_474, %swap3A_475], %swap3A_478 {add = true, strides = array<i32>} : memref<32x768xf32, #tpu.memory_space<vmem>>, vector<1x16xf32>,
      %get3A_479 = arith.index_cast %scan3A_291 : i32 to index
      %get3A_480 = arith.constant 336 : index
      %get3A_481 = tpu.vector_load %arg12[%get3A_479, %get3A_480] {strides = array<i32>} : memref<32x768xf32, #tpu.memory_space<vmem>>, vector<1x16xf32>,
      %get3A_482 = vector.shape_cast %get3A_481 : vector<1x16xf32> to vector<16xf32>
      %swap3A_483 = arith.index_cast %scan3A_291 : i32 to index
      %swap3A_484 = arith.constant 336 : index
      %swap3A_485 = tpu.vector_load %arg10[%swap3A_483, %swap3A_484] {strides = array<i32>} : memref<32x768xf32, #tpu.memory_space<vmem>>, vector<1x16xf32>,
      %swap3A_486 = vector.shape_cast %swap3A_485 : vector<1x16xf32> to vector<16xf32>
      %swap3A_487 = vector.shape_cast %get3A_482 : vector<16xf32> to vector<1x16xf32>
      tpu.vector_store %arg10[%swap3A_483, %swap3A_484], %swap3A_487 {add = true, strides = array<i32>} : memref<32x768xf32, #tpu.memory_space<vmem>>, vector<1x16xf32>,
      %get3A_488 = arith.index_cast %scan3A_291 : i32 to index
      %get3A_489 = arith.constant 352 : index
      %get3A_490 = tpu.vector_load %arg12[%get3A_488, %get3A_489] {strides = array<i32>} : memref<32x768xf32, #tpu.memory_space<vmem>>, vector<1x16xf32>,
      %get3A_491 = vector.shape_cast %get3A_490 : vector<1x16xf32> to vector<16xf32>
      %swap3A_492 = arith.index_cast %scan3A_291 : i32 to index
      %swap3A_493 = arith.constant 352 : index
      %swap3A_494 = tpu.vector_load %arg10[%swap3A_492, %swap3A_493] {strides = array<i32>} : memref<32x768xf32, #tpu.memory_space<vmem>>, vector<1x16xf32>,
      %swap3A_495 = vector.shape_cast %swap3A_494 : vector<1x16xf32> to vector<16xf32>
      %swap3A_496 = vector.shape_cast %get3A_491 : vector<16xf32> to vector<1x16xf32>
      tpu.vector_store %arg10[%swap3A_492, %swap3A_493], %swap3A_496 {add = true, strides = array<i32>} : memref<32x768xf32, #tpu.memory_space<vmem>>, vector<1x16xf32>,
      %get3A_497 = arith.index_cast %scan3A_291 : i32 to index
      %get3A_498 = arith.constant 368 : index
      %get3A_499 = tpu.vector_load %arg12[%get3A_497, %get3A_498] {strides = array<i32>} : memref<32x768xf32, #tpu.memory_space<vmem>>, vector<1x16xf32>,
      %get3A_500 = vector.shape_cast %get3A_499 : vector<1x16xf32> to vector<16xf32>
      %swap3A_501 = arith.index_cast %scan3A_291 : i32 to index
      %swap3A_502 = arith.constant 368 : index
      %swap3A_503 = tpu.vector_load %arg10[%swap3A_501, %swap3A_502] {strides = array<i32>} : memref<32x768xf32, #tpu.memory_space<vmem>>, vector<1x16xf32>,
      %swap3A_504 = vector.shape_cast %swap3A_503 : vector<1x16xf32> to vector<16xf32>
      %swap3A_505 = vector.shape_cast %get3A_500 : vector<16xf32> to vector<1x16xf32>
      tpu.vector_store %arg10[%swap3A_501, %swap3A_502], %swap3A_505 {add = true, strides = array<i32>} : memref<32x768xf32, #tpu.memory_space<vmem>>, vector<1x16xf32>,
      %get3A_506 = arith.index_cast %scan3A_291 : i32 to index
      %get3A_507 = arith.constant 384 : index
      %get3A_508 = tpu.vector_load %arg12[%get3A_506, %get3A_507] {strides = array<i32>} : memref<32x768xf32, #tpu.memory_space<vmem>>, vector<1x16xf32>,
      %get3A_509 = vector.shape_cast %get3A_508 : vector<1x16xf32> to vector<16xf32>
      %swap3A_510 = arith.index_cast %scan3A_291 : i32 to index
      %swap3A_511 = arith.constant 384 : index
      %swap3A_512 = tpu.vector_load %arg10[%swap3A_510, %swap3A_511] {strides = array<i32>} : memref<32x768xf32, #tpu.memory_space<vmem>>, vector<1x16xf32>,
      %swap3A_513 = vector.shape_cast %swap3A_512 : vector<1x16xf32> to vector<16xf32>
      %swap3A_514 = vector.shape_cast %get3A_509 : vector<16xf32> to vector<1x16xf32>
      tpu.vector_store %arg10[%swap3A_510, %swap3A_511], %swap3A_514 {add = true, strides = array<i32>} : memref<32x768xf32, #tpu.memory_space<vmem>>, vector<1x16xf32>,
      %get3A_515 = arith.index_cast %scan3A_291 : i32 to index
      %get3A_516 = arith.constant 400 : index
      %get3A_517 = tpu.vector_load %arg12[%get3A_515, %get3A_516] {strides = array<i32>} : memref<32x768xf32, #tpu.memory_space<vmem>>, vector<1x16xf32>,
      %get3A_518 = vector.shape_cast %get3A_517 : vector<1x16xf32> to vector<16xf32>
      %swap3A_519 = arith.index_cast %scan3A_291 : i32 to index
      %swap3A_520 = arith.constant 400 : index
      %swap3A_521 = tpu.vector_load %arg10[%swap3A_519, %swap3A_520] {strides = array<i32>} : memref<32x768xf32, #tpu.memory_space<vmem>>, vector<1x16xf32>,
      %swap3A_522 = vector.shape_cast %swap3A_521 : vector<1x16xf32> to vector<16xf32>
      %swap3A_523 = vector.shape_cast %get3A_518 : vector<16xf32> to vector<1x16xf32>
      tpu.vector_store %arg10[%swap3A_519, %swap3A_520], %swap3A_523 {add = true, strides = array<i32>} : memref<32x768xf32, #tpu.memory_space<vmem>>, vector<1x16xf32>,
      %get3A_524 = arith.index_cast %scan3A_291 : i32 to index
      %get3A_525 = arith.constant 416 : index
      %get3A_526 = tpu.vector_load %arg12[%get3A_524, %get3A_525] {strides = array<i32>} : memref<32x768xf32, #tpu.memory_space<vmem>>, vector<1x16xf32>,
      %get3A_527 = vector.shape_cast %get3A_526 : vector<1x16xf32> to vector<16xf32>
      %swap3A_528 = arith.index_cast %scan3A_291 : i32 to index
      %swap3A_529 = arith.constant 416 : index
      %swap3A_530 = tpu.vector_load %arg10[%swap3A_528, %swap3A_529] {strides = array<i32>} : memref<32x768xf32, #tpu.memory_space<vmem>>, vector<1x16xf32>,
      %swap3A_531 = vector.shape_cast %swap3A_530 : vector<1x16xf32> to vector<16xf32>
      %swap3A_532 = vector.shape_cast %get3A_527 : vector<16xf32> to vector<1x16xf32>
      tpu.vector_store %arg10[%swap3A_528, %swap3A_529], %swap3A_532 {add = true, strides = array<i32>} : memref<32x768xf32, #tpu.memory_space<vmem>>, vector<1x16xf32>,
      %get3A_533 = arith.index_cast %scan3A_291 : i32 to index
      %get3A_534 = arith.constant 432 : index
      %get3A_535 = tpu.vector_load %arg12[%get3A_533, %get3A_534] {strides = array<i32>} : memref<32x768xf32, #tpu.memory_space<vmem>>, vector<1x16xf32>,
      %get3A_536 = vector.shape_cast %get3A_535 : vector<1x16xf32> to vector<16xf32>
      %swap3A_537 = arith.index_cast %scan3A_291 : i32 to index
      %swap3A_538 = arith.constant 432 : index
      %swap3A_539 = tpu.vector_load %arg10[%swap3A_537, %swap3A_538] {strides = array<i32>} : memref<32x768xf32, #tpu.memory_space<vmem>>, vector<1x16xf32>,
      %swap3A_540 = vector.shape_cast %swap3A_539 : vector<1x16xf32> to vector<16xf32>
      %swap3A_541 = vector.shape_cast %get3A_536 : vector<16xf32> to vector<1x16xf32>
      tpu.vector_store %arg10[%swap3A_537, %swap3A_538], %swap3A_541 {add = true, strides = array<i32>} : memref<32x768xf32, #tpu.memory_space<vmem>>, vector<1x16xf32>,
      %get3A_542 = arith.index_cast %scan3A_291 : i32 to index
      %get3A_543 = arith.constant 448 : index
      %get3A_544 = tpu.vector_load %arg12[%get3A_542, %get3A_543] {strides = array<i32>} : memref<32x768xf32, #tpu.memory_space<vmem>>, vector<1x16xf32>,
      %get3A_545 = vector.shape_cast %get3A_544 : vector<1x16xf32> to vector<16xf32>
      %swap3A_546 = arith.index_cast %scan3A_291 : i32 to index
      %swap3A_547 = arith.constant 448 : index
      %swap3A_548 = tpu.vector_load %arg10[%swap3A_546, %swap3A_547] {strides = array<i32>} : memref<32x768xf32, #tpu.memory_space<vmem>>, vector<1x16xf32>,
      %swap3A_549 = vector.shape_cast %swap3A_548 : vector<1x16xf32> to vector<16xf32>
      %swap3A_550 = vector.shape_cast %get3A_545 : vector<16xf32> to vector<1x16xf32>
      tpu.vector_store %arg10[%swap3A_546, %swap3A_547], %swap3A_550 {add = true, strides = array<i32>} : memref<32x768xf32, #tpu.memory_space<vmem>>, vector<1x16xf32>,
      %get3A_551 = arith.index_cast %scan3A_291 : i32 to index
      %get3A_552 = arith.constant 464 : index
      %get3A_553 = tpu.vector_load %arg12[%get3A_551, %get3A_552] {strides = array<i32>} : memref<32x768xf32, #tpu.memory_space<vmem>>, vector<1x16xf32>,
      %get3A_554 = vector.shape_cast %get3A_553 : vector<1x16xf32> to vector<16xf32>
      %swap3A_555 = arith.index_cast %scan3A_291 : i32 to index
      %swap3A_556 = arith.constant 464 : index
      %swap3A_557 = tpu.vector_load %arg10[%swap3A_555, %swap3A_556] {strides = array<i32>} : memref<32x768xf32, #tpu.memory_space<vmem>>, vector<1x16xf32>,
      %swap3A_558 = vector.shape_cast %swap3A_557 : vector<1x16xf32> to vector<16xf32>
      %swap3A_559 = vector.shape_cast %get3A_554 : vector<16xf32> to vector<1x16xf32>
      tpu.vector_store %arg10[%swap3A_555, %swap3A_556], %swap3A_559 {add = true, strides = array<i32>} : memref<32x768xf32, #tpu.memory_space<vmem>>, vector<1x16xf32>,
      %get3A_560 = arith.index_cast %scan3A_291 : i32 to index
      %get3A_561 = arith.constant 480 : index
      %get3A_562 = tpu.vector_load %arg12[%get3A_560, %get3A_561] {strides = array<i32>} : memref<32x768xf32, #tpu.memory_space<vmem>>, vector<1x16xf32>,
      %get3A_563 = vector.shape_cast %get3A_562 : vector<1x16xf32> to vector<16xf32>
      %swap3A_564 = arith.index_cast %scan3A_291 : i32 to index
      %swap3A_565 = arith.constant 480 : index
      %swap3A_566 = tpu.vector_load %arg10[%swap3A_564, %swap3A_565] {strides = array<i32>} : memref<32x768xf32, #tpu.memory_space<vmem>>, vector<1x16xf32>,
      %swap3A_567 = vector.shape_cast %swap3A_566 : vector<1x16xf32> to vector<16xf32>
      %swap3A_568 = vector.shape_cast %get3A_563 : vector<16xf32> to vector<1x16xf32>
      tpu.vector_store %arg10[%swap3A_564, %swap3A_565], %swap3A_568 {add = true, strides = array<i32>} : memref<32x768xf32, #tpu.memory_space<vmem>>, vector<1x16xf32>,
      %get3A_569 = arith.index_cast %scan3A_291 : i32 to index
      %get3A_570 = arith.constant 496 : index
      %get3A_571 = tpu.vector_load %arg12[%get3A_569, %get3A_570] {strides = array<i32>} : memref<32x768xf32, #tpu.memory_space<vmem>>, vector<1x16xf32>,
      %get3A_572 = vector.shape_cast %get3A_571 : vector<1x16xf32> to vector<16xf32>
      %swap3A_573 = arith.index_cast %scan3A_291 : i32 to index
      %swap3A_574 = arith.constant 496 : index
      %swap3A_575 = tpu.vector_load %arg10[%swap3A_573, %swap3A_574] {strides = array<i32>} : memref<32x768xf32, #tpu.memory_space<vmem>>, vector<1x16xf32>,
      %swap3A_576 = vector.shape_cast %swap3A_575 : vector<1x16xf32> to vector<16xf32>
      %swap3A_577 = vector.shape_cast %get3A_572 : vector<16xf32> to vector<1x16xf32>
      tpu.vector_store %arg10[%swap3A_573, %swap3A_574], %swap3A_577 {add = true, strides = array<i32>} : memref<32x768xf32, #tpu.memory_space<vmem>>, vector<1x16xf32>,
      %get3A_578 = arith.index_cast %scan3A_291 : i32 to index
      %get3A_579 = arith.constant 512 : index
      %get3A_580 = tpu.vector_load %arg12[%get3A_578, %get3A_579] {strides = array<i32>} : memref<32x768xf32, #tpu.memory_space<vmem>>, vector<1x16xf32>,
      %get3A_581 = vector.shape_cast %get3A_580 : vector<1x16xf32> to vector<16xf32>
      %swap3A_582 = arith.index_cast %scan3A_291 : i32 to index
      %swap3A_583 = arith.constant 512 : index
      %swap3A_584 = tpu.vector_load %arg10[%swap3A_582, %swap3A_583] {strides = array<i32>} : memref<32x768xf32, #tpu.memory_space<vmem>>, vector<1x16xf32>,
      %swap3A_585 = vector.shape_cast %swap3A_584 : vector<1x16xf32> to vector<16xf32>
      %swap3A_586 = vector.shape_cast %get3A_581 : vector<16xf32> to vector<1x16xf32>
      tpu.vector_store %arg10[%swap3A_582, %swap3A_583], %swap3A_586 {add = true, strides = array<i32>} : memref<32x768xf32, #tpu.memory_space<vmem>>, vector<1x16xf32>,
      %get3A_587 = arith.index_cast %scan3A_291 : i32 to index
      %get3A_588 = arith.constant 528 : index
      %get3A_589 = tpu.vector_load %arg12[%get3A_587, %get3A_588] {strides = array<i32>} : memref<32x768xf32, #tpu.memory_space<vmem>>, vector<1x16xf32>,
      %get3A_590 = vector.shape_cast %get3A_589 : vector<1x16xf32> to vector<16xf32>
      %swap3A_591 = arith.index_cast %scan3A_291 : i32 to index
      %swap3A_592 = arith.constant 528 : index
      %swap3A_593 = tpu.vector_load %arg10[%swap3A_591, %swap3A_592] {strides = array<i32>} : memref<32x768xf32, #tpu.memory_space<vmem>>, vector<1x16xf32>,
      %swap3A_594 = vector.shape_cast %swap3A_593 : vector<1x16xf32> to vector<16xf32>
      %swap3A_595 = vector.shape_cast %get3A_590 : vector<16xf32> to vector<1x16xf32>
      tpu.vector_store %arg10[%swap3A_591, %swap3A_592], %swap3A_595 {add = true, strides = array<i32>} : memref<32x768xf32, #tpu.memory_space<vmem>>, vector<1x16xf32>,
      %get3A_596 = arith.index_cast %scan3A_291 : i32 to index
      %get3A_597 = arith.constant 544 : index
      %get3A_598 = tpu.vector_load %arg12[%get3A_596, %get3A_597] {strides = array<i32>} : memref<32x768xf32, #tpu.memory_space<vmem>>, vector<1x16xf32>,
      %get3A_599 = vector.shape_cast %get3A_598 : vector<1x16xf32> to vector<16xf32>
      %swap3A_600 = arith.index_cast %scan3A_291 : i32 to index
      %swap3A_601 = arith.constant 544 : index
      %swap3A_602 = tpu.vector_load %arg10[%swap3A_600, %swap3A_601] {strides = array<i32>} : memref<32x768xf32, #tpu.memory_space<vmem>>, vector<1x16xf32>,
      %swap3A_603 = vector.shape_cast %swap3A_602 : vector<1x16xf32> to vector<16xf32>
      %swap3A_604 = vector.shape_cast %get3A_599 : vector<16xf32> to vector<1x16xf32>
      tpu.vector_store %arg10[%swap3A_600, %swap3A_601], %swap3A_604 {add = true, strides = array<i32>} : memref<32x768xf32, #tpu.memory_space<vmem>>, vector<1x16xf32>,
      %get3A_605 = arith.index_cast %scan3A_291 : i32 to index
      %get3A_606 = arith.constant 560 : index
      %get3A_607 = tpu.vector_load %arg12[%get3A_605, %get3A_606] {strides = array<i32>} : memref<32x768xf32, #tpu.memory_space<vmem>>, vector<1x16xf32>,
      %get3A_608 = vector.shape_cast %get3A_607 : vector<1x16xf32> to vector<16xf32>
      %swap3A_609 = arith.index_cast %scan3A_291 : i32 to index
      %swap3A_610 = arith.constant 560 : index
      %swap3A_611 = tpu.vector_load %arg10[%swap3A_609, %swap3A_610] {strides = array<i32>} : memref<32x768xf32, #tpu.memory_space<vmem>>, vector<1x16xf32>,
      %swap3A_612 = vector.shape_cast %swap3A_611 : vector<1x16xf32> to vector<16xf32>
      %swap3A_613 = vector.shape_cast %get3A_608 : vector<16xf32> to vector<1x16xf32>
      tpu.vector_store %arg10[%swap3A_609, %swap3A_610], %swap3A_613 {add = true, strides = array<i32>} : memref<32x768xf32, #tpu.memory_space<vmem>>, vector<1x16xf32>,
      %get3A_614 = arith.index_cast %scan3A_291 : i32 to index
      %get3A_615 = arith.constant 576 : index
      %get3A_616 = tpu.vector_load %arg12[%get3A_614, %get3A_615] {strides = array<i32>} : memref<32x768xf32, #tpu.memory_space<vmem>>, vector<1x16xf32>,
      %get3A_617 = vector.shape_cast %get3A_616 : vector<1x16xf32> to vector<16xf32>
      %swap3A_618 = arith.index_cast %scan3A_291 : i32 to index
      %swap3A_619 = arith.constant 576 : index
      %swap3A_620 = tpu.vector_load %arg10[%swap3A_618, %swap3A_619] {strides = array<i32>} : memref<32x768xf32, #tpu.memory_space<vmem>>, vector<1x16xf32>,
      %swap3A_621 = vector.shape_cast %swap3A_620 : vector<1x16xf32> to vector<16xf32>
      %swap3A_622 = vector.shape_cast %get3A_617 : vector<16xf32> to vector<1x16xf32>
      tpu.vector_store %arg10[%swap3A_618, %swap3A_619], %swap3A_622 {add = true, strides = array<i32>} : memref<32x768xf32, #tpu.memory_space<vmem>>, vector<1x16xf32>,
      %get3A_623 = arith.index_cast %scan3A_291 : i32 to index
      %get3A_624 = arith.constant 592 : index
      %get3A_625 = tpu.vector_load %arg12[%get3A_623, %get3A_624] {strides = array<i32>} : memref<32x768xf32, #tpu.memory_space<vmem>>, vector<1x16xf32>,
      %get3A_626 = vector.shape_cast %get3A_625 : vector<1x16xf32> to vector<16xf32>
      %swap3A_627 = arith.index_cast %scan3A_291 : i32 to index
      %swap3A_628 = arith.constant 592 : index
      %swap3A_629 = tpu.vector_load %arg10[%swap3A_627, %swap3A_628] {strides = array<i32>} : memref<32x768xf32, #tpu.memory_space<vmem>>, vector<1x16xf32>,
      %swap3A_630 = vector.shape_cast %swap3A_629 : vector<1x16xf32> to vector<16xf32>
      %swap3A_631 = vector.shape_cast %get3A_626 : vector<16xf32> to vector<1x16xf32>
      tpu.vector_store %arg10[%swap3A_627, %swap3A_628], %swap3A_631 {add = true, strides = array<i32>} : memref<32x768xf32, #tpu.memory_space<vmem>>, vector<1x16xf32>,
      %get3A_632 = arith.index_cast %scan3A_291 : i32 to index
      %get3A_633 = arith.constant 608 : index
      %get3A_634 = tpu.vector_load %arg12[%get3A_632, %get3A_633] {strides = array<i32>} : memref<32x768xf32, #tpu.memory_space<vmem>>, vector<1x16xf32>,
      %get3A_635 = vector.shape_cast %get3A_634 : vector<1x16xf32> to vector<16xf32>
      %swap3A_636 = arith.index_cast %scan3A_291 : i32 to index
      %swap3A_637 = arith.constant 608 : index
      %swap3A_638 = tpu.vector_load %arg10[%swap3A_636, %swap3A_637] {strides = array<i32>} : memref<32x768xf32, #tpu.memory_space<vmem>>, vector<1x16xf32>,
      %swap3A_639 = vector.shape_cast %swap3A_638 : vector<1x16xf32> to vector<16xf32>
      %swap3A_640 = vector.shape_cast %get3A_635 : vector<16xf32> to vector<1x16xf32>
      tpu.vector_store %arg10[%swap3A_636, %swap3A_637], %swap3A_640 {add = true, strides = array<i32>} : memref<32x768xf32, #tpu.memory_space<vmem>>, vector<1x16xf32>,
      %get3A_641 = arith.index_cast %scan3A_291 : i32 to index
      %get3A_642 = arith.constant 624 : index
      %get3A_643 = tpu.vector_load %arg12[%get3A_641, %get3A_642] {strides = array<i32>} : memref<32x768xf32, #tpu.memory_space<vmem>>, vector<1x16xf32>,
      %get3A_644 = vector.shape_cast %get3A_643 : vector<1x16xf32> to vector<16xf32>
      %swap3A_645 = arith.index_cast %scan3A_291 : i32 to index
      %swap3A_646 = arith.constant 624 : index
      %swap3A_647 = tpu.vector_load %arg10[%swap3A_645, %swap3A_646] {strides = array<i32>} : memref<32x768xf32, #tpu.memory_space<vmem>>, vector<1x16xf32>,
      %swap3A_648 = vector.shape_cast %swap3A_647 : vector<1x16xf32> to vector<16xf32>
      %swap3A_649 = vector.shape_cast %get3A_644 : vector<16xf32> to vector<1x16xf32>
      tpu.vector_store %arg10[%swap3A_645, %swap3A_646], %swap3A_649 {add = true, strides = array<i32>} : memref<32x768xf32, #tpu.memory_space<vmem>>, vector<1x16xf32>,
      %get3A_650 = arith.index_cast %scan3A_291 : i32 to index
      %get3A_651 = arith.constant 640 : index
      %get3A_652 = tpu.vector_load %arg12[%get3A_650, %get3A_651] {strides = array<i32>} : memref<32x768xf32, #tpu.memory_space<vmem>>, vector<1x16xf32>,
      %get3A_653 = vector.shape_cast %get3A_652 : vector<1x16xf32> to vector<16xf32>
      %swap3A_654 = arith.index_cast %scan3A_291 : i32 to index
      %swap3A_655 = arith.constant 640 : index
      %swap3A_656 = tpu.vector_load %arg10[%swap3A_654, %swap3A_655] {strides = array<i32>} : memref<32x768xf32, #tpu.memory_space<vmem>>, vector<1x16xf32>,
      %swap3A_657 = vector.shape_cast %swap3A_656 : vector<1x16xf32> to vector<16xf32>
      %swap3A_658 = vector.shape_cast %get3A_653 : vector<16xf32> to vector<1x16xf32>
      tpu.vector_store %arg10[%swap3A_654, %swap3A_655], %swap3A_658 {add = true, strides = array<i32>} : memref<32x768xf32, #tpu.memory_space<vmem>>, vector<1x16xf32>,
      %get3A_659 = arith.index_cast %scan3A_291 : i32 to index
      %get3A_660 = arith.constant 656 : index
      %get3A_661 = tpu.vector_load %arg12[%get3A_659, %get3A_660] {strides = array<i32>} : memref<32x768xf32, #tpu.memory_space<vmem>>, vector<1x16xf32>,
      %get3A_662 = vector.shape_cast %get3A_661 : vector<1x16xf32> to vector<16xf32>
      %swap3A_663 = arith.index_cast %scan3A_291 : i32 to index
      %swap3A_664 = arith.constant 656 : index
      %swap3A_665 = tpu.vector_load %arg10[%swap3A_663, %swap3A_664] {strides = array<i32>} : memref<32x768xf32, #tpu.memory_space<vmem>>, vector<1x16xf32>,
      %swap3A_666 = vector.shape_cast %swap3A_665 : vector<1x16xf32> to vector<16xf32>
      %swap3A_667 = vector.shape_cast %get3A_662 : vector<16xf32> to vector<1x16xf32>
      tpu.vector_store %arg10[%swap3A_663, %swap3A_664], %swap3A_667 {add = true, strides = array<i32>} : memref<32x768xf32, #tpu.memory_space<vmem>>, vector<1x16xf32>,
      %get3A_668 = arith.index_cast %scan3A_291 : i32 to index
      %get3A_669 = arith.constant 672 : index
      %get3A_670 = tpu.vector_load %arg12[%get3A_668, %get3A_669] {strides = array<i32>} : memref<32x768xf32, #tpu.memory_space<vmem>>, vector<1x16xf32>,
      %get3A_671 = vector.shape_cast %get3A_670 : vector<1x16xf32> to vector<16xf32>
      %swap3A_672 = arith.index_cast %scan3A_291 : i32 to index
      %swap3A_673 = arith.constant 672 : index
      %swap3A_674 = tpu.vector_load %arg10[%swap3A_672, %swap3A_673] {strides = array<i32>} : memref<32x768xf32, #tpu.memory_space<vmem>>, vector<1x16xf32>,
      %swap3A_675 = vector.shape_cast %swap3A_674 : vector<1x16xf32> to vector<16xf32>
      %swap3A_676 = vector.shape_cast %get3A_671 : vector<16xf32> to vector<1x16xf32>
      tpu.vector_store %arg10[%swap3A_672, %swap3A_673], %swap3A_676 {add = true, strides = array<i32>} : memref<32x768xf32, #tpu.memory_space<vmem>>, vector<1x16xf32>,
      %get3A_677 = arith.index_cast %scan3A_291 : i32 to index
      %get3A_678 = arith.constant 688 : index
      %get3A_679 = tpu.vector_load %arg12[%get3A_677, %get3A_678] {strides = array<i32>} : memref<32x768xf32, #tpu.memory_space<vmem>>, vector<1x16xf32>,
      %get3A_680 = vector.shape_cast %get3A_679 : vector<1x16xf32> to vector<16xf32>
      %swap3A_681 = arith.index_cast %scan3A_291 : i32 to index
      %swap3A_682 = arith.constant 688 : index
      %swap3A_683 = tpu.vector_load %arg10[%swap3A_681, %swap3A_682] {strides = array<i32>} : memref<32x768xf32, #tpu.memory_space<vmem>>, vector<1x16xf32>,
      %swap3A_684 = vector.shape_cast %swap3A_683 : vector<1x16xf32> to vector<16xf32>
      %swap3A_685 = vector.shape_cast %get3A_680 : vector<16xf32> to vector<1x16xf32>
      tpu.vector_store %arg10[%swap3A_681, %swap3A_682], %swap3A_685 {add = true, strides = array<i32>} : memref<32x768xf32, #tpu.memory_space<vmem>>, vector<1x16xf32>,
      %get3A_686 = arith.index_cast %scan3A_291 : i32 to index
      %get3A_687 = arith.constant 704 : index
      %get3A_688 = tpu.vector_load %arg12[%get3A_686, %get3A_687] {strides = array<i32>} : memref<32x768xf32, #tpu.memory_space<vmem>>, vector<1x16xf32>,
      %get3A_689 = vector.shape_cast %get3A_688 : vector<1x16xf32> to vector<16xf32>
      %swap3A_690 = arith.index_cast %scan3A_291 : i32 to index
      %swap3A_691 = arith.constant 704 : index
      %swap3A_692 = tpu.vector_load %arg10[%swap3A_690, %swap3A_691] {strides = array<i32>} : memref<32x768xf32, #tpu.memory_space<vmem>>, vector<1x16xf32>,
      %swap3A_693 = vector.shape_cast %swap3A_692 : vector<1x16xf32> to vector<16xf32>
      %swap3A_694 = vector.shape_cast %get3A_689 : vector<16xf32> to vector<1x16xf32>
      tpu.vector_store %arg10[%swap3A_690, %swap3A_691], %swap3A_694 {add = true, strides = array<i32>} : memref<32x768xf32, #tpu.memory_space<vmem>>, vector<1x16xf32>,
      %get3A_695 = arith.index_cast %scan3A_291 : i32 to index
      %get3A_696 = arith.constant 720 : index
      %get3A_697 = tpu.vector_load %arg12[%get3A_695, %get3A_696] {strides = array<i32>} : memref<32x768xf32, #tpu.memory_space<vmem>>, vector<1x16xf32>,
      %get3A_698 = vector.shape_cast %get3A_697 : vector<1x16xf32> to vector<16xf32>
      %swap3A_699 = arith.index_cast %scan3A_291 : i32 to index
      %swap3A_700 = arith.constant 720 : index
      %swap3A_701 = tpu.vector_load %arg10[%swap3A_699, %swap3A_700] {strides = array<i32>} : memref<32x768xf32, #tpu.memory_space<vmem>>, vector<1x16xf32>,
      %swap3A_702 = vector.shape_cast %swap3A_701 : vector<1x16xf32> to vector<16xf32>
      %swap3A_703 = vector.shape_cast %get3A_698 : vector<16xf32> to vector<1x16xf32>
      tpu.vector_store %arg10[%swap3A_699, %swap3A_700], %swap3A_703 {add = true, strides = array<i32>} : memref<32x768xf32, #tpu.memory_space<vmem>>, vector<1x16xf32>,
      %get3A_704 = arith.index_cast %scan3A_291 : i32 to index
      %get3A_705 = arith.constant 736 : index
      %get3A_706 = tpu.vector_load %arg12[%get3A_704, %get3A_705] {strides = array<i32>} : memref<32x768xf32, #tpu.memory_space<vmem>>, vector<1x16xf32>,
      %get3A_707 = vector.shape_cast %get3A_706 : vector<1x16xf32> to vector<16xf32>
      %swap3A_708 = arith.index_cast %scan3A_291 : i32 to index
      %swap3A_709 = arith.constant 736 : index
      %swap3A_710 = tpu.vector_load %arg10[%swap3A_708, %swap3A_709] {strides = array<i32>} : memref<32x768xf32, #tpu.memory_space<vmem>>, vector<1x16xf32>,
      %swap3A_711 = vector.shape_cast %swap3A_710 : vector<1x16xf32> to vector<16xf32>
      %swap3A_712 = vector.shape_cast %get3A_707 : vector<16xf32> to vector<1x16xf32>
      tpu.vector_store %arg10[%swap3A_708, %swap3A_709], %swap3A_712 {add = true, strides = array<i32>} : memref<32x768xf32, #tpu.memory_space<vmem>>, vector<1x16xf32>,
      %get3A_713 = arith.index_cast %scan3A_291 : i32 to index
      %get3A_714 = arith.constant 752 : index
      %get3A_715 = tpu.vector_load %arg12[%get3A_713, %get3A_714] {strides = array<i32>} : memref<32x768xf32, #tpu.memory_space<vmem>>, vector<1x16xf32>,
      %get3A_716 = vector.shape_cast %get3A_715 : vector<1x16xf32> to vector<16xf32>
      %swap3A_717 = arith.index_cast %scan3A_291 : i32 to index
      %swap3A_718 = arith.constant 752 : index
      %swap3A_719 = tpu.vector_load %arg10[%swap3A_717, %swap3A_718] {strides = array<i32>} : memref<32x768xf32, #tpu.memory_space<vmem>>, vector<1x16xf32>,
      %swap3A_720 = vector.shape_cast %swap3A_719 : vector<1x16xf32> to vector<16xf32>
      %swap3A_721 = vector.shape_cast %get3A_716 : vector<16xf32> to vector<1x16xf32>
      tpu.vector_store %arg10[%swap3A_717, %swap3A_718], %swap3A_721 {add = true, strides = array<i32>} : memref<32x768xf32, #tpu.memory_space<vmem>>, vector<1x16xf32>,
    }
    %scan3A_280 = arith.constant 32 : i32
    %add3A_281 = arith.constant 9824 : i32
    %add3A_282 = arith.addi %mul3A_2, %add3A_281 : i32
    %dma_start3A_283 = arith.constant 0 : i32
    %dma_start3A_284 = tpu.memref_slice %arg6[%add3A_282, %dma_start3A_283] : memref<315392x768xf32, #tpu.memory_space<hbm>> -> memref<32x768xf32, #tpu.memory_space<hbm>>
    %dma_start3A_285 = arith.constant 0 : i32
    %dma_start3A_286 = tpu.memref_slice %arg6[%add3A_282, %dma_start3A_285] : memref<315392x768xf32, #tpu.memory_space<hbm>> -> memref<32x768xf32, #tpu.memory_space<hbm>>
    tpu.enqueue_dma source(%arg10 : memref<32x768xf32, #tpu.memory_space<vmem>>) target(%dma_start3A_286 : memref<32x768xf32, #tpu.memory_space<hbm>>) target_semaphore(%arg18 : memref<!tpu.dma_semaphore, #tpu.memory_space<semaphore_mem>>)
    %dma_wait3A_287 = arith.constant 0 : i32
    %dma_wait3A_288 = tpu.memref_slice %arg6[%mul3A_2, %dma_wait3A_287] : memref<315392x768xf32, #tpu.memory_space<hbm>> -> memref<32x768xf32, #tpu.memory_space<hbm>>
    %dma_wait3A_289 = arith.constant 0 : i32
    %dma_wait3A_290 = tpu.memref_slice %arg6[%mul3A_2, %dma_wait3A_289] : memref<315392x768xf32, #tpu.memory_space<hbm>> -> memref<32x768xf32, #tpu.memory_space<hbm>>
    tpu.wait_dma2 semaphore(%arg18 : memref<!tpu.dma_semaphore, #tpu.memory_space<semaphore_mem>>) src(%arg10 : memref<32x768xf32, #tpu.memory_space<vmem>>) dst(%dma_wait3A_290 : memref<32x768xf32, #tpu.memory_space<hbm>>)
    return
  }
}

</mosaic_0001>

<sc_bundles>
// kernel: kernel.3.cloned.1.call-start
scs
__scs_entry_jumppad:
0x0: {  	(pc) =	sbr.rel $0x88, $3  }
0x1: {  	(tag) =	ssettag $0x0;
	lr =	simm.s32 $0x1  }
0x2: {  	[smem:$0x3F9D] =	sst lr;
	_ =	strace $0xD0000000  }
0x3: {  	_ = 	snop  }
0x4: {  	_ = 	snop  }
0x5: {  	_ = 	snop  }
0x6: {  	_ = 	snop  }
0x7: {  	_ = 	snop  }
__scs_overlays_trampoline_lowered:
0x8: {  	[smem:$0x3FAC] =	sst s0  }
0x9: {  	[smem:$0x3FAD] =	sst s1  }
0xa: {  	[smem:$0x3FAE] =	sst s2  }
0xb: {  	[smem:$0x3FAF] =	sst s3  }
0xc: {  	[smem:$0x3FB0] =	sst s4  }
0xd: {  	[smem:$0x3FB1] =	sst s5  }
0xe: {  	[smem:$0x3FB2] =	sst s6  }
0xf: {  	[smem:$0x3FB3] =	sst s7  }
0x10: {  	[smem:$0x3FB4] =	sst s8  }
0x11: {  	[smem:$0x3FB5] =	sst s9;
	s0 =	simm.s32 @!p0 $0x0  }
0x12: {  	s1 =	sld [smem:$0x3F9B];
	s0 =	simm.s32 @p0 $0x1  }
0x13: {  	[smem:$0x3FB6] =	sst s0;
	s0 =	simm.s32 @!p1 $0x0  }
0x14: {  	s2 =	sld [smem:$0x3F9A];
	s0 =	simm.s32 @p1 $0x1  }
0x15: {  	[smem:$0x3FB7] =	sst s0;
	s0 =	simm.s32 @!p2 $0x0  }
0x16: {  	s3 =	sld [smem:$0x3FDB];
	s0 =	simm.s32 @p2 $0x1  }
0x17: {  	s4 =	simm.s32 $0x1BF5;
	[smem:$0x3FB9] =	sst s0  }
0x18: {  	s0 =	sld [smem:$0x3F9C];
	_ =	swait.ge [sflag:s4], $0x0  }
0x19: {  	s7 =	sld [smem:$0x3F9D]  }
0x1a: {  	s8 =	sadd.s32 $0xFFFFE003, lr  }
0x1b: {  	s9 =	sadd.s32 $0xFFFFFEF7, lr;
	s5 =	simm.s32 $0xFFFFFFFF;
	p2 =	slt.u32 s8, $0xFFFFF086  }
0x1c: {  	p1 =	slt.u32 s9, $0xF7A;
	s5 =	simm.s32 @!p2 $0x0  }
0x1d: {  	s5 =	simm.s32 @p1 $0x1;
	p0 =	seq.s32 s7, s2  }
0x1e: {  	s7 =	smul.u32 @!p0 $0xF7A, s2;
	p2 =	seq.s32 @!p0 s5, $0x0  }
0x1f: {  	s9 =	smul.u32 $0xF7A, s1;
	s8 =	simm.s32 @!p0 $0x1BF5;
	p2 =	por !p2, p0  }
0x20: {  	[sflag:s8] =	ssyncset.s32 @!p0 $0xFFFFF086;
	s6 =	sadd.s32 @!p0 s3, s7;
	s7 =	simm.s32 @!p0 $0x108  }
0x21: {  	s3 =	sadd.s32 s3, s9;
	s6 =	sadd.s32 @!p0 $0x88, s6;
	s7 =	simm.s32 @p2 $0x1082  }
0x22: {  	[simem:s7], [sflag:s8] =	dma.local @!p0 [hbm:s6], $0xF7A  }
0x23: {  	s9 =	sor.u32 $0xD0000000, s2;
	s6 =	simm.s32 $0x108;
	_ =	swait.ge @!p0 [sflag:s8], $0x0  }
0x24: {  	s3 =	sadd.s32 $0x88, s3;
	s6 =	simm.s32 @!p1 $0x1082;
	[sflag:s4] =	ssyncset.s32 $0xFFFFF086  }
0x25: {  	[simem:s6], [sflag:s4] =	dma.local [hbm:s3], $0xF7A  }
0x26: {  	[smem:$0x3F9D] =	sst s1;
	(tag) =	ssettag s2;
	_ =	strace s9  }
0x27: {  	s1 =	sld [smem:$0x3FAD]  }
0x28: {  	s2 =	sld [smem:$0x3FAE]  }
0x29: {  	s4 =	sld [smem:$0x3FB0]  }
0x2a: {  	p0 =	seq.s32 s5, $0x0;
	s5 =	sld [smem:$0x3FB1]  }
0x2b: {  	s6 =	sld [smem:$0x3FB2]  }
0x2c: {  	s7 =	sld [smem:$0x3FB3]  }
0x2d: {  	s3 =	simm.s32 $0x108;
	s8 =	sld [smem:$0x3FB4]  }
0x2e: {  	s3 =	simm.s32 @!p0 $0x1082;
	s9 =	sld [smem:$0x3FB5]  }
0x2f: {  	lr =	sadd.s32 s0, s3;
	s0 =	sld [smem:$0x3FAC]  }
0x30: {  	s3 =	sld [smem:$0x3FAF]  }
0x31: {  	[smem:$0x3FB8] =	sst s10  }
0x32: {  	s10 =	sld [smem:$0x3FB6];
	_ =	sdelay $0x3  }
0x33: {  	p0 =	seq.s32 s10, $0x1;
	s10 =	sld [smem:$0x3FB8];
	_ =	sdelay $0x3  }
0x34: {  	[smem:$0x3FB8] =	sst s10  }
0x35: {  	s10 =	sld [smem:$0x3FB7];
	_ =	sdelay $0x3  }
0x36: {  	p1 =	seq.s32 s10, $0x1;
	s10 =	sld [smem:$0x3FB8];
	_ =	sdelay $0x3  }
0x37: {  	[smem:$0x3FB8] =	sst s10  }
0x38: {  	s10 =	sld [smem:$0x3FB9]  }
0x39: {  	_ = 	snop;
	(pc) =	sbr.ind lr, $3  }
0x3a: {  	_ = 	snop  }
0x3b: {  	_ = 	snop  }
0x3c: {  	p2 =	seq.s32 s10, $0x1;
	s10 =	sld [smem:$0x3FB8]  }
0x3d: {  	_ =	shalt  }
0x3e: {  	_ =	shalt  }
0x3f: {  	_ =	shalt  }
0x40: {  	_ =	shalt  }
0x41: {  	_ =	shalt  }
0x42: {  	_ =	shalt  }
0x43: {  	_ =	shalt  }
0x44: {  	_ =	shalt  }
0x45: {  	_ =	shalt  }
0x46: {  	_ =	shalt  }
0x47: {  	_ =	shalt  }
0x48: {  	_ =	shalt  }
0x49: {  	_ =	shalt  }
0x4a: {  	_ =	shalt  }
0x4b: {  	_ =	shalt  }
0x4c: {  	_ =	shalt  }
0x4d: {  	_ =	shalt  }
0x4e: {  	_ =	shalt  }
0x4f: {  	_ =	shalt  }
0x50: {  	_ =	shalt  }
0x51: {  	_ =	shalt  }
0x52: {  	_ =	shalt  }
0x53: {  	_ =	shalt  }
0x54: {  	_ =	shalt  }
0x55: {  	_ =	shalt  }
0x56: {  	_ =	shalt  }
0x57: {  	_ =	shalt  }
0x58: {  	_ =	shalt  }
0x59: {  	_ =	shalt  }
0x5a: {  	_ =	shalt  }
0x5b: {  	_ =	shalt  }
0x5c: {  	_ =	shalt  }
0x5d: {  	_ =	shalt  }
0x5e: {  	_ =	shalt  }
0x5f: {  	_ =	shalt  }
0x60: {  	_ =	shalt  }
0x61: {  	_ =	shalt  }
0x62: {  	_ =	shalt  }
0x63: {  	_ =	shalt  }
0x64: {  	_ =	shalt  }
0x65: {  	_ =	shalt  }
0x66: {  	_ =	shalt  }
0x67: {  	_ =	shalt  }
0x68: {  	_ =	shalt  }
0x69: {  	_ =	shalt  }
0x6a: {  	_ =	shalt  }
0x6b: {  	_ =	shalt  }
0x6c: {  	_ =	shalt  }
0x6d: {  	_ =	shalt  }
0x6e: {  	_ =	shalt  }
0x6f: {  	_ =	shalt  }
0x70: {  	_ =	shalt  }
0x71: {  	_ =	shalt  }
0x72: {  	_ =	shalt  }
0x73: {  	_ =	shalt  }
0x74: {  	_ =	shalt  }
0x75: {  	_ =	shalt  }
0x76: {  	_ =	shalt  }
0x77: {  	_ =	shalt  }
0x78: {  	_ =	shalt  }
0x79: {  	_ =	shalt  }
0x7a: {  	_ =	shalt  }
0x7b: {  	_ =	shalt  }
0x7c: {  	_ =	shalt  }
0x7d: {  	_ =	shalt  }
0x7e: {  	_ =	shalt  }
0x7f: {  	_ =	shalt  }
0x80: {  	_ =	shalt  }
0x81: {  	_ =	shalt  }
0x82: {  	_ =	shalt  }
0x83: {  	_ =	shalt  }
0x84: {  	_ =	shalt  }
0x85: {  	_ =	shalt  }
0x86: {  	_ =	shalt  }
0x87: {  	_ =	shalt  }
.Lfunc_end0:
.L_simem_size_0:
called_computation_lowered:
.L_overlay_start_0:
0x88: {  	s2 =	sld [smem:$0x3FD9]  }
0x89: {  	s3 =	sld [smem:$0x3FFE];
	_ =	sdelay $0x1  }
0x8a: {  	s1 =	srdreg.scid  }
0x8b: {  	s0 =	sand.u32 $0x1, s1  }
0x8c: {  	s17 =	sshll.u32 s0, $0xA;
	s2 =	sadd.s32 s3, s2  }
0x8d: {  	s2 =	sadd.s32 s2, s17  }
0x8e: {  	[smem:$0x3FC4] =	sst s2  }
0x8f: {  	_ = 	snop  }
0x90: {  	s2 =	sld [smem:$0x3FC7]  }
0x91: {  	s18 =	sld [smem:$0x3FD0];
	(tm) =	ssettm $0x1  }
0x92: {  	s4 =	sld [smem:$0x3FFB];
	_ =	sdelay $0x3  }
0x93: {  	_ =	strace s4  }
0x94: {  	s4 =	sld [smem:$0x3FFC];
	_ =	sdelay $0x3  }
0x95: {  	_ =	strace s4  }
0x96: {  	s4 =	sld [smem:$0x3FFD];
	_ =	sdelay $0x3  }
0x97: {  	_ =	strace s4  }
0x98: {  	_ =	strace $0x8FFFFFFF  }
0x99: {  	s19 =	sld [smem:$0x3FDB];
	_ =	sdelay $0x1  }
0x9a: {  	s5 =	simm.s32 $_scs_section_size  }
0x9b: {  	s6 =	simm.s32 $_size__tile_overlayer_lowered;
	s7 =	simm.s32 $_tile_overlayer_lowered  }
0x9c: {  	s22 =	simm.s32 $0x1BFF;
	s21 =	sshll.u32 s7, $0x1;
	s4 =	sadd.s32 s5, s19  }
0x9d: {  	s8 =	simm.s32 $0x0;
	s20 =	sshll.u32 s6, $0x1;
	s6 =	sadd.s32 s21, s4  }
0x9e: {  	[timem:s8], [sflag:s22] =	dma.local [hbm:s6], s20  }
0x9f: {  	_ =	swait.ge [sflag:s22], s20  }
0xa0: {  	s5 =	ssub.s32 $0x0, s20;
	[sflag:s22] =	ssyncset.done $0x0  }
0xa1: {  	[sflag:s22] =	ssyncadd.s32 s5;
	_ =	sdelay $0x1  }
0xa2: {  	s23 =	simm.s32 $0x1B8B  }
0xa3: {  	_ =	swait.ge [sflag:s23], $0x1  }
0xa4: {  	[sflag:s23] =	ssyncset.done $0x0  }
0xa5: {  	s25 =	simm.s32 $0x1B8E;
	s24 =	sld [smem:$0x3FFE];
	[sflag:s23] =	ssyncadd.s32 $0xFFFFFFFF  }
0xa6: {  	s26 =	simm.s32 $execute0_lowered;
	[smem:$0x3FD2] =	sst s25  }
0xa7: {  	s6 =	sshll.u32 s26, $0x1;
	_ =	strace $0x80000046;
	[dreg:$0x1] =	wrdreg $0xFFFFFFFF  }
0xa8: {  	s28 =	simm.s32 $_size_execute0_lowered;
	s4 =	sadd.s32 s4, s6;
	[dreg:$0x0] =	wrdreg $0x0  }
0xa9: {  	s6 =	sshll.u32 s28, $0x1;
	[dreg:$0x2] =	wrdreg s4  }
0xaa: {  	[dreg:$0x3] =	wrdreg s6  }
0xab: {  	[dreg:$0x4] =	wrdreg $0xC0  }
0xac: {  	_ =	task [dreg:s8], $0x5FFFF  }
0xad: {  	[dreg:$0x1] =	wrdreg $0xFFFFFFFF  }
0xae: {  	[dreg:$0x0] =	wrdreg $0x60  }
0xaf: {  	[dreg:$0x2] =	wrdreg s24  }
0xb0: {  	[dreg:$0x3] =	wrdreg s2  }
0xb1: {  	[dreg:$0x4] =	wrdreg s18  }
0xb2: {  	[dreg:$0x5] =	wrdreg $0x9  }
0xb3: {  	_ =	task.clear_ibuf [dreg:s8], $0x6FFFF;
	_ =	strace $0x90000046  }
0xb4: {  	s29 =	simm.s32 $0x9;
	_ =	strace $0x80000048  }
0xb5: {  	_ =	swait.ge [sflag:s29], $0x1  }
0xb6: {  	[sflag:s29] =	ssyncadd.s32 $0xFFFFFFFF  }
0xb7: {  	_ =	strace $0x90000048  }
0xb8: {  	_ =	sfence  }
0xb9: {  	s30 =	sld [smem:$0x0];
	_ =	sdelay $0x2  }
0xba: {  	s31 =	sshll.u32 s1, $0xD;
	s1 =	sshrl.u32 s1, $0x2  }
0xbb: {  	s3 =	sand.u32 $0x4000, s31;
	s1 =	sadd.s32 s1, s30  }
0xbc: {  	s0 =	sor.u32 s3, s0;
	s1 =	sshll.u32 s1, $0x11  }
0xbd: {  	s0 =	sor.u32 s1, s0  }
0xbe: {  	s0 =	sadd.s32 $0x8F2B, s0  }
0xbf: {  	[sflag:s0] =	ssyncadd.remote.s32 $0x1  }
0xc0: {  	_ =	sfence.sel $0xFFFF  }
0xc1: {  	[dreg:$0x0] =	wrdreg $0xFFFFFFFF;
	(pc) =	sbr.abs _section_cstart, $3  }
0xc2: {  	[dreg:$0x1] =	wrdreg $0xFFFFFFFF  }
0xc3: {  	_ =	task.clear_ibuf [dreg:s8], $0x2FFFF;
	_ =	strace $0x9FFFFFFF  }
0xc4: {  	(tm) =	ssettm $0x7FFFFFFF  }
0xc5: {  	_ =	shalt  }
tec
execute0_lowered:
.L_overlay_start_1:
0x0: {  	(tag) =	ssettag $0x1  }
0x1: {  	s0 =	rddreg [dreg:$0x0];
	s1 =	srdreg.scid  }
0x2: {  	s3 =	stileid.u32;
	s2 =	rddreg [dreg:$0x1];
	s19 =	simm.s32 $0x4D00  }
0x3: {  	s23 =	simm.s32 $0xAD00;
	s28 =	simm.s32 $0x1C500;
	s29 =	simm.s32 $0x1  }
0x4: {  	s30 =	simm.s32 $0x3;
	s31 =	simm.s32 $0x5;
	s18 =	simm.s32 $0x6  }
0x5: {  	s1 =	sand.u32 $0x1, s1;
	s4 =	sshll.u32 s3, $0x1;
	s3 =	rddreg [dreg:$0x2]  }
0x6: {  	s6 =	sadd.s32 $0x13C00, s0;
	s10 =	sadd.s32 $0x200, s2;
	s11 =	sadd.s32 $0x13D00, s0  }
0x7: {  	s5 =	sor.u32 s1, s4;
	s4 =	simm.s32 $0x0;
	s1 =	ssub.s32 $0x2, s1  }
0x8: {  	s5 =	smul.u32 $0x2680, s5;
	[smem:$0x7FF] =	sst s4;
	s9 =	sshrl.u32 s1, $0x1  }
0x9: {  	s12 =	sadd.s32 $0x13E00, s0;
	_ =	strace $0x80000047;
	s1 =	ssub.s32 s1, s9  }
0xa: {  	s9 =	sadd.s32 $0x100, s2;
	s7 =	sshrl.u32 s5, $0x3;
	s14 =	sor.u32 $0x20, s5  }
0xb: {  	s26 =	smax.u32 s1, $0x1;
	s1 =	simm.s32 $0x2;
	s8 =	sadd.s32 s7, s0  }
0xc: {  	s7 =	smul.u32 $0x300, s7;
	[dreg:$0x8] =	wrdreg s26;
	s24 =	sadd.s32 $0x800, s8  }
0xd: {  	s26 =	simm.s32 $0x1BD00;
	s8 =	sadd.s32 $0xA200, s8;
	[dreg:$0x4] =	wrdreg s24  }
0xe: {  	v0 =	vlaneseq.u32;
	[dreg:$0x5] =	wrdreg s8;
	s25 =	sadd.s32 s3, s7;
	s24 =	simm.s32 $0x10500  }
0xf: {  	v1 =	vshrl.u32 v0, $0x3;
	s8 =	simm.s32 $0x0;
	[dreg:$0x6] =	wrdreg s25;
	s0 =	sadd.s32 $0xE6400, s25  }
0x10: {  	vm0 =	vmmov $0xffff;
	v0 =	vand.u32 $0x7, v0;
	v1 =	vmul.u32 $0x8, v1;
	s25 =	simm.s32 $0x1B500;
	[dreg:$0x7] =	wrdreg s0;
	s0 =	simm.s32 $0x4  }
.LBB2_1:
0x11: {  	[dreg:$0x9] =	wrdreg s8  }
0x12: {  	s7 =	rddreg [dreg:$0x4];
	s15 =	simm.s32 $0x7  }
0x13: {  	[tilespmem:s4], [sflag:$0x7] =	stream.linear.gather [hbm4b:s7+s4], $0x2680, $0x38;
	[tilespmem:$0x1CD00] =	vst v63  }
0x14: {  	_ =	swait.ge [sflag:s15], $0x2680  }
0x15: {  	[sflag:s15] =	ssyncset.done $0x0  }
0x16: {  	s13 =	simm.s32 $0x2680;
	s16 =	rddreg [dreg:$0x5];
	[sflag:s15] =	ssyncadd.s32 $0xFFFFD980  }
0x17: {  	[tilespmem:s13], [sflag:$0x7] =	stream.linear.gather [hbm4b:s16+s4], $0x2680, $0x38;
	[tilespmem:$0x1CD00] =	vst v63  }
0x18: {  	_ =	swait.ge [sflag:s15], $0x2680  }
0x19: {  	[sflag:s15] =	ssyncset.done $0x0  }
0x1a: {  	[sflag:s15] =	ssyncadd.s32 $0xFFFFD980  }
0x1b: {  	v2 =	vld.msk [tilespmem:$0x0], $0xff;
	_ =	sdelay $0x4  }
0x1c: {  	v3 =	vshrl.u32 v2, $0x3  }
0x1d: {  	v3 =	vmul.u32 $0x30, v3  }
0x1e: {  	v2 =	vand.u32 $0x7, v2  }
0x1f: {  	v2 =	vor.u32 v2, v3  }
0x20: {  	v2 =	vperm.xlane v2, v0;
	_ =	sdelay $0x1  }
0x21: {  	v2 =	vadd.s32 v1, v2;
	_ =	sdelay $0x4  }
0x22: {  	[tilespmem:s19], [sflag:$0x1] =	stream.indirect_vreg.gather [hbm4b:s2+s4], $0x80, v2, vm0, $0xb8;
	[tilespmem:$0x1CD00] =	vst v63  }
0x23: {  	s17 =	simm.s32 $0x5500  }
0x24: {  	[tilespmem:s17], [sflag:$0x1] =	stream.indirect_vreg.gather [hbm4b:s9+s4], $0x80, v2, vm0, $0xb8;
	[tilespmem:$0x1CD00] =	vst v63  }
0x25: {  	s20 =	simm.s32 $0x5D00  }
0x26: {  	[tilespmem:s20], [sflag:$0x1] =	stream.indirect_vreg.gather [hbm4b:s10+s4], $0x80, v2, vm0, $0xb8;
	[tilespmem:$0x1CD00] =	vst v63  }
0x27: {  	v2 =	vld.msk [tilespmem:$0x2680], $0xff;
	_ =	sdelay $0x4  }
0x28: {  	v3 =	vshrl.u32 v2, $0x3  }
0x29: {  	v3 =	vmul.u32 $0x30, v3  }
0x2a: {  	v2 =	vand.u32 $0x7, v2  }
0x2b: {  	v2 =	vor.u32 v2, v3  }
0x2c: {  	v2 =	vperm.xlane v2, v0;
	_ =	sdelay $0x1  }
0x2d: {  	v2 =	vadd.s32 v1, v2;
	_ =	sdelay $0x3  }
0x2e: {  	s21 =	simm.s32 $0x10D00  }
0x2f: {  	[tilespmem:s21], [sflag:$0x3] =	stream.indirect_vreg.gather [hbm4b:s6+s4], $0x80, v2, vm0, $0xb8;
	[tilespmem:$0x1CD00] =	vst v63  }
0x30: {  	s22 =	simm.s32 $0x11500  }
0x31: {  	[tilespmem:s22], [sflag:$0x3] =	stream.indirect_vreg.gather [hbm4b:s11+s4], $0x80, v2, vm0, $0xb8;
	[tilespmem:$0x1CD00] =	vst v63  }
0x32: {  	s8 =	simm.s32 $0x11D00  }
0x33: {  	[tilespmem:s8], [sflag:$0x3] =	stream.indirect_vreg.gather [hbm4b:s12+s4], $0x80, v2, vm0, $0xb8;
	[tilespmem:$0x1CD00] =	vst v63  }
0x34: {  	v2 =	vld.msk [tilespmem:$0x8], $0xff;
	_ =	sdelay $0x4  }
0x35: {  	v3 =	vshrl.u32 v2, $0x3  }
0x36: {  	v3 =	vmul.u32 $0x30, v3  }
0x37: {  	v2 =	vand.u32 $0x7, v2  }
0x38: {  	v2 =	vor.u32 v2, v3  }
0x39: {  	v2 =	vperm.xlane v2, v0;
	_ =	sdelay $0x1  }
0x3a: {  	v2 =	vadd.s32 v1, v2;
	_ =	sdelay $0x3  }
0x3b: {  	s13 =	simm.s32 $0x6500  }
0x3c: {  	[tilespmem:s13], [sflag:$0x1] =	stream.indirect_vreg.gather [hbm4b:s2+s4], $0x80, v2, vm0, $0xb8;
	[tilespmem:$0x1CD00] =	vst v63  }
0x3d: {  	s15 =	simm.s32 $0x6D00  }
0x3e: {  	[tilespmem:s15], [sflag:$0x1] =	stream.indirect_vreg.gather [hbm4b:s9+s4], $0x80, v2, vm0, $0xb8;
	[tilespmem:$0x1CD00] =	vst v63  }
0x3f: {  	s16 =	simm.s32 $0x7500  }
0x40: {  	[tilespmem:s16], [sflag:$0x1] =	stream.indirect_vreg.gather [hbm4b:s10+s4], $0x80, v2, vm0, $0xb8;
	[tilespmem:$0x1CD00] =	vst v63  }
0x41: {  	v2 =	vld.msk [tilespmem:$0x2688], $0xff;
	_ =	sdelay $0x4  }
0x42: {  	v3 =	vshrl.u32 v2, $0x3  }
0x43: {  	v3 =	vmul.u32 $0x30, v3  }
0x44: {  	v2 =	vand.u32 $0x7, v2  }
0x45: {  	v2 =	vor.u32 v2, v3  }
0x46: {  	v2 =	vperm.xlane v2, v0;
	_ =	sdelay $0x1  }
0x47: {  	v2 =	vadd.s32 v1, v2;
	_ =	sdelay $0x3  }
0x48: {  	s17 =	simm.s32 $0x12500  }
0x49: {  	[tilespmem:s17], [sflag:$0x3] =	stream.indirect_vreg.gather [hbm4b:s6+s4], $0x80, v2, vm0, $0xb8;
	[tilespmem:$0x1CD00] =	vst v63  }
0x4a: {  	s20 =	simm.s32 $0x12D00  }
0x4b: {  	[tilespmem:s20], [sflag:$0x3] =	stream.indirect_vreg.gather [hbm4b:s11+s4], $0x80, v2, vm0, $0xb8;
	[tilespmem:$0x1CD00] =	vst v63  }
0x4c: {  	s21 =	simm.s32 $0x13500  }
0x4d: {  	[tilespmem:s21], [sflag:$0x3] =	stream.indirect_vreg.gather [hbm4b:s12+s4], $0x80, v2, vm0, $0xb8;
	[tilespmem:$0x1CD00] =	vst v63  }
0x4e: {  	v2 =	vld.msk [tilespmem:$0x10], $0xff;
	_ =	sdelay $0x4  }
0x4f: {  	v3 =	vshrl.u32 v2, $0x3  }
0x50: {  	v3 =	vmul.u32 $0x30, v3  }
0x51: {  	v2 =	vand.u32 $0x7, v2  }
0x52: {  	v2 =	vor.u32 v2, v3  }
0x53: {  	v2 =	vperm.xlane v2, v0;
	_ =	sdelay $0x1  }
0x54: {  	v2 =	vadd.s32 v1, v2;
	_ =	sdelay $0x3  }
0x55: {  	s22 =	simm.s32 $0x7D00  }
0x56: {  	[tilespmem:s22], [sflag:$0x1] =	stream.indirect_vreg.gather [hbm4b:s2+s4], $0x80, v2, vm0, $0xb8;
	[tilespmem:$0x1CD00] =	vst v63  }
0x57: {  	s8 =	simm.s32 $0x8500  }
0x58: {  	[tilespmem:s8], [sflag:$0x1] =	stream.indirect_vreg.gather [hbm4b:s9+s4], $0x80, v2, vm0, $0xb8;
	[tilespmem:$0x1CD00] =	vst v63  }
0x59: {  	s13 =	simm.s32 $0x8D00  }
0x5a: {  	[tilespmem:s13], [sflag:$0x1] =	stream.indirect_vreg.gather [hbm4b:s10+s4], $0x80, v2, vm0, $0xb8;
	[tilespmem:$0x1CD00] =	vst v63  }
0x5b: {  	v2 =	vld.msk [tilespmem:$0x2690], $0xff;
	_ =	sdelay $0x4  }
0x5c: {  	v3 =	vshrl.u32 v2, $0x3  }
0x5d: {  	v3 =	vmul.u32 $0x30, v3  }
0x5e: {  	v2 =	vand.u32 $0x7, v2  }
0x5f: {  	v2 =	vor.u32 v2, v3  }
0x60: {  	v2 =	vperm.xlane v2, v0;
	_ =	sdelay $0x1  }
0x61: {  	v2 =	vadd.s32 v1, v2;
	_ =	sdelay $0x3  }
0x62: {  	s15 =	simm.s32 $0x13D00  }
0x63: {  	[tilespmem:s15], [sflag:$0x3] =	stream.indirect_vreg.gather [hbm4b:s6+s4], $0x80, v2, vm0, $0xb8;
	[tilespmem:$0x1CD00] =	vst v63  }
0x64: {  	s16 =	simm.s32 $0x14500  }
0x65: {  	[tilespmem:s16], [sflag:$0x3] =	stream.indirect_vreg.gather [hbm4b:s11+s4], $0x80, v2, vm0, $0xb8;
	[tilespmem:$0x1CD00] =	vst v63  }
0x66: {  	s17 =	simm.s32 $0x14D00  }
0x67: {  	[tilespmem:s17], [sflag:$0x3] =	stream.indirect_vreg.gather [hbm4b:s12+s4], $0x80, v2, vm0, $0xb8;
	[tilespmem:$0x1CD00] =	vst v63  }
0x68: {  	v2 =	vld.msk [tilespmem:$0x18], $0xff;
	_ =	sdelay $0x4  }
0x69: {  	v3 =	vshrl.u32 v2, $0x3  }
0x6a: {  	v3 =	vmul.u32 $0x30, v3  }
0x6b: {  	v2 =	vand.u32 $0x7, v2  }
0x6c: {  	v2 =	vor.u32 v2, v3  }
0x6d: {  	v2 =	vperm.xlane v2, v0;
	_ =	sdelay $0x1  }
0x6e: {  	v2 =	vadd.s32 v1, v2;
	_ =	sdelay $0x3  }
0x6f: {  	s20 =	simm.s32 $0x9500  }
0x70: {  	[tilespmem:s20], [sflag:$0x1] =	stream.indirect_vreg.gather [hbm4b:s2+s4], $0x80, v2, vm0, $0xb8;
	[tilespmem:$0x1CD00] =	vst v63  }
0x71: {  	s21 =	simm.s32 $0x9D00  }
0x72: {  	[tilespmem:s21], [sflag:$0x1] =	stream.indirect_vreg.gather [hbm4b:s9+s4], $0x80, v2, vm0, $0xb8;
	[tilespmem:$0x1CD00] =	vst v63  }
0x73: {  	s22 =	simm.s32 $0xA500  }
0x74: {  	[tilespmem:s22], [sflag:$0x1] =	stream.indirect_vreg.gather [hbm4b:s10+s4], $0x80, v2, vm0, $0xb8;
	[tilespmem:$0x1CD00] =	vst v63  }
0x75: {  	v2 =	vld.msk [tilespmem:$0x2698], $0xff;
	_ =	sdelay $0x4  }
0x76: {  	v3 =	vshrl.u32 v2, $0x3  }
0x77: {  	v3 =	vmul.u32 $0x30, v3  }
0x78: {  	v2 =	vand.u32 $0x7, v2  }
0x79: {  	v2 =	vor.u32 v2, v3  }
0x7a: {  	v2 =	vperm.xlane v2, v0;
	_ =	sdelay $0x1  }
0x7b: {  	v2 =	vadd.s32 v1, v2;
	_ =	sdelay $0x3  }
0x7c: {  	s8 =	simm.s32 $0x15500  }
0x7d: {  	[tilespmem:s8], [sflag:$0x3] =	stream.indirect_vreg.gather [hbm4b:s6+s4], $0x80, v2, vm0, $0xb8;
	[tilespmem:$0x1CD00] =	vst v63  }
0x7e: {  	s13 =	simm.s32 $0x15D00  }
0x7f: {  	[tilespmem:s13], [sflag:$0x3] =	stream.indirect_vreg.gather [hbm4b:s11+s4], $0x80, v2, vm0, $0xb8;
	[tilespmem:$0x1CD00] =	vst v63  }
0x80: {  	s15 =	simm.s32 $0x16500  }
0x81: {  	[tilespmem:s15], [sflag:$0x3] =	stream.indirect_vreg.gather [hbm4b:s12+s4], $0x80, v2, vm0, $0xb8;
	[tilespmem:$0x1CD00] =	vst v63  }
0x82: {  	v2 =	vld.msk [tilespmem:$0x20], $0xff;
	_ =	sdelay $0x4  }
0x83: {  	v3 =	vshrl.u32 v2, $0x3  }
0x84: {  	v3 =	vmul.u32 $0x30, v3  }
0x85: {  	v2 =	vand.u32 $0x7, v2  }
0x86: {  	v2 =	vor.u32 v2, v3  }
0x87: {  	v2 =	vperm.xlane v2, v0;
	_ =	sdelay $0x1  }
0x88: {  	v2 =	vadd.s32 v1, v2;
	_ =	sdelay $0x4  }
0x89: {  	[tilespmem:s23], [sflag:$0x2] =	stream.indirect_vreg.gather [hbm4b:s2+s4], $0x80, v2, vm0, $0xb8;
	[tilespmem:$0x1CD00] =	vst v63  }
0x8a: {  	s16 =	simm.s32 $0xB500  }
0x8b: {  	[tilespmem:s16], [sflag:$0x2] =	stream.indirect_vreg.gather [hbm4b:s9+s4], $0x80, v2, vm0, $0xb8;
	[tilespmem:$0x1CD00] =	vst v63  }
0x8c: {  	s17 =	simm.s32 $0xBD00  }
0x8d: {  	[tilespmem:s17], [sflag:$0x2] =	stream.indirect_vreg.gather [hbm4b:s10+s4], $0x80, v2, vm0, $0xb8;
	[tilespmem:$0x1CD00] =	vst v63  }
0x8e: {  	v2 =	vld.msk [tilespmem:$0x26A0], $0xff;
	_ =	sdelay $0x4  }
0x8f: {  	v3 =	vshrl.u32 v2, $0x3  }
0x90: {  	v3 =	vmul.u32 $0x30, v3  }
0x91: {  	v2 =	vand.u32 $0x7, v2  }
0x92: {  	v2 =	vor.u32 v2, v3  }
0x93: {  	v2 =	vperm.xlane v2, v0;
	_ =	sdelay $0x1  }
0x94: {  	v2 =	vadd.s32 v1, v2;
	_ =	sdelay $0x3  }
0x95: {  	s20 =	simm.s32 $0x16D00  }
0x96: {  	[tilespmem:s20], [sflag:$0x4] =	stream.indirect_vreg.gather [hbm4b:s6+s4], $0x80, v2, vm0, $0xb8;
	[tilespmem:$0x1CD00] =	vst v63  }
0x97: {  	s21 =	simm.s32 $0x17500  }
0x98: {  	[tilespmem:s21], [sflag:$0x4] =	stream.indirect_vreg.gather [hbm4b:s11+s4], $0x80, v2, vm0, $0xb8;
	[tilespmem:$0x1CD00] =	vst v63  }
0x99: {  	s22 =	simm.s32 $0x17D00  }
0x9a: {  	[tilespmem:s22], [sflag:$0x4] =	stream.indirect_vreg.gather [hbm4b:s12+s4], $0x80, v2, vm0, $0xb8;
	[tilespmem:$0x1CD00] =	vst v63  }
0x9b: {  	v2 =	vld.msk [tilespmem:$0x28], $0xff;
	_ =	sdelay $0x4  }
0x9c: {  	v3 =	vshrl.u32 v2, $0x3  }
0x9d: {  	v3 =	vmul.u32 $0x30, v3  }
0x9e: {  	v2 =	vand.u32 $0x7, v2  }
0x9f: {  	v2 =	vor.u32 v2, v3  }
0xa0: {  	v2 =	vperm.xlane v2, v0;
	_ =	sdelay $0x1  }
0xa1: {  	v2 =	vadd.s32 v1, v2;
	_ =	sdelay $0x3  }
0xa2: {  	s8 =	simm.s32 $0xC500  }
0xa3: {  	[tilespmem:s8], [sflag:$0x2] =	stream.indirect_vreg.gather [hbm4b:s2+s4], $0x80, v2, vm0, $0xb8;
	[tilespmem:$0x1CD00] =	vst v63  }
0xa4: {  	s13 =	simm.s32 $0xCD00  }
0xa5: {  	[tilespmem:s13], [sflag:$0x2] =	stream.indirect_vreg.gather [hbm4b:s9+s4], $0x80, v2, vm0, $0xb8;
	[tilespmem:$0x1CD00] =	vst v63  }
0xa6: {  	s15 =	simm.s32 $0xD500  }
0xa7: {  	[tilespmem:s15], [sflag:$0x2] =	stream.indirect_vreg.gather [hbm4b:s10+s4], $0x80, v2, vm0, $0xb8;
	[tilespmem:$0x1CD00] =	vst v63  }
0xa8: {  	v2 =	vld.msk [tilespmem:$0x26A8], $0xff;
	_ =	sdelay $0x4  }
0xa9: {  	v3 =	vshrl.u32 v2, $0x3  }
0xaa: {  	v3 =	vmul.u32 $0x30, v3  }
0xab: {  	v2 =	vand.u32 $0x7, v2  }
0xac: {  	v2 =	vor.u32 v2, v3  }
0xad: {  	v2 =	vperm.xlane v2, v0;
	_ =	sdelay $0x1  }
0xae: {  	v2 =	vadd.s32 v1, v2;
	_ =	sdelay $0x3  }
0xaf: {  	s16 =	simm.s32 $0x18500  }
0xb0: {  	[tilespmem:s16], [sflag:$0x4] =	stream.indirect_vreg.gather [hbm4b:s6+s4], $0x80, v2, vm0, $0xb8;
	[tilespmem:$0x1CD00] =	vst v63  }
0xb1: {  	s17 =	simm.s32 $0x18D00  }
0xb2: {  	[tilespmem:s17], [sflag:$0x4] =	stream.indirect_vreg.gather [hbm4b:s11+s4], $0x80, v2, vm0, $0xb8;
	[tilespmem:$0x1CD00] =	vst v63  }
0xb3: {  	s20 =	simm.s32 $0x19500  }
0xb4: {  	[tilespmem:s20], [sflag:$0x4] =	stream.indirect_vreg.gather [hbm4b:s12+s4], $0x80, v2, vm0, $0xb8;
	[tilespmem:$0x1CD00] =	vst v63  }
0xb5: {  	v2 =	vld.msk [tilespmem:$0x30], $0xff;
	_ =	sdelay $0x4  }
0xb6: {  	v3 =	vshrl.u32 v2, $0x3  }
0xb7: {  	v3 =	vmul.u32 $0x30, v3  }
0xb8: {  	v2 =	vand.u32 $0x7, v2  }
0xb9: {  	v2 =	vor.u32 v2, v3  }
0xba: {  	v2 =	vperm.xlane v2, v0;
	_ =	sdelay $0x1  }
0xbb: {  	v2 =	vadd.s32 v1, v2;
	_ =	sdelay $0x3  }
0xbc: {  	s21 =	simm.s32 $0xDD00  }
0xbd: {  	[tilespmem:s21], [sflag:$0x2] =	stream.indirect_vreg.gather [hbm4b:s2+s4], $0x80, v2, vm0, $0xb8;
	[tilespmem:$0x1CD00] =	vst v63  }
0xbe: {  	s22 =	simm.s32 $0xE500  }
0xbf: {  	[tilespmem:s22], [sflag:$0x2] =	stream.indirect_vreg.gather [hbm4b:s9+s4], $0x80, v2, vm0, $0xb8;
	[tilespmem:$0x1CD00] =	vst v63  }
0xc0: {  	s8 =	simm.s32 $0xED00  }
0xc1: {  	[tilespmem:s8], [sflag:$0x2] =	stream.indirect_vreg.gather [hbm4b:s10+s4], $0x80, v2, vm0, $0xb8;
	[tilespmem:$0x1CD00] =	vst v63  }
0xc2: {  	v2 =	vld.msk [tilespmem:$0x26B0], $0xff;
	_ =	sdelay $0x4  }
0xc3: {  	v3 =	vshrl.u32 v2, $0x3  }
0xc4: {  	v3 =	vmul.u32 $0x30, v3  }
0xc5: {  	v2 =	vand.u32 $0x7, v2  }
0xc6: {  	v2 =	vor.u32 v2, v3  }
0xc7: {  	v2 =	vperm.xlane v2, v0;
	_ =	sdelay $0x1  }
0xc8: {  	v2 =	vadd.s32 v1, v2;
	_ =	sdelay $0x3  }
0xc9: {  	s13 =	simm.s32 $0x19D00  }
0xca: {  	[tilespmem:s13], [sflag:$0x4] =	stream.indirect_vreg.gather [hbm4b:s6+s4], $0x80, v2, vm0, $0xb8;
	[tilespmem:$0x1CD00] =	vst v63  }
0xcb: {  	s15 =	simm.s32 $0x1A500  }
0xcc: {  	[tilespmem:s15], [sflag:$0x4] =	stream.indirect_vreg.gather [hbm4b:s11+s4], $0x80, v2, vm0, $0xb8;
	[tilespmem:$0x1CD00] =	vst v63  }
0xcd: {  	s16 =	simm.s32 $0x1AD00  }
0xce: {  	[tilespmem:s16], [sflag:$0x4] =	stream.indirect_vreg.gather [hbm4b:s12+s4], $0x80, v2, vm0, $0xb8;
	[tilespmem:$0x1CD00] =	vst v63  }
0xcf: {  	v2 =	vld.msk [tilespmem:$0x38], $0xff;
	_ =	sdelay $0x4  }
0xd0: {  	v3 =	vshrl.u32 v2, $0x3  }
0xd1: {  	v3 =	vmul.u32 $0x30, v3  }
0xd2: {  	v2 =	vand.u32 $0x7, v2  }
0xd3: {  	v2 =	vor.u32 v2, v3  }
0xd4: {  	v2 =	vperm.xlane v2, v0;
	_ =	sdelay $0x1  }
0xd5: {  	v2 =	vadd.s32 v1, v2;
	_ =	sdelay $0x3  }
0xd6: {  	s17 =	simm.s32 $0xF500  }
0xd7: {  	[tilespmem:s17], [sflag:$0x2] =	stream.indirect_vreg.gather [hbm4b:s2+s4], $0x80, v2, vm0, $0xb8;
	[tilespmem:$0x1CD00] =	vst v63  }
0xd8: {  	s20 =	simm.s32 $0xFD00  }
0xd9: {  	[tilespmem:s20], [sflag:$0x2] =	stream.indirect_vreg.gather [hbm4b:s9+s4], $0x80, v2, vm0, $0xb8;
	[tilespmem:$0x1CD00] =	vst v63  }
0xda: {  	_ = 	snop  }
0xdb: {  	[tilespmem:s24], [sflag:$0x2] =	stream.indirect_vreg.gather [hbm4b:s10+s4], $0x80, v2, vm0, $0xb8;
	[tilespmem:$0x1CD00] =	vst v63  }
0xdc: {  	v2 =	vld.msk [tilespmem:$0x26B8], $0xff;
	_ =	sdelay $0x4  }
0xdd: {  	v3 =	vshrl.u32 v2, $0x3  }
0xde: {  	v3 =	vmul.u32 $0x30, v3  }
0xdf: {  	v2 =	vand.u32 $0x7, v2  }
0xe0: {  	v2 =	vor.u32 v2, v3  }
0xe1: {  	v2 =	vperm.xlane v2, v0;
	_ =	sdelay $0x1  }
0xe2: {  	v2 =	vadd.s32 v1, v2;
	_ =	sdelay $0x4  }
0xe3: {  	[tilespmem:s25], [sflag:$0x4] =	stream.indirect_vreg.gather [hbm4b:s6+s4], $0x80, v2, vm0, $0xb8;
	[tilespmem:$0x1CD00] =	vst v63  }
0xe4: {  	_ = 	snop  }
0xe5: {  	[tilespmem:s26], [sflag:$0x4] =	stream.indirect_vreg.gather [hbm4b:s11+s4], $0x80, v2, vm0, $0xb8;
	[tilespmem:$0x1CD00] =	vst v63  }
0xe6: {  	_ = 	snop  }
0xe7: {  	[tilespmem:s28], [sflag:$0x4] =	stream.indirect_vreg.gather [hbm4b:s12+s4], $0x80, v2, vm0, $0xb8;
	[tilespmem:$0x1CD00] =	vst v63  }
0xe8: {  	_ =	swait.ge [sflag:s29], $0x1800  }
0xe9: {  	[sflag:s29] =	ssyncset.done $0x0  }
0xea: {  	[sflag:s29] =	ssyncadd.s32 $0xFFFFE800  }
0xeb: {  	_ =	swait.ge [sflag:s30], $0x1800  }
0xec: {  	[sflag:s30] =	ssyncset.done $0x0  }
0xed: {  	[sflag:s30] =	ssyncadd.s32 $0xFFFFE800  }
0xee: {  	_ =	swait.ge [sflag:s29], $0x1800  }
0xef: {  	[sflag:s29] =	ssyncset.done $0x0  }
0xf0: {  	[sflag:s29] =	ssyncadd.s32 $0xFFFFE800  }
0xf1: {  	_ =	swait.ge [sflag:s30], $0x1800  }
0xf2: {  	[sflag:s30] =	ssyncset.done $0x0  }
0xf3: {  	[sflag:s30] =	ssyncadd.s32 $0xFFFFE800  }
0xf4: {  	_ =	swait.ge [sflag:s29], $0x1800  }
0xf5: {  	[sflag:s29] =	ssyncset.done $0x0  }
0xf6: {  	[sflag:s29] =	ssyncadd.s32 $0xFFFFE800  }
0xf7: {  	_ =	swait.ge [sflag:s30], $0x1800  }
0xf8: {  	[sflag:s30] =	ssyncset.done $0x0  }
0xf9: {  	[sflag:s30] =	ssyncadd.s32 $0xFFFFE800  }
0xfa: {  	_ =	swait.ge [sflag:s29], $0x1800  }
0xfb: {  	[sflag:s29] =	ssyncset.done $0x0  }
0xfc: {  	s21 =	simm.s32 $0x0;
	[sflag:s29] =	ssyncadd.s32 $0xFFFFE800  }
0xfd: {  	s7 =	smul.u32 $0x1800, s21;
	_ =	swait.ge [sflag:s30], $0x1800  }
0xfe: {  	s22 =	sand.u32 $0x380, s4;
	[sflag:s30] =	ssyncset.done $0x0  }
0xff: {  	s7 =	sor.u32 s22, s7;
	[sflag:s30] =	ssyncadd.s32 $0xFFFFE800  }
0x100: {  	v2 =	vld [tilespmem:s7+$0x12170]  }
0x101: {  	v5 =	vld [tilespmem:s7+$0x10D00]  }
0x102: {  	v6 =	vld [tilespmem:s7+$0x10D10]  }
0x103: {  	v7 =	vld [tilespmem:s7+$0x10D20]  }
0x104: {  	v8 =	vld [tilespmem:s7+$0x10D30]  }
0x105: {  	v9 =	vld [tilespmem:s7+$0x10D40]  }
0x106: {  	v10 =	vld [tilespmem:s7+$0x10D50]  }
0x107: {  	v11 =	vld [tilespmem:s7+$0x10D60]  }
0x108: {  	v12 =	vld [tilespmem:s7+$0x10D70]  }
0x109: {  	v13 =	vld [tilespmem:s7+$0x11100]  }
0x10a: {  	v14 =	vld [tilespmem:s7+$0x11110]  }
0x10b: {  	v15 =	vld [tilespmem:s7+$0x11120]  }
0x10c: {  	v16 =	vld [tilespmem:s7+$0x11130]  }
0x10d: {  	v17 =	vld [tilespmem:s7+$0x11140]  }
0x10e: {  	v18 =	vld [tilespmem:s7+$0x11150]  }
0x10f: {  	v19 =	vld [tilespmem:s7+$0x11160]  }
0x110: {  	v20 =	vld [tilespmem:s7+$0x11170]  }
0x111: {  	v21 =	vld [tilespmem:s7+$0x11500]  }
0x112: {  	v22 =	vld [tilespmem:s7+$0x11510]  }
0x113: {  	v23 =	vld [tilespmem:s7+$0x11520]  }
0x114: {  	v24 =	vld [tilespmem:s7+$0x11530]  }
0x115: {  	v25 =	vld [tilespmem:s7+$0x11540]  }
0x116: {  	v26 =	vld [tilespmem:s7+$0x11550]  }
0x117: {  	v27 =	vld [tilespmem:s7+$0x11560]  }
0x118: {  	v28 =	vld [tilespmem:s7+$0x11570]  }
0x119: {  	v29 =	vld [tilespmem:s7+$0x11900]  }
0x11a: {  	v30 =	vld [tilespmem:s7+$0x11910]  }
0x11b: {  	v31 =	vld [tilespmem:s7+$0x11920]  }
0x11c: {  	v32 =	vld [tilespmem:s7+$0x11930]  }
0x11d: {  	v33 =	vld [tilespmem:s7+$0x11940]  }
0x11e: {  	v34 =	vld [tilespmem:s7+$0x11950]  }
0x11f: {  	v35 =	vld [tilespmem:s7+$0x11960]  }
0x120: {  	v36 =	vld [tilespmem:s7+$0x11970]  }
0x121: {  	v37 =	vld [tilespmem:s7+$0x11D00]  }
0x122: {  	v38 =	vld [tilespmem:s7+$0x11D10]  }
0x123: {  	v39 =	vld [tilespmem:s7+$0x11D20]  }
0x124: {  	v40 =	vld [tilespmem:s7+$0x11D30]  }
0x125: {  	v41 =	vld [tilespmem:s7+$0x11D40]  }
0x126: {  	v42 =	vld [tilespmem:s7+$0x11D50]  }
0x127: {  	v43 =	vld [tilespmem:s7+$0x11D60]  }
0x128: {  	v44 =	vld [tilespmem:s7+$0x11D70]  }
0x129: {  	v45 =	vld [tilespmem:s7+$0x12100]  }
0x12a: {  	v46 =	vld [tilespmem:s7+$0x12110]  }
0x12b: {  	v47 =	vld [tilespmem:s7+$0x12120]  }
0x12c: {  	v48 =	vld [tilespmem:s7+$0x12130]  }
0x12d: {  	v4 =	vld [tilespmem:s7+$0x12140]  }
0x12e: {  	v3 =	vld [tilespmem:s7+$0x12150]  }
0x12f: {  	[tilespmem:s7+$0x6170] =	vst.add.f32.msk $0xffff, v2  }
0x130: {  	v2 =	vld [tilespmem:s7+$0x12160]  }
0x131: {  	[tilespmem:s7+$0x4D00] =	vst.add.f32.msk $0xffff, v5  }
0x132: {  	[tilespmem:s7+$0x4D10] =	vst.add.f32.msk $0xffff, v6  }
0x133: {  	[tilespmem:s7+$0x4D20] =	vst.add.f32.msk $0xffff, v7  }
0x134: {  	[tilespmem:s7+$0x4D30] =	vst.add.f32.msk $0xffff, v8  }
0x135: {  	[tilespmem:s7+$0x4D40] =	vst.add.f32.msk $0xffff, v9  }
0x136: {  	[tilespmem:s7+$0x4D50] =	vst.add.f32.msk $0xffff, v10  }
0x137: {  	[tilespmem:s7+$0x4D60] =	vst.add.f32.msk $0xffff, v11  }
0x138: {  	[tilespmem:s7+$0x4D70] =	vst.add.f32.msk $0xffff, v12  }
0x139: {  	[tilespmem:s7+$0x5100] =	vst.add.f32.msk $0xffff, v13  }
0x13a: {  	[tilespmem:s7+$0x5110] =	vst.add.f32.msk $0xffff, v14  }
0x13b: {  	[tilespmem:s7+$0x5120] =	vst.add.f32.msk $0xffff, v15  }
0x13c: {  	[tilespmem:s7+$0x5130] =	vst.add.f32.msk $0xffff, v16  }
0x13d: {  	[tilespmem:s7+$0x5140] =	vst.add.f32.msk $0xffff, v17  }
0x13e: {  	[tilespmem:s7+$0x5150] =	vst.add.f32.msk $0xffff, v18  }
0x13f: {  	[tilespmem:s7+$0x5160] =	vst.add.f32.msk $0xffff, v19  }
0x140: {  	[tilespmem:s7+$0x5170] =	vst.add.f32.msk $0xffff, v20  }
0x141: {  	[tilespmem:s7+$0x5500] =	vst.add.f32.msk $0xffff, v21  }
0x142: {  	[tilespmem:s7+$0x5510] =	vst.add.f32.msk $0xffff, v22  }
0x143: {  	[tilespmem:s7+$0x5520] =	vst.add.f32.msk $0xffff, v23  }
0x144: {  	[tilespmem:s7+$0x5530] =	vst.add.f32.msk $0xffff, v24  }
0x145: {  	[tilespmem:s7+$0x5540] =	vst.add.f32.msk $0xffff, v25  }
0x146: {  	[tilespmem:s7+$0x5550] =	vst.add.f32.msk $0xffff, v26  }
0x147: {  	[tilespmem:s7+$0x5560] =	vst.add.f32.msk $0xffff, v27  }
0x148: {  	[tilespmem:s7+$0x5570] =	vst.add.f32.msk $0xffff, v28  }
0x149: {  	[tilespmem:s7+$0x5900] =	vst.add.f32.msk $0xffff, v29  }
0x14a: {  	[tilespmem:s7+$0x5910] =	vst.add.f32.msk $0xffff, v30  }
0x14b: {  	[tilespmem:s7+$0x5920] =	vst.add.f32.msk $0xffff, v31  }
0x14c: {  	[tilespmem:s7+$0x5930] =	vst.add.f32.msk $0xffff, v32  }
0x14d: {  	[tilespmem:s7+$0x5940] =	vst.add.f32.msk $0xffff, v33  }
0x14e: {  	[tilespmem:s7+$0x5950] =	vst.add.f32.msk $0xffff, v34  }
0x14f: {  	[tilespmem:s7+$0x5960] =	vst.add.f32.msk $0xffff, v35  }
0x150: {  	[tilespmem:s7+$0x5970] =	vst.add.f32.msk $0xffff, v36  }
0x151: {  	[tilespmem:s7+$0x5D00] =	vst.add.f32.msk $0xffff, v37  }
0x152: {  	[tilespmem:s7+$0x5D10] =	vst.add.f32.msk $0xffff, v38  }
0x153: {  	[tilespmem:s7+$0x5D20] =	vst.add.f32.msk $0xffff, v39  }
0x154: {  	[tilespmem:s7+$0x5D30] =	vst.add.f32.msk $0xffff, v40  }
0x155: {  	[tilespmem:s7+$0x5D40] =	vst.add.f32.msk $0xffff, v41  }
0x156: {  	[tilespmem:s7+$0x5D50] =	vst.add.f32.msk $0xffff, v42  }
0x157: {  	[tilespmem:s7+$0x5D60] =	vst.add.f32.msk $0xffff, v43  }
0x158: {  	[tilespmem:s7+$0x5D70] =	vst.add.f32.msk $0xffff, v44  }
0x159: {  	[tilespmem:s7+$0x6100] =	vst.add.f32.msk $0xffff, v45  }
0x15a: {  	[tilespmem:s7+$0x6110] =	vst.add.f32.msk $0xffff, v46  }
0x15b: {  	[tilespmem:s7+$0x6120] =	vst.add.f32.msk $0xffff, v47  }
0x15c: {  	s8 =	simm.s32 $0x0;
	s13 =	simm.s32 $0x2;
	s15 =	simm.s32 $0x0;
	[tilespmem:s7+$0x6130] =	vst.add.f32.msk $0xffff, v48  }
.LBB2_2:
0x15d: {  	p0 =	sne.s32 s13, $0x1F;
	s15 =	smul.u32 $0x1800, s15;
	[tilespmem:s7+$0x6140] =	vst.add.f32.msk $0xffff, v4;
	s8 =	sadd.s32 $0x80, s8  }
0x15e: {  	s16 =	sand.u32 $0x380, s8;
	[tilespmem:s7+$0x6150] =	vst.add.f32.msk $0xffff, v3  }
0x15f: {  	[tilespmem:s7+$0x6160] =	vst.add.f32.msk $0xffff, v2;
	s7 =	sor.u32 s16, s15  }
0x160: {  	v2 =	vld [tilespmem:s7+$0x12170]  }
0x161: {  	v5 =	vld [tilespmem:s7+$0x10D00]  }
0x162: {  	v6 =	vld [tilespmem:s7+$0x10D10]  }
0x163: {  	v7 =	vld [tilespmem:s7+$0x10D20]  }
0x164: {  	v8 =	vld [tilespmem:s7+$0x10D30]  }
0x165: {  	[tilespmem:s7+$0x6170] =	vst.add.f32.msk $0xffff, v2  }
0x166: {  	v9 =	vld [tilespmem:s7+$0x10D40]  }
0x167: {  	v10 =	vld [tilespmem:s7+$0x10D50]  }
0x168: {  	v11 =	vld [tilespmem:s7+$0x10D60]  }
0x169: {  	v12 =	vld [tilespmem:s7+$0x10D70]  }
0x16a: {  	v13 =	vld [tilespmem:s7+$0x11100]  }
0x16b: {  	v14 =	vld [tilespmem:s7+$0x11110]  }
0x16c: {  	v15 =	vld [tilespmem:s7+$0x11120]  }
0x16d: {  	v16 =	vld [tilespmem:s7+$0x11130]  }
0x16e: {  	v17 =	vld [tilespmem:s7+$0x11140]  }
0x16f: {  	v18 =	vld [tilespmem:s7+$0x11150]  }
0x170: {  	v19 =	vld [tilespmem:s7+$0x11160]  }
0x171: {  	v20 =	vld [tilespmem:s7+$0x11170]  }
0x172: {  	v21 =	vld [tilespmem:s7+$0x11500]  }
0x173: {  	v22 =	vld [tilespmem:s7+$0x11510]  }
0x174: {  	v23 =	vld [tilespmem:s7+$0x11520]  }
0x175: {  	v24 =	vld [tilespmem:s7+$0x11530]  }
0x176: {  	v25 =	vld [tilespmem:s7+$0x11540]  }
0x177: {  	v26 =	vld [tilespmem:s7+$0x11550]  }
0x178: {  	v27 =	vld [tilespmem:s7+$0x11560]  }
0x179: {  	v28 =	vld [tilespmem:s7+$0x11570]  }
0x17a: {  	v29 =	vld [tilespmem:s7+$0x11900]  }
0x17b: {  	v30 =	vld [tilespmem:s7+$0x11910]  }
0x17c: {  	v31 =	vld [tilespmem:s7+$0x11920]  }
0x17d: {  	v32 =	vld [tilespmem:s7+$0x11930]  }
0x17e: {  	v33 =	vld [tilespmem:s7+$0x11940]  }
0x17f: {  	v34 =	vld [tilespmem:s7+$0x11950]  }
0x180: {  	v35 =	vld [tilespmem:s7+$0x11960]  }
0x181: {  	v36 =	vld [tilespmem:s7+$0x11970]  }
0x182: {  	v37 =	vld [tilespmem:s7+$0x11D00]  }
0x183: {  	v38 =	vld [tilespmem:s7+$0x11D10]  }
0x184: {  	v39 =	vld [tilespmem:s7+$0x11D20]  }
0x185: {  	v40 =	vld [tilespmem:s7+$0x11D30]  }
0x186: {  	v41 =	vld [tilespmem:s7+$0x11D40]  }
0x187: {  	v42 =	vld [tilespmem:s7+$0x11D50]  }
0x188: {  	v43 =	vld [tilespmem:s7+$0x11D60]  }
0x189: {  	v44 =	vld [tilespmem:s7+$0x11D70]  }
0x18a: {  	v45 =	vld [tilespmem:s7+$0x12100]  }
0x18b: {  	v46 =	vld [tilespmem:s7+$0x12110]  }
0x18c: {  	v47 =	vld [tilespmem:s7+$0x12120]  }
0x18d: {  	v48 =	vld [tilespmem:s7+$0x12130]  }
0x18e: {  	v4 =	vld [tilespmem:s7+$0x12140]  }
0x18f: {  	v3 =	vld [tilespmem:s7+$0x12150]  }
0x190: {  	v2 =	vld [tilespmem:s7+$0x12160]  }
0x191: {  	[tilespmem:s7+$0x4D00] =	vst.add.f32.msk $0xffff, v5  }
0x192: {  	[tilespmem:s7+$0x4D10] =	vst.add.f32.msk $0xffff, v6  }
0x193: {  	[tilespmem:s7+$0x4D20] =	vst.add.f32.msk $0xffff, v7  }
0x194: {  	[tilespmem:s7+$0x4D30] =	vst.add.f32.msk $0xffff, v8  }
0x195: {  	[tilespmem:s7+$0x4D40] =	vst.add.f32.msk $0xffff, v9  }
0x196: {  	[tilespmem:s7+$0x4D50] =	vst.add.f32.msk $0xffff, v10  }
0x197: {  	[tilespmem:s7+$0x4D60] =	vst.add.f32.msk $0xffff, v11  }
0x198: {  	[tilespmem:s7+$0x4D70] =	vst.add.f32.msk $0xffff, v12  }
0x199: {  	[tilespmem:s7+$0x5100] =	vst.add.f32.msk $0xffff, v13  }
0x19a: {  	[tilespmem:s7+$0x5110] =	vst.add.f32.msk $0xffff, v14  }
0x19b: {  	[tilespmem:s7+$0x5120] =	vst.add.f32.msk $0xffff, v15  }
0x19c: {  	[tilespmem:s7+$0x5130] =	vst.add.f32.msk $0xffff, v16  }
0x19d: {  	[tilespmem:s7+$0x5140] =	vst.add.f32.msk $0xffff, v17  }
0x19e: {  	[tilespmem:s7+$0x5150] =	vst.add.f32.msk $0xffff, v18  }
0x19f: {  	[tilespmem:s7+$0x5160] =	vst.add.f32.msk $0xffff, v19  }
0x1a0: {  	[tilespmem:s7+$0x5170] =	vst.add.f32.msk $0xffff, v20  }
0x1a1: {  	[tilespmem:s7+$0x5500] =	vst.add.f32.msk $0xffff, v21  }
0x1a2: {  	[tilespmem:s7+$0x5510] =	vst.add.f32.msk $0xffff, v22  }
0x1a3: {  	[tilespmem:s7+$0x5520] =	vst.add.f32.msk $0xffff, v23  }
0x1a4: {  	[tilespmem:s7+$0x5530] =	vst.add.f32.msk $0xffff, v24  }
0x1a5: {  	[tilespmem:s7+$0x5540] =	vst.add.f32.msk $0xffff, v25  }
0x1a6: {  	[tilespmem:s7+$0x5550] =	vst.add.f32.msk $0xffff, v26  }
0x1a7: {  	[tilespmem:s7+$0x5560] =	vst.add.f32.msk $0xffff, v27  }
0x1a8: {  	[tilespmem:s7+$0x5570] =	vst.add.f32.msk $0xffff, v28  }
0x1a9: {  	[tilespmem:s7+$0x5900] =	vst.add.f32.msk $0xffff, v29  }
0x1aa: {  	[tilespmem:s7+$0x5910] =	vst.add.f32.msk $0xffff, v30  }
0x1ab: {  	[tilespmem:s7+$0x5920] =	vst.add.f32.msk $0xffff, v31  }
0x1ac: {  	[tilespmem:s7+$0x5930] =	vst.add.f32.msk $0xffff, v32  }
0x1ad: {  	[tilespmem:s7+$0x5940] =	vst.add.f32.msk $0xffff, v33  }
0x1ae: {  	[tilespmem:s7+$0x5950] =	vst.add.f32.msk $0xffff, v34  }
0x1af: {  	[tilespmem:s7+$0x5960] =	vst.add.f32.msk $0xffff, v35  }
0x1b0: {  	[tilespmem:s7+$0x5970] =	vst.add.f32.msk $0xffff, v36  }
0x1b1: {  	[tilespmem:s7+$0x5D00] =	vst.add.f32.msk $0xffff, v37  }
0x1b2: {  	[tilespmem:s7+$0x5D10] =	vst.add.f32.msk $0xffff, v38  }
0x1b3: {  	[tilespmem:s7+$0x5D20] =	vst.add.f32.msk $0xffff, v39  }
0x1b4: {  	[tilespmem:s7+$0x5D30] =	vst.add.f32.msk $0xffff, v40  }
0x1b5: {  	[tilespmem:s7+$0x5D40] =	vst.add.f32.msk $0xffff, v41  }
0x1b6: {  	[tilespmem:s7+$0x5D50] =	vst.add.f32.msk $0xffff, v42  }
0x1b7: {  	[tilespmem:s7+$0x5D60] =	vst.add.f32.msk $0xffff, v43  }
.Ltmp0:
0x1b8: {  	[tilespmem:s7+$0x5D70] =	vst.add.f32.msk $0xffff, v44;
	(pc) =	sbr.rel @p0 .LBB2_2-.Ltmp0, $4  }
0x1b9: {  	[tilespmem:s7+$0x6100] =	vst.add.f32.msk $0xffff, v45  }
0x1ba: {  	[tilespmem:s7+$0x6110] =	vst.add.f32.msk $0xffff, v46  }
0x1bb: {  	[tilespmem:s7+$0x6120] =	vst.add.f32.msk $0xffff, v47  }
0x1bc: {  	s15 =	sshrl.u32 s13, $0x3;
	s13 =	sadd.s32 $0x1, s13;
	[tilespmem:s7+$0x6130] =	vst.add.f32.msk $0xffff, v48  }
0x1bd: {  	s13 =	smul.u32 $0x1800, s15;
	[tilespmem:s7+$0x6140] =	vst.add.f32.msk $0xffff, v4;
	s8 =	sadd.s32 $0x80, s8  }
0x1be: {  	[tilespmem:s7+$0x6150] =	vst.add.f32.msk $0xffff, v3;
	s8 =	sand.u32 $0x380, s8  }
0x1bf: {  	[tilespmem:s7+$0x6160] =	vst.add.f32.msk $0xffff, v2;
	s8 =	sor.u32 s8, s13  }
0x1c0: {  	v2 =	vld [tilespmem:s8+$0x12170]  }
0x1c1: {  	v3 =	vld [tilespmem:s8+$0x10D00]  }
0x1c2: {  	v4 =	vld [tilespmem:s8+$0x10D10]  }
0x1c3: {  	v5 =	vld [tilespmem:s8+$0x10D20]  }
0x1c4: {  	v6 =	vld [tilespmem:s8+$0x10D30]  }
0x1c5: {  	v7 =	vld [tilespmem:s8+$0x10D50]  }
0x1c6: {  	v8 =	vld [tilespmem:s8+$0x10D60]  }
0x1c7: {  	v9 =	vld [tilespmem:s8+$0x10D70]  }
0x1c8: {  	v10 =	vld [tilespmem:s8+$0x11100]  }
0x1c9: {  	v11 =	vld [tilespmem:s8+$0x11110]  }
0x1ca: {  	v12 =	vld [tilespmem:s8+$0x11120]  }
0x1cb: {  	v13 =	vld [tilespmem:s8+$0x11130]  }
0x1cc: {  	v14 =	vld [tilespmem:s8+$0x11140]  }
0x1cd: {  	v15 =	vld [tilespmem:s8+$0x11150]  }
0x1ce: {  	v16 =	vld [tilespmem:s8+$0x11160]  }
0x1cf: {  	v17 =	vld [tilespmem:s8+$0x11170]  }
0x1d0: {  	v18 =	vld [tilespmem:s8+$0x11500]  }
0x1d1: {  	v19 =	vld [tilespmem:s8+$0x11510]  }
0x1d2: {  	v20 =	vld [tilespmem:s8+$0x11520]  }
0x1d3: {  	v21 =	vld [tilespmem:s8+$0x11530]  }
0x1d4: {  	v22 =	vld [tilespmem:s8+$0x11540]  }
0x1d5: {  	v23 =	vld [tilespmem:s8+$0x11550]  }
0x1d6: {  	v24 =	vld [tilespmem:s8+$0x11560]  }
0x1d7: {  	v25 =	vld [tilespmem:s8+$0x11570]  }
0x1d8: {  	v26 =	vld [tilespmem:s8+$0x11900]  }
0x1d9: {  	v27 =	vld [tilespmem:s8+$0x11910]  }
0x1da: {  	v28 =	vld [tilespmem:s8+$0x11920]  }
0x1db: {  	v29 =	vld [tilespmem:s8+$0x11930]  }
0x1dc: {  	v30 =	vld [tilespmem:s8+$0x11940]  }
0x1dd: {  	v31 =	vld [tilespmem:s8+$0x11950]  }
0x1de: {  	v32 =	vld [tilespmem:s8+$0x11960]  }
0x1df: {  	v33 =	vld [tilespmem:s8+$0x11970]  }
0x1e0: {  	v34 =	vld [tilespmem:s8+$0x11D00]  }
0x1e1: {  	v35 =	vld [tilespmem:s8+$0x11D10]  }
0x1e2: {  	v36 =	vld [tilespmem:s8+$0x11D20]  }
0x1e3: {  	v37 =	vld [tilespmem:s8+$0x11D30]  }
0x1e4: {  	v38 =	vld [tilespmem:s8+$0x11D40]  }
0x1e5: {  	v39 =	vld [tilespmem:s8+$0x11D50]  }
0x1e6: {  	v40 =	vld [tilespmem:s8+$0x11D60]  }
0x1e7: {  	v41 =	vld [tilespmem:s8+$0x11D70]  }
0x1e8: {  	v42 =	vld [tilespmem:s8+$0x12100]  }
0x1e9: {  	v43 =	vld [tilespmem:s8+$0x12110]  }
0x1ea: {  	v44 =	vld [tilespmem:s8+$0x12120]  }
0x1eb: {  	v45 =	vld [tilespmem:s8+$0x12130]  }
0x1ec: {  	v46 =	vld [tilespmem:s8+$0x12140]  }
0x1ed: {  	v47 =	vld [tilespmem:s8+$0x12150]  }
0x1ee: {  	v48 =	vld [tilespmem:s8+$0x12160]  }
0x1ef: {  	[tilespmem:s8+$0x6170] =	vst.add.f32.msk $0xffff, v2  }
0x1f0: {  	v2 =	vld [tilespmem:s8+$0x10D40]  }
0x1f1: {  	[tilespmem:s8+$0x4D00] =	vst.add.f32.msk $0xffff, v3  }
0x1f2: {  	[tilespmem:s8+$0x4D10] =	vst.add.f32.msk $0xffff, v4  }
0x1f3: {  	[tilespmem:s8+$0x4D20] =	vst.add.f32.msk $0xffff, v5  }
0x1f4: {  	[tilespmem:s8+$0x4D30] =	vst.add.f32.msk $0xffff, v6  }
0x1f5: {  	[tilespmem:s8+$0x4D50] =	vst.add.f32.msk $0xffff, v7  }
0x1f6: {  	[tilespmem:s8+$0x4D60] =	vst.add.f32.msk $0xffff, v8  }
0x1f7: {  	[tilespmem:s8+$0x4D70] =	vst.add.f32.msk $0xffff, v9  }
0x1f8: {  	[tilespmem:s8+$0x5100] =	vst.add.f32.msk $0xffff, v10  }
0x1f9: {  	[tilespmem:s8+$0x5110] =	vst.add.f32.msk $0xffff, v11  }
0x1fa: {  	[tilespmem:s8+$0x5120] =	vst.add.f32.msk $0xffff, v12  }
0x1fb: {  	[tilespmem:s8+$0x5130] =	vst.add.f32.msk $0xffff, v13  }
0x1fc: {  	[tilespmem:s8+$0x5140] =	vst.add.f32.msk $0xffff, v14  }
0x1fd: {  	[tilespmem:s8+$0x5150] =	vst.add.f32.msk $0xffff, v15  }
0x1fe: {  	[tilespmem:s8+$0x5160] =	vst.add.f32.msk $0xffff, v16  }
0x1ff: {  	[tilespmem:s8+$0x5170] =	vst.add.f32.msk $0xffff, v17  }
0x200: {  	[tilespmem:s8+$0x5500] =	vst.add.f32.msk $0xffff, v18  }
0x201: {  	[tilespmem:s8+$0x5510] =	vst.add.f32.msk $0xffff, v19  }
0x202: {  	[tilespmem:s8+$0x5520] =	vst.add.f32.msk $0xffff, v20  }
0x203: {  	[tilespmem:s8+$0x5530] =	vst.add.f32.msk $0xffff, v21  }
0x204: {  	[tilespmem:s8+$0x5540] =	vst.add.f32.msk $0xffff, v22  }
0x205: {  	[tilespmem:s8+$0x5550] =	vst.add.f32.msk $0xffff, v23  }
0x206: {  	[tilespmem:s8+$0x5560] =	vst.add.f32.msk $0xffff, v24  }
0x207: {  	[tilespmem:s8+$0x5570] =	vst.add.f32.msk $0xffff, v25  }
0x208: {  	[tilespmem:s8+$0x5900] =	vst.add.f32.msk $0xffff, v26  }
0x209: {  	[tilespmem:s8+$0x5910] =	vst.add.f32.msk $0xffff, v27  }
0x20a: {  	[tilespmem:s8+$0x5920] =	vst.add.f32.msk $0xffff, v28  }
0x20b: {  	[tilespmem:s8+$0x5930] =	vst.add.f32.msk $0xffff, v29  }
0x20c: {  	[tilespmem:s8+$0x5940] =	vst.add.f32.msk $0xffff, v30  }
0x20d: {  	[tilespmem:s8+$0x5950] =	vst.add.f32.msk $0xffff, v31  }
0x20e: {  	[tilespmem:s8+$0x5960] =	vst.add.f32.msk $0xffff, v32  }
0x20f: {  	[tilespmem:s8+$0x5970] =	vst.add.f32.msk $0xffff, v33  }
0x210: {  	[tilespmem:s8+$0x5D00] =	vst.add.f32.msk $0xffff, v34  }
0x211: {  	[tilespmem:s8+$0x5D10] =	vst.add.f32.msk $0xffff, v35  }
0x212: {  	[tilespmem:s8+$0x5D20] =	vst.add.f32.msk $0xffff, v36  }
0x213: {  	[tilespmem:s8+$0x5D30] =	vst.add.f32.msk $0xffff, v37  }
0x214: {  	[tilespmem:s8+$0x5D40] =	vst.add.f32.msk $0xffff, v38  }
0x215: {  	[tilespmem:s8+$0x5D50] =	vst.add.f32.msk $0xffff, v39  }
0x216: {  	[tilespmem:s8+$0x5D60] =	vst.add.f32.msk $0xffff, v40  }
0x217: {  	[tilespmem:s8+$0x5D70] =	vst.add.f32.msk $0xffff, v41  }
0x218: {  	[tilespmem:s8+$0x6100] =	vst.add.f32.msk $0xffff, v42  }
0x219: {  	[tilespmem:s8+$0x6110] =	vst.add.f32.msk $0xffff, v43  }
0x21a: {  	[tilespmem:s8+$0x6120] =	vst.add.f32.msk $0xffff, v44  }
0x21b: {  	[tilespmem:s8+$0x6130] =	vst.add.f32.msk $0xffff, v45  }
0x21c: {  	[tilespmem:s8+$0x6140] =	vst.add.f32.msk $0xffff, v46  }
0x21d: {  	[tilespmem:s8+$0x6150] =	vst.add.f32.msk $0xffff, v47  }
0x21e: {  	[tilespmem:s8+$0x6160] =	vst.add.f32.msk $0xffff, v48  }
0x21f: {  	s7 =	simm.s32 $0x0;
	s22 =	rddreg [dreg:$0x6];
	[tilespmem:s8+$0x4D40] =	vst.add.f32.msk $0xffff, v2;
	s8 =	simm.s32 $0x0  }
0x220: {  	[hbm4b:s22+s7] =	stream.linear.scatter [tilespmem:s19], [sflag:$0x5], $0x6000, $0x38;
	[tilespmem:$0x1CD00] =	vst v63  }
.LBB2_4:
0x221: {  	_ =	swait.ge [sflag:s31], $0x6000  }
0x222: {  	[sflag:s31] =	ssyncset.done $0x0  }
0x223: {  	s16 =	sshll.u32 s8, $0x6;
	[sflag:s31] =	ssyncadd.s32 $0xFFFFA000  }
0x224: {  	v2 =	vld.msk [tilespmem:s16+$0x40], $0xff;
	_ =	sdelay $0x4  }
0x225: {  	v3 =	vshrl.u32 v2, $0x3  }
0x226: {  	v3 =	vmul.u32 $0x30, v3  }
0x227: {  	v2 =	vand.u32 $0x7, v2  }
0x228: {  	v2 =	vor.u32 v2, v3  }
0x229: {  	v2 =	vperm.xlane v2, v0;
	_ =	sdelay $0x1  }
0x22a: {  	v2 =	vadd.s32 v1, v2;
	_ =	sdelay $0x4  }
0x22b: {  	[tilespmem:s19], [sflag:$0x1] =	stream.indirect_vreg.gather [hbm4b:s2+s7], $0x80, v2, vm0, $0xb8;
	[tilespmem:$0x1CD00] =	vst v63  }
0x22c: {  	s13 =	simm.s32 $0x5500  }
0x22d: {  	[tilespmem:s13], [sflag:$0x1] =	stream.indirect_vreg.gather [hbm4b:s9+s7], $0x80, v2, vm0, $0xb8;
	[tilespmem:$0x1CD00] =	vst v63  }
0x22e: {  	s20 =	simm.s32 $0x5D00  }
0x22f: {  	[tilespmem:s20], [sflag:$0x1] =	stream.indirect_vreg.gather [hbm4b:s10+s7], $0x80, v2, vm0, $0xb8;
	[tilespmem:$0x1CD00] =	vst v63  }
0x230: {  	v2 =	vld.msk [tilespmem:s16+$0x26C0], $0xff;
	_ =	sdelay $0x4  }
0x231: {  	v3 =	vshrl.u32 v2, $0x3  }
0x232: {  	v3 =	vmul.u32 $0x30, v3  }
0x233: {  	v2 =	vand.u32 $0x7, v2  }
0x234: {  	v2 =	vor.u32 v2, v3  }
0x235: {  	v2 =	vperm.xlane v2, v0;
	_ =	sdelay $0x1  }
0x236: {  	v2 =	vadd.s32 v1, v2;
	_ =	sdelay $0x3  }
0x237: {  	s21 =	simm.s32 $0x10D00  }
0x238: {  	[tilespmem:s21], [sflag:$0x3] =	stream.indirect_vreg.gather [hbm4b:s6+s7], $0x80, v2, vm0, $0xb8;
	[tilespmem:$0x1CD00] =	vst v63  }
0x239: {  	s22 =	simm.s32 $0x11500  }
0x23a: {  	[tilespmem:s22], [sflag:$0x3] =	stream.indirect_vreg.gather [hbm4b:s11+s7], $0x80, v2, vm0, $0xb8;
	[tilespmem:$0x1CD00] =	vst v63  }
0x23b: {  	s15 =	simm.s32 $0x11D00  }
0x23c: {  	[tilespmem:s15], [sflag:$0x3] =	stream.indirect_vreg.gather [hbm4b:s12+s7], $0x80, v2, vm0, $0xb8;
	[tilespmem:$0x1CD00] =	vst v63  }
0x23d: {  	v2 =	vld.msk [tilespmem:s16+$0x48], $0xff;
	_ =	sdelay $0x4  }
0x23e: {  	v3 =	vshrl.u32 v2, $0x3  }
0x23f: {  	v3 =	vmul.u32 $0x30, v3  }
0x240: {  	v2 =	vand.u32 $0x7, v2  }
0x241: {  	v2 =	vor.u32 v2, v3  }
0x242: {  	v2 =	vperm.xlane v2, v0;
	_ =	sdelay $0x1  }
0x243: {  	v2 =	vadd.s32 v1, v2;
	_ =	sdelay $0x3  }
0x244: {  	s17 =	simm.s32 $0x6500  }
0x245: {  	[tilespmem:s17], [sflag:$0x1] =	stream.indirect_vreg.gather [hbm4b:s2+s7], $0x80, v2, vm0, $0xb8;
	[tilespmem:$0x1CD00] =	vst v63  }
0x246: {  	s20 =	simm.s32 $0x6D00  }
0x247: {  	[tilespmem:s20], [sflag:$0x1] =	stream.indirect_vreg.gather [hbm4b:s9+s7], $0x80, v2, vm0, $0xb8;
	[tilespmem:$0x1CD00] =	vst v63  }
0x248: {  	s21 =	simm.s32 $0x7500  }
0x249: {  	[tilespmem:s21], [sflag:$0x1] =	stream.indirect_vreg.gather [hbm4b:s10+s7], $0x80, v2, vm0, $0xb8;
	[tilespmem:$0x1CD00] =	vst v63  }
0x24a: {  	v2 =	vld.msk [tilespmem:s16+$0x26C8], $0xff;
	_ =	sdelay $0x4  }
0x24b: {  	v3 =	vshrl.u32 v2, $0x3  }
0x24c: {  	v3 =	vmul.u32 $0x30, v3  }
0x24d: {  	v2 =	vand.u32 $0x7, v2  }
0x24e: {  	v2 =	vor.u32 v2, v3  }
0x24f: {  	v2 =	vperm.xlane v2, v0;
	_ =	sdelay $0x1  }
0x250: {  	v2 =	vadd.s32 v1, v2;
	_ =	sdelay $0x3  }
0x251: {  	s22 =	simm.s32 $0x12500  }
0x252: {  	[tilespmem:s22], [sflag:$0x3] =	stream.indirect_vreg.gather [hbm4b:s6+s7], $0x80, v2, vm0, $0xb8;
	[tilespmem:$0x1CD00] =	vst v63  }
0x253: {  	s15 =	simm.s32 $0x12D00  }
0x254: {  	[tilespmem:s15], [sflag:$0x3] =	stream.indirect_vreg.gather [hbm4b:s11+s7], $0x80, v2, vm0, $0xb8;
	[tilespmem:$0x1CD00] =	vst v63  }
0x255: {  	s17 =	simm.s32 $0x13500  }
0x256: {  	[tilespmem:s17], [sflag:$0x3] =	stream.indirect_vreg.gather [hbm4b:s12+s7], $0x80, v2, vm0, $0xb8;
	[tilespmem:$0x1CD00] =	vst v63  }
0x257: {  	v2 =	vld.msk [tilespmem:s16+$0x50], $0xff;
	_ =	sdelay $0x4  }
0x258: {  	v3 =	vshrl.u32 v2, $0x3  }
0x259: {  	v3 =	vmul.u32 $0x30, v3  }
0x25a: {  	v2 =	vand.u32 $0x7, v2  }
0x25b: {  	v2 =	vor.u32 v2, v3  }
0x25c: {  	v2 =	vperm.xlane v2, v0;
	_ =	sdelay $0x1  }
0x25d: {  	v2 =	vadd.s32 v1, v2;
	_ =	sdelay $0x3  }
0x25e: {  	s20 =	simm.s32 $0x7D00  }
0x25f: {  	[tilespmem:s20], [sflag:$0x1] =	stream.indirect_vreg.gather [hbm4b:s2+s7], $0x80, v2, vm0, $0xb8;
	[tilespmem:$0x1CD00] =	vst v63  }
0x260: {  	s21 =	simm.s32 $0x8500  }
0x261: {  	[tilespmem:s21], [sflag:$0x1] =	stream.indirect_vreg.gather [hbm4b:s9+s7], $0x80, v2, vm0, $0xb8;
	[tilespmem:$0x1CD00] =	vst v63  }
0x262: {  	s22 =	simm.s32 $0x8D00  }
0x263: {  	[tilespmem:s22], [sflag:$0x1] =	stream.indirect_vreg.gather [hbm4b:s10+s7], $0x80, v2, vm0, $0xb8;
	[tilespmem:$0x1CD00] =	vst v63  }
0x264: {  	v2 =	vld.msk [tilespmem:s16+$0x26D0], $0xff;
	_ =	sdelay $0x4  }
0x265: {  	v3 =	vshrl.u32 v2, $0x3  }
0x266: {  	v3 =	vmul.u32 $0x30, v3  }
0x267: {  	v2 =	vand.u32 $0x7, v2  }
0x268: {  	v2 =	vor.u32 v2, v3  }
0x269: {  	v2 =	vperm.xlane v2, v0;
	_ =	sdelay $0x1  }
0x26a: {  	v2 =	vadd.s32 v1, v2;
	_ =	sdelay $0x3  }
0x26b: {  	s15 =	simm.s32 $0x13D00  }
0x26c: {  	[tilespmem:s15], [sflag:$0x3] =	stream.indirect_vreg.gather [hbm4b:s6+s7], $0x80, v2, vm0, $0xb8;
	[tilespmem:$0x1CD00] =	vst v63  }
0x26d: {  	s17 =	simm.s32 $0x14500  }
0x26e: {  	[tilespmem:s17], [sflag:$0x3] =	stream.indirect_vreg.gather [hbm4b:s11+s7], $0x80, v2, vm0, $0xb8;
	[tilespmem:$0x1CD00] =	vst v63  }
0x26f: {  	s20 =	simm.s32 $0x14D00  }
0x270: {  	[tilespmem:s20], [sflag:$0x3] =	stream.indirect_vreg.gather [hbm4b:s12+s7], $0x80, v2, vm0, $0xb8;
	[tilespmem:$0x1CD00] =	vst v63  }
0x271: {  	v2 =	vld.msk [tilespmem:s16+$0x58], $0xff;
	_ =	sdelay $0x4  }
0x272: {  	v3 =	vshrl.u32 v2, $0x3  }
0x273: {  	v3 =	vmul.u32 $0x30, v3  }
0x274: {  	v2 =	vand.u32 $0x7, v2  }
0x275: {  	v2 =	vor.u32 v2, v3  }
0x276: {  	v2 =	vperm.xlane v2, v0;
	_ =	sdelay $0x1  }
0x277: {  	v2 =	vadd.s32 v1, v2;
	_ =	sdelay $0x3  }
0x278: {  	s21 =	simm.s32 $0x9500  }
0x279: {  	[tilespmem:s21], [sflag:$0x1] =	stream.indirect_vreg.gather [hbm4b:s2+s7], $0x80, v2, vm0, $0xb8;
	[tilespmem:$0x1CD00] =	vst v63  }
0x27a: {  	s22 =	simm.s32 $0x9D00  }
0x27b: {  	[tilespmem:s22], [sflag:$0x1] =	stream.indirect_vreg.gather [hbm4b:s9+s7], $0x80, v2, vm0, $0xb8;
	[tilespmem:$0x1CD00] =	vst v63  }
0x27c: {  	s15 =	simm.s32 $0xA500  }
0x27d: {  	[tilespmem:s15], [sflag:$0x1] =	stream.indirect_vreg.gather [hbm4b:s10+s7], $0x80, v2, vm0, $0xb8;
	[tilespmem:$0x1CD00] =	vst v63  }
0x27e: {  	v2 =	vld.msk [tilespmem:s16+$0x26D8], $0xff;
	_ =	sdelay $0x4  }
0x27f: {  	v3 =	vshrl.u32 v2, $0x3  }
0x280: {  	v3 =	vmul.u32 $0x30, v3  }
0x281: {  	v2 =	vand.u32 $0x7, v2  }
0x282: {  	v2 =	vor.u32 v2, v3  }
0x283: {  	v2 =	vperm.xlane v2, v0;
	_ =	sdelay $0x1  }
0x284: {  	v2 =	vadd.s32 v1, v2;
	_ =	sdelay $0x3  }
0x285: {  	s17 =	simm.s32 $0x15500  }
0x286: {  	[tilespmem:s17], [sflag:$0x3] =	stream.indirect_vreg.gather [hbm4b:s6+s7], $0x80, v2, vm0, $0xb8;
	[tilespmem:$0x1CD00] =	vst v63  }
0x287: {  	s20 =	simm.s32 $0x15D00  }
0x288: {  	[tilespmem:s20], [sflag:$0x3] =	stream.indirect_vreg.gather [hbm4b:s11+s7], $0x80, v2, vm0, $0xb8;
	[tilespmem:$0x1CD00] =	vst v63  }
0x289: {  	s21 =	simm.s32 $0x16500  }
0x28a: {  	[tilespmem:s21], [sflag:$0x3] =	stream.indirect_vreg.gather [hbm4b:s12+s7], $0x80, v2, vm0, $0xb8;
	[tilespmem:$0x1CD00] =	vst v63  }
0x28b: {  	_ =	swait.ge [sflag:s1], $0x1800  }
0x28c: {  	[sflag:s1] =	ssyncset.done $0x0  }
0x28d: {  	[sflag:s1] =	ssyncadd.s32 $0xFFFFE800  }
0x28e: {  	_ =	swait.ge [sflag:s0], $0x1800  }
0x28f: {  	[sflag:s0] =	ssyncset.done $0x0  }
0x290: {  	[sflag:s0] =	ssyncadd.s32 $0xFFFFE800  }
0x291: {  	_ =	swait.ge [sflag:s1], $0x1800  }
0x292: {  	[sflag:s1] =	ssyncset.done $0x0  }
0x293: {  	[sflag:s1] =	ssyncadd.s32 $0xFFFFE800  }
0x294: {  	_ =	swait.ge [sflag:s0], $0x1800  }
0x295: {  	[sflag:s0] =	ssyncset.done $0x0  }
0x296: {  	[sflag:s0] =	ssyncadd.s32 $0xFFFFE800  }
0x297: {  	_ =	swait.ge [sflag:s1], $0x1800  }
0x298: {  	[sflag:s1] =	ssyncset.done $0x0  }
0x299: {  	[sflag:s1] =	ssyncadd.s32 $0xFFFFE800  }
0x29a: {  	_ =	swait.ge [sflag:s0], $0x1800  }
0x29b: {  	[sflag:s0] =	ssyncset.done $0x0  }
0x29c: {  	[sflag:s0] =	ssyncadd.s32 $0xFFFFE800  }
0x29d: {  	_ =	swait.ge [sflag:s1], $0x1800  }
0x29e: {  	[sflag:s1] =	ssyncset.done $0x0  }
0x29f: {  	s22 =	simm.s32 $0x0;
	[sflag:s1] =	ssyncadd.s32 $0xFFFFE800  }
0x2a0: {  	s13 =	smul.u32 $0x1800, s22;
	_ =	swait.ge [sflag:s0], $0x1800  }
0x2a1: {  	s15 =	sand.u32 $0x380, s7;
	[sflag:s0] =	ssyncset.done $0x0  }
0x2a2: {  	s13 =	sor.u32 s15, s13;
	[sflag:s0] =	ssyncadd.s32 $0xFFFFE800  }
0x2a3: {  	v2 =	vld [tilespmem:s13+$0x18170]  }
0x2a4: {  	v5 =	vld [tilespmem:s13+$0x16D00]  }
0x2a5: {  	v6 =	vld [tilespmem:s13+$0x16D10]  }
0x2a6: {  	v7 =	vld [tilespmem:s13+$0x16D20]  }
0x2a7: {  	v8 =	vld [tilespmem:s13+$0x16D30]  }
0x2a8: {  	v9 =	vld [tilespmem:s13+$0x16D40]  }
0x2a9: {  	v10 =	vld [tilespmem:s13+$0x16D50]  }
0x2aa: {  	v11 =	vld [tilespmem:s13+$0x16D60]  }
0x2ab: {  	v12 =	vld [tilespmem:s13+$0x16D70]  }
0x2ac: {  	v13 =	vld [tilespmem:s13+$0x17100]  }
0x2ad: {  	v14 =	vld [tilespmem:s13+$0x17110]  }
0x2ae: {  	v15 =	vld [tilespmem:s13+$0x17120]  }
0x2af: {  	v16 =	vld [tilespmem:s13+$0x17130]  }
0x2b0: {  	v17 =	vld [tilespmem:s13+$0x17140]  }
0x2b1: {  	v18 =	vld [tilespmem:s13+$0x17150]  }
0x2b2: {  	v19 =	vld [tilespmem:s13+$0x17160]  }
0x2b3: {  	v20 =	vld [tilespmem:s13+$0x17170]  }
0x2b4: {  	v21 =	vld [tilespmem:s13+$0x17500]  }
0x2b5: {  	v22 =	vld [tilespmem:s13+$0x17510]  }
0x2b6: {  	v23 =	vld [tilespmem:s13+$0x17520]  }
0x2b7: {  	v24 =	vld [tilespmem:s13+$0x17530]  }
0x2b8: {  	v25 =	vld [tilespmem:s13+$0x17540]  }
0x2b9: {  	v26 =	vld [tilespmem:s13+$0x17550]  }
0x2ba: {  	v27 =	vld [tilespmem:s13+$0x17560]  }
0x2bb: {  	v28 =	vld [tilespmem:s13+$0x17570]  }
0x2bc: {  	v29 =	vld [tilespmem:s13+$0x17900]  }
0x2bd: {  	v30 =	vld [tilespmem:s13+$0x17910]  }
0x2be: {  	v31 =	vld [tilespmem:s13+$0x17920]  }
0x2bf: {  	v32 =	vld [tilespmem:s13+$0x17930]  }
0x2c0: {  	v33 =	vld [tilespmem:s13+$0x17940]  }
0x2c1: {  	v34 =	vld [tilespmem:s13+$0x17950]  }
0x2c2: {  	v35 =	vld [tilespmem:s13+$0x17960]  }
0x2c3: {  	v36 =	vld [tilespmem:s13+$0x17970]  }
0x2c4: {  	v37 =	vld [tilespmem:s13+$0x17D00]  }
0x2c5: {  	v38 =	vld [tilespmem:s13+$0x17D10]  }
0x2c6: {  	v39 =	vld [tilespmem:s13+$0x17D20]  }
0x2c7: {  	v40 =	vld [tilespmem:s13+$0x17D30]  }
0x2c8: {  	v41 =	vld [tilespmem:s13+$0x17D40]  }
0x2c9: {  	v42 =	vld [tilespmem:s13+$0x17D50]  }
0x2ca: {  	v43 =	vld [tilespmem:s13+$0x17D60]  }
0x2cb: {  	v44 =	vld [tilespmem:s13+$0x17D70]  }
0x2cc: {  	v45 =	vld [tilespmem:s13+$0x18100]  }
0x2cd: {  	v46 =	vld [tilespmem:s13+$0x18110]  }
0x2ce: {  	v47 =	vld [tilespmem:s13+$0x18120]  }
0x2cf: {  	v48 =	vld [tilespmem:s13+$0x18130]  }
0x2d0: {  	v4 =	vld [tilespmem:s13+$0x18140]  }
0x2d1: {  	v3 =	vld [tilespmem:s13+$0x18150]  }
0x2d2: {  	[tilespmem:s13+$0xC170] =	vst.add.f32.msk $0xffff, v2  }
0x2d3: {  	v2 =	vld [tilespmem:s13+$0x18160]  }
0x2d4: {  	[tilespmem:s13+$0xAD00] =	vst.add.f32.msk $0xffff, v5  }
0x2d5: {  	[tilespmem:s13+$0xAD10] =	vst.add.f32.msk $0xffff, v6  }
0x2d6: {  	[tilespmem:s13+$0xAD20] =	vst.add.f32.msk $0xffff, v7  }
0x2d7: {  	[tilespmem:s13+$0xAD30] =	vst.add.f32.msk $0xffff, v8  }
0x2d8: {  	[tilespmem:s13+$0xAD40] =	vst.add.f32.msk $0xffff, v9  }
0x2d9: {  	[tilespmem:s13+$0xAD50] =	vst.add.f32.msk $0xffff, v10  }
0x2da: {  	[tilespmem:s13+$0xAD60] =	vst.add.f32.msk $0xffff, v11  }
0x2db: {  	[tilespmem:s13+$0xAD70] =	vst.add.f32.msk $0xffff, v12  }
0x2dc: {  	[tilespmem:s13+$0xB100] =	vst.add.f32.msk $0xffff, v13  }
0x2dd: {  	[tilespmem:s13+$0xB110] =	vst.add.f32.msk $0xffff, v14  }
0x2de: {  	[tilespmem:s13+$0xB120] =	vst.add.f32.msk $0xffff, v15  }
0x2df: {  	[tilespmem:s13+$0xB130] =	vst.add.f32.msk $0xffff, v16  }
0x2e0: {  	[tilespmem:s13+$0xB140] =	vst.add.f32.msk $0xffff, v17  }
0x2e1: {  	[tilespmem:s13+$0xB150] =	vst.add.f32.msk $0xffff, v18  }
0x2e2: {  	[tilespmem:s13+$0xB160] =	vst.add.f32.msk $0xffff, v19  }
0x2e3: {  	[tilespmem:s13+$0xB170] =	vst.add.f32.msk $0xffff, v20  }
0x2e4: {  	[tilespmem:s13+$0xB500] =	vst.add.f32.msk $0xffff, v21  }
0x2e5: {  	[tilespmem:s13+$0xB510] =	vst.add.f32.msk $0xffff, v22  }
0x2e6: {  	[tilespmem:s13+$0xB520] =	vst.add.f32.msk $0xffff, v23  }
0x2e7: {  	[tilespmem:s13+$0xB530] =	vst.add.f32.msk $0xffff, v24  }
0x2e8: {  	[tilespmem:s13+$0xB540] =	vst.add.f32.msk $0xffff, v25  }
0x2e9: {  	[tilespmem:s13+$0xB550] =	vst.add.f32.msk $0xffff, v26  }
0x2ea: {  	[tilespmem:s13+$0xB560] =	vst.add.f32.msk $0xffff, v27  }
0x2eb: {  	[tilespmem:s13+$0xB570] =	vst.add.f32.msk $0xffff, v28  }
0x2ec: {  	[tilespmem:s13+$0xB900] =	vst.add.f32.msk $0xffff, v29  }
0x2ed: {  	[tilespmem:s13+$0xB910] =	vst.add.f32.msk $0xffff, v30  }
0x2ee: {  	[tilespmem:s13+$0xB920] =	vst.add.f32.msk $0xffff, v31  }
0x2ef: {  	[tilespmem:s13+$0xB930] =	vst.add.f32.msk $0xffff, v32  }
0x2f0: {  	[tilespmem:s13+$0xB940] =	vst.add.f32.msk $0xffff, v33  }
0x2f1: {  	[tilespmem:s13+$0xB950] =	vst.add.f32.msk $0xffff, v34  }
0x2f2: {  	[tilespmem:s13+$0xB960] =	vst.add.f32.msk $0xffff, v35  }
0x2f3: {  	[tilespmem:s13+$0xB970] =	vst.add.f32.msk $0xffff, v36  }
0x2f4: {  	[tilespmem:s13+$0xBD00] =	vst.add.f32.msk $0xffff, v37  }
0x2f5: {  	[tilespmem:s13+$0xBD10] =	vst.add.f32.msk $0xffff, v38  }
0x2f6: {  	[tilespmem:s13+$0xBD20] =	vst.add.f32.msk $0xffff, v39  }
0x2f7: {  	[tilespmem:s13+$0xBD30] =	vst.add.f32.msk $0xffff, v40  }
0x2f8: {  	[tilespmem:s13+$0xBD40] =	vst.add.f32.msk $0xffff, v41  }
0x2f9: {  	[tilespmem:s13+$0xBD50] =	vst.add.f32.msk $0xffff, v42  }
0x2fa: {  	[tilespmem:s13+$0xBD60] =	vst.add.f32.msk $0xffff, v43  }
0x2fb: {  	[tilespmem:s13+$0xBD70] =	vst.add.f32.msk $0xffff, v44  }
0x2fc: {  	[tilespmem:s13+$0xC100] =	vst.add.f32.msk $0xffff, v45  }
0x2fd: {  	[tilespmem:s13+$0xC110] =	vst.add.f32.msk $0xffff, v46  }
0x2fe: {  	s15 =	sadd.s32 $0x40, s16;
	[tilespmem:s13+$0xC120] =	vst.add.f32.msk $0xffff, v47  }
0x2ff: {  	s17 =	simm.s32 $0x0;
	s20 =	simm.s32 $0x2;
	s21 =	simm.s32 $0x0;
	[tilespmem:s13+$0xC130] =	vst.add.f32.msk $0xffff, v48  }
.LBB2_5:
0x300: {  	p0 =	sne.s32 s20, $0x1F;
	s21 =	smul.u32 $0x1800, s21;
	[tilespmem:s13+$0xC140] =	vst.add.f32.msk $0xffff, v4;
	s17 =	sadd.s32 $0x80, s17  }
0x301: {  	s22 =	sand.u32 $0x380, s17;
	[tilespmem:s13+$0xC150] =	vst.add.f32.msk $0xffff, v3  }
0x302: {  	[tilespmem:s13+$0xC160] =	vst.add.f32.msk $0xffff, v2;
	s13 =	sor.u32 s22, s21  }
0x303: {  	v2 =	vld [tilespmem:s13+$0x18170]  }
0x304: {  	v5 =	vld [tilespmem:s13+$0x16D00]  }
0x305: {  	v6 =	vld [tilespmem:s13+$0x16D10]  }
0x306: {  	v7 =	vld [tilespmem:s13+$0x16D20]  }
0x307: {  	v8 =	vld [tilespmem:s13+$0x16D30]  }
0x308: {  	[tilespmem:s13+$0xC170] =	vst.add.f32.msk $0xffff, v2  }
0x309: {  	v9 =	vld [tilespmem:s13+$0x16D40]  }
0x30a: {  	v10 =	vld [tilespmem:s13+$0x16D50]  }
0x30b: {  	v11 =	vld [tilespmem:s13+$0x16D60]  }
0x30c: {  	v12 =	vld [tilespmem:s13+$0x16D70]  }
0x30d: {  	v13 =	vld [tilespmem:s13+$0x17100]  }
0x30e: {  	v14 =	vld [tilespmem:s13+$0x17110]  }
0x30f: {  	v15 =	vld [tilespmem:s13+$0x17120]  }
0x310: {  	v16 =	vld [tilespmem:s13+$0x17130]  }
0x311: {  	v17 =	vld [tilespmem:s13+$0x17140]  }
0x312: {  	v18 =	vld [tilespmem:s13+$0x17150]  }
0x313: {  	v19 =	vld [tilespmem:s13+$0x17160]  }
0x314: {  	v20 =	vld [tilespmem:s13+$0x17170]  }
0x315: {  	v21 =	vld [tilespmem:s13+$0x17500]  }
0x316: {  	v22 =	vld [tilespmem:s13+$0x17510]  }
0x317: {  	v23 =	vld [tilespmem:s13+$0x17520]  }
0x318: {  	v24 =	vld [tilespmem:s13+$0x17530]  }
0x319: {  	v25 =	vld [tilespmem:s13+$0x17540]  }
0x31a: {  	v26 =	vld [tilespmem:s13+$0x17550]  }
0x31b: {  	v27 =	vld [tilespmem:s13+$0x17560]  }
0x31c: {  	v28 =	vld [tilespmem:s13+$0x17570]  }
0x31d: {  	v29 =	vld [tilespmem:s13+$0x17900]  }
0x31e: {  	v30 =	vld [tilespmem:s13+$0x17910]  }
0x31f: {  	v31 =	vld [tilespmem:s13+$0x17920]  }
0x320: {  	v32 =	vld [tilespmem:s13+$0x17930]  }
0x321: {  	v33 =	vld [tilespmem:s13+$0x17940]  }
0x322: {  	v34 =	vld [tilespmem:s13+$0x17950]  }
0x323: {  	v35 =	vld [tilespmem:s13+$0x17960]  }
0x324: {  	v36 =	vld [tilespmem:s13+$0x17970]  }
0x325: {  	v37 =	vld [tilespmem:s13+$0x17D00]  }
0x326: {  	v38 =	vld [tilespmem:s13+$0x17D10]  }
0x327: {  	v39 =	vld [tilespmem:s13+$0x17D20]  }
0x328: {  	v40 =	vld [tilespmem:s13+$0x17D30]  }
0x329: {  	v41 =	vld [tilespmem:s13+$0x17D40]  }
0x32a: {  	v42 =	vld [tilespmem:s13+$0x17D50]  }
0x32b: {  	v43 =	vld [tilespmem:s13+$0x17D60]  }
0x32c: {  	v44 =	vld [tilespmem:s13+$0x17D70]  }
0x32d: {  	v45 =	vld [tilespmem:s13+$0x18100]  }
0x32e: {  	v46 =	vld [tilespmem:s13+$0x18110]  }
0x32f: {  	v47 =	vld [tilespmem:s13+$0x18120]  }
0x330: {  	v48 =	vld [tilespmem:s13+$0x18130]  }
0x331: {  	v4 =	vld [tilespmem:s13+$0x18140]  }
0x332: {  	v3 =	vld [tilespmem:s13+$0x18150]  }
0x333: {  	v2 =	vld [tilespmem:s13+$0x18160]  }
0x334: {  	[tilespmem:s13+$0xAD00] =	vst.add.f32.msk $0xffff, v5  }
0x335: {  	[tilespmem:s13+$0xAD10] =	vst.add.f32.msk $0xffff, v6  }
0x336: {  	[tilespmem:s13+$0xAD20] =	vst.add.f32.msk $0xffff, v7  }
0x337: {  	[tilespmem:s13+$0xAD30] =	vst.add.f32.msk $0xffff, v8  }
0x338: {  	[tilespmem:s13+$0xAD40] =	vst.add.f32.msk $0xffff, v9  }
0x339: {  	[tilespmem:s13+$0xAD50] =	vst.add.f32.msk $0xffff, v10  }
0x33a: {  	[tilespmem:s13+$0xAD60] =	vst.add.f32.msk $0xffff, v11  }
0x33b: {  	[tilespmem:s13+$0xAD70] =	vst.add.f32.msk $0xffff, v12  }
0x33c: {  	[tilespmem:s13+$0xB100] =	vst.add.f32.msk $0xffff, v13  }
0x33d: {  	[tilespmem:s13+$0xB110] =	vst.add.f32.msk $0xffff, v14  }
0x33e: {  	[tilespmem:s13+$0xB120] =	vst.add.f32.msk $0xffff, v15  }
0x33f: {  	[tilespmem:s13+$0xB130] =	vst.add.f32.msk $0xffff, v16  }
0x340: {  	[tilespmem:s13+$0xB140] =	vst.add.f32.msk $0xffff, v17  }
0x341: {  	[tilespmem:s13+$0xB150] =	vst.add.f32.msk $0xffff, v18  }
0x342: {  	[tilespmem:s13+$0xB160] =	vst.add.f32.msk $0xffff, v19  }
0x343: {  	[tilespmem:s13+$0xB170] =	vst.add.f32.msk $0xffff, v20  }
0x344: {  	[tilespmem:s13+$0xB500] =	vst.add.f32.msk $0xffff, v21  }
0x345: {  	[tilespmem:s13+$0xB510] =	vst.add.f32.msk $0xffff, v22  }
0x346: {  	[tilespmem:s13+$0xB520] =	vst.add.f32.msk $0xffff, v23  }
0x347: {  	[tilespmem:s13+$0xB530] =	vst.add.f32.msk $0xffff, v24  }
0x348: {  	[tilespmem:s13+$0xB540] =	vst.add.f32.msk $0xffff, v25  }
0x349: {  	[tilespmem:s13+$0xB550] =	vst.add.f32.msk $0xffff, v26  }
0x34a: {  	[tilespmem:s13+$0xB560] =	vst.add.f32.msk $0xffff, v27  }
0x34b: {  	[tilespmem:s13+$0xB570] =	vst.add.f32.msk $0xffff, v28  }
0x34c: {  	[tilespmem:s13+$0xB900] =	vst.add.f32.msk $0xffff, v29  }
0x34d: {  	[tilespmem:s13+$0xB910] =	vst.add.f32.msk $0xffff, v30  }
0x34e: {  	[tilespmem:s13+$0xB920] =	vst.add.f32.msk $0xffff, v31  }
0x34f: {  	[tilespmem:s13+$0xB930] =	vst.add.f32.msk $0xffff, v32  }
0x350: {  	[tilespmem:s13+$0xB940] =	vst.add.f32.msk $0xffff, v33  }
0x351: {  	[tilespmem:s13+$0xB950] =	vst.add.f32.msk $0xffff, v34  }
0x352: {  	[tilespmem:s13+$0xB960] =	vst.add.f32.msk $0xffff, v35  }
0x353: {  	[tilespmem:s13+$0xB970] =	vst.add.f32.msk $0xffff, v36  }
0x354: {  	[tilespmem:s13+$0xBD00] =	vst.add.f32.msk $0xffff, v37  }
0x355: {  	[tilespmem:s13+$0xBD10] =	vst.add.f32.msk $0xffff, v38  }
0x356: {  	[tilespmem:s13+$0xBD20] =	vst.add.f32.msk $0xffff, v39  }
0x357: {  	[tilespmem:s13+$0xBD30] =	vst.add.f32.msk $0xffff, v40  }
0x358: {  	[tilespmem:s13+$0xBD40] =	vst.add.f32.msk $0xffff, v41  }
0x359: {  	[tilespmem:s13+$0xBD50] =	vst.add.f32.msk $0xffff, v42  }
0x35a: {  	[tilespmem:s13+$0xBD60] =	vst.add.f32.msk $0xffff, v43  }
.Ltmp1:
0x35b: {  	[tilespmem:s13+$0xBD70] =	vst.add.f32.msk $0xffff, v44;
	(pc) =	sbr.rel @p0 .LBB2_5-.Ltmp1, $4  }
0x35c: {  	[tilespmem:s13+$0xC100] =	vst.add.f32.msk $0xffff, v45  }
0x35d: {  	[tilespmem:s13+$0xC110] =	vst.add.f32.msk $0xffff, v46  }
0x35e: {  	[tilespmem:s13+$0xC120] =	vst.add.f32.msk $0xffff, v47  }
0x35f: {  	s21 =	sshrl.u32 s20, $0x3;
	s20 =	sadd.s32 $0x1, s20;
	[tilespmem:s13+$0xC130] =	vst.add.f32.msk $0xffff, v48  }
0x360: {  	s20 =	smul.u32 $0x1800, s21;
	[tilespmem:s13+$0xC140] =	vst.add.f32.msk $0xffff, v4;
	s17 =	sadd.s32 $0x80, s17  }
0x361: {  	[tilespmem:s13+$0xC150] =	vst.add.f32.msk $0xffff, v3;
	s17 =	sand.u32 $0x380, s17  }
0x362: {  	[tilespmem:s13+$0xC160] =	vst.add.f32.msk $0xffff, v2;
	s17 =	sor.u32 s17, s20  }
0x363: {  	v2 =	vld [tilespmem:s17+$0x18170]  }
0x364: {  	v3 =	vld [tilespmem:s17+$0x16D00]  }
0x365: {  	v4 =	vld [tilespmem:s17+$0x16D10]  }
0x366: {  	v5 =	vld [tilespmem:s17+$0x16D20]  }
0x367: {  	v6 =	vld [tilespmem:s17+$0x16D30]  }
0x368: {  	v7 =	vld [tilespmem:s17+$0x16D50]  }
0x369: {  	v8 =	vld [tilespmem:s17+$0x16D60]  }
0x36a: {  	v9 =	vld [tilespmem:s17+$0x16D70]  }
0x36b: {  	v10 =	vld [tilespmem:s17+$0x17100]  }
0x36c: {  	v11 =	vld [tilespmem:s17+$0x17110]  }
0x36d: {  	v12 =	vld [tilespmem:s17+$0x17120]  }
0x36e: {  	v13 =	vld [tilespmem:s17+$0x17130]  }
0x36f: {  	v14 =	vld [tilespmem:s17+$0x17140]  }
0x370: {  	v15 =	vld [tilespmem:s17+$0x17150]  }
0x371: {  	v16 =	vld [tilespmem:s17+$0x17160]  }
0x372: {  	v17 =	vld [tilespmem:s17+$0x17170]  }
0x373: {  	v18 =	vld [tilespmem:s17+$0x17500]  }
0x374: {  	v19 =	vld [tilespmem:s17+$0x17510]  }
0x375: {  	v20 =	vld [tilespmem:s17+$0x17520]  }
0x376: {  	v21 =	vld [tilespmem:s17+$0x17530]  }
0x377: {  	v22 =	vld [tilespmem:s17+$0x17540]  }
0x378: {  	v23 =	vld [tilespmem:s17+$0x17550]  }
0x379: {  	v24 =	vld [tilespmem:s17+$0x17560]  }
0x37a: {  	v25 =	vld [tilespmem:s17+$0x17570]  }
0x37b: {  	v26 =	vld [tilespmem:s17+$0x17900]  }
0x37c: {  	v27 =	vld [tilespmem:s17+$0x17910]  }
0x37d: {  	v28 =	vld [tilespmem:s17+$0x17920]  }
0x37e: {  	v29 =	vld [tilespmem:s17+$0x17930]  }
0x37f: {  	v30 =	vld [tilespmem:s17+$0x17940]  }
0x380: {  	v31 =	vld [tilespmem:s17+$0x17950]  }
0x381: {  	v32 =	vld [tilespmem:s17+$0x17960]  }
0x382: {  	v33 =	vld [tilespmem:s17+$0x17970]  }
0x383: {  	v34 =	vld [tilespmem:s17+$0x17D00]  }
0x384: {  	v35 =	vld [tilespmem:s17+$0x17D10]  }
0x385: {  	v36 =	vld [tilespmem:s17+$0x17D20]  }
0x386: {  	v37 =	vld [tilespmem:s17+$0x17D30]  }
0x387: {  	v38 =	vld [tilespmem:s17+$0x17D40]  }
0x388: {  	v39 =	vld [tilespmem:s17+$0x17D50]  }
0x389: {  	v40 =	vld [tilespmem:s17+$0x17D60]  }
0x38a: {  	v41 =	vld [tilespmem:s17+$0x17D70]  }
0x38b: {  	v42 =	vld [tilespmem:s17+$0x18100]  }
0x38c: {  	v43 =	vld [tilespmem:s17+$0x18110]  }
0x38d: {  	v44 =	vld [tilespmem:s17+$0x18120]  }
0x38e: {  	v45 =	vld [tilespmem:s17+$0x18130]  }
0x38f: {  	v46 =	vld [tilespmem:s17+$0x18140]  }
0x390: {  	v47 =	vld [tilespmem:s17+$0x18150]  }
0x391: {  	v48 =	vld [tilespmem:s17+$0x18160]  }
0x392: {  	[tilespmem:s17+$0xC170] =	vst.add.f32.msk $0xffff, v2  }
0x393: {  	v2 =	vld [tilespmem:s17+$0x16D40]  }
0x394: {  	[tilespmem:s17+$0xAD00] =	vst.add.f32.msk $0xffff, v3  }
0x395: {  	[tilespmem:s17+$0xAD10] =	vst.add.f32.msk $0xffff, v4  }
0x396: {  	[tilespmem:s17+$0xAD20] =	vst.add.f32.msk $0xffff, v5  }
0x397: {  	[tilespmem:s17+$0xAD30] =	vst.add.f32.msk $0xffff, v6  }
0x398: {  	[tilespmem:s17+$0xAD50] =	vst.add.f32.msk $0xffff, v7  }
0x399: {  	[tilespmem:s17+$0xAD60] =	vst.add.f32.msk $0xffff, v8  }
0x39a: {  	[tilespmem:s17+$0xAD70] =	vst.add.f32.msk $0xffff, v9  }
0x39b: {  	[tilespmem:s17+$0xB100] =	vst.add.f32.msk $0xffff, v10  }
0x39c: {  	[tilespmem:s17+$0xB110] =	vst.add.f32.msk $0xffff, v11  }
0x39d: {  	[tilespmem:s17+$0xB120] =	vst.add.f32.msk $0xffff, v12  }
0x39e: {  	[tilespmem:s17+$0xB130] =	vst.add.f32.msk $0xffff, v13  }
0x39f: {  	[tilespmem:s17+$0xB140] =	vst.add.f32.msk $0xffff, v14  }
0x3a0: {  	[tilespmem:s17+$0xB150] =	vst.add.f32.msk $0xffff, v15  }
0x3a1: {  	[tilespmem:s17+$0xB160] =	vst.add.f32.msk $0xffff, v16  }
0x3a2: {  	[tilespmem:s17+$0xB170] =	vst.add.f32.msk $0xffff, v17  }
0x3a3: {  	[tilespmem:s17+$0xB500] =	vst.add.f32.msk $0xffff, v18  }
0x3a4: {  	[tilespmem:s17+$0xB510] =	vst.add.f32.msk $0xffff, v19  }
0x3a5: {  	[tilespmem:s17+$0xB520] =	vst.add.f32.msk $0xffff, v20  }
0x3a6: {  	[tilespmem:s17+$0xB530] =	vst.add.f32.msk $0xffff, v21  }
0x3a7: {  	[tilespmem:s17+$0xB540] =	vst.add.f32.msk $0xffff, v22  }
0x3a8: {  	[tilespmem:s17+$0xB550] =	vst.add.f32.msk $0xffff, v23  }
0x3a9: {  	[tilespmem:s17+$0xB560] =	vst.add.f32.msk $0xffff, v24  }
0x3aa: {  	[tilespmem:s17+$0xB570] =	vst.add.f32.msk $0xffff, v25  }
0x3ab: {  	[tilespmem:s17+$0xB900] =	vst.add.f32.msk $0xffff, v26  }
0x3ac: {  	[tilespmem:s17+$0xB910] =	vst.add.f32.msk $0xffff, v27  }
0x3ad: {  	[tilespmem:s17+$0xB920] =	vst.add.f32.msk $0xffff, v28  }
0x3ae: {  	[tilespmem:s17+$0xB930] =	vst.add.f32.msk $0xffff, v29  }
0x3af: {  	[tilespmem:s17+$0xB940] =	vst.add.f32.msk $0xffff, v30  }
0x3b0: {  	[tilespmem:s17+$0xB950] =	vst.add.f32.msk $0xffff, v31  }
0x3b1: {  	[tilespmem:s17+$0xB960] =	vst.add.f32.msk $0xffff, v32  }
0x3b2: {  	[tilespmem:s17+$0xB970] =	vst.add.f32.msk $0xffff, v33  }
0x3b3: {  	[tilespmem:s17+$0xBD00] =	vst.add.f32.msk $0xffff, v34  }
0x3b4: {  	[tilespmem:s17+$0xBD10] =	vst.add.f32.msk $0xffff, v35  }
0x3b5: {  	[tilespmem:s17+$0xBD20] =	vst.add.f32.msk $0xffff, v36  }
0x3b6: {  	[tilespmem:s17+$0xBD30] =	vst.add.f32.msk $0xffff, v37  }
0x3b7: {  	[tilespmem:s17+$0xBD40] =	vst.add.f32.msk $0xffff, v38  }
0x3b8: {  	[tilespmem:s17+$0xBD50] =	vst.add.f32.msk $0xffff, v39  }
0x3b9: {  	[tilespmem:s17+$0xBD60] =	vst.add.f32.msk $0xffff, v40  }
0x3ba: {  	[tilespmem:s17+$0xBD70] =	vst.add.f32.msk $0xffff, v41  }
0x3bb: {  	[tilespmem:s17+$0xC100] =	vst.add.f32.msk $0xffff, v42  }
0x3bc: {  	[tilespmem:s17+$0xC110] =	vst.add.f32.msk $0xffff, v43  }
0x3bd: {  	[tilespmem:s17+$0xC120] =	vst.add.f32.msk $0xffff, v44  }
0x3be: {  	s21 =	sadd.s32 s16, s14;
	[tilespmem:s17+$0xC130] =	vst.add.f32.msk $0xffff, v45  }
0x3bf: {  	s13 =	sshrl.u32 s21, $0x3;
	[tilespmem:s17+$0xC140] =	vst.add.f32.msk $0xffff, v46  }
0x3c0: {  	s13 =	smul.u32 $0x300, s13;
	[tilespmem:s17+$0xC150] =	vst.add.f32.msk $0xffff, v47  }
0x3c1: {  	[tilespmem:s17+$0xC160] =	vst.add.f32.msk $0xffff, v48  }
0x3c2: {  	s22 =	sadd.s32 s3, s13;
	s13 =	simm.s32 $0x0;
	[tilespmem:s17+$0xAD40] =	vst.add.f32.msk $0xffff, v2  }
0x3c3: {  	[hbm4b:s22+s13] =	stream.linear.scatter [tilespmem:s23], [sflag:$0x6], $0x6000, $0x38;
	[tilespmem:$0x1CD00] =	vst v63  }
0x3c4: {  	_ =	swait.ge [sflag:s18], $0x6000  }
0x3c5: {  	[sflag:s18] =	ssyncset.done $0x0  }
0x3c6: {  	[sflag:s18] =	ssyncadd.s32 $0xFFFFA000  }
0x3c7: {  	v2 =	vld.msk [tilespmem:s16+$0x60], $0xff;
	_ =	sdelay $0x4  }
0x3c8: {  	v3 =	vshrl.u32 v2, $0x3  }
0x3c9: {  	v3 =	vmul.u32 $0x30, v3  }
0x3ca: {  	v2 =	vand.u32 $0x7, v2  }
0x3cb: {  	v2 =	vor.u32 v2, v3  }
0x3cc: {  	v2 =	vperm.xlane v2, v0;
	_ =	sdelay $0x1  }
0x3cd: {  	v2 =	vadd.s32 v1, v2;
	_ =	sdelay $0x4  }
0x3ce: {  	[tilespmem:s23], [sflag:$0x2] =	stream.indirect_vreg.gather [hbm4b:s2+s13], $0x80, v2, vm0, $0xb8;
	[tilespmem:$0x1CD00] =	vst v63  }
0x3cf: {  	s20 =	simm.s32 $0xB500  }
0x3d0: {  	[tilespmem:s20], [sflag:$0x2] =	stream.indirect_vreg.gather [hbm4b:s9+s13], $0x80, v2, vm0, $0xb8;
	[tilespmem:$0x1CD00] =	vst v63  }
0x3d1: {  	s21 =	simm.s32 $0xBD00  }
0x3d2: {  	[tilespmem:s21], [sflag:$0x2] =	stream.indirect_vreg.gather [hbm4b:s10+s13], $0x80, v2, vm0, $0xb8;
	[tilespmem:$0x1CD00] =	vst v63  }
0x3d3: {  	v2 =	vld.msk [tilespmem:s16+$0x26E0], $0xff;
	_ =	sdelay $0x4  }
0x3d4: {  	v3 =	vshrl.u32 v2, $0x3  }
0x3d5: {  	v3 =	vmul.u32 $0x30, v3  }
0x3d6: {  	v2 =	vand.u32 $0x7, v2  }
0x3d7: {  	v2 =	vor.u32 v2, v3  }
0x3d8: {  	v2 =	vperm.xlane v2, v0;
	_ =	sdelay $0x1  }
0x3d9: {  	v2 =	vadd.s32 v1, v2;
	_ =	sdelay $0x3  }
0x3da: {  	s22 =	simm.s32 $0x16D00  }
0x3db: {  	[tilespmem:s22], [sflag:$0x4] =	stream.indirect_vreg.gather [hbm4b:s6+s13], $0x80, v2, vm0, $0xb8;
	[tilespmem:$0x1CD00] =	vst v63  }
0x3dc: {  	s20 =	simm.s32 $0x17500  }
0x3dd: {  	[tilespmem:s20], [sflag:$0x4] =	stream.indirect_vreg.gather [hbm4b:s11+s13], $0x80, v2, vm0, $0xb8;
	[tilespmem:$0x1CD00] =	vst v63  }
0x3de: {  	s21 =	simm.s32 $0x17D00  }
0x3df: {  	[tilespmem:s21], [sflag:$0x4] =	stream.indirect_vreg.gather [hbm4b:s12+s13], $0x80, v2, vm0, $0xb8;
	[tilespmem:$0x1CD00] =	vst v63  }
0x3e0: {  	v2 =	vld.msk [tilespmem:s16+$0x68], $0xff;
	_ =	sdelay $0x4  }
0x3e1: {  	v3 =	vshrl.u32 v2, $0x3  }
0x3e2: {  	v3 =	vmul.u32 $0x30, v3  }
0x3e3: {  	v2 =	vand.u32 $0x7, v2  }
0x3e4: {  	v2 =	vor.u32 v2, v3  }
0x3e5: {  	v2 =	vperm.xlane v2, v0;
	_ =	sdelay $0x1  }
0x3e6: {  	v2 =	vadd.s32 v1, v2;
	_ =	sdelay $0x3  }
0x3e7: {  	s22 =	simm.s32 $0xC500  }
0x3e8: {  	[tilespmem:s22], [sflag:$0x2] =	stream.indirect_vreg.gather [hbm4b:s2+s13], $0x80, v2, vm0, $0xb8;
	[tilespmem:$0x1CD00] =	vst v63  }
0x3e9: {  	s20 =	simm.s32 $0xCD00  }
0x3ea: {  	[tilespmem:s20], [sflag:$0x2] =	stream.indirect_vreg.gather [hbm4b:s9+s13], $0x80, v2, vm0, $0xb8;
	[tilespmem:$0x1CD00] =	vst v63  }
0x3eb: {  	s21 =	simm.s32 $0xD500  }
0x3ec: {  	[tilespmem:s21], [sflag:$0x2] =	stream.indirect_vreg.gather [hbm4b:s10+s13], $0x80, v2, vm0, $0xb8;
	[tilespmem:$0x1CD00] =	vst v63  }
0x3ed: {  	v2 =	vld.msk [tilespmem:s16+$0x26E8], $0xff;
	_ =	sdelay $0x4  }
0x3ee: {  	v3 =	vshrl.u32 v2, $0x3  }
0x3ef: {  	v3 =	vmul.u32 $0x30, v3  }
0x3f0: {  	v2 =	vand.u32 $0x7, v2  }
0x3f1: {  	v2 =	vor.u32 v2, v3  }
0x3f2: {  	v2 =	vperm.xlane v2, v0;
	_ =	sdelay $0x1  }
0x3f3: {  	v2 =	vadd.s32 v1, v2;
	_ =	sdelay $0x3  }
0x3f4: {  	s22 =	simm.s32 $0x18500  }
0x3f5: {  	[tilespmem:s22], [sflag:$0x4] =	stream.indirect_vreg.gather [hbm4b:s6+s13], $0x80, v2, vm0, $0xb8;
	[tilespmem:$0x1CD00] =	vst v63  }
0x3f6: {  	s20 =	simm.s32 $0x18D00  }
0x3f7: {  	[tilespmem:s20], [sflag:$0x4] =	stream.indirect_vreg.gather [hbm4b:s11+s13], $0x80, v2, vm0, $0xb8;
	[tilespmem:$0x1CD00] =	vst v63  }
0x3f8: {  	s21 =	simm.s32 $0x19500  }
0x3f9: {  	[tilespmem:s21], [sflag:$0x4] =	stream.indirect_vreg.gather [hbm4b:s12+s13], $0x80, v2, vm0, $0xb8;
	[tilespmem:$0x1CD00] =	vst v63  }
0x3fa: {  	v2 =	vld.msk [tilespmem:s16+$0x70], $0xff;
	_ =	sdelay $0x4  }
0x3fb: {  	v3 =	vshrl.u32 v2, $0x3  }
0x3fc: {  	v3 =	vmul.u32 $0x30, v3  }
0x3fd: {  	v2 =	vand.u32 $0x7, v2  }
0x3fe: {  	v2 =	vor.u32 v2, v3  }
0x3ff: {  	v2 =	vperm.xlane v2, v0;
	_ =	sdelay $0x1  }
0x400: {  	v2 =	vadd.s32 v1, v2;
	_ =	sdelay $0x3  }
0x401: {  	s22 =	simm.s32 $0xDD00  }
0x402: {  	[tilespmem:s22], [sflag:$0x2] =	stream.indirect_vreg.gather [hbm4b:s2+s13], $0x80, v2, vm0, $0xb8;
	[tilespmem:$0x1CD00] =	vst v63  }
0x403: {  	s20 =	simm.s32 $0xE500  }
0x404: {  	[tilespmem:s20], [sflag:$0x2] =	stream.indirect_vreg.gather [hbm4b:s9+s13], $0x80, v2, vm0, $0xb8;
	[tilespmem:$0x1CD00] =	vst v63  }
0x405: {  	s21 =	simm.s32 $0xED00  }
0x406: {  	[tilespmem:s21], [sflag:$0x2] =	stream.indirect_vreg.gather [hbm4b:s10+s13], $0x80, v2, vm0, $0xb8;
	[tilespmem:$0x1CD00] =	vst v63  }
0x407: {  	v2 =	vld.msk [tilespmem:s16+$0x26F0], $0xff;
	_ =	sdelay $0x4  }
0x408: {  	v3 =	vshrl.u32 v2, $0x3  }
0x409: {  	v3 =	vmul.u32 $0x30, v3  }
0x40a: {  	v2 =	vand.u32 $0x7, v2  }
0x40b: {  	v2 =	vor.u32 v2, v3  }
0x40c: {  	v2 =	vperm.xlane v2, v0;
	_ =	sdelay $0x1  }
0x40d: {  	v2 =	vadd.s32 v1, v2;
	_ =	sdelay $0x3  }
0x40e: {  	s22 =	simm.s32 $0x19D00  }
0x40f: {  	[tilespmem:s22], [sflag:$0x4] =	stream.indirect_vreg.gather [hbm4b:s6+s13], $0x80, v2, vm0, $0xb8;
	[tilespmem:$0x1CD00] =	vst v63  }
0x410: {  	s20 =	simm.s32 $0x1A500  }
0x411: {  	[tilespmem:s20], [sflag:$0x4] =	stream.indirect_vreg.gather [hbm4b:s11+s13], $0x80, v2, vm0, $0xb8;
	[tilespmem:$0x1CD00] =	vst v63  }
0x412: {  	s21 =	simm.s32 $0x1AD00  }
0x413: {  	[tilespmem:s21], [sflag:$0x4] =	stream.indirect_vreg.gather [hbm4b:s12+s13], $0x80, v2, vm0, $0xb8;
	[tilespmem:$0x1CD00] =	vst v63  }
0x414: {  	v2 =	vld.msk [tilespmem:s16+$0x78], $0xff;
	_ =	sdelay $0x4  }
0x415: {  	v3 =	vshrl.u32 v2, $0x3  }
0x416: {  	v3 =	vmul.u32 $0x30, v3  }
0x417: {  	v2 =	vand.u32 $0x7, v2  }
0x418: {  	v2 =	vor.u32 v2, v3  }
0x419: {  	v2 =	vperm.xlane v2, v0;
	_ =	sdelay $0x1  }
0x41a: {  	v2 =	vadd.s32 v1, v2;
	_ =	sdelay $0x3  }
0x41b: {  	s22 =	simm.s32 $0xF500  }
0x41c: {  	[tilespmem:s22], [sflag:$0x2] =	stream.indirect_vreg.gather [hbm4b:s2+s13], $0x80, v2, vm0, $0xb8;
	[tilespmem:$0x1CD00] =	vst v63  }
0x41d: {  	s20 =	simm.s32 $0xFD00  }
0x41e: {  	[tilespmem:s20], [sflag:$0x2] =	stream.indirect_vreg.gather [hbm4b:s9+s13], $0x80, v2, vm0, $0xb8;
	[tilespmem:$0x1CD00] =	vst v63  }
0x41f: {  	_ = 	snop  }
0x420: {  	[tilespmem:s24], [sflag:$0x2] =	stream.indirect_vreg.gather [hbm4b:s10+s13], $0x80, v2, vm0, $0xb8;
	[tilespmem:$0x1CD00] =	vst v63  }
0x421: {  	v2 =	vld.msk [tilespmem:s16+$0x26F8], $0xff;
	_ =	sdelay $0x4  }
0x422: {  	v3 =	vshrl.u32 v2, $0x3  }
0x423: {  	v3 =	vmul.u32 $0x30, v3  }
0x424: {  	v2 =	vand.u32 $0x7, v2  }
0x425: {  	v2 =	vor.u32 v2, v3  }
0x426: {  	v2 =	vperm.xlane v2, v0;
	_ =	sdelay $0x1  }
0x427: {  	v2 =	vadd.s32 v1, v2;
	_ =	sdelay $0x4  }
0x428: {  	[tilespmem:s25], [sflag:$0x4] =	stream.indirect_vreg.gather [hbm4b:s6+s13], $0x80, v2, vm0, $0xb8;
	[tilespmem:$0x1CD00] =	vst v63  }
0x429: {  	_ = 	snop  }
0x42a: {  	[tilespmem:s26], [sflag:$0x4] =	stream.indirect_vreg.gather [hbm4b:s11+s13], $0x80, v2, vm0, $0xb8;
	[tilespmem:$0x1CD00] =	vst v63  }
0x42b: {  	_ = 	snop  }
0x42c: {  	[tilespmem:s28], [sflag:$0x4] =	stream.indirect_vreg.gather [hbm4b:s12+s13], $0x80, v2, vm0, $0xb8;
	[tilespmem:$0x1CD00] =	vst v63  }
0x42d: {  	_ =	swait.ge [sflag:s29], $0x1800  }
0x42e: {  	[sflag:s29] =	ssyncset.done $0x0  }
0x42f: {  	[sflag:s29] =	ssyncadd.s32 $0xFFFFE800  }
0x430: {  	_ =	swait.ge [sflag:s30], $0x1800  }
0x431: {  	[sflag:s30] =	ssyncset.done $0x0  }
0x432: {  	[sflag:s30] =	ssyncadd.s32 $0xFFFFE800  }
0x433: {  	_ =	swait.ge [sflag:s29], $0x1800  }
0x434: {  	[sflag:s29] =	ssyncset.done $0x0  }
0x435: {  	[sflag:s29] =	ssyncadd.s32 $0xFFFFE800  }
0x436: {  	_ =	swait.ge [sflag:s30], $0x1800  }
0x437: {  	[sflag:s30] =	ssyncset.done $0x0  }
0x438: {  	[sflag:s30] =	ssyncadd.s32 $0xFFFFE800  }
0x439: {  	_ =	swait.ge [sflag:s29], $0x1800  }
0x43a: {  	[sflag:s29] =	ssyncset.done $0x0  }
0x43b: {  	[sflag:s29] =	ssyncadd.s32 $0xFFFFE800  }
0x43c: {  	_ =	swait.ge [sflag:s30], $0x1800  }
0x43d: {  	[sflag:s30] =	ssyncset.done $0x0  }
0x43e: {  	[sflag:s30] =	ssyncadd.s32 $0xFFFFE800  }
0x43f: {  	_ =	swait.ge [sflag:s29], $0x1800  }
0x440: {  	[sflag:s29] =	ssyncset.done $0x0  }
0x441: {  	s21 =	simm.s32 $0x0;
	[sflag:s29] =	ssyncadd.s32 $0xFFFFE800  }
0x442: {  	s16 =	smul.u32 $0x1800, s21;
	_ =	swait.ge [sflag:s30], $0x1800  }
0x443: {  	s22 =	sand.u32 $0x380, s13;
	[sflag:s30] =	ssyncset.done $0x0  }
0x444: {  	s16 =	sor.u32 s22, s16;
	[sflag:s30] =	ssyncadd.s32 $0xFFFFE800  }
0x445: {  	v2 =	vld [tilespmem:s16+$0x12170]  }
0x446: {  	v5 =	vld [tilespmem:s16+$0x10D00]  }
0x447: {  	v6 =	vld [tilespmem:s16+$0x10D10]  }
0x448: {  	v7 =	vld [tilespmem:s16+$0x10D20]  }
0x449: {  	v8 =	vld [tilespmem:s16+$0x10D30]  }
0x44a: {  	v9 =	vld [tilespmem:s16+$0x10D40]  }
0x44b: {  	v10 =	vld [tilespmem:s16+$0x10D50]  }
0x44c: {  	v11 =	vld [tilespmem:s16+$0x10D60]  }
0x44d: {  	v12 =	vld [tilespmem:s16+$0x10D70]  }
0x44e: {  	v13 =	vld [tilespmem:s16+$0x11100]  }
0x44f: {  	v14 =	vld [tilespmem:s16+$0x11110]  }
0x450: {  	v15 =	vld [tilespmem:s16+$0x11120]  }
0x451: {  	v16 =	vld [tilespmem:s16+$0x11130]  }
0x452: {  	v17 =	vld [tilespmem:s16+$0x11140]  }
0x453: {  	v18 =	vld [tilespmem:s16+$0x11150]  }
0x454: {  	v19 =	vld [tilespmem:s16+$0x11160]  }
0x455: {  	v20 =	vld [tilespmem:s16+$0x11170]  }
0x456: {  	v21 =	vld [tilespmem:s16+$0x11500]  }
0x457: {  	v22 =	vld [tilespmem:s16+$0x11510]  }
0x458: {  	v23 =	vld [tilespmem:s16+$0x11520]  }
0x459: {  	v24 =	vld [tilespmem:s16+$0x11530]  }
0x45a: {  	v25 =	vld [tilespmem:s16+$0x11540]  }
0x45b: {  	v26 =	vld [tilespmem:s16+$0x11550]  }
0x45c: {  	v27 =	vld [tilespmem:s16+$0x11560]  }
0x45d: {  	v28 =	vld [tilespmem:s16+$0x11570]  }
0x45e: {  	v29 =	vld [tilespmem:s16+$0x11900]  }
0x45f: {  	v30 =	vld [tilespmem:s16+$0x11910]  }
0x460: {  	v31 =	vld [tilespmem:s16+$0x11920]  }
0x461: {  	v32 =	vld [tilespmem:s16+$0x11930]  }
0x462: {  	v33 =	vld [tilespmem:s16+$0x11940]  }
0x463: {  	v34 =	vld [tilespmem:s16+$0x11950]  }
0x464: {  	v35 =	vld [tilespmem:s16+$0x11960]  }
0x465: {  	v36 =	vld [tilespmem:s16+$0x11970]  }
0x466: {  	v52 =	vld [tilespmem:s16+$0x11D00]  }
0x467: {  	v53 =	vld [tilespmem:s16+$0x11D10]  }
0x468: {  	v54 =	vld [tilespmem:s16+$0x11D20]  }
0x469: {  	v55 =	vld [tilespmem:s16+$0x11D30]  }
0x46a: {  	v56 =	vld [tilespmem:s16+$0x11D40]  }
0x46b: {  	v57 =	vld [tilespmem:s16+$0x11D50]  }
0x46c: {  	v58 =	vld [tilespmem:s16+$0x11D60]  }
0x46d: {  	v59 =	vld [tilespmem:s16+$0x11D70]  }
0x46e: {  	v60 =	vld [tilespmem:s16+$0x12100]  }
0x46f: {  	v61 =	vld [tilespmem:s16+$0x12110]  }
0x470: {  	v62 =	vld [tilespmem:s16+$0x12120]  }
0x471: {  	v63 =	vld [tilespmem:s16+$0x12130]  }
0x472: {  	v4 =	vld [tilespmem:s16+$0x12140]  }
0x473: {  	v3 =	vld [tilespmem:s16+$0x12150]  }
0x474: {  	[tilespmem:s16+$0x6170] =	vst.add.f32.msk $0xffff, v2  }
0x475: {  	v2 =	vld [tilespmem:s16+$0x12160]  }
0x476: {  	[tilespmem:s16+$0x4D00] =	vst.add.f32.msk $0xffff, v5  }
0x477: {  	[tilespmem:s16+$0x4D10] =	vst.add.f32.msk $0xffff, v6  }
0x478: {  	[tilespmem:s16+$0x4D20] =	vst.add.f32.msk $0xffff, v7  }
0x479: {  	[tilespmem:s16+$0x4D30] =	vst.add.f32.msk $0xffff, v8  }
0x47a: {  	[tilespmem:s16+$0x4D40] =	vst.add.f32.msk $0xffff, v9  }
0x47b: {  	[tilespmem:s16+$0x4D50] =	vst.add.f32.msk $0xffff, v10  }
0x47c: {  	[tilespmem:s16+$0x4D60] =	vst.add.f32.msk $0xffff, v11  }
0x47d: {  	[tilespmem:s16+$0x4D70] =	vst.add.f32.msk $0xffff, v12  }
0x47e: {  	[tilespmem:s16+$0x5100] =	vst.add.f32.msk $0xffff, v13  }
0x47f: {  	[tilespmem:s16+$0x5110] =	vst.add.f32.msk $0xffff, v14  }
0x480: {  	[tilespmem:s16+$0x5120] =	vst.add.f32.msk $0xffff, v15  }
0x481: {  	[tilespmem:s16+$0x5130] =	vst.add.f32.msk $0xffff, v16  }
0x482: {  	[tilespmem:s16+$0x5140] =	vst.add.f32.msk $0xffff, v17  }
0x483: {  	[tilespmem:s16+$0x5150] =	vst.add.f32.msk $0xffff, v18  }
0x484: {  	[tilespmem:s16+$0x5160] =	vst.add.f32.msk $0xffff, v19  }
0x485: {  	[tilespmem:s16+$0x5170] =	vst.add.f32.msk $0xffff, v20  }
0x486: {  	[tilespmem:s16+$0x5500] =	vst.add.f32.msk $0xffff, v21  }
0x487: {  	[tilespmem:s16+$0x5510] =	vst.add.f32.msk $0xffff, v22  }
0x488: {  	[tilespmem:s16+$0x5520] =	vst.add.f32.msk $0xffff, v23  }
0x489: {  	[tilespmem:s16+$0x5530] =	vst.add.f32.msk $0xffff, v24  }
0x48a: {  	[tilespmem:s16+$0x5540] =	vst.add.f32.msk $0xffff, v25  }
0x48b: {  	[tilespmem:s16+$0x5550] =	vst.add.f32.msk $0xffff, v26  }
0x48c: {  	[tilespmem:s16+$0x5560] =	vst.add.f32.msk $0xffff, v27  }
0x48d: {  	[tilespmem:s16+$0x5570] =	vst.add.f32.msk $0xffff, v28  }
0x48e: {  	[tilespmem:s16+$0x5900] =	vst.add.f32.msk $0xffff, v29  }
0x48f: {  	[tilespmem:s16+$0x5910] =	vst.add.f32.msk $0xffff, v30  }
0x490: {  	[tilespmem:s16+$0x5920] =	vst.add.f32.msk $0xffff, v31  }
0x491: {  	[tilespmem:s16+$0x5930] =	vst.add.f32.msk $0xffff, v32  }
0x492: {  	[tilespmem:s16+$0x5940] =	vst.add.f32.msk $0xffff, v33  }
0x493: {  	[tilespmem:s16+$0x5950] =	vst.add.f32.msk $0xffff, v34  }
0x494: {  	[tilespmem:s16+$0x5960] =	vst.add.f32.msk $0xffff, v35  }
0x495: {  	[tilespmem:s16+$0x5970] =	vst.add.f32.msk $0xffff, v36  }
0x496: {  	[tilespmem:s16+$0x5D00] =	vst.add.f32.msk $0xffff, v52  }
0x497: {  	[tilespmem:s16+$0x5D10] =	vst.add.f32.msk $0xffff, v53  }
0x498: {  	[tilespmem:s16+$0x5D20] =	vst.add.f32.msk $0xffff, v54  }
0x499: {  	[tilespmem:s16+$0x5D30] =	vst.add.f32.msk $0xffff, v55  }
0x49a: {  	[tilespmem:s16+$0x5D40] =	vst.add.f32.msk $0xffff, v56  }
0x49b: {  	[tilespmem:s16+$0x5D50] =	vst.add.f32.msk $0xffff, v57  }
0x49c: {  	[tilespmem:s16+$0x5D60] =	vst.add.f32.msk $0xffff, v58  }
0x49d: {  	[tilespmem:s16+$0x5D70] =	vst.add.f32.msk $0xffff, v59  }
0x49e: {  	[tilespmem:s16+$0x6100] =	vst.add.f32.msk $0xffff, v60  }
0x49f: {  	[tilespmem:s16+$0x6110] =	vst.add.f32.msk $0xffff, v61  }
0x4a0: {  	[tilespmem:s16+$0x6120] =	vst.add.f32.msk $0xffff, v62  }
0x4a1: {  	s17 =	simm.s32 $0x2;
	s20 =	simm.s32 $0x0;
	[tilespmem:s16+$0x6130] =	vst.add.f32.msk $0xffff, v63  }
.LBB2_7:
0x4a2: {  	p0 =	sne.s32 s17, $0x1F;
	s20 =	smul.u32 $0x1800, s20;
	[tilespmem:s16+$0x6140] =	vst.add.f32.msk $0xffff, v4;
	s13 =	sadd.s32 $0x80, s13  }
0x4a3: {  	s21 =	sand.u32 $0x380, s13;
	[tilespmem:s16+$0x6150] =	vst.add.f32.msk $0xffff, v3  }
0x4a4: {  	[tilespmem:s16+$0x6160] =	vst.add.f32.msk $0xffff, v2;
	s16 =	sor.u32 s21, s20  }
0x4a5: {  	v2 =	vld [tilespmem:s16+$0x12170]  }
0x4a6: {  	v5 =	vld [tilespmem:s16+$0x10D00]  }
0x4a7: {  	v6 =	vld [tilespmem:s16+$0x10D10]  }
0x4a8: {  	v7 =	vld [tilespmem:s16+$0x10D20]  }
0x4a9: {  	v8 =	vld [tilespmem:s16+$0x10D30]  }
0x4aa: {  	[tilespmem:s16+$0x6170] =	vst.add.f32.msk $0xffff, v2  }
0x4ab: {  	v9 =	vld [tilespmem:s16+$0x10D40]  }
0x4ac: {  	v10 =	vld [tilespmem:s16+$0x10D50]  }
0x4ad: {  	v11 =	vld [tilespmem:s16+$0x10D60]  }
0x4ae: {  	v12 =	vld [tilespmem:s16+$0x10D70]  }
0x4af: {  	v13 =	vld [tilespmem:s16+$0x11100]  }
0x4b0: {  	v14 =	vld [tilespmem:s16+$0x11110]  }
0x4b1: {  	v15 =	vld [tilespmem:s16+$0x11120]  }
0x4b2: {  	v16 =	vld [tilespmem:s16+$0x11130]  }
0x4b3: {  	v17 =	vld [tilespmem:s16+$0x11140]  }
0x4b4: {  	v18 =	vld [tilespmem:s16+$0x11150]  }
0x4b5: {  	v19 =	vld [tilespmem:s16+$0x11160]  }
0x4b6: {  	v20 =	vld [tilespmem:s16+$0x11170]  }
0x4b7: {  	v21 =	vld [tilespmem:s16+$0x11500]  }
0x4b8: {  	v22 =	vld [tilespmem:s16+$0x11510]  }
0x4b9: {  	v23 =	vld [tilespmem:s16+$0x11520]  }
0x4ba: {  	v24 =	vld [tilespmem:s16+$0x11530]  }
0x4bb: {  	v25 =	vld [tilespmem:s16+$0x11540]  }
0x4bc: {  	v26 =	vld [tilespmem:s16+$0x11550]  }
0x4bd: {  	v27 =	vld [tilespmem:s16+$0x11560]  }
0x4be: {  	v28 =	vld [tilespmem:s16+$0x11570]  }
0x4bf: {  	v29 =	vld [tilespmem:s16+$0x11900]  }
0x4c0: {  	v30 =	vld [tilespmem:s16+$0x11910]  }
0x4c1: {  	v31 =	vld [tilespmem:s16+$0x11920]  }
0x4c2: {  	v32 =	vld [tilespmem:s16+$0x11930]  }
0x4c3: {  	v33 =	vld [tilespmem:s16+$0x11940]  }
0x4c4: {  	v34 =	vld [tilespmem:s16+$0x11950]  }
0x4c5: {  	v35 =	vld [tilespmem:s16+$0x11960]  }
0x4c6: {  	v36 =	vld [tilespmem:s16+$0x11970]  }
0x4c7: {  	v37 =	vld [tilespmem:s16+$0x11D00]  }
0x4c8: {  	v38 =	vld [tilespmem:s16+$0x11D10]  }
0x4c9: {  	v39 =	vld [tilespmem:s16+$0x11D20]  }
0x4ca: {  	v40 =	vld [tilespmem:s16+$0x11D30]  }
0x4cb: {  	v41 =	vld [tilespmem:s16+$0x11D40]  }
0x4cc: {  	v42 =	vld [tilespmem:s16+$0x11D50]  }
0x4cd: {  	v43 =	vld [tilespmem:s16+$0x11D60]  }
0x4ce: {  	v44 =	vld [tilespmem:s16+$0x11D70]  }
0x4cf: {  	v45 =	vld [tilespmem:s16+$0x12100]  }
0x4d0: {  	v46 =	vld [tilespmem:s16+$0x12110]  }
0x4d1: {  	v47 =	vld [tilespmem:s16+$0x12120]  }
0x4d2: {  	v48 =	vld [tilespmem:s16+$0x12130]  }
0x4d3: {  	v4 =	vld [tilespmem:s16+$0x12140]  }
0x4d4: {  	v3 =	vld [tilespmem:s16+$0x12150]  }
0x4d5: {  	v2 =	vld [tilespmem:s16+$0x12160]  }
0x4d6: {  	[tilespmem:s16+$0x4D00] =	vst.add.f32.msk $0xffff, v5  }
0x4d7: {  	[tilespmem:s16+$0x4D10] =	vst.add.f32.msk $0xffff, v6  }
0x4d8: {  	[tilespmem:s16+$0x4D20] =	vst.add.f32.msk $0xffff, v7  }
0x4d9: {  	[tilespmem:s16+$0x4D30] =	vst.add.f32.msk $0xffff, v8  }
0x4da: {  	[tilespmem:s16+$0x4D40] =	vst.add.f32.msk $0xffff, v9  }
0x4db: {  	[tilespmem:s16+$0x4D50] =	vst.add.f32.msk $0xffff, v10  }
0x4dc: {  	[tilespmem:s16+$0x4D60] =	vst.add.f32.msk $0xffff, v11  }
0x4dd: {  	[tilespmem:s16+$0x4D70] =	vst.add.f32.msk $0xffff, v12  }
0x4de: {  	[tilespmem:s16+$0x5100] =	vst.add.f32.msk $0xffff, v13  }
0x4df: {  	[tilespmem:s16+$0x5110] =	vst.add.f32.msk $0xffff, v14  }
0x4e0: {  	[tilespmem:s16+$0x5120] =	vst.add.f32.msk $0xffff, v15  }
0x4e1: {  	[tilespmem:s16+$0x5130] =	vst.add.f32.msk $0xffff, v16  }
0x4e2: {  	[tilespmem:s16+$0x5140] =	vst.add.f32.msk $0xffff, v17  }
0x4e3: {  	[tilespmem:s16+$0x5150] =	vst.add.f32.msk $0xffff, v18  }
0x4e4: {  	[tilespmem:s16+$0x5160] =	vst.add.f32.msk $0xffff, v19  }
0x4e5: {  	[tilespmem:s16+$0x5170] =	vst.add.f32.msk $0xffff, v20  }
0x4e6: {  	[tilespmem:s16+$0x5500] =	vst.add.f32.msk $0xffff, v21  }
0x4e7: {  	[tilespmem:s16+$0x5510] =	vst.add.f32.msk $0xffff, v22  }
0x4e8: {  	[tilespmem:s16+$0x5520] =	vst.add.f32.msk $0xffff, v23  }
0x4e9: {  	[tilespmem:s16+$0x5530] =	vst.add.f32.msk $0xffff, v24  }
0x4ea: {  	[tilespmem:s16+$0x5540] =	vst.add.f32.msk $0xffff, v25  }
0x4eb: {  	[tilespmem:s16+$0x5550] =	vst.add.f32.msk $0xffff, v26  }
0x4ec: {  	[tilespmem:s16+$0x5560] =	vst.add.f32.msk $0xffff, v27  }
0x4ed: {  	[tilespmem:s16+$0x5570] =	vst.add.f32.msk $0xffff, v28  }
0x4ee: {  	[tilespmem:s16+$0x5900] =	vst.add.f32.msk $0xffff, v29  }
0x4ef: {  	[tilespmem:s16+$0x5910] =	vst.add.f32.msk $0xffff, v30  }
0x4f0: {  	[tilespmem:s16+$0x5920] =	vst.add.f32.msk $0xffff, v31  }
0x4f1: {  	[tilespmem:s16+$0x5930] =	vst.add.f32.msk $0xffff, v32  }
0x4f2: {  	[tilespmem:s16+$0x5940] =	vst.add.f32.msk $0xffff, v33  }
0x4f3: {  	[tilespmem:s16+$0x5950] =	vst.add.f32.msk $0xffff, v34  }
0x4f4: {  	[tilespmem:s16+$0x5960] =	vst.add.f32.msk $0xffff, v35  }
0x4f5: {  	[tilespmem:s16+$0x5970] =	vst.add.f32.msk $0xffff, v36  }
0x4f6: {  	[tilespmem:s16+$0x5D00] =	vst.add.f32.msk $0xffff, v37  }
0x4f7: {  	[tilespmem:s16+$0x5D10] =	vst.add.f32.msk $0xffff, v38  }
0x4f8: {  	[tilespmem:s16+$0x5D20] =	vst.add.f32.msk $0xffff, v39  }
0x4f9: {  	[tilespmem:s16+$0x5D30] =	vst.add.f32.msk $0xffff, v40  }
0x4fa: {  	[tilespmem:s16+$0x5D40] =	vst.add.f32.msk $0xffff, v41  }
0x4fb: {  	[tilespmem:s16+$0x5D50] =	vst.add.f32.msk $0xffff, v42  }
0x4fc: {  	[tilespmem:s16+$0x5D60] =	vst.add.f32.msk $0xffff, v43  }
.Ltmp2:
0x4fd: {  	[tilespmem:s16+$0x5D70] =	vst.add.f32.msk $0xffff, v44;
	(pc) =	sbr.rel @p0 .LBB2_7-.Ltmp2, $4  }
0x4fe: {  	[tilespmem:s16+$0x6100] =	vst.add.f32.msk $0xffff, v45  }
0x4ff: {  	[tilespmem:s16+$0x6110] =	vst.add.f32.msk $0xffff, v46  }
0x500: {  	[tilespmem:s16+$0x6120] =	vst.add.f32.msk $0xffff, v47  }
0x501: {  	s20 =	sshrl.u32 s17, $0x3;
	s17 =	sadd.s32 $0x1, s17;
	[tilespmem:s16+$0x6130] =	vst.add.f32.msk $0xffff, v48  }
0x502: {  	s17 =	smul.u32 $0x1800, s20;
	[tilespmem:s16+$0x6140] =	vst.add.f32.msk $0xffff, v4;
	s13 =	sadd.s32 $0x80, s13  }
0x503: {  	[tilespmem:s16+$0x6150] =	vst.add.f32.msk $0xffff, v3;
	s13 =	sand.u32 $0x380, s13  }
0x504: {  	[tilespmem:s16+$0x6160] =	vst.add.f32.msk $0xffff, v2;
	s13 =	sor.u32 s13, s17  }
0x505: {  	v2 =	vld [tilespmem:s13+$0x12170]  }
0x506: {  	v3 =	vld [tilespmem:s13+$0x10D00]  }
0x507: {  	v4 =	vld [tilespmem:s13+$0x10D10]  }
0x508: {  	v5 =	vld [tilespmem:s13+$0x10D20]  }
0x509: {  	v6 =	vld [tilespmem:s13+$0x10D30]  }
0x50a: {  	v7 =	vld [tilespmem:s13+$0x10D50]  }
0x50b: {  	v8 =	vld [tilespmem:s13+$0x10D60]  }
0x50c: {  	v9 =	vld [tilespmem:s13+$0x10D70]  }
0x50d: {  	v10 =	vld [tilespmem:s13+$0x11100]  }
0x50e: {  	v11 =	vld [tilespmem:s13+$0x11110]  }
0x50f: {  	v12 =	vld [tilespmem:s13+$0x11120]  }
0x510: {  	v13 =	vld [tilespmem:s13+$0x11130]  }
0x511: {  	v14 =	vld [tilespmem:s13+$0x11140]  }
0x512: {  	v15 =	vld [tilespmem:s13+$0x11150]  }
0x513: {  	v16 =	vld [tilespmem:s13+$0x11160]  }
0x514: {  	v17 =	vld [tilespmem:s13+$0x11170]  }
0x515: {  	v18 =	vld [tilespmem:s13+$0x11500]  }
0x516: {  	v19 =	vld [tilespmem:s13+$0x11510]  }
0x517: {  	v20 =	vld [tilespmem:s13+$0x11520]  }
0x518: {  	v21 =	vld [tilespmem:s13+$0x11530]  }
0x519: {  	v22 =	vld [tilespmem:s13+$0x11540]  }
0x51a: {  	v23 =	vld [tilespmem:s13+$0x11550]  }
0x51b: {  	v24 =	vld [tilespmem:s13+$0x11560]  }
0x51c: {  	v25 =	vld [tilespmem:s13+$0x11570]  }
0x51d: {  	v26 =	vld [tilespmem:s13+$0x11900]  }
0x51e: {  	v27 =	vld [tilespmem:s13+$0x11910]  }
0x51f: {  	v28 =	vld [tilespmem:s13+$0x11920]  }
0x520: {  	v29 =	vld [tilespmem:s13+$0x11930]  }
0x521: {  	v30 =	vld [tilespmem:s13+$0x11940]  }
0x522: {  	v31 =	vld [tilespmem:s13+$0x11950]  }
0x523: {  	v32 =	vld [tilespmem:s13+$0x11960]  }
0x524: {  	v33 =	vld [tilespmem:s13+$0x11970]  }
0x525: {  	v34 =	vld [tilespmem:s13+$0x11D00]  }
0x526: {  	v35 =	vld [tilespmem:s13+$0x11D10]  }
0x527: {  	v36 =	vld [tilespmem:s13+$0x11D20]  }
0x528: {  	v37 =	vld [tilespmem:s13+$0x11D30]  }
0x529: {  	v38 =	vld [tilespmem:s13+$0x11D40]  }
0x52a: {  	v39 =	vld [tilespmem:s13+$0x11D50]  }
0x52b: {  	v40 =	vld [tilespmem:s13+$0x11D60]  }
0x52c: {  	v41 =	vld [tilespmem:s13+$0x11D70]  }
0x52d: {  	v42 =	vld [tilespmem:s13+$0x12100]  }
0x52e: {  	v43 =	vld [tilespmem:s13+$0x12110]  }
0x52f: {  	v44 =	vld [tilespmem:s13+$0x12120]  }
0x530: {  	v45 =	vld [tilespmem:s13+$0x12130]  }
0x531: {  	v46 =	vld [tilespmem:s13+$0x12140]  }
0x532: {  	v47 =	vld [tilespmem:s13+$0x12150]  }
0x533: {  	v48 =	vld [tilespmem:s13+$0x12160]  }
0x534: {  	[tilespmem:s13+$0x6170] =	vst.add.f32.msk $0xffff, v2  }
0x535: {  	v2 =	vld [tilespmem:s13+$0x10D40]  }
0x536: {  	[tilespmem:s13+$0x4D00] =	vst.add.f32.msk $0xffff, v3  }
0x537: {  	[tilespmem:s13+$0x4D10] =	vst.add.f32.msk $0xffff, v4  }
0x538: {  	[tilespmem:s13+$0x4D20] =	vst.add.f32.msk $0xffff, v5  }
0x539: {  	[tilespmem:s13+$0x4D30] =	vst.add.f32.msk $0xffff, v6  }
0x53a: {  	[tilespmem:s13+$0x4D50] =	vst.add.f32.msk $0xffff, v7  }
0x53b: {  	[tilespmem:s13+$0x4D60] =	vst.add.f32.msk $0xffff, v8  }
0x53c: {  	[tilespmem:s13+$0x4D70] =	vst.add.f32.msk $0xffff, v9  }
0x53d: {  	[tilespmem:s13+$0x5100] =	vst.add.f32.msk $0xffff, v10  }
0x53e: {  	[tilespmem:s13+$0x5110] =	vst.add.f32.msk $0xffff, v11  }
0x53f: {  	[tilespmem:s13+$0x5120] =	vst.add.f32.msk $0xffff, v12  }
0x540: {  	[tilespmem:s13+$0x5130] =	vst.add.f32.msk $0xffff, v13  }
0x541: {  	[tilespmem:s13+$0x5140] =	vst.add.f32.msk $0xffff, v14  }
0x542: {  	[tilespmem:s13+$0x5150] =	vst.add.f32.msk $0xffff, v15  }
0x543: {  	[tilespmem:s13+$0x5160] =	vst.add.f32.msk $0xffff, v16  }
0x544: {  	[tilespmem:s13+$0x5170] =	vst.add.f32.msk $0xffff, v17  }
0x545: {  	[tilespmem:s13+$0x5500] =	vst.add.f32.msk $0xffff, v18  }
0x546: {  	[tilespmem:s13+$0x5510] =	vst.add.f32.msk $0xffff, v19  }
0x547: {  	[tilespmem:s13+$0x5520] =	vst.add.f32.msk $0xffff, v20  }
0x548: {  	[tilespmem:s13+$0x5530] =	vst.add.f32.msk $0xffff, v21  }
0x549: {  	[tilespmem:s13+$0x5540] =	vst.add.f32.msk $0xffff, v22  }
0x54a: {  	[tilespmem:s13+$0x5550] =	vst.add.f32.msk $0xffff, v23  }
0x54b: {  	[tilespmem:s13+$0x5560] =	vst.add.f32.msk $0xffff, v24  }
0x54c: {  	[tilespmem:s13+$0x5570] =	vst.add.f32.msk $0xffff, v25  }
0x54d: {  	[tilespmem:s13+$0x5900] =	vst.add.f32.msk $0xffff, v26  }
0x54e: {  	[tilespmem:s13+$0x5910] =	vst.add.f32.msk $0xffff, v27  }
0x54f: {  	[tilespmem:s13+$0x5920] =	vst.add.f32.msk $0xffff, v28  }
0x550: {  	[tilespmem:s13+$0x5930] =	vst.add.f32.msk $0xffff, v29  }
0x551: {  	[tilespmem:s13+$0x5940] =	vst.add.f32.msk $0xffff, v30  }
0x552: {  	[tilespmem:s13+$0x5950] =	vst.add.f32.msk $0xffff, v31  }
0x553: {  	[tilespmem:s13+$0x5960] =	vst.add.f32.msk $0xffff, v32  }
0x554: {  	[tilespmem:s13+$0x5970] =	vst.add.f32.msk $0xffff, v33  }
0x555: {  	[tilespmem:s13+$0x5D00] =	vst.add.f32.msk $0xffff, v34  }
0x556: {  	[tilespmem:s13+$0x5D10] =	vst.add.f32.msk $0xffff, v35  }
0x557: {  	[tilespmem:s13+$0x5D20] =	vst.add.f32.msk $0xffff, v36  }
0x558: {  	[tilespmem:s13+$0x5D30] =	vst.add.f32.msk $0xffff, v37  }
0x559: {  	[tilespmem:s13+$0x5D40] =	vst.add.f32.msk $0xffff, v38  }
0x55a: {  	[tilespmem:s13+$0x5D50] =	vst.add.f32.msk $0xffff, v39  }
0x55b: {  	[tilespmem:s13+$0x5D60] =	vst.add.f32.msk $0xffff, v40  }
0x55c: {  	[tilespmem:s13+$0x5D70] =	vst.add.f32.msk $0xffff, v41  }
0x55d: {  	[tilespmem:s13+$0x6100] =	vst.add.f32.msk $0xffff, v42  }
0x55e: {  	[tilespmem:s13+$0x6110] =	vst.add.f32.msk $0xffff, v43  }
0x55f: {  	s8 =	sadd.s32 $0x1, s8;
	[tilespmem:s13+$0x6120] =	vst.add.f32.msk $0xffff, v44  }
0x560: {  	s15 =	sadd.s32 s5, s15;
	p0 =	sne.s32 s8, $0x99;
	[tilespmem:s13+$0x6130] =	vst.add.f32.msk $0xffff, v45  }
.Ltmp3:
0x561: {  	s15 =	sshrl.u32 s15, $0x3;
	[tilespmem:s13+$0x6140] =	vst.add.f32.msk $0xffff, v46;
	(pc) =	sbr.rel @p0 .LBB2_4-.Ltmp3, $4  }
0x562: {  	s15 =	smul.u32 $0x300, s15;
	[tilespmem:s13+$0x6150] =	vst.add.f32.msk $0xffff, v47  }
0x563: {  	[tilespmem:s13+$0x6160] =	vst.add.f32.msk $0xffff, v48  }
0x564: {  	s22 =	sadd.s32 s3, s15;
	[tilespmem:s13+$0x4D40] =	vst.add.f32.msk $0xffff, v2  }
0x565: {  	[hbm4b:s22+s4] =	stream.linear.scatter [tilespmem:s19], [sflag:$0x5], $0x6000, $0x38;
	[tilespmem:$0x1CD00] =	vst v63  }
0x566: {  	_ =	swait.ge [sflag:s31], $0x6000  }
0x567: {  	[sflag:s31] =	ssyncset.done $0x0  }
0x568: {  	[sflag:s31] =	ssyncadd.s32 $0xFFFFA000  }
0x569: {  	_ =	swait.ge [sflag:s1], $0x1800  }
0x56a: {  	[sflag:s1] =	ssyncset.done $0x0  }
0x56b: {  	[sflag:s1] =	ssyncadd.s32 $0xFFFFE800  }
0x56c: {  	_ =	swait.ge [sflag:s0], $0x1800  }
0x56d: {  	[sflag:s0] =	ssyncset.done $0x0  }
0x56e: {  	[sflag:s0] =	ssyncadd.s32 $0xFFFFE800  }
0x56f: {  	_ =	swait.ge [sflag:s1], $0x1800  }
0x570: {  	[sflag:s1] =	ssyncset.done $0x0  }
0x571: {  	[sflag:s1] =	ssyncadd.s32 $0xFFFFE800  }
0x572: {  	_ =	swait.ge [sflag:s0], $0x1800  }
0x573: {  	[sflag:s0] =	ssyncset.done $0x0  }
0x574: {  	[sflag:s0] =	ssyncadd.s32 $0xFFFFE800  }
0x575: {  	_ =	swait.ge [sflag:s1], $0x1800  }
0x576: {  	[sflag:s1] =	ssyncset.done $0x0  }
0x577: {  	[sflag:s1] =	ssyncadd.s32 $0xFFFFE800  }
0x578: {  	_ =	swait.ge [sflag:s0], $0x1800  }
0x579: {  	[sflag:s0] =	ssyncset.done $0x0  }
0x57a: {  	[sflag:s0] =	ssyncadd.s32 $0xFFFFE800  }
0x57b: {  	_ =	swait.ge [sflag:s1], $0x1800  }
0x57c: {  	[sflag:s1] =	ssyncset.done $0x0  }
0x57d: {  	s8 =	simm.s32 $0x0;
	[sflag:s1] =	ssyncadd.s32 $0xFFFFE800  }
0x57e: {  	s7 =	simm.s32 $0x0;
	s8 =	smul.u32 $0x1800, s8;
	_ =	swait.ge [sflag:s0], $0x1800  }
0x57f: {  	s13 =	sand.u32 $0x380, s7;
	[sflag:s0] =	ssyncset.done $0x0  }
0x580: {  	s8 =	sor.u32 s13, s8;
	[sflag:s0] =	ssyncadd.s32 $0xFFFFE800  }
0x581: {  	v2 =	vld [tilespmem:s8+$0x18170]  }
0x582: {  	v5 =	vld [tilespmem:s8+$0x16D00]  }
0x583: {  	v6 =	vld [tilespmem:s8+$0x16D10]  }
0x584: {  	v7 =	vld [tilespmem:s8+$0x16D20]  }
0x585: {  	v8 =	vld [tilespmem:s8+$0x16D30]  }
0x586: {  	v9 =	vld [tilespmem:s8+$0x16D40]  }
0x587: {  	v10 =	vld [tilespmem:s8+$0x16D50]  }
0x588: {  	v11 =	vld [tilespmem:s8+$0x16D60]  }
0x589: {  	v12 =	vld [tilespmem:s8+$0x16D70]  }
0x58a: {  	v13 =	vld [tilespmem:s8+$0x17100]  }
0x58b: {  	v14 =	vld [tilespmem:s8+$0x17110]  }
0x58c: {  	v15 =	vld [tilespmem:s8+$0x17120]  }
0x58d: {  	v16 =	vld [tilespmem:s8+$0x17130]  }
0x58e: {  	v17 =	vld [tilespmem:s8+$0x17140]  }
0x58f: {  	v18 =	vld [tilespmem:s8+$0x17150]  }
0x590: {  	v19 =	vld [tilespmem:s8+$0x17160]  }
0x591: {  	v20 =	vld [tilespmem:s8+$0x17170]  }
0x592: {  	v21 =	vld [tilespmem:s8+$0x17500]  }
0x593: {  	v22 =	vld [tilespmem:s8+$0x17510]  }
0x594: {  	v23 =	vld [tilespmem:s8+$0x17520]  }
0x595: {  	v24 =	vld [tilespmem:s8+$0x17530]  }
0x596: {  	v25 =	vld [tilespmem:s8+$0x17540]  }
0x597: {  	v26 =	vld [tilespmem:s8+$0x17550]  }
0x598: {  	v27 =	vld [tilespmem:s8+$0x17560]  }
0x599: {  	v28 =	vld [tilespmem:s8+$0x17570]  }
0x59a: {  	v29 =	vld [tilespmem:s8+$0x17900]  }
0x59b: {  	v30 =	vld [tilespmem:s8+$0x17910]  }
0x59c: {  	v31 =	vld [tilespmem:s8+$0x17920]  }
0x59d: {  	v32 =	vld [tilespmem:s8+$0x17930]  }
0x59e: {  	v33 =	vld [tilespmem:s8+$0x17940]  }
0x59f: {  	v34 =	vld [tilespmem:s8+$0x17950]  }
0x5a0: {  	v35 =	vld [tilespmem:s8+$0x17960]  }
0x5a1: {  	v36 =	vld [tilespmem:s8+$0x17970]  }
0x5a2: {  	v37 =	vld [tilespmem:s8+$0x17D00]  }
0x5a3: {  	v38 =	vld [tilespmem:s8+$0x17D10]  }
0x5a4: {  	v39 =	vld [tilespmem:s8+$0x17D20]  }
0x5a5: {  	v40 =	vld [tilespmem:s8+$0x17D30]  }
0x5a6: {  	v41 =	vld [tilespmem:s8+$0x17D40]  }
0x5a7: {  	v42 =	vld [tilespmem:s8+$0x17D50]  }
0x5a8: {  	v43 =	vld [tilespmem:s8+$0x17D60]  }
0x5a9: {  	v44 =	vld [tilespmem:s8+$0x17D70]  }
0x5aa: {  	v45 =	vld [tilespmem:s8+$0x18100]  }
0x5ab: {  	v46 =	vld [tilespmem:s8+$0x18110]  }
0x5ac: {  	v47 =	vld [tilespmem:s8+$0x18120]  }
0x5ad: {  	v48 =	vld [tilespmem:s8+$0x18130]  }
0x5ae: {  	v4 =	vld [tilespmem:s8+$0x18140]  }
0x5af: {  	v3 =	vld [tilespmem:s8+$0x18150]  }
0x5b0: {  	[tilespmem:s8+$0xC170] =	vst.add.f32.msk $0xffff, v2  }
0x5b1: {  	v2 =	vld [tilespmem:s8+$0x18160]  }
0x5b2: {  	[tilespmem:s8+$0xAD00] =	vst.add.f32.msk $0xffff, v5  }
0x5b3: {  	[tilespmem:s8+$0xAD10] =	vst.add.f32.msk $0xffff, v6  }
0x5b4: {  	[tilespmem:s8+$0xAD20] =	vst.add.f32.msk $0xffff, v7  }
0x5b5: {  	[tilespmem:s8+$0xAD30] =	vst.add.f32.msk $0xffff, v8  }
0x5b6: {  	[tilespmem:s8+$0xAD40] =	vst.add.f32.msk $0xffff, v9  }
0x5b7: {  	[tilespmem:s8+$0xAD50] =	vst.add.f32.msk $0xffff, v10  }
0x5b8: {  	[tilespmem:s8+$0xAD60] =	vst.add.f32.msk $0xffff, v11  }
0x5b9: {  	[tilespmem:s8+$0xAD70] =	vst.add.f32.msk $0xffff, v12  }
0x5ba: {  	[tilespmem:s8+$0xB100] =	vst.add.f32.msk $0xffff, v13  }
0x5bb: {  	[tilespmem:s8+$0xB110] =	vst.add.f32.msk $0xffff, v14  }
0x5bc: {  	[tilespmem:s8+$0xB120] =	vst.add.f32.msk $0xffff, v15  }
0x5bd: {  	[tilespmem:s8+$0xB130] =	vst.add.f32.msk $0xffff, v16  }
0x5be: {  	[tilespmem:s8+$0xB140] =	vst.add.f32.msk $0xffff, v17  }
0x5bf: {  	[tilespmem:s8+$0xB150] =	vst.add.f32.msk $0xffff, v18  }
0x5c0: {  	[tilespmem:s8+$0xB160] =	vst.add.f32.msk $0xffff, v19  }
0x5c1: {  	[tilespmem:s8+$0xB170] =	vst.add.f32.msk $0xffff, v20  }
0x5c2: {  	[tilespmem:s8+$0xB500] =	vst.add.f32.msk $0xffff, v21  }
0x5c3: {  	[tilespmem:s8+$0xB510] =	vst.add.f32.msk $0xffff, v22  }
0x5c4: {  	[tilespmem:s8+$0xB520] =	vst.add.f32.msk $0xffff, v23  }
0x5c5: {  	[tilespmem:s8+$0xB530] =	vst.add.f32.msk $0xffff, v24  }
0x5c6: {  	[tilespmem:s8+$0xB540] =	vst.add.f32.msk $0xffff, v25  }
0x5c7: {  	[tilespmem:s8+$0xB550] =	vst.add.f32.msk $0xffff, v26  }
0x5c8: {  	[tilespmem:s8+$0xB560] =	vst.add.f32.msk $0xffff, v27  }
0x5c9: {  	[tilespmem:s8+$0xB570] =	vst.add.f32.msk $0xffff, v28  }
0x5ca: {  	[tilespmem:s8+$0xB900] =	vst.add.f32.msk $0xffff, v29  }
0x5cb: {  	[tilespmem:s8+$0xB910] =	vst.add.f32.msk $0xffff, v30  }
0x5cc: {  	[tilespmem:s8+$0xB920] =	vst.add.f32.msk $0xffff, v31  }
0x5cd: {  	[tilespmem:s8+$0xB930] =	vst.add.f32.msk $0xffff, v32  }
0x5ce: {  	[tilespmem:s8+$0xB940] =	vst.add.f32.msk $0xffff, v33  }
0x5cf: {  	[tilespmem:s8+$0xB950] =	vst.add.f32.msk $0xffff, v34  }
0x5d0: {  	[tilespmem:s8+$0xB960] =	vst.add.f32.msk $0xffff, v35  }
0x5d1: {  	[tilespmem:s8+$0xB970] =	vst.add.f32.msk $0xffff, v36  }
0x5d2: {  	[tilespmem:s8+$0xBD00] =	vst.add.f32.msk $0xffff, v37  }
0x5d3: {  	[tilespmem:s8+$0xBD10] =	vst.add.f32.msk $0xffff, v38  }
0x5d4: {  	[tilespmem:s8+$0xBD20] =	vst.add.f32.msk $0xffff, v39  }
0x5d5: {  	[tilespmem:s8+$0xBD30] =	vst.add.f32.msk $0xffff, v40  }
0x5d6: {  	[tilespmem:s8+$0xBD40] =	vst.add.f32.msk $0xffff, v41  }
0x5d7: {  	[tilespmem:s8+$0xBD50] =	vst.add.f32.msk $0xffff, v42  }
0x5d8: {  	[tilespmem:s8+$0xBD60] =	vst.add.f32.msk $0xffff, v43  }
0x5d9: {  	[tilespmem:s8+$0xBD70] =	vst.add.f32.msk $0xffff, v44  }
0x5da: {  	[tilespmem:s8+$0xC100] =	vst.add.f32.msk $0xffff, v45  }
0x5db: {  	[tilespmem:s8+$0xC110] =	vst.add.f32.msk $0xffff, v46  }
0x5dc: {  	[tilespmem:s8+$0xC120] =	vst.add.f32.msk $0xffff, v47  }
0x5dd: {  	s15 =	simm.s32 $0x0;
	s13 =	simm.s32 $0x2;
	[tilespmem:s8+$0xC130] =	vst.add.f32.msk $0xffff, v48  }
.LBB2_10:
0x5de: {  	p0 =	sne.s32 s13, $0x1F;
	s15 =	smul.u32 $0x1800, s15;
	[tilespmem:s8+$0xC140] =	vst.add.f32.msk $0xffff, v4;
	s7 =	sadd.s32 $0x80, s7  }
0x5df: {  	s16 =	sand.u32 $0x380, s7;
	[tilespmem:s8+$0xC150] =	vst.add.f32.msk $0xffff, v3  }
0x5e0: {  	[tilespmem:s8+$0xC160] =	vst.add.f32.msk $0xffff, v2;
	s8 =	sor.u32 s16, s15  }
0x5e1: {  	v2 =	vld [tilespmem:s8+$0x18170]  }
0x5e2: {  	v5 =	vld [tilespmem:s8+$0x16D00]  }
0x5e3: {  	v6 =	vld [tilespmem:s8+$0x16D10]  }
0x5e4: {  	v7 =	vld [tilespmem:s8+$0x16D20]  }
0x5e5: {  	v8 =	vld [tilespmem:s8+$0x16D30]  }
0x5e6: {  	[tilespmem:s8+$0xC170] =	vst.add.f32.msk $0xffff, v2  }
0x5e7: {  	v9 =	vld [tilespmem:s8+$0x16D40]  }
0x5e8: {  	v10 =	vld [tilespmem:s8+$0x16D50]  }
0x5e9: {  	v11 =	vld [tilespmem:s8+$0x16D60]  }
0x5ea: {  	v12 =	vld [tilespmem:s8+$0x16D70]  }
0x5eb: {  	v13 =	vld [tilespmem:s8+$0x17100]  }
0x5ec: {  	v14 =	vld [tilespmem:s8+$0x17110]  }
0x5ed: {  	v15 =	vld [tilespmem:s8+$0x17120]  }
0x5ee: {  	v16 =	vld [tilespmem:s8+$0x17130]  }
0x5ef: {  	v17 =	vld [tilespmem:s8+$0x17140]  }
0x5f0: {  	v18 =	vld [tilespmem:s8+$0x17150]  }
0x5f1: {  	v19 =	vld [tilespmem:s8+$0x17160]  }
0x5f2: {  	v20 =	vld [tilespmem:s8+$0x17170]  }
0x5f3: {  	v21 =	vld [tilespmem:s8+$0x17500]  }
0x5f4: {  	v22 =	vld [tilespmem:s8+$0x17510]  }
0x5f5: {  	v23 =	vld [tilespmem:s8+$0x17520]  }
0x5f6: {  	v24 =	vld [tilespmem:s8+$0x17530]  }
0x5f7: {  	v25 =	vld [tilespmem:s8+$0x17540]  }
0x5f8: {  	v26 =	vld [tilespmem:s8+$0x17550]  }
0x5f9: {  	v27 =	vld [tilespmem:s8+$0x17560]  }
0x5fa: {  	v28 =	vld [tilespmem:s8+$0x17570]  }
0x5fb: {  	v29 =	vld [tilespmem:s8+$0x17900]  }
0x5fc: {  	v30 =	vld [tilespmem:s8+$0x17910]  }
0x5fd: {  	v31 =	vld [tilespmem:s8+$0x17920]  }
0x5fe: {  	v32 =	vld [tilespmem:s8+$0x17930]  }
0x5ff: {  	v33 =	vld [tilespmem:s8+$0x17940]  }
0x600: {  	v34 =	vld [tilespmem:s8+$0x17950]  }
0x601: {  	v35 =	vld [tilespmem:s8+$0x17960]  }
0x602: {  	v36 =	vld [tilespmem:s8+$0x17970]  }
0x603: {  	v37 =	vld [tilespmem:s8+$0x17D00]  }
0x604: {  	v38 =	vld [tilespmem:s8+$0x17D10]  }
0x605: {  	v39 =	vld [tilespmem:s8+$0x17D20]  }
0x606: {  	v40 =	vld [tilespmem:s8+$0x17D30]  }
0x607: {  	v41 =	vld [tilespmem:s8+$0x17D40]  }
0x608: {  	v42 =	vld [tilespmem:s8+$0x17D50]  }
0x609: {  	v43 =	vld [tilespmem:s8+$0x17D60]  }
0x60a: {  	v44 =	vld [tilespmem:s8+$0x17D70]  }
0x60b: {  	v45 =	vld [tilespmem:s8+$0x18100]  }
0x60c: {  	v46 =	vld [tilespmem:s8+$0x18110]  }
0x60d: {  	v47 =	vld [tilespmem:s8+$0x18120]  }
0x60e: {  	v48 =	vld [tilespmem:s8+$0x18130]  }
0x60f: {  	v4 =	vld [tilespmem:s8+$0x18140]  }
0x610: {  	v3 =	vld [tilespmem:s8+$0x18150]  }
0x611: {  	v2 =	vld [tilespmem:s8+$0x18160]  }
0x612: {  	[tilespmem:s8+$0xAD00] =	vst.add.f32.msk $0xffff, v5  }
0x613: {  	[tilespmem:s8+$0xAD10] =	vst.add.f32.msk $0xffff, v6  }
0x614: {  	[tilespmem:s8+$0xAD20] =	vst.add.f32.msk $0xffff, v7  }
0x615: {  	[tilespmem:s8+$0xAD30] =	vst.add.f32.msk $0xffff, v8  }
0x616: {  	[tilespmem:s8+$0xAD40] =	vst.add.f32.msk $0xffff, v9  }
0x617: {  	[tilespmem:s8+$0xAD50] =	vst.add.f32.msk $0xffff, v10  }
0x618: {  	[tilespmem:s8+$0xAD60] =	vst.add.f32.msk $0xffff, v11  }
0x619: {  	[tilespmem:s8+$0xAD70] =	vst.add.f32.msk $0xffff, v12  }
0x61a: {  	[tilespmem:s8+$0xB100] =	vst.add.f32.msk $0xffff, v13  }
0x61b: {  	[tilespmem:s8+$0xB110] =	vst.add.f32.msk $0xffff, v14  }
0x61c: {  	[tilespmem:s8+$0xB120] =	vst.add.f32.msk $0xffff, v15  }
0x61d: {  	[tilespmem:s8+$0xB130] =	vst.add.f32.msk $0xffff, v16  }
0x61e: {  	[tilespmem:s8+$0xB140] =	vst.add.f32.msk $0xffff, v17  }
0x61f: {  	[tilespmem:s8+$0xB150] =	vst.add.f32.msk $0xffff, v18  }
0x620: {  	[tilespmem:s8+$0xB160] =	vst.add.f32.msk $0xffff, v19  }
0x621: {  	[tilespmem:s8+$0xB170] =	vst.add.f32.msk $0xffff, v20  }
0x622: {  	[tilespmem:s8+$0xB500] =	vst.add.f32.msk $0xffff, v21  }
0x623: {  	[tilespmem:s8+$0xB510] =	vst.add.f32.msk $0xffff, v22  }
0x624: {  	[tilespmem:s8+$0xB520] =	vst.add.f32.msk $0xffff, v23  }
0x625: {  	[tilespmem:s8+$0xB530] =	vst.add.f32.msk $0xffff, v24  }
0x626: {  	[tilespmem:s8+$0xB540] =	vst.add.f32.msk $0xffff, v25  }
0x627: {  	[tilespmem:s8+$0xB550] =	vst.add.f32.msk $0xffff, v26  }
0x628: {  	[tilespmem:s8+$0xB560] =	vst.add.f32.msk $0xffff, v27  }
0x629: {  	[tilespmem:s8+$0xB570] =	vst.add.f32.msk $0xffff, v28  }
0x62a: {  	[tilespmem:s8+$0xB900] =	vst.add.f32.msk $0xffff, v29  }
0x62b: {  	[tilespmem:s8+$0xB910] =	vst.add.f32.msk $0xffff, v30  }
0x62c: {  	[tilespmem:s8+$0xB920] =	vst.add.f32.msk $0xffff, v31  }
0x62d: {  	[tilespmem:s8+$0xB930] =	vst.add.f32.msk $0xffff, v32  }
0x62e: {  	[tilespmem:s8+$0xB940] =	vst.add.f32.msk $0xffff, v33  }
0x62f: {  	[tilespmem:s8+$0xB950] =	vst.add.f32.msk $0xffff, v34  }
0x630: {  	[tilespmem:s8+$0xB960] =	vst.add.f32.msk $0xffff, v35  }
0x631: {  	[tilespmem:s8+$0xB970] =	vst.add.f32.msk $0xffff, v36  }
0x632: {  	[tilespmem:s8+$0xBD00] =	vst.add.f32.msk $0xffff, v37  }
0x633: {  	[tilespmem:s8+$0xBD10] =	vst.add.f32.msk $0xffff, v38  }
0x634: {  	[tilespmem:s8+$0xBD20] =	vst.add.f32.msk $0xffff, v39  }
0x635: {  	[tilespmem:s8+$0xBD30] =	vst.add.f32.msk $0xffff, v40  }
0x636: {  	[tilespmem:s8+$0xBD40] =	vst.add.f32.msk $0xffff, v41  }
0x637: {  	[tilespmem:s8+$0xBD50] =	vst.add.f32.msk $0xffff, v42  }
0x638: {  	[tilespmem:s8+$0xBD60] =	vst.add.f32.msk $0xffff, v43  }
.Ltmp4:
0x639: {  	[tilespmem:s8+$0xBD70] =	vst.add.f32.msk $0xffff, v44;
	(pc) =	sbr.rel @p0 .LBB2_10-.Ltmp4, $4  }
0x63a: {  	[tilespmem:s8+$0xC100] =	vst.add.f32.msk $0xffff, v45  }
0x63b: {  	[tilespmem:s8+$0xC110] =	vst.add.f32.msk $0xffff, v46  }
0x63c: {  	[tilespmem:s8+$0xC120] =	vst.add.f32.msk $0xffff, v47  }
0x63d: {  	s15 =	sshrl.u32 s13, $0x3;
	s13 =	sadd.s32 $0x1, s13;
	[tilespmem:s8+$0xC130] =	vst.add.f32.msk $0xffff, v48  }
0x63e: {  	s13 =	smul.u32 $0x1800, s15;
	[tilespmem:s8+$0xC140] =	vst.add.f32.msk $0xffff, v4;
	s7 =	sadd.s32 $0x80, s7  }
0x63f: {  	[tilespmem:s8+$0xC150] =	vst.add.f32.msk $0xffff, v3;
	s7 =	sand.u32 $0x380, s7  }
0x640: {  	[tilespmem:s8+$0xC160] =	vst.add.f32.msk $0xffff, v2;
	s7 =	sor.u32 s7, s13  }
0x641: {  	v2 =	vld [tilespmem:s7+$0x18170]  }
0x642: {  	v3 =	vld [tilespmem:s7+$0x16D00]  }
0x643: {  	v4 =	vld [tilespmem:s7+$0x16D10]  }
0x644: {  	v5 =	vld [tilespmem:s7+$0x16D20]  }
0x645: {  	v6 =	vld [tilespmem:s7+$0x16D30]  }
0x646: {  	v7 =	vld [tilespmem:s7+$0x16D50]  }
0x647: {  	v8 =	vld [tilespmem:s7+$0x16D60]  }
0x648: {  	v9 =	vld [tilespmem:s7+$0x16D70]  }
0x649: {  	v10 =	vld [tilespmem:s7+$0x17100]  }
0x64a: {  	v11 =	vld [tilespmem:s7+$0x17110]  }
0x64b: {  	v12 =	vld [tilespmem:s7+$0x17120]  }
0x64c: {  	v13 =	vld [tilespmem:s7+$0x17130]  }
0x64d: {  	v14 =	vld [tilespmem:s7+$0x17140]  }
0x64e: {  	v15 =	vld [tilespmem:s7+$0x17150]  }
0x64f: {  	v16 =	vld [tilespmem:s7+$0x17160]  }
0x650: {  	v17 =	vld [tilespmem:s7+$0x17170]  }
0x651: {  	v18 =	vld [tilespmem:s7+$0x17500]  }
0x652: {  	v19 =	vld [tilespmem:s7+$0x17510]  }
0x653: {  	v20 =	vld [tilespmem:s7+$0x17520]  }
0x654: {  	v21 =	vld [tilespmem:s7+$0x17530]  }
0x655: {  	v22 =	vld [tilespmem:s7+$0x17540]  }
0x656: {  	v23 =	vld [tilespmem:s7+$0x17550]  }
0x657: {  	v24 =	vld [tilespmem:s7+$0x17560]  }
0x658: {  	v25 =	vld [tilespmem:s7+$0x17570]  }
0x659: {  	v26 =	vld [tilespmem:s7+$0x17900]  }
0x65a: {  	v27 =	vld [tilespmem:s7+$0x17910]  }
0x65b: {  	v28 =	vld [tilespmem:s7+$0x17920]  }
0x65c: {  	v29 =	vld [tilespmem:s7+$0x17930]  }
0x65d: {  	v30 =	vld [tilespmem:s7+$0x17940]  }
0x65e: {  	v31 =	vld [tilespmem:s7+$0x17950]  }
0x65f: {  	v32 =	vld [tilespmem:s7+$0x17960]  }
0x660: {  	v33 =	vld [tilespmem:s7+$0x17970]  }
0x661: {  	v34 =	vld [tilespmem:s7+$0x17D00]  }
0x662: {  	v35 =	vld [tilespmem:s7+$0x17D10]  }
0x663: {  	v36 =	vld [tilespmem:s7+$0x17D20]  }
0x664: {  	v37 =	vld [tilespmem:s7+$0x17D30]  }
0x665: {  	v38 =	vld [tilespmem:s7+$0x17D40]  }
0x666: {  	v39 =	vld [tilespmem:s7+$0x17D50]  }
0x667: {  	v40 =	vld [tilespmem:s7+$0x17D60]  }
0x668: {  	v41 =	vld [tilespmem:s7+$0x17D70]  }
0x669: {  	v42 =	vld [tilespmem:s7+$0x18100]  }
0x66a: {  	v43 =	vld [tilespmem:s7+$0x18110]  }
0x66b: {  	v44 =	vld [tilespmem:s7+$0x18120]  }
0x66c: {  	v45 =	vld [tilespmem:s7+$0x18130]  }
0x66d: {  	v46 =	vld [tilespmem:s7+$0x18140]  }
0x66e: {  	v47 =	vld [tilespmem:s7+$0x18150]  }
0x66f: {  	v48 =	vld [tilespmem:s7+$0x18160]  }
0x670: {  	[tilespmem:s7+$0xC170] =	vst.add.f32.msk $0xffff, v2  }
0x671: {  	v2 =	vld [tilespmem:s7+$0x16D40]  }
0x672: {  	[tilespmem:s7+$0xAD00] =	vst.add.f32.msk $0xffff, v3  }
0x673: {  	[tilespmem:s7+$0xAD10] =	vst.add.f32.msk $0xffff, v4  }
0x674: {  	[tilespmem:s7+$0xAD20] =	vst.add.f32.msk $0xffff, v5  }
0x675: {  	[tilespmem:s7+$0xAD30] =	vst.add.f32.msk $0xffff, v6  }
0x676: {  	[tilespmem:s7+$0xAD50] =	vst.add.f32.msk $0xffff, v7  }
0x677: {  	[tilespmem:s7+$0xAD60] =	vst.add.f32.msk $0xffff, v8  }
0x678: {  	[tilespmem:s7+$0xAD70] =	vst.add.f32.msk $0xffff, v9  }
0x679: {  	[tilespmem:s7+$0xB100] =	vst.add.f32.msk $0xffff, v10  }
0x67a: {  	[tilespmem:s7+$0xB110] =	vst.add.f32.msk $0xffff, v11  }
0x67b: {  	[tilespmem:s7+$0xB120] =	vst.add.f32.msk $0xffff, v12  }
0x67c: {  	[tilespmem:s7+$0xB130] =	vst.add.f32.msk $0xffff, v13  }
0x67d: {  	[tilespmem:s7+$0xB140] =	vst.add.f32.msk $0xffff, v14  }
0x67e: {  	[tilespmem:s7+$0xB150] =	vst.add.f32.msk $0xffff, v15  }
0x67f: {  	[tilespmem:s7+$0xB160] =	vst.add.f32.msk $0xffff, v16  }
0x680: {  	[tilespmem:s7+$0xB170] =	vst.add.f32.msk $0xffff, v17  }
0x681: {  	[tilespmem:s7+$0xB500] =	vst.add.f32.msk $0xffff, v18  }
0x682: {  	[tilespmem:s7+$0xB510] =	vst.add.f32.msk $0xffff, v19  }
0x683: {  	[tilespmem:s7+$0xB520] =	vst.add.f32.msk $0xffff, v20  }
0x684: {  	[tilespmem:s7+$0xB530] =	vst.add.f32.msk $0xffff, v21  }
0x685: {  	[tilespmem:s7+$0xB540] =	vst.add.f32.msk $0xffff, v22  }
0x686: {  	[tilespmem:s7+$0xB550] =	vst.add.f32.msk $0xffff, v23  }
0x687: {  	[tilespmem:s7+$0xB560] =	vst.add.f32.msk $0xffff, v24  }
0x688: {  	[tilespmem:s7+$0xB570] =	vst.add.f32.msk $0xffff, v25  }
0x689: {  	[tilespmem:s7+$0xB900] =	vst.add.f32.msk $0xffff, v26  }
0x68a: {  	[tilespmem:s7+$0xB910] =	vst.add.f32.msk $0xffff, v27  }
0x68b: {  	[tilespmem:s7+$0xB920] =	vst.add.f32.msk $0xffff, v28  }
0x68c: {  	[tilespmem:s7+$0xB930] =	vst.add.f32.msk $0xffff, v29  }
0x68d: {  	[tilespmem:s7+$0xB940] =	vst.add.f32.msk $0xffff, v30  }
0x68e: {  	[tilespmem:s7+$0xB950] =	vst.add.f32.msk $0xffff, v31  }
0x68f: {  	[tilespmem:s7+$0xB960] =	vst.add.f32.msk $0xffff, v32  }
0x690: {  	[tilespmem:s7+$0xB970] =	vst.add.f32.msk $0xffff, v33  }
0x691: {  	[tilespmem:s7+$0xBD00] =	vst.add.f32.msk $0xffff, v34  }
0x692: {  	[tilespmem:s7+$0xBD10] =	vst.add.f32.msk $0xffff, v35  }
0x693: {  	[tilespmem:s7+$0xBD20] =	vst.add.f32.msk $0xffff, v36  }
0x694: {  	[tilespmem:s7+$0xBD30] =	vst.add.f32.msk $0xffff, v37  }
0x695: {  	[tilespmem:s7+$0xBD40] =	vst.add.f32.msk $0xffff, v38  }
0x696: {  	[tilespmem:s7+$0xBD50] =	vst.add.f32.msk $0xffff, v39  }
0x697: {  	[tilespmem:s7+$0xBD60] =	vst.add.f32.msk $0xffff, v40  }
0x698: {  	[tilespmem:s7+$0xBD70] =	vst.add.f32.msk $0xffff, v41  }
0x699: {  	[tilespmem:s7+$0xC100] =	vst.add.f32.msk $0xffff, v42  }
0x69a: {  	[tilespmem:s7+$0xC110] =	vst.add.f32.msk $0xffff, v43  }
0x69b: {  	[tilespmem:s7+$0xC120] =	vst.add.f32.msk $0xffff, v44  }
0x69c: {  	[tilespmem:s7+$0xC130] =	vst.add.f32.msk $0xffff, v45  }
0x69d: {  	[tilespmem:s7+$0xC140] =	vst.add.f32.msk $0xffff, v46  }
0x69e: {  	[tilespmem:s7+$0xC150] =	vst.add.f32.msk $0xffff, v47  }
0x69f: {  	[tilespmem:s7+$0xC160] =	vst.add.f32.msk $0xffff, v48  }
0x6a0: {  	s20 =	rddreg [dreg:$0x7];
	[tilespmem:s7+$0xAD40] =	vst.add.f32.msk $0xffff, v2  }
0x6a1: {  	[hbm4b:s20+s4] =	stream.linear.scatter [tilespmem:s23], [sflag:$0x6], $0x6000, $0x38;
	[tilespmem:$0x1CD00] =	vst v63  }
0x6a2: {  	_ =	swait.ge [sflag:s18], $0x6000  }
0x6a3: {  	s21 =	rddreg [dreg:$0x9]  }
0x6a4: {  	s22 =	rddreg [dreg:$0x8];
	s8 =	sadd.s32 $0x1, s21  }
0x6a5: {  	p0 =	sne.s32 s8, s22  }
.Ltmp5:
0x6a6: {  	_ = 	snop;
	(pc) =	sbr.rel @p0 .LBB2_1-.Ltmp5, $3  }
0x6a7: {  	_ =	sdelay $0x1  }
0x6a8: {  	[sflag:s18] =	ssyncset.done $0x0  }
0x6a9: {  	[sflag:s18] =	ssyncadd.s32 $0xFFFFA000  }
0x6aa: {  	_ =	sfence.sel $0x180000  }
0x6ab: {  	[bflag:$0x0] =	sbarrier.arrive $0xFFFF  }
0x6ac: {  	_ =	strace $0x90000047  }
0x6ad: {  	s0 =	stileid.u32;
	[bflag:$0x2] =	sbarrier.arrive $0xFFFF  }
0x6ae: {  	p0 =	sne.s32 s0, $0x0;
	s0 =	rddreg [dreg:$0x3]  }
0x6af: {  	s0 =	sadd.s32 @!p0 $0x100000, s0  }
0x6b0: {  	[sflag:s0] =	ssyncadd.tile.s32 @!p0 $0x1;
	_ =	shalt  }
.Lfunc_end2:
_tile_overlayer_lowered:
.L_overlay_start_2:
0x6b1: {  	(tag) =	ssettag $0x2  }
0x6b2: {  	s0 =	rddreg [dreg:$0x0];
	s2 =	stileid.u32  }
0x6b3: {  	s1 =	rddreg [dreg:$0x1];
	p0 =	sne.s32 s2, $0x0  }
0x6b4: {  	s3 =	rddreg [dreg:$0x2];
	[bflag:$0x3] =	sbarrier.arrive $0xFFFF;
	s2 =	simm.s32 @!p0 $0x1C07  }
0x6b5: {  	[timem:s3], [sflag:s2] =	dma.local @!p0 [hbm:s0], s1  }
0x6b6: {  	s0 =	simm.s32 @!p0 $0x7  }
0x6b7: {  	_ =	swait.ge @!p0 [sflag:s0], s1  }
0x6b8: {  	s1 =	ssub.s32 @!p0 $0x0, s1;
	[sflag:s0] =	ssyncset.done @!p0 $0x0  }
0x6b9: {  	[sflag:s0] =	ssyncadd.s32 @!p0 s1  }
0x6ba: {  	[bflag:$0x3] =	sbarrier.arrive $0xFFFF  }
0x6bb: {  	_ =	shalt  }

</sc_bundles>
